<compile_context>
chip_gen: v7x
topology: tpu7x:2x2x1
jax: 0.10.2.dev20260603
libtpu: 0.0.44.dev20260713+nightly
codegen_flags: <defaults>
</compile_context>

<pallas_src>
import functools

import jax
import jax.numpy as jnp
from jax import lax
from jax.experimental import pallas as pl
from jax.experimental.pallas import tpu as pltpu
from jax.experimental.pallas import tpu_sc as plsc

BATCH = 4
SEQ = 8192
DIM = 1024
TOTAL = BATCH * SEQ
NUM_CORES = 2
NUM_SUBCORES = 16
NW = NUM_CORES * NUM_SUBCORES
BPW = TOTAL // NW
K = 16
NCHUNK = BPW // K
NB = 7

_mesh = plsc.VectorSubcoreMesh(core_axis_name="c", subcore_axis_name="s")


@functools.partial(
    pl.kernel,
    mesh=_mesh,
    out_type=jax.ShapeDtypeStruct((BATCH, SEQ, DIM), jnp.float32),
    scratch_types=[
        pltpu.VMEM((BPW,), jnp.int32),
        pltpu.VMEM((NB, K, DIM), jnp.float32),
        pltpu.SemaphoreType.DMA,
        pltpu.SemaphoreType.DMA,
        pltpu.SemaphoreType.DMA,
        pltpu.SemaphoreType.DMA,
        pltpu.SemaphoreType.DMA,
        pltpu.SemaphoreType.DMA,
        pltpu.SemaphoreType.DMA,
        pltpu.SemaphoreType.DMA,
        pltpu.SemaphoreType.DMA,
        pltpu.SemaphoreType.DMA,
        pltpu.SemaphoreType.DMA,
        pltpu.SemaphoreType.DMA,
        pltpu.SemaphoreType.DMA,
        pltpu.SemaphoreType.DMA,
    ],
)
def _gather_sc(idx_hbm, table_hbm, out_hbm, idx_v, rows_v, g0, g1, g2, g3, g4,
               g5, g6, w0, w1, w2, w3, w4, w5, w6):
    wid = lax.axis_index("s") * NUM_CORES + lax.axis_index("c")
    base = wid * BPW
    gsems = (g0, g1, g2, g3, g4, g5, g6)
    wsems = (w0, w1, w2, w3, w4, w5, w6)
    pltpu.sync_copy(
        idx_hbm.at[wid // (SEQ // BPW), pl.ds((wid % (SEQ // BPW)) * BPW, BPW)],
        idx_v,
    )

    def g_copy(c, buf):
        return pltpu.make_async_copy(
            table_hbm.at[idx_v.at[pl.ds(c * K, K)]], rows_v.at[buf], gsems[buf]
        )

    def w_copy(c, buf):
        p = base + c * K
        return pltpu.make_async_copy(
            rows_v.at[buf], out_hbm.at[p // SEQ, pl.ds(p % SEQ, K)], wsems[buf]
        )

    for b in range(NB - 1):
        g_copy(b, b).start()

    for c in range(NB):
        g_copy(c, c).wait()
        w_copy(c, c).start()
        nxt = c + NB - 1
        if nxt < NCHUNK:
            if c >= 1:
                w_copy(c - 1, (c - 1) % NB).wait()
            g_copy(nxt, nxt % NB).start()

    n_full = (NCHUNK - NB + 1) // NB

    def body(i, _):
        for b in range(NB):
            c = i * NB + b
            g_copy(c, b).wait()
            w_copy(c, b).start()
            pb = (b + NB - 1) % NB
            w_copy(c - 1, pb).wait()
            g_copy(c + NB - 1, pb).start()
        return 0

    lax.fori_loop(1, n_full, body, 0)
    for c in range(n_full * NB, NCHUNK):
        b = c % NB
        g_copy(c, b).wait()
        w_copy(c, b).start()
        nxt = c + NB - 1
        if nxt < NCHUNK:
            w_copy(c - 1, (b + NB - 1) % NB).wait()
            g_copy(nxt, nxt % NB).start()
    for b in range(NB):
        c = NCHUNK - NB + b
        w_copy(c, c % NB).wait()


def kernel(positional_idx, embedding):
    return _gather_sc(positional_idx.astype(jnp.int32), embedding)

# --- scband reference (transcript-rebuilt; emitter-appended) ---
"""Pipeline reference for scband-positional-embedding-47777216200947 (READ-ONLY COPY).

The authoritative reference and input builder live on the scoring server;
editing this copy changes nothing except your own understanding.
"""

import jax, jax.numpy as jnp
import numpy as np

MAX_SIZE = 8192
DIM = 1024
BATCH = 4
SEQ = 8192

def setup_inputs(seed: int = 0) -> dict:
    key = jax.random.key(seed)
    k_idx, k_emb = jax.random.split(key)
    positional_idx = jax.random.randint(k_idx, (BATCH, SEQ), 0, MAX_SIZE, dtype=jnp.int64 if jax.config.jax_enable_x64 else jnp.int32)
    embedding = jax.random.normal(k_emb, (MAX_SIZE, DIM), dtype=jnp.float32)
    return {"positional_idx": positional_idx, "embedding": embedding}

def reference(positional_idx, embedding):
    # nn.Embedding lookup: gather rows of the table by index
    return jnp.take(embedding, positional_idx, axis=0)

if __name__ == "__main__":
    import jax
    _d = setup_inputs()
    print(jax.jit(kernel)(*tuple(_d.values())))

</pallas_src>

<mosaic_0001>
#map = affine_map<(d0, d1) -> (0, 0)>
#map1 = affine_map<(d0, d1) -> (0, 0, 0)>
module attributes {stable_mosaic.version = 14 : i64} {
  func.func @_gather_sc(%arg0: i32, %arg1: i32, %arg2: memref<4x8192xi32, #tpu.memory_space<hbm>>, %arg3: memref<8192x1024xf32, #tpu.memory_space<hbm>>, %arg4: memref<4x8192x1024xf32, #tpu.memory_space<hbm>>, %arg5: memref<1024xi32, #tpu.memory_space<vmem>>, %arg6: memref<7x16x1024xf32, #tpu.memory_space<vmem>>, %arg7: memref<!tpu.dma_semaphore, #tpu.memory_space<semaphore_mem>>, %arg8: memref<!tpu.dma_semaphore, #tpu.memory_space<semaphore_mem>>, %arg9: memref<!tpu.dma_semaphore, #tpu.memory_space<semaphore_mem>>, %arg10: memref<!tpu.dma_semaphore, #tpu.memory_space<semaphore_mem>>, %arg11: memref<!tpu.dma_semaphore, #tpu.memory_space<semaphore_mem>>, %arg12: memref<!tpu.dma_semaphore, #tpu.memory_space<semaphore_mem>>, %arg13: memref<!tpu.dma_semaphore, #tpu.memory_space<semaphore_mem>>, %arg14: memref<!tpu.dma_semaphore, #tpu.memory_space<semaphore_mem>>, %arg15: memref<!tpu.dma_semaphore, #tpu.memory_space<semaphore_mem>>, %arg16: memref<!tpu.dma_semaphore, #tpu.memory_space<semaphore_mem>>, %arg17: memref<!tpu.dma_semaphore, #tpu.memory_space<semaphore_mem>>, %arg18: memref<!tpu.dma_semaphore, #tpu.memory_space<semaphore_mem>>, %arg19: memref<!tpu.dma_semaphore, #tpu.memory_space<semaphore_mem>>, %arg20: memref<!tpu.dma_semaphore, #tpu.memory_space<semaphore_mem>>) attributes {dimension_semantics = [#tpu.dimension_semantics<core_parallel>, #tpu.dimension_semantics<subcore_parallel>], iteration_bounds = array<i64: 2, 16>, scalar_prefetch = 0 : i64, scratch_operands = 16 : i64, tpu.core_type = #tpu.core_type<sc_vector_subcore>, window_params = [{transform_indices = #map}, {transform_indices = #map}, {transform_indices = #map1}]} {
    %mul3A = arith.constant 2 : i32
    %mul3A_0 = arith.muli %arg1, %mul3A : i32
    %add3A = arith.addi %mul3A_0, %arg0 : i32
    %mul3A_1 = arith.constant 1024 : i32
    %mul3A_2 = arith.muli %add3A, %mul3A_1 : i32
    %jit3A = arith.constant 8 : i32
    %div3A = arith.divsi %add3A, %jit3A : i32
    %sign3A = arith.constant 0 : i32
    %sign3A_3 = arith.cmpi sgt, %add3A, %sign3A : i32
    %sign3A_4 = arith.extui %sign3A_3 : i1 to i32
    %sign3A_5 = arith.constant 0 : i32
    %sign3A_6 = arith.cmpi slt, %add3A, %sign3A_5 : i32
    %sign3A_7 = arith.extui %sign3A_6 : i1 to i32
    %sign3A_8 = arith.subi %sign3A_4, %sign3A_7 : i32
    %sign3A_9 = arith.constant 0 : i32
    %sign3A_10 = arith.cmpi sgt, %jit3A, %sign3A_9 : i32
    %sign3A_11 = arith.extui %sign3A_10 : i1 to i32
    %sign3A_12 = arith.constant 0 : i32
    %sign3A_13 = arith.cmpi slt, %jit3A, %sign3A_12 : i32
    %sign3A_14 = arith.extui %sign3A_13 : i1 to i32
    %sign3A_15 = arith.subi %sign3A_11, %sign3A_14 : i32
    %ne3A = arith.cmpi ne, %sign3A_8, %sign3A_15 : i32
    %rem3A = arith.remsi %add3A, %jit3A : i32
    %ne3A_16 = arith.constant 0 : i32
    %ne3A_17 = arith.cmpi ne, %rem3A, %ne3A_16 : i32
    %and3A = arith.andi %ne3A, %ne3A_17 : i1
    %sub3A = arith.constant 1 : i32
    %sub3A_18 = arith.subi %div3A, %sub3A : i32
    %select_n3A = arith.select %and3A, %sub3A_18, %div3A : i32
    %jit3A_19 = arith.constant 8 : i32
    %eq3A = arith.constant 0 : i32
    %eq3A_20 = arith.cmpi eq, %jit3A_19, %eq3A : i32
    %jit3A_21 = arith.constant 1 : i32
    %select_n3A_22 = arith.select %eq3A_20, %jit3A_21, %jit3A_19 : i32
    %rem3A_23 = arith.remsi %add3A, %select_n3A_22 : i32
    %ne3A_24 = arith.constant 0 : i32
    %ne3A_25 = arith.cmpi ne, %rem3A_23, %ne3A_24 : i32
    %lt3A = arith.constant 0 : i32
    %lt3A_26 = arith.cmpi slt, %rem3A_23, %lt3A : i32
    %lt3A_27 = arith.constant 0 : i32
    %lt3A_28 = arith.cmpi slt, %select_n3A_22, %lt3A_27 : i32
    %ne3A_29 = arith.xori %lt3A_26, %lt3A_28 : i1
    %and3A_30 = arith.andi %ne3A_29, %ne3A_25 : i1
    %add3A_31 = arith.addi %rem3A_23, %select_n3A_22 : i32
    %select_n3A_32 = arith.select %and3A_30, %add3A_31, %rem3A_23 : i32
    %mul3A_33 = arith.constant 1024 : i32
    %mul3A_34 = arith.muli %select_n3A_32, %mul3A_33 : i32
    "tpu.region"() ({
      %run_scoped3A = tpu.sem_alloc : memref<!tpu.dma_semaphore, #tpu.memory_space<semaphore_mem>>
      %dma_start3A_2049 = tpu.memref_slice %arg2[%select_n3A, %mul3A_34] : memref<4x8192xi32, #tpu.memory_space<hbm>> -> memref<1x1024xi32, #tpu.memory_space<hbm>>
      %dma_start3A_2050 = tpu.memref_squeeze %dma_start3A_2049 : memref<1x1024xi32, #tpu.memory_space<hbm>> -> memref<1024xi32, #tpu.memory_space<hbm>>
      %dma_start3A_2051 = tpu.memref_slice %arg2[%select_n3A, %mul3A_34] : memref<4x8192xi32, #tpu.memory_space<hbm>> -> memref<1x1024xi32, #tpu.memory_space<hbm>>
      %dma_start3A_2052 = tpu.memref_squeeze %dma_start3A_2051 : memref<1x1024xi32, #tpu.memory_space<hbm>> -> memref<1024xi32, #tpu.memory_space<hbm>>
      tpu.enqueue_dma source(%dma_start3A_2052 : memref<1024xi32, #tpu.memory_space<hbm>>) target(%arg5 : memref<1024xi32, #tpu.memory_space<vmem>>) target_semaphore(%run_scoped3A : memref<!tpu.dma_semaphore, #tpu.memory_space<semaphore_mem>>)
      %dma_wait3A_2053 = tpu.memref_slice %arg2[%select_n3A, %mul3A_34] : memref<4x8192xi32, #tpu.memory_space<hbm>> -> memref<1x1024xi32, #tpu.memory_space<hbm>>
      %dma_wait3A_2054 = tpu.memref_squeeze %dma_wait3A_2053 : memref<1x1024xi32, #tpu.memory_space<hbm>> -> memref<1024xi32, #tpu.memory_space<hbm>>
      %dma_wait3A_2055 = tpu.memref_slice %arg2[%select_n3A, %mul3A_34] : memref<4x8192xi32, #tpu.memory_space<hbm>> -> memref<1x1024xi32, #tpu.memory_space<hbm>>
      %dma_wait3A_2056 = tpu.memref_squeeze %dma_wait3A_2055 : memref<1x1024xi32, #tpu.memory_space<hbm>> -> memref<1024xi32, #tpu.memory_space<hbm>>
      tpu.wait_dma2 semaphore(%run_scoped3A : memref<!tpu.dma_semaphore, #tpu.memory_space<semaphore_mem>>) src(%dma_wait3A_2056 : memref<1024xi32, #tpu.memory_space<hbm>>) dst(%arg5 : memref<1024xi32, #tpu.memory_space<vmem>>)
      tpu.yield
    }) : () -> ()
    %dma_start3A = arith.constant 0 : i32
    %dma_start3A_35 = arith.constant 0 : i32
    %dma_start3A_36 = arith.constant 0 : i32
    %dma_start3A_37 = tpu.memref_slice %arg6[%dma_start3A, %dma_start3A_35, %dma_start3A_36] : memref<7x16x1024xf32, #tpu.memory_space<vmem>> -> memref<1x16x1024xf32, #tpu.memory_space<vmem>>
    %dma_start3A_38 = tpu.memref_squeeze %dma_start3A_37 : memref<1x16x1024xf32, #tpu.memory_space<vmem>> -> memref<16x1024xf32, #tpu.memory_space<vmem>>
    %dma_start3A_39 = arith.constant 0 : i32
    %dma_start3A_40 = tpu.memref_slice %arg5[%dma_start3A_39] : memref<1024xi32, #tpu.memory_space<vmem>> -> memref<16xi32, #tpu.memory_space<vmem>>
    %dma_start3A_41 = arith.constant 0 : i32
    %dma_start3A_42 = arith.constant 0 : i32
    %dma_start3A_43 = tpu.memref_slice %arg3[%dma_start3A_41, %dma_start3A_42] : memref<8192x1024xf32, #tpu.memory_space<hbm>> -> memref<8192x1024xf32, #tpu.memory_space<hbm>>
    tpu.enqueue_indirect_dma source(%dma_start3A_43 : memref<8192x1024xf32, #tpu.memory_space<hbm>>) target(%dma_start3A_38 : memref<16x1024xf32, #tpu.memory_space<vmem>>) offsets(%dma_start3A_40 : memref<16xi32, #tpu.memory_space<vmem>>) semaphore(%arg7 : memref<!tpu.dma_semaphore, #tpu.memory_space<semaphore_mem>>)
    %dma_start3A_44 = arith.constant 1 : i32
    %dma_start3A_45 = arith.constant 0 : i32
    %dma_start3A_46 = arith.constant 0 : i32
    %dma_start3A_47 = tpu.memref_slice %arg6[%dma_start3A_44, %dma_start3A_45, %dma_start3A_46] : memref<7x16x1024xf32, #tpu.memory_space<vmem>> -> memref<1x16x1024xf32, #tpu.memory_space<vmem>>
    %dma_start3A_48 = tpu.memref_squeeze %dma_start3A_47 : memref<1x16x1024xf32, #tpu.memory_space<vmem>> -> memref<16x1024xf32, #tpu.memory_space<vmem>>
    %dma_start3A_49 = arith.constant 16 : i32
    %dma_start3A_50 = tpu.memref_slice %arg5[%dma_start3A_49] : memref<1024xi32, #tpu.memory_space<vmem>> -> memref<16xi32, #tpu.memory_space<vmem>>
    %dma_start3A_51 = arith.constant 0 : i32
    %dma_start3A_52 = arith.constant 0 : i32
    %dma_start3A_53 = tpu.memref_slice %arg3[%dma_start3A_51, %dma_start3A_52] : memref<8192x1024xf32, #tpu.memory_space<hbm>> -> memref<8192x1024xf32, #tpu.memory_space<hbm>>
    tpu.enqueue_indirect_dma source(%dma_start3A_53 : memref<8192x1024xf32, #tpu.memory_space<hbm>>) target(%dma_start3A_48 : memref<16x1024xf32, #tpu.memory_space<vmem>>) offsets(%dma_start3A_50 : memref<16xi32, #tpu.memory_space<vmem>>) semaphore(%arg8 : memref<!tpu.dma_semaphore, #tpu.memory_space<semaphore_mem>>)
    %dma_start3A_54 = arith.constant 2 : i32
    %dma_start3A_55 = arith.constant 0 : i32
    %dma_start3A_56 = arith.constant 0 : i32
    %dma_start3A_57 = tpu.memref_slice %arg6[%dma_start3A_54, %dma_start3A_55, %dma_start3A_56] : memref<7x16x1024xf32, #tpu.memory_space<vmem>> -> memref<1x16x1024xf32, #tpu.memory_space<vmem>>
    %dma_start3A_58 = tpu.memref_squeeze %dma_start3A_57 : memref<1x16x1024xf32, #tpu.memory_space<vmem>> -> memref<16x1024xf32, #tpu.memory_space<vmem>>
    %dma_start3A_59 = arith.constant 32 : i32
    %dma_start3A_60 = tpu.memref_slice %arg5[%dma_start3A_59] : memref<1024xi32, #tpu.memory_space<vmem>> -> memref<16xi32, #tpu.memory_space<vmem>>
    %dma_start3A_61 = arith.constant 0 : i32
    %dma_start3A_62 = arith.constant 0 : i32
    %dma_start3A_63 = tpu.memref_slice %arg3[%dma_start3A_61, %dma_start3A_62] : memref<8192x1024xf32, #tpu.memory_space<hbm>> -> memref<8192x1024xf32, #tpu.memory_space<hbm>>
    tpu.enqueue_indirect_dma source(%dma_start3A_63 : memref<8192x1024xf32, #tpu.memory_space<hbm>>) target(%dma_start3A_58 : memref<16x1024xf32, #tpu.memory_space<vmem>>) offsets(%dma_start3A_60 : memref<16xi32, #tpu.memory_space<vmem>>) semaphore(%arg9 : memref<!tpu.dma_semaphore, #tpu.memory_space<semaphore_mem>>)
    %dma_start3A_64 = arith.constant 3 : i32
    %dma_start3A_65 = arith.constant 0 : i32
    %dma_start3A_66 = arith.constant 0 : i32
    %dma_start3A_67 = tpu.memref_slice %arg6[%dma_start3A_64, %dma_start3A_65, %dma_start3A_66] : memref<7x16x1024xf32, #tpu.memory_space<vmem>> -> memref<1x16x1024xf32, #tpu.memory_space<vmem>>
    %dma_start3A_68 = tpu.memref_squeeze %dma_start3A_67 : memref<1x16x1024xf32, #tpu.memory_space<vmem>> -> memref<16x1024xf32, #tpu.memory_space<vmem>>
    %dma_start3A_69 = arith.constant 48 : i32
    %dma_start3A_70 = tpu.memref_slice %arg5[%dma_start3A_69] : memref<1024xi32, #tpu.memory_space<vmem>> -> memref<16xi32, #tpu.memory_space<vmem>>
    %dma_start3A_71 = arith.constant 0 : i32
    %dma_start3A_72 = arith.constant 0 : i32
    %dma_start3A_73 = tpu.memref_slice %arg3[%dma_start3A_71, %dma_start3A_72] : memref<8192x1024xf32, #tpu.memory_space<hbm>> -> memref<8192x1024xf32, #tpu.memory_space<hbm>>
    tpu.enqueue_indirect_dma source(%dma_start3A_73 : memref<8192x1024xf32, #tpu.memory_space<hbm>>) target(%dma_start3A_68 : memref<16x1024xf32, #tpu.memory_space<vmem>>) offsets(%dma_start3A_70 : memref<16xi32, #tpu.memory_space<vmem>>) semaphore(%arg10 : memref<!tpu.dma_semaphore, #tpu.memory_space<semaphore_mem>>)
    %dma_start3A_74 = arith.constant 4 : i32
    %dma_start3A_75 = arith.constant 0 : i32
    %dma_start3A_76 = arith.constant 0 : i32
    %dma_start3A_77 = tpu.memref_slice %arg6[%dma_start3A_74, %dma_start3A_75, %dma_start3A_76] : memref<7x16x1024xf32, #tpu.memory_space<vmem>> -> memref<1x16x1024xf32, #tpu.memory_space<vmem>>
    %dma_start3A_78 = tpu.memref_squeeze %dma_start3A_77 : memref<1x16x1024xf32, #tpu.memory_space<vmem>> -> memref<16x1024xf32, #tpu.memory_space<vmem>>
    %dma_start3A_79 = arith.constant 64 : i32
    %dma_start3A_80 = tpu.memref_slice %arg5[%dma_start3A_79] : memref<1024xi32, #tpu.memory_space<vmem>> -> memref<16xi32, #tpu.memory_space<vmem>>
    %dma_start3A_81 = arith.constant 0 : i32
    %dma_start3A_82 = arith.constant 0 : i32
    %dma_start3A_83 = tpu.memref_slice %arg3[%dma_start3A_81, %dma_start3A_82] : memref<8192x1024xf32, #tpu.memory_space<hbm>> -> memref<8192x1024xf32, #tpu.memory_space<hbm>>
    tpu.enqueue_indirect_dma source(%dma_start3A_83 : memref<8192x1024xf32, #tpu.memory_space<hbm>>) target(%dma_start3A_78 : memref<16x1024xf32, #tpu.memory_space<vmem>>) offsets(%dma_start3A_80 : memref<16xi32, #tpu.memory_space<vmem>>) semaphore(%arg11 : memref<!tpu.dma_semaphore, #tpu.memory_space<semaphore_mem>>)
    %dma_start3A_84 = arith.constant 5 : i32
    %dma_start3A_85 = arith.constant 0 : i32
    %dma_start3A_86 = arith.constant 0 : i32
    %dma_start3A_87 = tpu.memref_slice %arg6[%dma_start3A_84, %dma_start3A_85, %dma_start3A_86] : memref<7x16x1024xf32, #tpu.memory_space<vmem>> -> memref<1x16x1024xf32, #tpu.memory_space<vmem>>
    %dma_start3A_88 = tpu.memref_squeeze %dma_start3A_87 : memref<1x16x1024xf32, #tpu.memory_space<vmem>> -> memref<16x1024xf32, #tpu.memory_space<vmem>>
    %dma_start3A_89 = arith.constant 80 : i32
    %dma_start3A_90 = tpu.memref_slice %arg5[%dma_start3A_89] : memref<1024xi32, #tpu.memory_space<vmem>> -> memref<16xi32, #tpu.memory_space<vmem>>
    %dma_start3A_91 = arith.constant 0 : i32
    %dma_start3A_92 = arith.constant 0 : i32
    %dma_start3A_93 = tpu.memref_slice %arg3[%dma_start3A_91, %dma_start3A_92] : memref<8192x1024xf32, #tpu.memory_space<hbm>> -> memref<8192x1024xf32, #tpu.memory_space<hbm>>
    tpu.enqueue_indirect_dma source(%dma_start3A_93 : memref<8192x1024xf32, #tpu.memory_space<hbm>>) target(%dma_start3A_88 : memref<16x1024xf32, #tpu.memory_space<vmem>>) offsets(%dma_start3A_90 : memref<16xi32, #tpu.memory_space<vmem>>) semaphore(%arg12 : memref<!tpu.dma_semaphore, #tpu.memory_space<semaphore_mem>>)
    %dma_wait3A = arith.constant 0 : i32
    %dma_wait3A_94 = arith.constant 0 : i32
    %dma_wait3A_95 = arith.constant 0 : i32
    %dma_wait3A_96 = tpu.memref_slice %arg6[%dma_wait3A, %dma_wait3A_94, %dma_wait3A_95] : memref<7x16x1024xf32, #tpu.memory_space<vmem>> -> memref<1x16x1024xf32, #tpu.memory_space<vmem>>
    %dma_wait3A_97 = tpu.memref_squeeze %dma_wait3A_96 : memref<1x16x1024xf32, #tpu.memory_space<vmem>> -> memref<16x1024xf32, #tpu.memory_space<vmem>>
    %dma_wait3A_98 = arith.constant 0 : i32
    %dma_wait3A_99 = tpu.memref_slice %arg5[%dma_wait3A_98] : memref<1024xi32, #tpu.memory_space<vmem>> -> memref<16xi32, #tpu.memory_space<vmem>>
    %dma_wait3A_100 = arith.constant 0 : i32
    %dma_wait3A_101 = arith.constant 0 : i32
    %dma_wait3A_102 = tpu.memref_slice %arg3[%dma_wait3A_100, %dma_wait3A_101] : memref<8192x1024xf32, #tpu.memory_space<hbm>> -> memref<8192x1024xf32, #tpu.memory_space<hbm>>
    tpu.wait_indirect_dma semaphore(%arg7 : memref<!tpu.dma_semaphore, #tpu.memory_space<semaphore_mem>>) src(%dma_wait3A_102 : memref<8192x1024xf32, #tpu.memory_space<hbm>>) dst(%dma_wait3A_97 : memref<16x1024xf32, #tpu.memory_space<vmem>>)
    %add3A_103 = arith.constant 0 : i32
    %add3A_104 = arith.addi %mul3A_2, %add3A_103 : i32
    %jit3A_105 = arith.constant 8192 : i32
    %div3A_106 = arith.divsi %add3A_104, %jit3A_105 : i32
    %sign3A_107 = arith.constant 0 : i32
    %sign3A_108 = arith.cmpi sgt, %add3A_104, %sign3A_107 : i32
    %sign3A_109 = arith.extui %sign3A_108 : i1 to i32
    %sign3A_110 = arith.constant 0 : i32
    %sign3A_111 = arith.cmpi slt, %add3A_104, %sign3A_110 : i32
    %sign3A_112 = arith.extui %sign3A_111 : i1 to i32
    %sign3A_113 = arith.subi %sign3A_109, %sign3A_112 : i32
    %sign3A_114 = arith.constant 0 : i32
    %sign3A_115 = arith.cmpi sgt, %jit3A_105, %sign3A_114 : i32
    %sign3A_116 = arith.extui %sign3A_115 : i1 to i32
    %sign3A_117 = arith.constant 0 : i32
    %sign3A_118 = arith.cmpi slt, %jit3A_105, %sign3A_117 : i32
    %sign3A_119 = arith.extui %sign3A_118 : i1 to i32
    %sign3A_120 = arith.subi %sign3A_116, %sign3A_119 : i32
    %ne3A_121 = arith.cmpi ne, %sign3A_113, %sign3A_120 : i32
    %rem3A_122 = arith.remsi %add3A_104, %jit3A_105 : i32
    %ne3A_123 = arith.constant 0 : i32
    %ne3A_124 = arith.cmpi ne, %rem3A_122, %ne3A_123 : i32
    %and3A_125 = arith.andi %ne3A_121, %ne3A_124 : i1
    %sub3A_126 = arith.constant 1 : i32
    %sub3A_127 = arith.subi %div3A_106, %sub3A_126 : i32
    %select_n3A_128 = arith.select %and3A_125, %sub3A_127, %div3A_106 : i32
    %jit3A_129 = arith.constant 8192 : i32
    %eq3A_130 = arith.constant 0 : i32
    %eq3A_131 = arith.cmpi eq, %jit3A_129, %eq3A_130 : i32
    %jit3A_132 = arith.constant 1 : i32
    %select_n3A_133 = arith.select %eq3A_131, %jit3A_132, %jit3A_129 : i32
    %rem3A_134 = arith.remsi %add3A_104, %select_n3A_133 : i32
    %ne3A_135 = arith.constant 0 : i32
    %ne3A_136 = arith.cmpi ne, %rem3A_134, %ne3A_135 : i32
    %lt3A_137 = arith.constant 0 : i32
    %lt3A_138 = arith.cmpi slt, %rem3A_134, %lt3A_137 : i32
    %lt3A_139 = arith.constant 0 : i32
    %lt3A_140 = arith.cmpi slt, %select_n3A_133, %lt3A_139 : i32
    %ne3A_141 = arith.xori %lt3A_138, %lt3A_140 : i1
    %and3A_142 = arith.andi %ne3A_141, %ne3A_136 : i1
    %add3A_143 = arith.addi %rem3A_134, %select_n3A_133 : i32
    %select_n3A_144 = arith.select %and3A_142, %add3A_143, %rem3A_134 : i32
    %dma_start3A_145 = arith.constant 0 : i32
    %dma_start3A_146 = arith.constant 0 : i32
    %dma_start3A_147 = arith.constant 0 : i32
    %dma_start3A_148 = tpu.memref_slice %arg6[%dma_start3A_145, %dma_start3A_146, %dma_start3A_147] : memref<7x16x1024xf32, #tpu.memory_space<vmem>> -> memref<1x16x1024xf32, #tpu.memory_space<vmem>>
    %dma_start3A_149 = tpu.memref_squeeze %dma_start3A_148 : memref<1x16x1024xf32, #tpu.memory_space<vmem>> -> memref<16x1024xf32, #tpu.memory_space<vmem>>
    %dma_start3A_150 = arith.constant 0 : i32
    %dma_start3A_151 = tpu.memref_slice %arg4[%select_n3A_128, %select_n3A_144, %dma_start3A_150] : memref<4x8192x1024xf32, #tpu.memory_space<hbm>> -> memref<1x16x1024xf32, #tpu.memory_space<hbm>>
    %dma_start3A_152 = tpu.memref_squeeze %dma_start3A_151 : memref<1x16x1024xf32, #tpu.memory_space<hbm>> -> memref<16x1024xf32, #tpu.memory_space<hbm>>
    %dma_start3A_153 = arith.constant 0 : i32
    %dma_start3A_154 = tpu.memref_slice %arg4[%select_n3A_128, %select_n3A_144, %dma_start3A_153] : memref<4x8192x1024xf32, #tpu.memory_space<hbm>> -> memref<1x16x1024xf32, #tpu.memory_space<hbm>>
    %dma_start3A_155 = tpu.memref_squeeze %dma_start3A_154 : memref<1x16x1024xf32, #tpu.memory_space<hbm>> -> memref<16x1024xf32, #tpu.memory_space<hbm>>
    %dma_start3A_156 = arith.constant 0 : i32
    %dma_start3A_157 = arith.constant 0 : i32
    %dma_start3A_158 = tpu.memref_slice %arg6[%dma_start3A_145, %dma_start3A_156, %dma_start3A_157] : memref<7x16x1024xf32, #tpu.memory_space<vmem>> -> memref<1x16x1024xf32, #tpu.memory_space<vmem>>
    %dma_start3A_159 = tpu.memref_squeeze %dma_start3A_158 : memref<1x16x1024xf32, #tpu.memory_space<vmem>> -> memref<16x1024xf32, #tpu.memory_space<vmem>>
    tpu.enqueue_dma source(%dma_start3A_159 : memref<16x1024xf32, #tpu.memory_space<vmem>>) target(%dma_start3A_155 : memref<16x1024xf32, #tpu.memory_space<hbm>>) target_semaphore(%arg14 : memref<!tpu.dma_semaphore, #tpu.memory_space<semaphore_mem>>)
    %dma_start3A_160 = arith.constant 6 : i32
    %dma_start3A_161 = arith.constant 0 : i32
    %dma_start3A_162 = arith.constant 0 : i32
    %dma_start3A_163 = tpu.memref_slice %arg6[%dma_start3A_160, %dma_start3A_161, %dma_start3A_162] : memref<7x16x1024xf32, #tpu.memory_space<vmem>> -> memref<1x16x1024xf32, #tpu.memory_space<vmem>>
    %dma_start3A_164 = tpu.memref_squeeze %dma_start3A_163 : memref<1x16x1024xf32, #tpu.memory_space<vmem>> -> memref<16x1024xf32, #tpu.memory_space<vmem>>
    %dma_start3A_165 = arith.constant 96 : i32
    %dma_start3A_166 = tpu.memref_slice %arg5[%dma_start3A_165] : memref<1024xi32, #tpu.memory_space<vmem>> -> memref<16xi32, #tpu.memory_space<vmem>>
    %dma_start3A_167 = arith.constant 0 : i32
    %dma_start3A_168 = arith.constant 0 : i32
    %dma_start3A_169 = tpu.memref_slice %arg3[%dma_start3A_167, %dma_start3A_168] : memref<8192x1024xf32, #tpu.memory_space<hbm>> -> memref<8192x1024xf32, #tpu.memory_space<hbm>>
    tpu.enqueue_indirect_dma source(%dma_start3A_169 : memref<8192x1024xf32, #tpu.memory_space<hbm>>) target(%dma_start3A_164 : memref<16x1024xf32, #tpu.memory_space<vmem>>) offsets(%dma_start3A_166 : memref<16xi32, #tpu.memory_space<vmem>>) semaphore(%arg13 : memref<!tpu.dma_semaphore, #tpu.memory_space<semaphore_mem>>)
    %dma_wait3A_170 = arith.constant 1 : i32
    %dma_wait3A_171 = arith.constant 0 : i32
    %dma_wait3A_172 = arith.constant 0 : i32
    %dma_wait3A_173 = tpu.memref_slice %arg6[%dma_wait3A_170, %dma_wait3A_171, %dma_wait3A_172] : memref<7x16x1024xf32, #tpu.memory_space<vmem>> -> memref<1x16x1024xf32, #tpu.memory_space<vmem>>
    %dma_wait3A_174 = tpu.memref_squeeze %dma_wait3A_173 : memref<1x16x1024xf32, #tpu.memory_space<vmem>> -> memref<16x1024xf32, #tpu.memory_space<vmem>>
    %dma_wait3A_175 = arith.constant 16 : i32
    %dma_wait3A_176 = tpu.memref_slice %arg5[%dma_wait3A_175] : memref<1024xi32, #tpu.memory_space<vmem>> -> memref<16xi32, #tpu.memory_space<vmem>>
    %dma_wait3A_177 = arith.constant 0 : i32
    %dma_wait3A_178 = arith.constant 0 : i32
    %dma_wait3A_179 = tpu.memref_slice %arg3[%dma_wait3A_177, %dma_wait3A_178] : memref<8192x1024xf32, #tpu.memory_space<hbm>> -> memref<8192x1024xf32, #tpu.memory_space<hbm>>
    tpu.wait_indirect_dma semaphore(%arg8 : memref<!tpu.dma_semaphore, #tpu.memory_space<semaphore_mem>>) src(%dma_wait3A_179 : memref<8192x1024xf32, #tpu.memory_space<hbm>>) dst(%dma_wait3A_174 : memref<16x1024xf32, #tpu.memory_space<vmem>>)
    %add3A_180 = arith.constant 16 : i32
    %add3A_181 = arith.addi %mul3A_2, %add3A_180 : i32
    %jit3A_182 = arith.constant 8192 : i32
    %div3A_183 = arith.divsi %add3A_181, %jit3A_182 : i32
    %sign3A_184 = arith.constant 0 : i32
    %sign3A_185 = arith.cmpi sgt, %add3A_181, %sign3A_184 : i32
    %sign3A_186 = arith.extui %sign3A_185 : i1 to i32
    %sign3A_187 = arith.constant 0 : i32
    %sign3A_188 = arith.cmpi slt, %add3A_181, %sign3A_187 : i32
    %sign3A_189 = arith.extui %sign3A_188 : i1 to i32
    %sign3A_190 = arith.subi %sign3A_186, %sign3A_189 : i32
    %sign3A_191 = arith.constant 0 : i32
    %sign3A_192 = arith.cmpi sgt, %jit3A_182, %sign3A_191 : i32
    %sign3A_193 = arith.extui %sign3A_192 : i1 to i32
    %sign3A_194 = arith.constant 0 : i32
    %sign3A_195 = arith.cmpi slt, %jit3A_182, %sign3A_194 : i32
    %sign3A_196 = arith.extui %sign3A_195 : i1 to i32
    %sign3A_197 = arith.subi %sign3A_193, %sign3A_196 : i32
    %ne3A_198 = arith.cmpi ne, %sign3A_190, %sign3A_197 : i32
    %rem3A_199 = arith.remsi %add3A_181, %jit3A_182 : i32
    %ne3A_200 = arith.constant 0 : i32
    %ne3A_201 = arith.cmpi ne, %rem3A_199, %ne3A_200 : i32
    %and3A_202 = arith.andi %ne3A_198, %ne3A_201 : i1
    %sub3A_203 = arith.constant 1 : i32
    %sub3A_204 = arith.subi %div3A_183, %sub3A_203 : i32
    %select_n3A_205 = arith.select %and3A_202, %sub3A_204, %div3A_183 : i32
    %jit3A_206 = arith.constant 8192 : i32
    %eq3A_207 = arith.constant 0 : i32
    %eq3A_208 = arith.cmpi eq, %jit3A_206, %eq3A_207 : i32
    %jit3A_209 = arith.constant 1 : i32
    %select_n3A_210 = arith.select %eq3A_208, %jit3A_209, %jit3A_206 : i32
    %rem3A_211 = arith.remsi %add3A_181, %select_n3A_210 : i32
    %ne3A_212 = arith.constant 0 : i32
    %ne3A_213 = arith.cmpi ne, %rem3A_211, %ne3A_212 : i32
    %lt3A_214 = arith.constant 0 : i32
    %lt3A_215 = arith.cmpi slt, %rem3A_211, %lt3A_214 : i32
    %lt3A_216 = arith.constant 0 : i32
    %lt3A_217 = arith.cmpi slt, %select_n3A_210, %lt3A_216 : i32
    %ne3A_218 = arith.xori %lt3A_215, %lt3A_217 : i1
    %and3A_219 = arith.andi %ne3A_218, %ne3A_213 : i1
    %add3A_220 = arith.addi %rem3A_211, %select_n3A_210 : i32
    %select_n3A_221 = arith.select %and3A_219, %add3A_220, %rem3A_211 : i32
    %dma_start3A_222 = arith.constant 1 : i32
    %dma_start3A_223 = arith.constant 0 : i32
    %dma_start3A_224 = arith.constant 0 : i32
    %dma_start3A_225 = tpu.memref_slice %arg6[%dma_start3A_222, %dma_start3A_223, %dma_start3A_224] : memref<7x16x1024xf32, #tpu.memory_space<vmem>> -> memref<1x16x1024xf32, #tpu.memory_space<vmem>>
    %dma_start3A_226 = tpu.memref_squeeze %dma_start3A_225 : memref<1x16x1024xf32, #tpu.memory_space<vmem>> -> memref<16x1024xf32, #tpu.memory_space<vmem>>
    %dma_start3A_227 = arith.constant 0 : i32
    %dma_start3A_228 = tpu.memref_slice %arg4[%select_n3A_205, %select_n3A_221, %dma_start3A_227] : memref<4x8192x1024xf32, #tpu.memory_space<hbm>> -> memref<1x16x1024xf32, #tpu.memory_space<hbm>>
    %dma_start3A_229 = tpu.memref_squeeze %dma_start3A_228 : memref<1x16x1024xf32, #tpu.memory_space<hbm>> -> memref<16x1024xf32, #tpu.memory_space<hbm>>
    %dma_start3A_230 = arith.constant 0 : i32
    %dma_start3A_231 = tpu.memref_slice %arg4[%select_n3A_205, %select_n3A_221, %dma_start3A_230] : memref<4x8192x1024xf32, #tpu.memory_space<hbm>> -> memref<1x16x1024xf32, #tpu.memory_space<hbm>>
    %dma_start3A_232 = tpu.memref_squeeze %dma_start3A_231 : memref<1x16x1024xf32, #tpu.memory_space<hbm>> -> memref<16x1024xf32, #tpu.memory_space<hbm>>
    %dma_start3A_233 = arith.constant 0 : i32
    %dma_start3A_234 = arith.constant 0 : i32
    %dma_start3A_235 = tpu.memref_slice %arg6[%dma_start3A_222, %dma_start3A_233, %dma_start3A_234] : memref<7x16x1024xf32, #tpu.memory_space<vmem>> -> memref<1x16x1024xf32, #tpu.memory_space<vmem>>
    %dma_start3A_236 = tpu.memref_squeeze %dma_start3A_235 : memref<1x16x1024xf32, #tpu.memory_space<vmem>> -> memref<16x1024xf32, #tpu.memory_space<vmem>>
    tpu.enqueue_dma source(%dma_start3A_236 : memref<16x1024xf32, #tpu.memory_space<vmem>>) target(%dma_start3A_232 : memref<16x1024xf32, #tpu.memory_space<hbm>>) target_semaphore(%arg15 : memref<!tpu.dma_semaphore, #tpu.memory_space<semaphore_mem>>)
    %add3A_237 = arith.constant 0 : i32
    %add3A_238 = arith.addi %mul3A_2, %add3A_237 : i32
    %jit3A_239 = arith.constant 8192 : i32
    %div3A_240 = arith.divsi %add3A_238, %jit3A_239 : i32
    %sign3A_241 = arith.constant 0 : i32
    %sign3A_242 = arith.cmpi sgt, %add3A_238, %sign3A_241 : i32
    %sign3A_243 = arith.extui %sign3A_242 : i1 to i32
    %sign3A_244 = arith.constant 0 : i32
    %sign3A_245 = arith.cmpi slt, %add3A_238, %sign3A_244 : i32
    %sign3A_246 = arith.extui %sign3A_245 : i1 to i32
    %sign3A_247 = arith.subi %sign3A_243, %sign3A_246 : i32
    %sign3A_248 = arith.constant 0 : i32
    %sign3A_249 = arith.cmpi sgt, %jit3A_239, %sign3A_248 : i32
    %sign3A_250 = arith.extui %sign3A_249 : i1 to i32
    %sign3A_251 = arith.constant 0 : i32
    %sign3A_252 = arith.cmpi slt, %jit3A_239, %sign3A_251 : i32
    %sign3A_253 = arith.extui %sign3A_252 : i1 to i32
    %sign3A_254 = arith.subi %sign3A_250, %sign3A_253 : i32
    %ne3A_255 = arith.cmpi ne, %sign3A_247, %sign3A_254 : i32
    %rem3A_256 = arith.remsi %add3A_238, %jit3A_239 : i32
    %ne3A_257 = arith.constant 0 : i32
    %ne3A_258 = arith.cmpi ne, %rem3A_256, %ne3A_257 : i32
    %and3A_259 = arith.andi %ne3A_255, %ne3A_258 : i1
    %sub3A_260 = arith.constant 1 : i32
    %sub3A_261 = arith.subi %div3A_240, %sub3A_260 : i32
    %select_n3A_262 = arith.select %and3A_259, %sub3A_261, %div3A_240 : i32
    %jit3A_263 = arith.constant 8192 : i32
    %eq3A_264 = arith.constant 0 : i32
    %eq3A_265 = arith.cmpi eq, %jit3A_263, %eq3A_264 : i32
    %jit3A_266 = arith.constant 1 : i32
    %select_n3A_267 = arith.select %eq3A_265, %jit3A_266, %jit3A_263 : i32
    %rem3A_268 = arith.remsi %add3A_238, %select_n3A_267 : i32
    %ne3A_269 = arith.constant 0 : i32
    %ne3A_270 = arith.cmpi ne, %rem3A_268, %ne3A_269 : i32
    %lt3A_271 = arith.constant 0 : i32
    %lt3A_272 = arith.cmpi slt, %rem3A_268, %lt3A_271 : i32
    %lt3A_273 = arith.constant 0 : i32
    %lt3A_274 = arith.cmpi slt, %select_n3A_267, %lt3A_273 : i32
    %ne3A_275 = arith.xori %lt3A_272, %lt3A_274 : i1
    %and3A_276 = arith.andi %ne3A_275, %ne3A_270 : i1
    %add3A_277 = arith.addi %rem3A_268, %select_n3A_267 : i32
    %select_n3A_278 = arith.select %and3A_276, %add3A_277, %rem3A_268 : i32
    %dma_wait3A_279 = arith.constant 0 : i32
    %dma_wait3A_280 = arith.constant 0 : i32
    %dma_wait3A_281 = arith.constant 0 : i32
    %dma_wait3A_282 = tpu.memref_slice %arg6[%dma_wait3A_279, %dma_wait3A_280, %dma_wait3A_281] : memref<7x16x1024xf32, #tpu.memory_space<vmem>> -> memref<1x16x1024xf32, #tpu.memory_space<vmem>>
    %dma_wait3A_283 = tpu.memref_squeeze %dma_wait3A_282 : memref<1x16x1024xf32, #tpu.memory_space<vmem>> -> memref<16x1024xf32, #tpu.memory_space<vmem>>
    %dma_wait3A_284 = arith.constant 0 : i32
    %dma_wait3A_285 = tpu.memref_slice %arg4[%select_n3A_262, %select_n3A_278, %dma_wait3A_284] : memref<4x8192x1024xf32, #tpu.memory_space<hbm>> -> memref<1x16x1024xf32, #tpu.memory_space<hbm>>
    %dma_wait3A_286 = tpu.memref_squeeze %dma_wait3A_285 : memref<1x16x1024xf32, #tpu.memory_space<hbm>> -> memref<16x1024xf32, #tpu.memory_space<hbm>>
    %dma_wait3A_287 = arith.constant 0 : i32
    %dma_wait3A_288 = tpu.memref_slice %arg4[%select_n3A_262, %select_n3A_278, %dma_wait3A_287] : memref<4x8192x1024xf32, #tpu.memory_space<hbm>> -> memref<1x16x1024xf32, #tpu.memory_space<hbm>>
    %dma_wait3A_289 = tpu.memref_squeeze %dma_wait3A_288 : memref<1x16x1024xf32, #tpu.memory_space<hbm>> -> memref<16x1024xf32, #tpu.memory_space<hbm>>
    %dma_wait3A_290 = arith.constant 0 : i32
    %dma_wait3A_291 = arith.constant 0 : i32
    %dma_wait3A_292 = tpu.memref_slice %arg6[%dma_wait3A_279, %dma_wait3A_290, %dma_wait3A_291] : memref<7x16x1024xf32, #tpu.memory_space<vmem>> -> memref<1x16x1024xf32, #tpu.memory_space<vmem>>
    %dma_wait3A_293 = tpu.memref_squeeze %dma_wait3A_292 : memref<1x16x1024xf32, #tpu.memory_space<vmem>> -> memref<16x1024xf32, #tpu.memory_space<vmem>>
    tpu.wait_dma2 semaphore(%arg14 : memref<!tpu.dma_semaphore, #tpu.memory_space<semaphore_mem>>) src(%dma_wait3A_293 : memref<16x1024xf32, #tpu.memory_space<vmem>>) dst(%dma_wait3A_289 : memref<16x1024xf32, #tpu.memory_space<hbm>>)
    %dma_start3A_294 = arith.constant 0 : i32
    %dma_start3A_295 = arith.constant 0 : i32
    %dma_start3A_296 = arith.constant 0 : i32
    %dma_start3A_297 = tpu.memref_slice %arg6[%dma_start3A_294, %dma_start3A_295, %dma_start3A_296] : memref<7x16x1024xf32, #tpu.memory_space<vmem>> -> memref<1x16x1024xf32, #tpu.memory_space<vmem>>
    %dma_start3A_298 = tpu.memref_squeeze %dma_start3A_297 : memref<1x16x1024xf32, #tpu.memory_space<vmem>> -> memref<16x1024xf32, #tpu.memory_space<vmem>>
    %dma_start3A_299 = arith.constant 112 : i32
    %dma_start3A_300 = tpu.memref_slice %arg5[%dma_start3A_299] : memref<1024xi32, #tpu.memory_space<vmem>> -> memref<16xi32, #tpu.memory_space<vmem>>
    %dma_start3A_301 = arith.constant 0 : i32
    %dma_start3A_302 = arith.constant 0 : i32
    %dma_start3A_303 = tpu.memref_slice %arg3[%dma_start3A_301, %dma_start3A_302] : memref<8192x1024xf32, #tpu.memory_space<hbm>> -> memref<8192x1024xf32, #tpu.memory_space<hbm>>
    tpu.enqueue_indirect_dma source(%dma_start3A_303 : memref<8192x1024xf32, #tpu.memory_space<hbm>>) target(%dma_start3A_298 : memref<16x1024xf32, #tpu.memory_space<vmem>>) offsets(%dma_start3A_300 : memref<16xi32, #tpu.memory_space<vmem>>) semaphore(%arg7 : memref<!tpu.dma_semaphore, #tpu.memory_space<semaphore_mem>>)
    %dma_wait3A_304 = arith.constant 2 : i32
    %dma_wait3A_305 = arith.constant 0 : i32
    %dma_wait3A_306 = arith.constant 0 : i32
    %dma_wait3A_307 = tpu.memref_slice %arg6[%dma_wait3A_304, %dma_wait3A_305, %dma_wait3A_306] : memref<7x16x1024xf32, #tpu.memory_space<vmem>> -> memref<1x16x1024xf32, #tpu.memory_space<vmem>>
    %dma_wait3A_308 = tpu.memref_squeeze %dma_wait3A_307 : memref<1x16x1024xf32, #tpu.memory_space<vmem>> -> memref<16x1024xf32, #tpu.memory_space<vmem>>
    %dma_wait3A_309 = arith.constant 32 : i32
    %dma_wait3A_310 = tpu.memref_slice %arg5[%dma_wait3A_309] : memref<1024xi32, #tpu.memory_space<vmem>> -> memref<16xi32, #tpu.memory_space<vmem>>
    %dma_wait3A_311 = arith.constant 0 : i32
    %dma_wait3A_312 = arith.constant 0 : i32
    %dma_wait3A_313 = tpu.memref_slice %arg3[%dma_wait3A_311, %dma_wait3A_312] : memref<8192x1024xf32, #tpu.memory_space<hbm>> -> memref<8192x1024xf32, #tpu.memory_space<hbm>>
    tpu.wait_indirect_dma semaphore(%arg9 : memref<!tpu.dma_semaphore, #tpu.memory_space<semaphore_mem>>) src(%dma_wait3A_313 : memref<8192x1024xf32, #tpu.memory_space<hbm>>) dst(%dma_wait3A_308 : memref<16x1024xf32, #tpu.memory_space<vmem>>)
    %add3A_314 = arith.constant 32 : i32
    %add3A_315 = arith.addi %mul3A_2, %add3A_314 : i32
    %jit3A_316 = arith.constant 8192 : i32
    %div3A_317 = arith.divsi %add3A_315, %jit3A_316 : i32
    %sign3A_318 = arith.constant 0 : i32
    %sign3A_319 = arith.cmpi sgt, %add3A_315, %sign3A_318 : i32
    %sign3A_320 = arith.extui %sign3A_319 : i1 to i32
    %sign3A_321 = arith.constant 0 : i32
    %sign3A_322 = arith.cmpi slt, %add3A_315, %sign3A_321 : i32
    %sign3A_323 = arith.extui %sign3A_322 : i1 to i32
    %sign3A_324 = arith.subi %sign3A_320, %sign3A_323 : i32
    %sign3A_325 = arith.constant 0 : i32
    %sign3A_326 = arith.cmpi sgt, %jit3A_316, %sign3A_325 : i32
    %sign3A_327 = arith.extui %sign3A_326 : i1 to i32
    %sign3A_328 = arith.constant 0 : i32
    %sign3A_329 = arith.cmpi slt, %jit3A_316, %sign3A_328 : i32
    %sign3A_330 = arith.extui %sign3A_329 : i1 to i32
    %sign3A_331 = arith.subi %sign3A_327, %sign3A_330 : i32
    %ne3A_332 = arith.cmpi ne, %sign3A_324, %sign3A_331 : i32
    %rem3A_333 = arith.remsi %add3A_315, %jit3A_316 : i32
    %ne3A_334 = arith.constant 0 : i32
    %ne3A_335 = arith.cmpi ne, %rem3A_333, %ne3A_334 : i32
    %and3A_336 = arith.andi %ne3A_332, %ne3A_335 : i1
    %sub3A_337 = arith.constant 1 : i32
    %sub3A_338 = arith.subi %div3A_317, %sub3A_337 : i32
    %select_n3A_339 = arith.select %and3A_336, %sub3A_338, %div3A_317 : i32
    %jit3A_340 = arith.constant 8192 : i32
    %eq3A_341 = arith.constant 0 : i32
    %eq3A_342 = arith.cmpi eq, %jit3A_340, %eq3A_341 : i32
    %jit3A_343 = arith.constant 1 : i32
    %select_n3A_344 = arith.select %eq3A_342, %jit3A_343, %jit3A_340 : i32
    %rem3A_345 = arith.remsi %add3A_315, %select_n3A_344 : i32
    %ne3A_346 = arith.constant 0 : i32
    %ne3A_347 = arith.cmpi ne, %rem3A_345, %ne3A_346 : i32
    %lt3A_348 = arith.constant 0 : i32
    %lt3A_349 = arith.cmpi slt, %rem3A_345, %lt3A_348 : i32
    %lt3A_350 = arith.constant 0 : i32
    %lt3A_351 = arith.cmpi slt, %select_n3A_344, %lt3A_350 : i32
    %ne3A_352 = arith.xori %lt3A_349, %lt3A_351 : i1
    %and3A_353 = arith.andi %ne3A_352, %ne3A_347 : i1
    %add3A_354 = arith.addi %rem3A_345, %select_n3A_344 : i32
    %select_n3A_355 = arith.select %and3A_353, %add3A_354, %rem3A_345 : i32
    %dma_start3A_356 = arith.constant 2 : i32
    %dma_start3A_357 = arith.constant 0 : i32
    %dma_start3A_358 = arith.constant 0 : i32
    %dma_start3A_359 = tpu.memref_slice %arg6[%dma_start3A_356, %dma_start3A_357, %dma_start3A_358] : memref<7x16x1024xf32, #tpu.memory_space<vmem>> -> memref<1x16x1024xf32, #tpu.memory_space<vmem>>
    %dma_start3A_360 = tpu.memref_squeeze %dma_start3A_359 : memref<1x16x1024xf32, #tpu.memory_space<vmem>> -> memref<16x1024xf32, #tpu.memory_space<vmem>>
    %dma_start3A_361 = arith.constant 0 : i32
    %dma_start3A_362 = tpu.memref_slice %arg4[%select_n3A_339, %select_n3A_355, %dma_start3A_361] : memref<4x8192x1024xf32, #tpu.memory_space<hbm>> -> memref<1x16x1024xf32, #tpu.memory_space<hbm>>
    %dma_start3A_363 = tpu.memref_squeeze %dma_start3A_362 : memref<1x16x1024xf32, #tpu.memory_space<hbm>> -> memref<16x1024xf32, #tpu.memory_space<hbm>>
    %dma_start3A_364 = arith.constant 0 : i32
    %dma_start3A_365 = tpu.memref_slice %arg4[%select_n3A_339, %select_n3A_355, %dma_start3A_364] : memref<4x8192x1024xf32, #tpu.memory_space<hbm>> -> memref<1x16x1024xf32, #tpu.memory_space<hbm>>
    %dma_start3A_366 = tpu.memref_squeeze %dma_start3A_365 : memref<1x16x1024xf32, #tpu.memory_space<hbm>> -> memref<16x1024xf32, #tpu.memory_space<hbm>>
    %dma_start3A_367 = arith.constant 0 : i32
    %dma_start3A_368 = arith.constant 0 : i32
    %dma_start3A_369 = tpu.memref_slice %arg6[%dma_start3A_356, %dma_start3A_367, %dma_start3A_368] : memref<7x16x1024xf32, #tpu.memory_space<vmem>> -> memref<1x16x1024xf32, #tpu.memory_space<vmem>>
    %dma_start3A_370 = tpu.memref_squeeze %dma_start3A_369 : memref<1x16x1024xf32, #tpu.memory_space<vmem>> -> memref<16x1024xf32, #tpu.memory_space<vmem>>
    tpu.enqueue_dma source(%dma_start3A_370 : memref<16x1024xf32, #tpu.memory_space<vmem>>) target(%dma_start3A_366 : memref<16x1024xf32, #tpu.memory_space<hbm>>) target_semaphore(%arg16 : memref<!tpu.dma_semaphore, #tpu.memory_space<semaphore_mem>>)
    %add3A_371 = arith.constant 16 : i32
    %add3A_372 = arith.addi %mul3A_2, %add3A_371 : i32
    %jit3A_373 = arith.constant 8192 : i32
    %div3A_374 = arith.divsi %add3A_372, %jit3A_373 : i32
    %sign3A_375 = arith.constant 0 : i32
    %sign3A_376 = arith.cmpi sgt, %add3A_372, %sign3A_375 : i32
    %sign3A_377 = arith.extui %sign3A_376 : i1 to i32
    %sign3A_378 = arith.constant 0 : i32
    %sign3A_379 = arith.cmpi slt, %add3A_372, %sign3A_378 : i32
    %sign3A_380 = arith.extui %sign3A_379 : i1 to i32
    %sign3A_381 = arith.subi %sign3A_377, %sign3A_380 : i32
    %sign3A_382 = arith.constant 0 : i32
    %sign3A_383 = arith.cmpi sgt, %jit3A_373, %sign3A_382 : i32
    %sign3A_384 = arith.extui %sign3A_383 : i1 to i32
    %sign3A_385 = arith.constant 0 : i32
    %sign3A_386 = arith.cmpi slt, %jit3A_373, %sign3A_385 : i32
    %sign3A_387 = arith.extui %sign3A_386 : i1 to i32
    %sign3A_388 = arith.subi %sign3A_384, %sign3A_387 : i32
    %ne3A_389 = arith.cmpi ne, %sign3A_381, %sign3A_388 : i32
    %rem3A_390 = arith.remsi %add3A_372, %jit3A_373 : i32
    %ne3A_391 = arith.constant 0 : i32
    %ne3A_392 = arith.cmpi ne, %rem3A_390, %ne3A_391 : i32
    %and3A_393 = arith.andi %ne3A_389, %ne3A_392 : i1
    %sub3A_394 = arith.constant 1 : i32
    %sub3A_395 = arith.subi %div3A_374, %sub3A_394 : i32
    %select_n3A_396 = arith.select %and3A_393, %sub3A_395, %div3A_374 : i32
    %jit3A_397 = arith.constant 8192 : i32
    %eq3A_398 = arith.constant 0 : i32
    %eq3A_399 = arith.cmpi eq, %jit3A_397, %eq3A_398 : i32
    %jit3A_400 = arith.constant 1 : i32
    %select_n3A_401 = arith.select %eq3A_399, %jit3A_400, %jit3A_397 : i32
    %rem3A_402 = arith.remsi %add3A_372, %select_n3A_401 : i32
    %ne3A_403 = arith.constant 0 : i32
    %ne3A_404 = arith.cmpi ne, %rem3A_402, %ne3A_403 : i32
    %lt3A_405 = arith.constant 0 : i32
    %lt3A_406 = arith.cmpi slt, %rem3A_402, %lt3A_405 : i32
    %lt3A_407 = arith.constant 0 : i32
    %lt3A_408 = arith.cmpi slt, %select_n3A_401, %lt3A_407 : i32
    %ne3A_409 = arith.xori %lt3A_406, %lt3A_408 : i1
    %and3A_410 = arith.andi %ne3A_409, %ne3A_404 : i1
    %add3A_411 = arith.addi %rem3A_402, %select_n3A_401 : i32
    %select_n3A_412 = arith.select %and3A_410, %add3A_411, %rem3A_402 : i32
    %dma_wait3A_413 = arith.constant 1 : i32
    %dma_wait3A_414 = arith.constant 0 : i32
    %dma_wait3A_415 = arith.constant 0 : i32
    %dma_wait3A_416 = tpu.memref_slice %arg6[%dma_wait3A_413, %dma_wait3A_414, %dma_wait3A_415] : memref<7x16x1024xf32, #tpu.memory_space<vmem>> -> memref<1x16x1024xf32, #tpu.memory_space<vmem>>
    %dma_wait3A_417 = tpu.memref_squeeze %dma_wait3A_416 : memref<1x16x1024xf32, #tpu.memory_space<vmem>> -> memref<16x1024xf32, #tpu.memory_space<vmem>>
    %dma_wait3A_418 = arith.constant 0 : i32
    %dma_wait3A_419 = tpu.memref_slice %arg4[%select_n3A_396, %select_n3A_412, %dma_wait3A_418] : memref<4x8192x1024xf32, #tpu.memory_space<hbm>> -> memref<1x16x1024xf32, #tpu.memory_space<hbm>>
    %dma_wait3A_420 = tpu.memref_squeeze %dma_wait3A_419 : memref<1x16x1024xf32, #tpu.memory_space<hbm>> -> memref<16x1024xf32, #tpu.memory_space<hbm>>
    %dma_wait3A_421 = arith.constant 0 : i32
    %dma_wait3A_422 = tpu.memref_slice %arg4[%select_n3A_396, %select_n3A_412, %dma_wait3A_421] : memref<4x8192x1024xf32, #tpu.memory_space<hbm>> -> memref<1x16x1024xf32, #tpu.memory_space<hbm>>
    %dma_wait3A_423 = tpu.memref_squeeze %dma_wait3A_422 : memref<1x16x1024xf32, #tpu.memory_space<hbm>> -> memref<16x1024xf32, #tpu.memory_space<hbm>>
    %dma_wait3A_424 = arith.constant 0 : i32
    %dma_wait3A_425 = arith.constant 0 : i32
    %dma_wait3A_426 = tpu.memref_slice %arg6[%dma_wait3A_413, %dma_wait3A_424, %dma_wait3A_425] : memref<7x16x1024xf32, #tpu.memory_space<vmem>> -> memref<1x16x1024xf32, #tpu.memory_space<vmem>>
    %dma_wait3A_427 = tpu.memref_squeeze %dma_wait3A_426 : memref<1x16x1024xf32, #tpu.memory_space<vmem>> -> memref<16x1024xf32, #tpu.memory_space<vmem>>
    tpu.wait_dma2 semaphore(%arg15 : memref<!tpu.dma_semaphore, #tpu.memory_space<semaphore_mem>>) src(%dma_wait3A_427 : memref<16x1024xf32, #tpu.memory_space<vmem>>) dst(%dma_wait3A_423 : memref<16x1024xf32, #tpu.memory_space<hbm>>)
    %dma_start3A_428 = arith.constant 1 : i32
    %dma_start3A_429 = arith.constant 0 : i32
    %dma_start3A_430 = arith.constant 0 : i32
    %dma_start3A_431 = tpu.memref_slice %arg6[%dma_start3A_428, %dma_start3A_429, %dma_start3A_430] : memref<7x16x1024xf32, #tpu.memory_space<vmem>> -> memref<1x16x1024xf32, #tpu.memory_space<vmem>>
    %dma_start3A_432 = tpu.memref_squeeze %dma_start3A_431 : memref<1x16x1024xf32, #tpu.memory_space<vmem>> -> memref<16x1024xf32, #tpu.memory_space<vmem>>
    %dma_start3A_433 = arith.constant 128 : i32
    %dma_start3A_434 = tpu.memref_slice %arg5[%dma_start3A_433] : memref<1024xi32, #tpu.memory_space<vmem>> -> memref<16xi32, #tpu.memory_space<vmem>>
    %dma_start3A_435 = arith.constant 0 : i32
    %dma_start3A_436 = arith.constant 0 : i32
    %dma_start3A_437 = tpu.memref_slice %arg3[%dma_start3A_435, %dma_start3A_436] : memref<8192x1024xf32, #tpu.memory_space<hbm>> -> memref<8192x1024xf32, #tpu.memory_space<hbm>>
    tpu.enqueue_indirect_dma source(%dma_start3A_437 : memref<8192x1024xf32, #tpu.memory_space<hbm>>) target(%dma_start3A_432 : memref<16x1024xf32, #tpu.memory_space<vmem>>) offsets(%dma_start3A_434 : memref<16xi32, #tpu.memory_space<vmem>>) semaphore(%arg8 : memref<!tpu.dma_semaphore, #tpu.memory_space<semaphore_mem>>)
    %dma_wait3A_438 = arith.constant 3 : i32
    %dma_wait3A_439 = arith.constant 0 : i32
    %dma_wait3A_440 = arith.constant 0 : i32
    %dma_wait3A_441 = tpu.memref_slice %arg6[%dma_wait3A_438, %dma_wait3A_439, %dma_wait3A_440] : memref<7x16x1024xf32, #tpu.memory_space<vmem>> -> memref<1x16x1024xf32, #tpu.memory_space<vmem>>
    %dma_wait3A_442 = tpu.memref_squeeze %dma_wait3A_441 : memref<1x16x1024xf32, #tpu.memory_space<vmem>> -> memref<16x1024xf32, #tpu.memory_space<vmem>>
    %dma_wait3A_443 = arith.constant 48 : i32
    %dma_wait3A_444 = tpu.memref_slice %arg5[%dma_wait3A_443] : memref<1024xi32, #tpu.memory_space<vmem>> -> memref<16xi32, #tpu.memory_space<vmem>>
    %dma_wait3A_445 = arith.constant 0 : i32
    %dma_wait3A_446 = arith.constant 0 : i32
    %dma_wait3A_447 = tpu.memref_slice %arg3[%dma_wait3A_445, %dma_wait3A_446] : memref<8192x1024xf32, #tpu.memory_space<hbm>> -> memref<8192x1024xf32, #tpu.memory_space<hbm>>
    tpu.wait_indirect_dma semaphore(%arg10 : memref<!tpu.dma_semaphore, #tpu.memory_space<semaphore_mem>>) src(%dma_wait3A_447 : memref<8192x1024xf32, #tpu.memory_space<hbm>>) dst(%dma_wait3A_442 : memref<16x1024xf32, #tpu.memory_space<vmem>>)
    %add3A_448 = arith.constant 48 : i32
    %add3A_449 = arith.addi %mul3A_2, %add3A_448 : i32
    %jit3A_450 = arith.constant 8192 : i32
    %div3A_451 = arith.divsi %add3A_449, %jit3A_450 : i32
    %sign3A_452 = arith.constant 0 : i32
    %sign3A_453 = arith.cmpi sgt, %add3A_449, %sign3A_452 : i32
    %sign3A_454 = arith.extui %sign3A_453 : i1 to i32
    %sign3A_455 = arith.constant 0 : i32
    %sign3A_456 = arith.cmpi slt, %add3A_449, %sign3A_455 : i32
    %sign3A_457 = arith.extui %sign3A_456 : i1 to i32
    %sign3A_458 = arith.subi %sign3A_454, %sign3A_457 : i32
    %sign3A_459 = arith.constant 0 : i32
    %sign3A_460 = arith.cmpi sgt, %jit3A_450, %sign3A_459 : i32
    %sign3A_461 = arith.extui %sign3A_460 : i1 to i32
    %sign3A_462 = arith.constant 0 : i32
    %sign3A_463 = arith.cmpi slt, %jit3A_450, %sign3A_462 : i32
    %sign3A_464 = arith.extui %sign3A_463 : i1 to i32
    %sign3A_465 = arith.subi %sign3A_461, %sign3A_464 : i32
    %ne3A_466 = arith.cmpi ne, %sign3A_458, %sign3A_465 : i32
    %rem3A_467 = arith.remsi %add3A_449, %jit3A_450 : i32
    %ne3A_468 = arith.constant 0 : i32
    %ne3A_469 = arith.cmpi ne, %rem3A_467, %ne3A_468 : i32
    %and3A_470 = arith.andi %ne3A_466, %ne3A_469 : i1
    %sub3A_471 = arith.constant 1 : i32
    %sub3A_472 = arith.subi %div3A_451, %sub3A_471 : i32
    %select_n3A_473 = arith.select %and3A_470, %sub3A_472, %div3A_451 : i32
    %jit3A_474 = arith.constant 8192 : i32
    %eq3A_475 = arith.constant 0 : i32
    %eq3A_476 = arith.cmpi eq, %jit3A_474, %eq3A_475 : i32
    %jit3A_477 = arith.constant 1 : i32
    %select_n3A_478 = arith.select %eq3A_476, %jit3A_477, %jit3A_474 : i32
    %rem3A_479 = arith.remsi %add3A_449, %select_n3A_478 : i32
    %ne3A_480 = arith.constant 0 : i32
    %ne3A_481 = arith.cmpi ne, %rem3A_479, %ne3A_480 : i32
    %lt3A_482 = arith.constant 0 : i32
    %lt3A_483 = arith.cmpi slt, %rem3A_479, %lt3A_482 : i32
    %lt3A_484 = arith.constant 0 : i32
    %lt3A_485 = arith.cmpi slt, %select_n3A_478, %lt3A_484 : i32
    %ne3A_486 = arith.xori %lt3A_483, %lt3A_485 : i1
    %and3A_487 = arith.andi %ne3A_486, %ne3A_481 : i1
    %add3A_488 = arith.addi %rem3A_479, %select_n3A_478 : i32
    %select_n3A_489 = arith.select %and3A_487, %add3A_488, %rem3A_479 : i32
    %dma_start3A_490 = arith.constant 3 : i32
    %dma_start3A_491 = arith.constant 0 : i32
    %dma_start3A_492 = arith.constant 0 : i32
    %dma_start3A_493 = tpu.memref_slice %arg6[%dma_start3A_490, %dma_start3A_491, %dma_start3A_492] : memref<7x16x1024xf32, #tpu.memory_space<vmem>> -> memref<1x16x1024xf32, #tpu.memory_space<vmem>>
    %dma_start3A_494 = tpu.memref_squeeze %dma_start3A_493 : memref<1x16x1024xf32, #tpu.memory_space<vmem>> -> memref<16x1024xf32, #tpu.memory_space<vmem>>
    %dma_start3A_495 = arith.constant 0 : i32
    %dma_start3A_496 = tpu.memref_slice %arg4[%select_n3A_473, %select_n3A_489, %dma_start3A_495] : memref<4x8192x1024xf32, #tpu.memory_space<hbm>> -> memref<1x16x1024xf32, #tpu.memory_space<hbm>>
    %dma_start3A_497 = tpu.memref_squeeze %dma_start3A_496 : memref<1x16x1024xf32, #tpu.memory_space<hbm>> -> memref<16x1024xf32, #tpu.memory_space<hbm>>
    %dma_start3A_498 = arith.constant 0 : i32
    %dma_start3A_499 = tpu.memref_slice %arg4[%select_n3A_473, %select_n3A_489, %dma_start3A_498] : memref<4x8192x1024xf32, #tpu.memory_space<hbm>> -> memref<1x16x1024xf32, #tpu.memory_space<hbm>>
    %dma_start3A_500 = tpu.memref_squeeze %dma_start3A_499 : memref<1x16x1024xf32, #tpu.memory_space<hbm>> -> memref<16x1024xf32, #tpu.memory_space<hbm>>
    %dma_start3A_501 = arith.constant 0 : i32
    %dma_start3A_502 = arith.constant 0 : i32
    %dma_start3A_503 = tpu.memref_slice %arg6[%dma_start3A_490, %dma_start3A_501, %dma_start3A_502] : memref<7x16x1024xf32, #tpu.memory_space<vmem>> -> memref<1x16x1024xf32, #tpu.memory_space<vmem>>
    %dma_start3A_504 = tpu.memref_squeeze %dma_start3A_503 : memref<1x16x1024xf32, #tpu.memory_space<vmem>> -> memref<16x1024xf32, #tpu.memory_space<vmem>>
    tpu.enqueue_dma source(%dma_start3A_504 : memref<16x1024xf32, #tpu.memory_space<vmem>>) target(%dma_start3A_500 : memref<16x1024xf32, #tpu.memory_space<hbm>>) target_semaphore(%arg17 : memref<!tpu.dma_semaphore, #tpu.memory_space<semaphore_mem>>)
    %add3A_505 = arith.constant 32 : i32
    %add3A_506 = arith.addi %mul3A_2, %add3A_505 : i32
    %jit3A_507 = arith.constant 8192 : i32
    %div3A_508 = arith.divsi %add3A_506, %jit3A_507 : i32
    %sign3A_509 = arith.constant 0 : i32
    %sign3A_510 = arith.cmpi sgt, %add3A_506, %sign3A_509 : i32
    %sign3A_511 = arith.extui %sign3A_510 : i1 to i32
    %sign3A_512 = arith.constant 0 : i32
    %sign3A_513 = arith.cmpi slt, %add3A_506, %sign3A_512 : i32
    %sign3A_514 = arith.extui %sign3A_513 : i1 to i32
    %sign3A_515 = arith.subi %sign3A_511, %sign3A_514 : i32
    %sign3A_516 = arith.constant 0 : i32
    %sign3A_517 = arith.cmpi sgt, %jit3A_507, %sign3A_516 : i32
    %sign3A_518 = arith.extui %sign3A_517 : i1 to i32
    %sign3A_519 = arith.constant 0 : i32
    %sign3A_520 = arith.cmpi slt, %jit3A_507, %sign3A_519 : i32
    %sign3A_521 = arith.extui %sign3A_520 : i1 to i32
    %sign3A_522 = arith.subi %sign3A_518, %sign3A_521 : i32
    %ne3A_523 = arith.cmpi ne, %sign3A_515, %sign3A_522 : i32
    %rem3A_524 = arith.remsi %add3A_506, %jit3A_507 : i32
    %ne3A_525 = arith.constant 0 : i32
    %ne3A_526 = arith.cmpi ne, %rem3A_524, %ne3A_525 : i32
    %and3A_527 = arith.andi %ne3A_523, %ne3A_526 : i1
    %sub3A_528 = arith.constant 1 : i32
    %sub3A_529 = arith.subi %div3A_508, %sub3A_528 : i32
    %select_n3A_530 = arith.select %and3A_527, %sub3A_529, %div3A_508 : i32
    %jit3A_531 = arith.constant 8192 : i32
    %eq3A_532 = arith.constant 0 : i32
    %eq3A_533 = arith.cmpi eq, %jit3A_531, %eq3A_532 : i32
    %jit3A_534 = arith.constant 1 : i32
    %select_n3A_535 = arith.select %eq3A_533, %jit3A_534, %jit3A_531 : i32
    %rem3A_536 = arith.remsi %add3A_506, %select_n3A_535 : i32
    %ne3A_537 = arith.constant 0 : i32
    %ne3A_538 = arith.cmpi ne, %rem3A_536, %ne3A_537 : i32
    %lt3A_539 = arith.constant 0 : i32
    %lt3A_540 = arith.cmpi slt, %rem3A_536, %lt3A_539 : i32
    %lt3A_541 = arith.constant 0 : i32
    %lt3A_542 = arith.cmpi slt, %select_n3A_535, %lt3A_541 : i32
    %ne3A_543 = arith.xori %lt3A_540, %lt3A_542 : i1
    %and3A_544 = arith.andi %ne3A_543, %ne3A_538 : i1
    %add3A_545 = arith.addi %rem3A_536, %select_n3A_535 : i32
    %select_n3A_546 = arith.select %and3A_544, %add3A_545, %rem3A_536 : i32
    %dma_wait3A_547 = arith.constant 2 : i32
    %dma_wait3A_548 = arith.constant 0 : i32
    %dma_wait3A_549 = arith.constant 0 : i32
    %dma_wait3A_550 = tpu.memref_slice %arg6[%dma_wait3A_547, %dma_wait3A_548, %dma_wait3A_549] : memref<7x16x1024xf32, #tpu.memory_space<vmem>> -> memref<1x16x1024xf32, #tpu.memory_space<vmem>>
    %dma_wait3A_551 = tpu.memref_squeeze %dma_wait3A_550 : memref<1x16x1024xf32, #tpu.memory_space<vmem>> -> memref<16x1024xf32, #tpu.memory_space<vmem>>
    %dma_wait3A_552 = arith.constant 0 : i32
    %dma_wait3A_553 = tpu.memref_slice %arg4[%select_n3A_530, %select_n3A_546, %dma_wait3A_552] : memref<4x8192x1024xf32, #tpu.memory_space<hbm>> -> memref<1x16x1024xf32, #tpu.memory_space<hbm>>
    %dma_wait3A_554 = tpu.memref_squeeze %dma_wait3A_553 : memref<1x16x1024xf32, #tpu.memory_space<hbm>> -> memref<16x1024xf32, #tpu.memory_space<hbm>>
    %dma_wait3A_555 = arith.constant 0 : i32
    %dma_wait3A_556 = tpu.memref_slice %arg4[%select_n3A_530, %select_n3A_546, %dma_wait3A_555] : memref<4x8192x1024xf32, #tpu.memory_space<hbm>> -> memref<1x16x1024xf32, #tpu.memory_space<hbm>>
    %dma_wait3A_557 = tpu.memref_squeeze %dma_wait3A_556 : memref<1x16x1024xf32, #tpu.memory_space<hbm>> -> memref<16x1024xf32, #tpu.memory_space<hbm>>
    %dma_wait3A_558 = arith.constant 0 : i32
    %dma_wait3A_559 = arith.constant 0 : i32
    %dma_wait3A_560 = tpu.memref_slice %arg6[%dma_wait3A_547, %dma_wait3A_558, %dma_wait3A_559] : memref<7x16x1024xf32, #tpu.memory_space<vmem>> -> memref<1x16x1024xf32, #tpu.memory_space<vmem>>
    %dma_wait3A_561 = tpu.memref_squeeze %dma_wait3A_560 : memref<1x16x1024xf32, #tpu.memory_space<vmem>> -> memref<16x1024xf32, #tpu.memory_space<vmem>>
    tpu.wait_dma2 semaphore(%arg16 : memref<!tpu.dma_semaphore, #tpu.memory_space<semaphore_mem>>) src(%dma_wait3A_561 : memref<16x1024xf32, #tpu.memory_space<vmem>>) dst(%dma_wait3A_557 : memref<16x1024xf32, #tpu.memory_space<hbm>>)
    %dma_start3A_562 = arith.constant 2 : i32
    %dma_start3A_563 = arith.constant 0 : i32
    %dma_start3A_564 = arith.constant 0 : i32
    %dma_start3A_565 = tpu.memref_slice %arg6[%dma_start3A_562, %dma_start3A_563, %dma_start3A_564] : memref<7x16x1024xf32, #tpu.memory_space<vmem>> -> memref<1x16x1024xf32, #tpu.memory_space<vmem>>
    %dma_start3A_566 = tpu.memref_squeeze %dma_start3A_565 : memref<1x16x1024xf32, #tpu.memory_space<vmem>> -> memref<16x1024xf32, #tpu.memory_space<vmem>>
    %dma_start3A_567 = arith.constant 144 : i32
    %dma_start3A_568 = tpu.memref_slice %arg5[%dma_start3A_567] : memref<1024xi32, #tpu.memory_space<vmem>> -> memref<16xi32, #tpu.memory_space<vmem>>
    %dma_start3A_569 = arith.constant 0 : i32
    %dma_start3A_570 = arith.constant 0 : i32
    %dma_start3A_571 = tpu.memref_slice %arg3[%dma_start3A_569, %dma_start3A_570] : memref<8192x1024xf32, #tpu.memory_space<hbm>> -> memref<8192x1024xf32, #tpu.memory_space<hbm>>
    tpu.enqueue_indirect_dma source(%dma_start3A_571 : memref<8192x1024xf32, #tpu.memory_space<hbm>>) target(%dma_start3A_566 : memref<16x1024xf32, #tpu.memory_space<vmem>>) offsets(%dma_start3A_568 : memref<16xi32, #tpu.memory_space<vmem>>) semaphore(%arg9 : memref<!tpu.dma_semaphore, #tpu.memory_space<semaphore_mem>>)
    %dma_wait3A_572 = arith.constant 4 : i32
    %dma_wait3A_573 = arith.constant 0 : i32
    %dma_wait3A_574 = arith.constant 0 : i32
    %dma_wait3A_575 = tpu.memref_slice %arg6[%dma_wait3A_572, %dma_wait3A_573, %dma_wait3A_574] : memref<7x16x1024xf32, #tpu.memory_space<vmem>> -> memref<1x16x1024xf32, #tpu.memory_space<vmem>>
    %dma_wait3A_576 = tpu.memref_squeeze %dma_wait3A_575 : memref<1x16x1024xf32, #tpu.memory_space<vmem>> -> memref<16x1024xf32, #tpu.memory_space<vmem>>
    %dma_wait3A_577 = arith.constant 64 : i32
    %dma_wait3A_578 = tpu.memref_slice %arg5[%dma_wait3A_577] : memref<1024xi32, #tpu.memory_space<vmem>> -> memref<16xi32, #tpu.memory_space<vmem>>
    %dma_wait3A_579 = arith.constant 0 : i32
    %dma_wait3A_580 = arith.constant 0 : i32
    %dma_wait3A_581 = tpu.memref_slice %arg3[%dma_wait3A_579, %dma_wait3A_580] : memref<8192x1024xf32, #tpu.memory_space<hbm>> -> memref<8192x1024xf32, #tpu.memory_space<hbm>>
    tpu.wait_indirect_dma semaphore(%arg11 : memref<!tpu.dma_semaphore, #tpu.memory_space<semaphore_mem>>) src(%dma_wait3A_581 : memref<8192x1024xf32, #tpu.memory_space<hbm>>) dst(%dma_wait3A_576 : memref<16x1024xf32, #tpu.memory_space<vmem>>)
    %add3A_582 = arith.constant 64 : i32
    %add3A_583 = arith.addi %mul3A_2, %add3A_582 : i32
    %jit3A_584 = arith.constant 8192 : i32
    %div3A_585 = arith.divsi %add3A_583, %jit3A_584 : i32
    %sign3A_586 = arith.constant 0 : i32
    %sign3A_587 = arith.cmpi sgt, %add3A_583, %sign3A_586 : i32
    %sign3A_588 = arith.extui %sign3A_587 : i1 to i32
    %sign3A_589 = arith.constant 0 : i32
    %sign3A_590 = arith.cmpi slt, %add3A_583, %sign3A_589 : i32
    %sign3A_591 = arith.extui %sign3A_590 : i1 to i32
    %sign3A_592 = arith.subi %sign3A_588, %sign3A_591 : i32
    %sign3A_593 = arith.constant 0 : i32
    %sign3A_594 = arith.cmpi sgt, %jit3A_584, %sign3A_593 : i32
    %sign3A_595 = arith.extui %sign3A_594 : i1 to i32
    %sign3A_596 = arith.constant 0 : i32
    %sign3A_597 = arith.cmpi slt, %jit3A_584, %sign3A_596 : i32
    %sign3A_598 = arith.extui %sign3A_597 : i1 to i32
    %sign3A_599 = arith.subi %sign3A_595, %sign3A_598 : i32
    %ne3A_600 = arith.cmpi ne, %sign3A_592, %sign3A_599 : i32
    %rem3A_601 = arith.remsi %add3A_583, %jit3A_584 : i32
    %ne3A_602 = arith.constant 0 : i32
    %ne3A_603 = arith.cmpi ne, %rem3A_601, %ne3A_602 : i32
    %and3A_604 = arith.andi %ne3A_600, %ne3A_603 : i1
    %sub3A_605 = arith.constant 1 : i32
    %sub3A_606 = arith.subi %div3A_585, %sub3A_605 : i32
    %select_n3A_607 = arith.select %and3A_604, %sub3A_606, %div3A_585 : i32
    %jit3A_608 = arith.constant 8192 : i32
    %eq3A_609 = arith.constant 0 : i32
    %eq3A_610 = arith.cmpi eq, %jit3A_608, %eq3A_609 : i32
    %jit3A_611 = arith.constant 1 : i32
    %select_n3A_612 = arith.select %eq3A_610, %jit3A_611, %jit3A_608 : i32
    %rem3A_613 = arith.remsi %add3A_583, %select_n3A_612 : i32
    %ne3A_614 = arith.constant 0 : i32
    %ne3A_615 = arith.cmpi ne, %rem3A_613, %ne3A_614 : i32
    %lt3A_616 = arith.constant 0 : i32
    %lt3A_617 = arith.cmpi slt, %rem3A_613, %lt3A_616 : i32
    %lt3A_618 = arith.constant 0 : i32
    %lt3A_619 = arith.cmpi slt, %select_n3A_612, %lt3A_618 : i32
    %ne3A_620 = arith.xori %lt3A_617, %lt3A_619 : i1
    %and3A_621 = arith.andi %ne3A_620, %ne3A_615 : i1
    %add3A_622 = arith.addi %rem3A_613, %select_n3A_612 : i32
    %select_n3A_623 = arith.select %and3A_621, %add3A_622, %rem3A_613 : i32
    %dma_start3A_624 = arith.constant 4 : i32
    %dma_start3A_625 = arith.constant 0 : i32
    %dma_start3A_626 = arith.constant 0 : i32
    %dma_start3A_627 = tpu.memref_slice %arg6[%dma_start3A_624, %dma_start3A_625, %dma_start3A_626] : memref<7x16x1024xf32, #tpu.memory_space<vmem>> -> memref<1x16x1024xf32, #tpu.memory_space<vmem>>
    %dma_start3A_628 = tpu.memref_squeeze %dma_start3A_627 : memref<1x16x1024xf32, #tpu.memory_space<vmem>> -> memref<16x1024xf32, #tpu.memory_space<vmem>>
    %dma_start3A_629 = arith.constant 0 : i32
    %dma_start3A_630 = tpu.memref_slice %arg4[%select_n3A_607, %select_n3A_623, %dma_start3A_629] : memref<4x8192x1024xf32, #tpu.memory_space<hbm>> -> memref<1x16x1024xf32, #tpu.memory_space<hbm>>
    %dma_start3A_631 = tpu.memref_squeeze %dma_start3A_630 : memref<1x16x1024xf32, #tpu.memory_space<hbm>> -> memref<16x1024xf32, #tpu.memory_space<hbm>>
    %dma_start3A_632 = arith.constant 0 : i32
    %dma_start3A_633 = tpu.memref_slice %arg4[%select_n3A_607, %select_n3A_623, %dma_start3A_632] : memref<4x8192x1024xf32, #tpu.memory_space<hbm>> -> memref<1x16x1024xf32, #tpu.memory_space<hbm>>
    %dma_start3A_634 = tpu.memref_squeeze %dma_start3A_633 : memref<1x16x1024xf32, #tpu.memory_space<hbm>> -> memref<16x1024xf32, #tpu.memory_space<hbm>>
    %dma_start3A_635 = arith.constant 0 : i32
    %dma_start3A_636 = arith.constant 0 : i32
    %dma_start3A_637 = tpu.memref_slice %arg6[%dma_start3A_624, %dma_start3A_635, %dma_start3A_636] : memref<7x16x1024xf32, #tpu.memory_space<vmem>> -> memref<1x16x1024xf32, #tpu.memory_space<vmem>>
    %dma_start3A_638 = tpu.memref_squeeze %dma_start3A_637 : memref<1x16x1024xf32, #tpu.memory_space<vmem>> -> memref<16x1024xf32, #tpu.memory_space<vmem>>
    tpu.enqueue_dma source(%dma_start3A_638 : memref<16x1024xf32, #tpu.memory_space<vmem>>) target(%dma_start3A_634 : memref<16x1024xf32, #tpu.memory_space<hbm>>) target_semaphore(%arg18 : memref<!tpu.dma_semaphore, #tpu.memory_space<semaphore_mem>>)
    %add3A_639 = arith.constant 48 : i32
    %add3A_640 = arith.addi %mul3A_2, %add3A_639 : i32
    %jit3A_641 = arith.constant 8192 : i32
    %div3A_642 = arith.divsi %add3A_640, %jit3A_641 : i32
    %sign3A_643 = arith.constant 0 : i32
    %sign3A_644 = arith.cmpi sgt, %add3A_640, %sign3A_643 : i32
    %sign3A_645 = arith.extui %sign3A_644 : i1 to i32
    %sign3A_646 = arith.constant 0 : i32
    %sign3A_647 = arith.cmpi slt, %add3A_640, %sign3A_646 : i32
    %sign3A_648 = arith.extui %sign3A_647 : i1 to i32
    %sign3A_649 = arith.subi %sign3A_645, %sign3A_648 : i32
    %sign3A_650 = arith.constant 0 : i32
    %sign3A_651 = arith.cmpi sgt, %jit3A_641, %sign3A_650 : i32
    %sign3A_652 = arith.extui %sign3A_651 : i1 to i32
    %sign3A_653 = arith.constant 0 : i32
    %sign3A_654 = arith.cmpi slt, %jit3A_641, %sign3A_653 : i32
    %sign3A_655 = arith.extui %sign3A_654 : i1 to i32
    %sign3A_656 = arith.subi %sign3A_652, %sign3A_655 : i32
    %ne3A_657 = arith.cmpi ne, %sign3A_649, %sign3A_656 : i32
    %rem3A_658 = arith.remsi %add3A_640, %jit3A_641 : i32
    %ne3A_659 = arith.constant 0 : i32
    %ne3A_660 = arith.cmpi ne, %rem3A_658, %ne3A_659 : i32
    %and3A_661 = arith.andi %ne3A_657, %ne3A_660 : i1
    %sub3A_662 = arith.constant 1 : i32
    %sub3A_663 = arith.subi %div3A_642, %sub3A_662 : i32
    %select_n3A_664 = arith.select %and3A_661, %sub3A_663, %div3A_642 : i32
    %jit3A_665 = arith.constant 8192 : i32
    %eq3A_666 = arith.constant 0 : i32
    %eq3A_667 = arith.cmpi eq, %jit3A_665, %eq3A_666 : i32
    %jit3A_668 = arith.constant 1 : i32
    %select_n3A_669 = arith.select %eq3A_667, %jit3A_668, %jit3A_665 : i32
    %rem3A_670 = arith.remsi %add3A_640, %select_n3A_669 : i32
    %ne3A_671 = arith.constant 0 : i32
    %ne3A_672 = arith.cmpi ne, %rem3A_670, %ne3A_671 : i32
    %lt3A_673 = arith.constant 0 : i32
    %lt3A_674 = arith.cmpi slt, %rem3A_670, %lt3A_673 : i32
    %lt3A_675 = arith.constant 0 : i32
    %lt3A_676 = arith.cmpi slt, %select_n3A_669, %lt3A_675 : i32
    %ne3A_677 = arith.xori %lt3A_674, %lt3A_676 : i1
    %and3A_678 = arith.andi %ne3A_677, %ne3A_672 : i1
    %add3A_679 = arith.addi %rem3A_670, %select_n3A_669 : i32
    %select_n3A_680 = arith.select %and3A_678, %add3A_679, %rem3A_670 : i32
    %dma_wait3A_681 = arith.constant 3 : i32
    %dma_wait3A_682 = arith.constant 0 : i32
    %dma_wait3A_683 = arith.constant 0 : i32
    %dma_wait3A_684 = tpu.memref_slice %arg6[%dma_wait3A_681, %dma_wait3A_682, %dma_wait3A_683] : memref<7x16x1024xf32, #tpu.memory_space<vmem>> -> memref<1x16x1024xf32, #tpu.memory_space<vmem>>
    %dma_wait3A_685 = tpu.memref_squeeze %dma_wait3A_684 : memref<1x16x1024xf32, #tpu.memory_space<vmem>> -> memref<16x1024xf32, #tpu.memory_space<vmem>>
    %dma_wait3A_686 = arith.constant 0 : i32
    %dma_wait3A_687 = tpu.memref_slice %arg4[%select_n3A_664, %select_n3A_680, %dma_wait3A_686] : memref<4x8192x1024xf32, #tpu.memory_space<hbm>> -> memref<1x16x1024xf32, #tpu.memory_space<hbm>>
    %dma_wait3A_688 = tpu.memref_squeeze %dma_wait3A_687 : memref<1x16x1024xf32, #tpu.memory_space<hbm>> -> memref<16x1024xf32, #tpu.memory_space<hbm>>
    %dma_wait3A_689 = arith.constant 0 : i32
    %dma_wait3A_690 = tpu.memref_slice %arg4[%select_n3A_664, %select_n3A_680, %dma_wait3A_689] : memref<4x8192x1024xf32, #tpu.memory_space<hbm>> -> memref<1x16x1024xf32, #tpu.memory_space<hbm>>
    %dma_wait3A_691 = tpu.memref_squeeze %dma_wait3A_690 : memref<1x16x1024xf32, #tpu.memory_space<hbm>> -> memref<16x1024xf32, #tpu.memory_space<hbm>>
    %dma_wait3A_692 = arith.constant 0 : i32
    %dma_wait3A_693 = arith.constant 0 : i32
    %dma_wait3A_694 = tpu.memref_slice %arg6[%dma_wait3A_681, %dma_wait3A_692, %dma_wait3A_693] : memref<7x16x1024xf32, #tpu.memory_space<vmem>> -> memref<1x16x1024xf32, #tpu.memory_space<vmem>>
    %dma_wait3A_695 = tpu.memref_squeeze %dma_wait3A_694 : memref<1x16x1024xf32, #tpu.memory_space<vmem>> -> memref<16x1024xf32, #tpu.memory_space<vmem>>
    tpu.wait_dma2 semaphore(%arg17 : memref<!tpu.dma_semaphore, #tpu.memory_space<semaphore_mem>>) src(%dma_wait3A_695 : memref<16x1024xf32, #tpu.memory_space<vmem>>) dst(%dma_wait3A_691 : memref<16x1024xf32, #tpu.memory_space<hbm>>)
    %dma_start3A_696 = arith.constant 3 : i32
    %dma_start3A_697 = arith.constant 0 : i32
    %dma_start3A_698 = arith.constant 0 : i32
    %dma_start3A_699 = tpu.memref_slice %arg6[%dma_start3A_696, %dma_start3A_697, %dma_start3A_698] : memref<7x16x1024xf32, #tpu.memory_space<vmem>> -> memref<1x16x1024xf32, #tpu.memory_space<vmem>>
    %dma_start3A_700 = tpu.memref_squeeze %dma_start3A_699 : memref<1x16x1024xf32, #tpu.memory_space<vmem>> -> memref<16x1024xf32, #tpu.memory_space<vmem>>
    %dma_start3A_701 = arith.constant 160 : i32
    %dma_start3A_702 = tpu.memref_slice %arg5[%dma_start3A_701] : memref<1024xi32, #tpu.memory_space<vmem>> -> memref<16xi32, #tpu.memory_space<vmem>>
    %dma_start3A_703 = arith.constant 0 : i32
    %dma_start3A_704 = arith.constant 0 : i32
    %dma_start3A_705 = tpu.memref_slice %arg3[%dma_start3A_703, %dma_start3A_704] : memref<8192x1024xf32, #tpu.memory_space<hbm>> -> memref<8192x1024xf32, #tpu.memory_space<hbm>>
    tpu.enqueue_indirect_dma source(%dma_start3A_705 : memref<8192x1024xf32, #tpu.memory_space<hbm>>) target(%dma_start3A_700 : memref<16x1024xf32, #tpu.memory_space<vmem>>) offsets(%dma_start3A_702 : memref<16xi32, #tpu.memory_space<vmem>>) semaphore(%arg10 : memref<!tpu.dma_semaphore, #tpu.memory_space<semaphore_mem>>)
    %dma_wait3A_706 = arith.constant 5 : i32
    %dma_wait3A_707 = arith.constant 0 : i32
    %dma_wait3A_708 = arith.constant 0 : i32
    %dma_wait3A_709 = tpu.memref_slice %arg6[%dma_wait3A_706, %dma_wait3A_707, %dma_wait3A_708] : memref<7x16x1024xf32, #tpu.memory_space<vmem>> -> memref<1x16x1024xf32, #tpu.memory_space<vmem>>
    %dma_wait3A_710 = tpu.memref_squeeze %dma_wait3A_709 : memref<1x16x1024xf32, #tpu.memory_space<vmem>> -> memref<16x1024xf32, #tpu.memory_space<vmem>>
    %dma_wait3A_711 = arith.constant 80 : i32
    %dma_wait3A_712 = tpu.memref_slice %arg5[%dma_wait3A_711] : memref<1024xi32, #tpu.memory_space<vmem>> -> memref<16xi32, #tpu.memory_space<vmem>>
    %dma_wait3A_713 = arith.constant 0 : i32
    %dma_wait3A_714 = arith.constant 0 : i32
    %dma_wait3A_715 = tpu.memref_slice %arg3[%dma_wait3A_713, %dma_wait3A_714] : memref<8192x1024xf32, #tpu.memory_space<hbm>> -> memref<8192x1024xf32, #tpu.memory_space<hbm>>
    tpu.wait_indirect_dma semaphore(%arg12 : memref<!tpu.dma_semaphore, #tpu.memory_space<semaphore_mem>>) src(%dma_wait3A_715 : memref<8192x1024xf32, #tpu.memory_space<hbm>>) dst(%dma_wait3A_710 : memref<16x1024xf32, #tpu.memory_space<vmem>>)
    %add3A_716 = arith.constant 80 : i32
    %add3A_717 = arith.addi %mul3A_2, %add3A_716 : i32
    %jit3A_718 = arith.constant 8192 : i32
    %div3A_719 = arith.divsi %add3A_717, %jit3A_718 : i32
    %sign3A_720 = arith.constant 0 : i32
    %sign3A_721 = arith.cmpi sgt, %add3A_717, %sign3A_720 : i32
    %sign3A_722 = arith.extui %sign3A_721 : i1 to i32
    %sign3A_723 = arith.constant 0 : i32
    %sign3A_724 = arith.cmpi slt, %add3A_717, %sign3A_723 : i32
    %sign3A_725 = arith.extui %sign3A_724 : i1 to i32
    %sign3A_726 = arith.subi %sign3A_722, %sign3A_725 : i32
    %sign3A_727 = arith.constant 0 : i32
    %sign3A_728 = arith.cmpi sgt, %jit3A_718, %sign3A_727 : i32
    %sign3A_729 = arith.extui %sign3A_728 : i1 to i32
    %sign3A_730 = arith.constant 0 : i32
    %sign3A_731 = arith.cmpi slt, %jit3A_718, %sign3A_730 : i32
    %sign3A_732 = arith.extui %sign3A_731 : i1 to i32
    %sign3A_733 = arith.subi %sign3A_729, %sign3A_732 : i32
    %ne3A_734 = arith.cmpi ne, %sign3A_726, %sign3A_733 : i32
    %rem3A_735 = arith.remsi %add3A_717, %jit3A_718 : i32
    %ne3A_736 = arith.constant 0 : i32
    %ne3A_737 = arith.cmpi ne, %rem3A_735, %ne3A_736 : i32
    %and3A_738 = arith.andi %ne3A_734, %ne3A_737 : i1
    %sub3A_739 = arith.constant 1 : i32
    %sub3A_740 = arith.subi %div3A_719, %sub3A_739 : i32
    %select_n3A_741 = arith.select %and3A_738, %sub3A_740, %div3A_719 : i32
    %jit3A_742 = arith.constant 8192 : i32
    %eq3A_743 = arith.constant 0 : i32
    %eq3A_744 = arith.cmpi eq, %jit3A_742, %eq3A_743 : i32
    %jit3A_745 = arith.constant 1 : i32
    %select_n3A_746 = arith.select %eq3A_744, %jit3A_745, %jit3A_742 : i32
    %rem3A_747 = arith.remsi %add3A_717, %select_n3A_746 : i32
    %ne3A_748 = arith.constant 0 : i32
    %ne3A_749 = arith.cmpi ne, %rem3A_747, %ne3A_748 : i32
    %lt3A_750 = arith.constant 0 : i32
    %lt3A_751 = arith.cmpi slt, %rem3A_747, %lt3A_750 : i32
    %lt3A_752 = arith.constant 0 : i32
    %lt3A_753 = arith.cmpi slt, %select_n3A_746, %lt3A_752 : i32
    %ne3A_754 = arith.xori %lt3A_751, %lt3A_753 : i1
    %and3A_755 = arith.andi %ne3A_754, %ne3A_749 : i1
    %add3A_756 = arith.addi %rem3A_747, %select_n3A_746 : i32
    %select_n3A_757 = arith.select %and3A_755, %add3A_756, %rem3A_747 : i32
    %dma_start3A_758 = arith.constant 5 : i32
    %dma_start3A_759 = arith.constant 0 : i32
    %dma_start3A_760 = arith.constant 0 : i32
    %dma_start3A_761 = tpu.memref_slice %arg6[%dma_start3A_758, %dma_start3A_759, %dma_start3A_760] : memref<7x16x1024xf32, #tpu.memory_space<vmem>> -> memref<1x16x1024xf32, #tpu.memory_space<vmem>>
    %dma_start3A_762 = tpu.memref_squeeze %dma_start3A_761 : memref<1x16x1024xf32, #tpu.memory_space<vmem>> -> memref<16x1024xf32, #tpu.memory_space<vmem>>
    %dma_start3A_763 = arith.constant 0 : i32
    %dma_start3A_764 = tpu.memref_slice %arg4[%select_n3A_741, %select_n3A_757, %dma_start3A_763] : memref<4x8192x1024xf32, #tpu.memory_space<hbm>> -> memref<1x16x1024xf32, #tpu.memory_space<hbm>>
    %dma_start3A_765 = tpu.memref_squeeze %dma_start3A_764 : memref<1x16x1024xf32, #tpu.memory_space<hbm>> -> memref<16x1024xf32, #tpu.memory_space<hbm>>
    %dma_start3A_766 = arith.constant 0 : i32
    %dma_start3A_767 = tpu.memref_slice %arg4[%select_n3A_741, %select_n3A_757, %dma_start3A_766] : memref<4x8192x1024xf32, #tpu.memory_space<hbm>> -> memref<1x16x1024xf32, #tpu.memory_space<hbm>>
    %dma_start3A_768 = tpu.memref_squeeze %dma_start3A_767 : memref<1x16x1024xf32, #tpu.memory_space<hbm>> -> memref<16x1024xf32, #tpu.memory_space<hbm>>
    %dma_start3A_769 = arith.constant 0 : i32
    %dma_start3A_770 = arith.constant 0 : i32
    %dma_start3A_771 = tpu.memref_slice %arg6[%dma_start3A_758, %dma_start3A_769, %dma_start3A_770] : memref<7x16x1024xf32, #tpu.memory_space<vmem>> -> memref<1x16x1024xf32, #tpu.memory_space<vmem>>
    %dma_start3A_772 = tpu.memref_squeeze %dma_start3A_771 : memref<1x16x1024xf32, #tpu.memory_space<vmem>> -> memref<16x1024xf32, #tpu.memory_space<vmem>>
    tpu.enqueue_dma source(%dma_start3A_772 : memref<16x1024xf32, #tpu.memory_space<vmem>>) target(%dma_start3A_768 : memref<16x1024xf32, #tpu.memory_space<hbm>>) target_semaphore(%arg19 : memref<!tpu.dma_semaphore, #tpu.memory_space<semaphore_mem>>)
    %add3A_773 = arith.constant 64 : i32
    %add3A_774 = arith.addi %mul3A_2, %add3A_773 : i32
    %jit3A_775 = arith.constant 8192 : i32
    %div3A_776 = arith.divsi %add3A_774, %jit3A_775 : i32
    %sign3A_777 = arith.constant 0 : i32
    %sign3A_778 = arith.cmpi sgt, %add3A_774, %sign3A_777 : i32
    %sign3A_779 = arith.extui %sign3A_778 : i1 to i32
    %sign3A_780 = arith.constant 0 : i32
    %sign3A_781 = arith.cmpi slt, %add3A_774, %sign3A_780 : i32
    %sign3A_782 = arith.extui %sign3A_781 : i1 to i32
    %sign3A_783 = arith.subi %sign3A_779, %sign3A_782 : i32
    %sign3A_784 = arith.constant 0 : i32
    %sign3A_785 = arith.cmpi sgt, %jit3A_775, %sign3A_784 : i32
    %sign3A_786 = arith.extui %sign3A_785 : i1 to i32
    %sign3A_787 = arith.constant 0 : i32
    %sign3A_788 = arith.cmpi slt, %jit3A_775, %sign3A_787 : i32
    %sign3A_789 = arith.extui %sign3A_788 : i1 to i32
    %sign3A_790 = arith.subi %sign3A_786, %sign3A_789 : i32
    %ne3A_791 = arith.cmpi ne, %sign3A_783, %sign3A_790 : i32
    %rem3A_792 = arith.remsi %add3A_774, %jit3A_775 : i32
    %ne3A_793 = arith.constant 0 : i32
    %ne3A_794 = arith.cmpi ne, %rem3A_792, %ne3A_793 : i32
    %and3A_795 = arith.andi %ne3A_791, %ne3A_794 : i1
    %sub3A_796 = arith.constant 1 : i32
    %sub3A_797 = arith.subi %div3A_776, %sub3A_796 : i32
    %select_n3A_798 = arith.select %and3A_795, %sub3A_797, %div3A_776 : i32
    %jit3A_799 = arith.constant 8192 : i32
    %eq3A_800 = arith.constant 0 : i32
    %eq3A_801 = arith.cmpi eq, %jit3A_799, %eq3A_800 : i32
    %jit3A_802 = arith.constant 1 : i32
    %select_n3A_803 = arith.select %eq3A_801, %jit3A_802, %jit3A_799 : i32
    %rem3A_804 = arith.remsi %add3A_774, %select_n3A_803 : i32
    %ne3A_805 = arith.constant 0 : i32
    %ne3A_806 = arith.cmpi ne, %rem3A_804, %ne3A_805 : i32
    %lt3A_807 = arith.constant 0 : i32
    %lt3A_808 = arith.cmpi slt, %rem3A_804, %lt3A_807 : i32
    %lt3A_809 = arith.constant 0 : i32
    %lt3A_810 = arith.cmpi slt, %select_n3A_803, %lt3A_809 : i32
    %ne3A_811 = arith.xori %lt3A_808, %lt3A_810 : i1
    %and3A_812 = arith.andi %ne3A_811, %ne3A_806 : i1
    %add3A_813 = arith.addi %rem3A_804, %select_n3A_803 : i32
    %select_n3A_814 = arith.select %and3A_812, %add3A_813, %rem3A_804 : i32
    %dma_wait3A_815 = arith.constant 4 : i32
    %dma_wait3A_816 = arith.constant 0 : i32
    %dma_wait3A_817 = arith.constant 0 : i32
    %dma_wait3A_818 = tpu.memref_slice %arg6[%dma_wait3A_815, %dma_wait3A_816, %dma_wait3A_817] : memref<7x16x1024xf32, #tpu.memory_space<vmem>> -> memref<1x16x1024xf32, #tpu.memory_space<vmem>>
    %dma_wait3A_819 = tpu.memref_squeeze %dma_wait3A_818 : memref<1x16x1024xf32, #tpu.memory_space<vmem>> -> memref<16x1024xf32, #tpu.memory_space<vmem>>
    %dma_wait3A_820 = arith.constant 0 : i32
    %dma_wait3A_821 = tpu.memref_slice %arg4[%select_n3A_798, %select_n3A_814, %dma_wait3A_820] : memref<4x8192x1024xf32, #tpu.memory_space<hbm>> -> memref<1x16x1024xf32, #tpu.memory_space<hbm>>
    %dma_wait3A_822 = tpu.memref_squeeze %dma_wait3A_821 : memref<1x16x1024xf32, #tpu.memory_space<hbm>> -> memref<16x1024xf32, #tpu.memory_space<hbm>>
    %dma_wait3A_823 = arith.constant 0 : i32
    %dma_wait3A_824 = tpu.memref_slice %arg4[%select_n3A_798, %select_n3A_814, %dma_wait3A_823] : memref<4x8192x1024xf32, #tpu.memory_space<hbm>> -> memref<1x16x1024xf32, #tpu.memory_space<hbm>>
    %dma_wait3A_825 = tpu.memref_squeeze %dma_wait3A_824 : memref<1x16x1024xf32, #tpu.memory_space<hbm>> -> memref<16x1024xf32, #tpu.memory_space<hbm>>
    %dma_wait3A_826 = arith.constant 0 : i32
    %dma_wait3A_827 = arith.constant 0 : i32
    %dma_wait3A_828 = tpu.memref_slice %arg6[%dma_wait3A_815, %dma_wait3A_826, %dma_wait3A_827] : memref<7x16x1024xf32, #tpu.memory_space<vmem>> -> memref<1x16x1024xf32, #tpu.memory_space<vmem>>
    %dma_wait3A_829 = tpu.memref_squeeze %dma_wait3A_828 : memref<1x16x1024xf32, #tpu.memory_space<vmem>> -> memref<16x1024xf32, #tpu.memory_space<vmem>>
    tpu.wait_dma2 semaphore(%arg18 : memref<!tpu.dma_semaphore, #tpu.memory_space<semaphore_mem>>) src(%dma_wait3A_829 : memref<16x1024xf32, #tpu.memory_space<vmem>>) dst(%dma_wait3A_825 : memref<16x1024xf32, #tpu.memory_space<hbm>>)
    %dma_start3A_830 = arith.constant 4 : i32
    %dma_start3A_831 = arith.constant 0 : i32
    %dma_start3A_832 = arith.constant 0 : i32
    %dma_start3A_833 = tpu.memref_slice %arg6[%dma_start3A_830, %dma_start3A_831, %dma_start3A_832] : memref<7x16x1024xf32, #tpu.memory_space<vmem>> -> memref<1x16x1024xf32, #tpu.memory_space<vmem>>
    %dma_start3A_834 = tpu.memref_squeeze %dma_start3A_833 : memref<1x16x1024xf32, #tpu.memory_space<vmem>> -> memref<16x1024xf32, #tpu.memory_space<vmem>>
    %dma_start3A_835 = arith.constant 176 : i32
    %dma_start3A_836 = tpu.memref_slice %arg5[%dma_start3A_835] : memref<1024xi32, #tpu.memory_space<vmem>> -> memref<16xi32, #tpu.memory_space<vmem>>
    %dma_start3A_837 = arith.constant 0 : i32
    %dma_start3A_838 = arith.constant 0 : i32
    %dma_start3A_839 = tpu.memref_slice %arg3[%dma_start3A_837, %dma_start3A_838] : memref<8192x1024xf32, #tpu.memory_space<hbm>> -> memref<8192x1024xf32, #tpu.memory_space<hbm>>
    tpu.enqueue_indirect_dma source(%dma_start3A_839 : memref<8192x1024xf32, #tpu.memory_space<hbm>>) target(%dma_start3A_834 : memref<16x1024xf32, #tpu.memory_space<vmem>>) offsets(%dma_start3A_836 : memref<16xi32, #tpu.memory_space<vmem>>) semaphore(%arg11 : memref<!tpu.dma_semaphore, #tpu.memory_space<semaphore_mem>>)
    %dma_wait3A_840 = arith.constant 6 : i32
    %dma_wait3A_841 = arith.constant 0 : i32
    %dma_wait3A_842 = arith.constant 0 : i32
    %dma_wait3A_843 = tpu.memref_slice %arg6[%dma_wait3A_840, %dma_wait3A_841, %dma_wait3A_842] : memref<7x16x1024xf32, #tpu.memory_space<vmem>> -> memref<1x16x1024xf32, #tpu.memory_space<vmem>>
    %dma_wait3A_844 = tpu.memref_squeeze %dma_wait3A_843 : memref<1x16x1024xf32, #tpu.memory_space<vmem>> -> memref<16x1024xf32, #tpu.memory_space<vmem>>
    %dma_wait3A_845 = arith.constant 96 : i32
    %dma_wait3A_846 = tpu.memref_slice %arg5[%dma_wait3A_845] : memref<1024xi32, #tpu.memory_space<vmem>> -> memref<16xi32, #tpu.memory_space<vmem>>
    %dma_wait3A_847 = arith.constant 0 : i32
    %dma_wait3A_848 = arith.constant 0 : i32
    %dma_wait3A_849 = tpu.memref_slice %arg3[%dma_wait3A_847, %dma_wait3A_848] : memref<8192x1024xf32, #tpu.memory_space<hbm>> -> memref<8192x1024xf32, #tpu.memory_space<hbm>>
    tpu.wait_indirect_dma semaphore(%arg13 : memref<!tpu.dma_semaphore, #tpu.memory_space<semaphore_mem>>) src(%dma_wait3A_849 : memref<8192x1024xf32, #tpu.memory_space<hbm>>) dst(%dma_wait3A_844 : memref<16x1024xf32, #tpu.memory_space<vmem>>)
    %add3A_850 = arith.constant 96 : i32
    %add3A_851 = arith.addi %mul3A_2, %add3A_850 : i32
    %jit3A_852 = arith.constant 8192 : i32
    %div3A_853 = arith.divsi %add3A_851, %jit3A_852 : i32
    %sign3A_854 = arith.constant 0 : i32
    %sign3A_855 = arith.cmpi sgt, %add3A_851, %sign3A_854 : i32
    %sign3A_856 = arith.extui %sign3A_855 : i1 to i32
    %sign3A_857 = arith.constant 0 : i32
    %sign3A_858 = arith.cmpi slt, %add3A_851, %sign3A_857 : i32
    %sign3A_859 = arith.extui %sign3A_858 : i1 to i32
    %sign3A_860 = arith.subi %sign3A_856, %sign3A_859 : i32
    %sign3A_861 = arith.constant 0 : i32
    %sign3A_862 = arith.cmpi sgt, %jit3A_852, %sign3A_861 : i32
    %sign3A_863 = arith.extui %sign3A_862 : i1 to i32
    %sign3A_864 = arith.constant 0 : i32
    %sign3A_865 = arith.cmpi slt, %jit3A_852, %sign3A_864 : i32
    %sign3A_866 = arith.extui %sign3A_865 : i1 to i32
    %sign3A_867 = arith.subi %sign3A_863, %sign3A_866 : i32
    %ne3A_868 = arith.cmpi ne, %sign3A_860, %sign3A_867 : i32
    %rem3A_869 = arith.remsi %add3A_851, %jit3A_852 : i32
    %ne3A_870 = arith.constant 0 : i32
    %ne3A_871 = arith.cmpi ne, %rem3A_869, %ne3A_870 : i32
    %and3A_872 = arith.andi %ne3A_868, %ne3A_871 : i1
    %sub3A_873 = arith.constant 1 : i32
    %sub3A_874 = arith.subi %div3A_853, %sub3A_873 : i32
    %select_n3A_875 = arith.select %and3A_872, %sub3A_874, %div3A_853 : i32
    %jit3A_876 = arith.constant 8192 : i32
    %eq3A_877 = arith.constant 0 : i32
    %eq3A_878 = arith.cmpi eq, %jit3A_876, %eq3A_877 : i32
    %jit3A_879 = arith.constant 1 : i32
    %select_n3A_880 = arith.select %eq3A_878, %jit3A_879, %jit3A_876 : i32
    %rem3A_881 = arith.remsi %add3A_851, %select_n3A_880 : i32
    %ne3A_882 = arith.constant 0 : i32
    %ne3A_883 = arith.cmpi ne, %rem3A_881, %ne3A_882 : i32
    %lt3A_884 = arith.constant 0 : i32
    %lt3A_885 = arith.cmpi slt, %rem3A_881, %lt3A_884 : i32
    %lt3A_886 = arith.constant 0 : i32
    %lt3A_887 = arith.cmpi slt, %select_n3A_880, %lt3A_886 : i32
    %ne3A_888 = arith.xori %lt3A_885, %lt3A_887 : i1
    %and3A_889 = arith.andi %ne3A_888, %ne3A_883 : i1
    %add3A_890 = arith.addi %rem3A_881, %select_n3A_880 : i32
    %select_n3A_891 = arith.select %and3A_889, %add3A_890, %rem3A_881 : i32
    %dma_start3A_892 = arith.constant 6 : i32
    %dma_start3A_893 = arith.constant 0 : i32
    %dma_start3A_894 = arith.constant 0 : i32
    %dma_start3A_895 = tpu.memref_slice %arg6[%dma_start3A_892, %dma_start3A_893, %dma_start3A_894] : memref<7x16x1024xf32, #tpu.memory_space<vmem>> -> memref<1x16x1024xf32, #tpu.memory_space<vmem>>
    %dma_start3A_896 = tpu.memref_squeeze %dma_start3A_895 : memref<1x16x1024xf32, #tpu.memory_space<vmem>> -> memref<16x1024xf32, #tpu.memory_space<vmem>>
    %dma_start3A_897 = arith.constant 0 : i32
    %dma_start3A_898 = tpu.memref_slice %arg4[%select_n3A_875, %select_n3A_891, %dma_start3A_897] : memref<4x8192x1024xf32, #tpu.memory_space<hbm>> -> memref<1x16x1024xf32, #tpu.memory_space<hbm>>
    %dma_start3A_899 = tpu.memref_squeeze %dma_start3A_898 : memref<1x16x1024xf32, #tpu.memory_space<hbm>> -> memref<16x1024xf32, #tpu.memory_space<hbm>>
    %dma_start3A_900 = arith.constant 0 : i32
    %dma_start3A_901 = tpu.memref_slice %arg4[%select_n3A_875, %select_n3A_891, %dma_start3A_900] : memref<4x8192x1024xf32, #tpu.memory_space<hbm>> -> memref<1x16x1024xf32, #tpu.memory_space<hbm>>
    %dma_start3A_902 = tpu.memref_squeeze %dma_start3A_901 : memref<1x16x1024xf32, #tpu.memory_space<hbm>> -> memref<16x1024xf32, #tpu.memory_space<hbm>>
    %dma_start3A_903 = arith.constant 0 : i32
    %dma_start3A_904 = arith.constant 0 : i32
    %dma_start3A_905 = tpu.memref_slice %arg6[%dma_start3A_892, %dma_start3A_903, %dma_start3A_904] : memref<7x16x1024xf32, #tpu.memory_space<vmem>> -> memref<1x16x1024xf32, #tpu.memory_space<vmem>>
    %dma_start3A_906 = tpu.memref_squeeze %dma_start3A_905 : memref<1x16x1024xf32, #tpu.memory_space<vmem>> -> memref<16x1024xf32, #tpu.memory_space<vmem>>
    tpu.enqueue_dma source(%dma_start3A_906 : memref<16x1024xf32, #tpu.memory_space<vmem>>) target(%dma_start3A_902 : memref<16x1024xf32, #tpu.memory_space<hbm>>) target_semaphore(%arg20 : memref<!tpu.dma_semaphore, #tpu.memory_space<semaphore_mem>>)
    %add3A_907 = arith.constant 80 : i32
    %add3A_908 = arith.addi %mul3A_2, %add3A_907 : i32
    %jit3A_909 = arith.constant 8192 : i32
    %div3A_910 = arith.divsi %add3A_908, %jit3A_909 : i32
    %sign3A_911 = arith.constant 0 : i32
    %sign3A_912 = arith.cmpi sgt, %add3A_908, %sign3A_911 : i32
    %sign3A_913 = arith.extui %sign3A_912 : i1 to i32
    %sign3A_914 = arith.constant 0 : i32
    %sign3A_915 = arith.cmpi slt, %add3A_908, %sign3A_914 : i32
    %sign3A_916 = arith.extui %sign3A_915 : i1 to i32
    %sign3A_917 = arith.subi %sign3A_913, %sign3A_916 : i32
    %sign3A_918 = arith.constant 0 : i32
    %sign3A_919 = arith.cmpi sgt, %jit3A_909, %sign3A_918 : i32
    %sign3A_920 = arith.extui %sign3A_919 : i1 to i32
    %sign3A_921 = arith.constant 0 : i32
    %sign3A_922 = arith.cmpi slt, %jit3A_909, %sign3A_921 : i32
    %sign3A_923 = arith.extui %sign3A_922 : i1 to i32
    %sign3A_924 = arith.subi %sign3A_920, %sign3A_923 : i32
    %ne3A_925 = arith.cmpi ne, %sign3A_917, %sign3A_924 : i32
    %rem3A_926 = arith.remsi %add3A_908, %jit3A_909 : i32
    %ne3A_927 = arith.constant 0 : i32
    %ne3A_928 = arith.cmpi ne, %rem3A_926, %ne3A_927 : i32
    %and3A_929 = arith.andi %ne3A_925, %ne3A_928 : i1
    %sub3A_930 = arith.constant 1 : i32
    %sub3A_931 = arith.subi %div3A_910, %sub3A_930 : i32
    %select_n3A_932 = arith.select %and3A_929, %sub3A_931, %div3A_910 : i32
    %jit3A_933 = arith.constant 8192 : i32
    %eq3A_934 = arith.constant 0 : i32
    %eq3A_935 = arith.cmpi eq, %jit3A_933, %eq3A_934 : i32
    %jit3A_936 = arith.constant 1 : i32
    %select_n3A_937 = arith.select %eq3A_935, %jit3A_936, %jit3A_933 : i32
    %rem3A_938 = arith.remsi %add3A_908, %select_n3A_937 : i32
    %ne3A_939 = arith.constant 0 : i32
    %ne3A_940 = arith.cmpi ne, %rem3A_938, %ne3A_939 : i32
    %lt3A_941 = arith.constant 0 : i32
    %lt3A_942 = arith.cmpi slt, %rem3A_938, %lt3A_941 : i32
    %lt3A_943 = arith.constant 0 : i32
    %lt3A_944 = arith.cmpi slt, %select_n3A_937, %lt3A_943 : i32
    %ne3A_945 = arith.xori %lt3A_942, %lt3A_944 : i1
    %and3A_946 = arith.andi %ne3A_945, %ne3A_940 : i1
    %add3A_947 = arith.addi %rem3A_938, %select_n3A_937 : i32
    %select_n3A_948 = arith.select %and3A_946, %add3A_947, %rem3A_938 : i32
    %dma_wait3A_949 = arith.constant 5 : i32
    %dma_wait3A_950 = arith.constant 0 : i32
    %dma_wait3A_951 = arith.constant 0 : i32
    %dma_wait3A_952 = tpu.memref_slice %arg6[%dma_wait3A_949, %dma_wait3A_950, %dma_wait3A_951] : memref<7x16x1024xf32, #tpu.memory_space<vmem>> -> memref<1x16x1024xf32, #tpu.memory_space<vmem>>
    %dma_wait3A_953 = tpu.memref_squeeze %dma_wait3A_952 : memref<1x16x1024xf32, #tpu.memory_space<vmem>> -> memref<16x1024xf32, #tpu.memory_space<vmem>>
    %dma_wait3A_954 = arith.constant 0 : i32
    %dma_wait3A_955 = tpu.memref_slice %arg4[%select_n3A_932, %select_n3A_948, %dma_wait3A_954] : memref<4x8192x1024xf32, #tpu.memory_space<hbm>> -> memref<1x16x1024xf32, #tpu.memory_space<hbm>>
    %dma_wait3A_956 = tpu.memref_squeeze %dma_wait3A_955 : memref<1x16x1024xf32, #tpu.memory_space<hbm>> -> memref<16x1024xf32, #tpu.memory_space<hbm>>
    %dma_wait3A_957 = arith.constant 0 : i32
    %dma_wait3A_958 = tpu.memref_slice %arg4[%select_n3A_932, %select_n3A_948, %dma_wait3A_957] : memref<4x8192x1024xf32, #tpu.memory_space<hbm>> -> memref<1x16x1024xf32, #tpu.memory_space<hbm>>
    %dma_wait3A_959 = tpu.memref_squeeze %dma_wait3A_958 : memref<1x16x1024xf32, #tpu.memory_space<hbm>> -> memref<16x1024xf32, #tpu.memory_space<hbm>>
    %dma_wait3A_960 = arith.constant 0 : i32
    %dma_wait3A_961 = arith.constant 0 : i32
    %dma_wait3A_962 = tpu.memref_slice %arg6[%dma_wait3A_949, %dma_wait3A_960, %dma_wait3A_961] : memref<7x16x1024xf32, #tpu.memory_space<vmem>> -> memref<1x16x1024xf32, #tpu.memory_space<vmem>>
    %dma_wait3A_963 = tpu.memref_squeeze %dma_wait3A_962 : memref<1x16x1024xf32, #tpu.memory_space<vmem>> -> memref<16x1024xf32, #tpu.memory_space<vmem>>
    tpu.wait_dma2 semaphore(%arg19 : memref<!tpu.dma_semaphore, #tpu.memory_space<semaphore_mem>>) src(%dma_wait3A_963 : memref<16x1024xf32, #tpu.memory_space<vmem>>) dst(%dma_wait3A_959 : memref<16x1024xf32, #tpu.memory_space<hbm>>)
    %dma_start3A_964 = arith.constant 5 : i32
    %dma_start3A_965 = arith.constant 0 : i32
    %dma_start3A_966 = arith.constant 0 : i32
    %dma_start3A_967 = tpu.memref_slice %arg6[%dma_start3A_964, %dma_start3A_965, %dma_start3A_966] : memref<7x16x1024xf32, #tpu.memory_space<vmem>> -> memref<1x16x1024xf32, #tpu.memory_space<vmem>>
    %dma_start3A_968 = tpu.memref_squeeze %dma_start3A_967 : memref<1x16x1024xf32, #tpu.memory_space<vmem>> -> memref<16x1024xf32, #tpu.memory_space<vmem>>
    %dma_start3A_969 = arith.constant 192 : i32
    %dma_start3A_970 = tpu.memref_slice %arg5[%dma_start3A_969] : memref<1024xi32, #tpu.memory_space<vmem>> -> memref<16xi32, #tpu.memory_space<vmem>>
    %dma_start3A_971 = arith.constant 0 : i32
    %dma_start3A_972 = arith.constant 0 : i32
    %dma_start3A_973 = tpu.memref_slice %arg3[%dma_start3A_971, %dma_start3A_972] : memref<8192x1024xf32, #tpu.memory_space<hbm>> -> memref<8192x1024xf32, #tpu.memory_space<hbm>>
    tpu.enqueue_indirect_dma source(%dma_start3A_973 : memref<8192x1024xf32, #tpu.memory_space<hbm>>) target(%dma_start3A_968 : memref<16x1024xf32, #tpu.memory_space<vmem>>) offsets(%dma_start3A_970 : memref<16xi32, #tpu.memory_space<vmem>>) semaphore(%arg12 : memref<!tpu.dma_semaphore, #tpu.memory_space<semaphore_mem>>)
    %scan3A = arith.constant 0 : i32
    %scan3A_974 = arith.constant 1 : i32
    %scan3A_975 = arith.constant 7 : i32
    %scan3A_976 = arith.addi %scan3A_974, %scan3A_975 : i32
    %scan3A_977 = arith.constant 1 : i32
    %scan3A_978 = scf.for %scan3A_2049 = %scan3A_974 to %scan3A_976 step %scan3A_977 iter_args(%scan3A_2050 = %scan3A) -> (i32)  : i32 {
      %mul3A_2051 = arith.constant 7 : i32
      %mul3A_2052 = arith.muli %scan3A_2049, %mul3A_2051 : i32
      %add3A_2053 = arith.constant 0 : i32
      %add3A_2054 = arith.addi %mul3A_2052, %add3A_2053 : i32
      %mul3A_2055 = arith.constant 16 : i32
      %mul3A_2056 = arith.muli %add3A_2054, %mul3A_2055 : i32
      %dma_wait3A_2057 = arith.constant 0 : i32
      %dma_wait3A_2058 = arith.constant 0 : i32
      %dma_wait3A_2059 = arith.constant 0 : i32
      %dma_wait3A_2060 = tpu.memref_slice %arg6[%dma_wait3A_2057, %dma_wait3A_2058, %dma_wait3A_2059] : memref<7x16x1024xf32, #tpu.memory_space<vmem>> -> memref<1x16x1024xf32, #tpu.memory_space<vmem>>
      %dma_wait3A_2061 = tpu.memref_squeeze %dma_wait3A_2060 : memref<1x16x1024xf32, #tpu.memory_space<vmem>> -> memref<16x1024xf32, #tpu.memory_space<vmem>>
      %dma_wait3A_2062 = tpu.memref_slice %arg5[%mul3A_2056] : memref<1024xi32, #tpu.memory_space<vmem>> -> memref<16xi32, #tpu.memory_space<vmem>>
      %dma_wait3A_2063 = arith.constant 0 : i32
      %dma_wait3A_2064 = arith.constant 0 : i32
      %dma_wait3A_2065 = tpu.memref_slice %arg3[%dma_wait3A_2063, %dma_wait3A_2064] : memref<8192x1024xf32, #tpu.memory_space<hbm>> -> memref<8192x1024xf32, #tpu.memory_space<hbm>>
      tpu.wait_indirect_dma semaphore(%arg7 : memref<!tpu.dma_semaphore, #tpu.memory_space<semaphore_mem>>) src(%dma_wait3A_2065 : memref<8192x1024xf32, #tpu.memory_space<hbm>>) dst(%dma_wait3A_2061 : memref<16x1024xf32, #tpu.memory_space<vmem>>)
      %mul3A_2066 = arith.constant 16 : i32
      %mul3A_2067 = arith.muli %add3A_2054, %mul3A_2066 : i32
      %add3A_2068 = arith.addi %mul3A_2, %mul3A_2067 : i32
      %jit3A_2069 = arith.constant 8192 : i32
      %div3A_2070 = arith.divsi %add3A_2068, %jit3A_2069 : i32
      %sign3A_2071 = arith.constant 0 : i32
      %sign3A_2072 = arith.cmpi sgt, %add3A_2068, %sign3A_2071 : i32
      %sign3A_2073 = arith.extui %sign3A_2072 : i1 to i32
      %sign3A_2074 = arith.constant 0 : i32
      %sign3A_2075 = arith.cmpi slt, %add3A_2068, %sign3A_2074 : i32
      %sign3A_2076 = arith.extui %sign3A_2075 : i1 to i32
      %sign3A_2077 = arith.subi %sign3A_2073, %sign3A_2076 : i32
      %sign3A_2078 = arith.constant 0 : i32
      %sign3A_2079 = arith.cmpi sgt, %jit3A_2069, %sign3A_2078 : i32
      %sign3A_2080 = arith.extui %sign3A_2079 : i1 to i32
      %sign3A_2081 = arith.constant 0 : i32
      %sign3A_2082 = arith.cmpi slt, %jit3A_2069, %sign3A_2081 : i32
      %sign3A_2083 = arith.extui %sign3A_2082 : i1 to i32
      %sign3A_2084 = arith.subi %sign3A_2080, %sign3A_2083 : i32
      %ne3A_2085 = arith.cmpi ne, %sign3A_2077, %sign3A_2084 : i32
      %rem3A_2086 = arith.remsi %add3A_2068, %jit3A_2069 : i32
      %ne3A_2087 = arith.constant 0 : i32
      %ne3A_2088 = arith.cmpi ne, %rem3A_2086, %ne3A_2087 : i32
      %and3A_2089 = arith.andi %ne3A_2085, %ne3A_2088 : i1
      %sub3A_2090 = arith.constant 1 : i32
      %sub3A_2091 = arith.subi %div3A_2070, %sub3A_2090 : i32
      %select_n3A_2092 = arith.select %and3A_2089, %sub3A_2091, %div3A_2070 : i32
      %jit3A_2093 = arith.constant 8192 : i32
      %eq3A_2094 = arith.constant 0 : i32
      %eq3A_2095 = arith.cmpi eq, %jit3A_2093, %eq3A_2094 : i32
      %jit3A_2096 = arith.constant 1 : i32
      %select_n3A_2097 = arith.select %eq3A_2095, %jit3A_2096, %jit3A_2093 : i32
      %rem3A_2098 = arith.remsi %add3A_2068, %select_n3A_2097 : i32
      %ne3A_2099 = arith.constant 0 : i32
      %ne3A_2100 = arith.cmpi ne, %rem3A_2098, %ne3A_2099 : i32
      %lt3A_2101 = arith.constant 0 : i32
      %lt3A_2102 = arith.cmpi slt, %rem3A_2098, %lt3A_2101 : i32
      %lt3A_2103 = arith.constant 0 : i32
      %lt3A_2104 = arith.cmpi slt, %select_n3A_2097, %lt3A_2103 : i32
      %ne3A_2105 = arith.xori %lt3A_2102, %lt3A_2104 : i1
      %and3A_2106 = arith.andi %ne3A_2105, %ne3A_2100 : i1
      %add3A_2107 = arith.addi %rem3A_2098, %select_n3A_2097 : i32
      %select_n3A_2108 = arith.select %and3A_2106, %add3A_2107, %rem3A_2098 : i32
      %dma_start3A_2109 = arith.constant 0 : i32
      %dma_start3A_2110 = arith.constant 0 : i32
      %dma_start3A_2111 = arith.constant 0 : i32
      %dma_start3A_2112 = tpu.memref_slice %arg6[%dma_start3A_2109, %dma_start3A_2110, %dma_start3A_2111] : memref<7x16x1024xf32, #tpu.memory_space<vmem>> -> memref<1x16x1024xf32, #tpu.memory_space<vmem>>
      %dma_start3A_2113 = tpu.memref_squeeze %dma_start3A_2112 : memref<1x16x1024xf32, #tpu.memory_space<vmem>> -> memref<16x1024xf32, #tpu.memory_space<vmem>>
      %dma_start3A_2114 = arith.constant 0 : i32
      %dma_start3A_2115 = tpu.memref_slice %arg4[%select_n3A_2092, %select_n3A_2108, %dma_start3A_2114] : memref<4x8192x1024xf32, #tpu.memory_space<hbm>> -> memref<1x16x1024xf32, #tpu.memory_space<hbm>>
      %dma_start3A_2116 = tpu.memref_squeeze %dma_start3A_2115 : memref<1x16x1024xf32, #tpu.memory_space<hbm>> -> memref<16x1024xf32, #tpu.memory_space<hbm>>
      %dma_start3A_2117 = arith.constant 0 : i32
      %dma_start3A_2118 = tpu.memref_slice %arg4[%select_n3A_2092, %select_n3A_2108, %dma_start3A_2117] : memref<4x8192x1024xf32, #tpu.memory_space<hbm>> -> memref<1x16x1024xf32, #tpu.memory_space<hbm>>
      %dma_start3A_2119 = tpu.memref_squeeze %dma_start3A_2118 : memref<1x16x1024xf32, #tpu.memory_space<hbm>> -> memref<16x1024xf32, #tpu.memory_space<hbm>>
      %dma_start3A_2120 = arith.constant 0 : i32
      %dma_start3A_2121 = arith.constant 0 : i32
      %dma_start3A_2122 = tpu.memref_slice %arg6[%dma_start3A_2109, %dma_start3A_2120, %dma_start3A_2121] : memref<7x16x1024xf32, #tpu.memory_space<vmem>> -> memref<1x16x1024xf32, #tpu.memory_space<vmem>>
      %dma_start3A_2123 = tpu.memref_squeeze %dma_start3A_2122 : memref<1x16x1024xf32, #tpu.memory_space<vmem>> -> memref<16x1024xf32, #tpu.memory_space<vmem>>
      tpu.enqueue_dma source(%dma_start3A_2123 : memref<16x1024xf32, #tpu.memory_space<vmem>>) target(%dma_start3A_2119 : memref<16x1024xf32, #tpu.memory_space<hbm>>) target_semaphore(%arg14 : memref<!tpu.dma_semaphore, #tpu.memory_space<semaphore_mem>>)
      %sub3A_2124 = arith.constant 1 : i32
      %sub3A_2125 = arith.subi %add3A_2054, %sub3A_2124 : i32
      %mul3A_2126 = arith.constant 16 : i32
      %mul3A_2127 = arith.muli %sub3A_2125, %mul3A_2126 : i32
      %add3A_2128 = arith.addi %mul3A_2, %mul3A_2127 : i32
      %jit3A_2129 = arith.constant 8192 : i32
      %div3A_2130 = arith.divsi %add3A_2128, %jit3A_2129 : i32
      %sign3A_2131 = arith.constant 0 : i32
      %sign3A_2132 = arith.cmpi sgt, %add3A_2128, %sign3A_2131 : i32
      %sign3A_2133 = arith.extui %sign3A_2132 : i1 to i32
      %sign3A_2134 = arith.constant 0 : i32
      %sign3A_2135 = arith.cmpi slt, %add3A_2128, %sign3A_2134 : i32
      %sign3A_2136 = arith.extui %sign3A_2135 : i1 to i32
      %sign3A_2137 = arith.subi %sign3A_2133, %sign3A_2136 : i32
      %sign3A_2138 = arith.constant 0 : i32
      %sign3A_2139 = arith.cmpi sgt, %jit3A_2129, %sign3A_2138 : i32
      %sign3A_2140 = arith.extui %sign3A_2139 : i1 to i32
      %sign3A_2141 = arith.constant 0 : i32
      %sign3A_2142 = arith.cmpi slt, %jit3A_2129, %sign3A_2141 : i32
      %sign3A_2143 = arith.extui %sign3A_2142 : i1 to i32
      %sign3A_2144 = arith.subi %sign3A_2140, %sign3A_2143 : i32
      %ne3A_2145 = arith.cmpi ne, %sign3A_2137, %sign3A_2144 : i32
      %rem3A_2146 = arith.remsi %add3A_2128, %jit3A_2129 : i32
      %ne3A_2147 = arith.constant 0 : i32
      %ne3A_2148 = arith.cmpi ne, %rem3A_2146, %ne3A_2147 : i32
      %and3A_2149 = arith.andi %ne3A_2145, %ne3A_2148 : i1
      %sub3A_2150 = arith.constant 1 : i32
      %sub3A_2151 = arith.subi %div3A_2130, %sub3A_2150 : i32
      %select_n3A_2152 = arith.select %and3A_2149, %sub3A_2151, %div3A_2130 : i32
      %jit3A_2153 = arith.constant 8192 : i32
      %eq3A_2154 = arith.constant 0 : i32
      %eq3A_2155 = arith.cmpi eq, %jit3A_2153, %eq3A_2154 : i32
      %jit3A_2156 = arith.constant 1 : i32
      %select_n3A_2157 = arith.select %eq3A_2155, %jit3A_2156, %jit3A_2153 : i32
      %rem3A_2158 = arith.remsi %add3A_2128, %select_n3A_2157 : i32
      %ne3A_2159 = arith.constant 0 : i32
      %ne3A_2160 = arith.cmpi ne, %rem3A_2158, %ne3A_2159 : i32
      %lt3A_2161 = arith.constant 0 : i32
      %lt3A_2162 = arith.cmpi slt, %rem3A_2158, %lt3A_2161 : i32
      %lt3A_2163 = arith.constant 0 : i32
      %lt3A_2164 = arith.cmpi slt, %select_n3A_2157, %lt3A_2163 : i32
      %ne3A_2165 = arith.xori %lt3A_2162, %lt3A_2164 : i1
      %and3A_2166 = arith.andi %ne3A_2165, %ne3A_2160 : i1
      %add3A_2167 = arith.addi %rem3A_2158, %select_n3A_2157 : i32
      %select_n3A_2168 = arith.select %and3A_2166, %add3A_2167, %rem3A_2158 : i32
      %dma_wait3A_2169 = arith.constant 6 : i32
      %dma_wait3A_2170 = arith.constant 0 : i32
      %dma_wait3A_2171 = arith.constant 0 : i32
      %dma_wait3A_2172 = tpu.memref_slice %arg6[%dma_wait3A_2169, %dma_wait3A_2170, %dma_wait3A_2171] : memref<7x16x1024xf32, #tpu.memory_space<vmem>> -> memref<1x16x1024xf32, #tpu.memory_space<vmem>>
      %dma_wait3A_2173 = tpu.memref_squeeze %dma_wait3A_2172 : memref<1x16x1024xf32, #tpu.memory_space<vmem>> -> memref<16x1024xf32, #tpu.memory_space<vmem>>
      %dma_wait3A_2174 = arith.constant 0 : i32
      %dma_wait3A_2175 = tpu.memref_slice %arg4[%select_n3A_2152, %select_n3A_2168, %dma_wait3A_2174] : memref<4x8192x1024xf32, #tpu.memory_space<hbm>> -> memref<1x16x1024xf32, #tpu.memory_space<hbm>>
      %dma_wait3A_2176 = tpu.memref_squeeze %dma_wait3A_2175 : memref<1x16x1024xf32, #tpu.memory_space<hbm>> -> memref<16x1024xf32, #tpu.memory_space<hbm>>
      %dma_wait3A_2177 = arith.constant 0 : i32
      %dma_wait3A_2178 = tpu.memref_slice %arg4[%select_n3A_2152, %select_n3A_2168, %dma_wait3A_2177] : memref<4x8192x1024xf32, #tpu.memory_space<hbm>> -> memref<1x16x1024xf32, #tpu.memory_space<hbm>>
      %dma_wait3A_2179 = tpu.memref_squeeze %dma_wait3A_2178 : memref<1x16x1024xf32, #tpu.memory_space<hbm>> -> memref<16x1024xf32, #tpu.memory_space<hbm>>
      %dma_wait3A_2180 = arith.constant 0 : i32
      %dma_wait3A_2181 = arith.constant 0 : i32
      %dma_wait3A_2182 = tpu.memref_slice %arg6[%dma_wait3A_2169, %dma_wait3A_2180, %dma_wait3A_2181] : memref<7x16x1024xf32, #tpu.memory_space<vmem>> -> memref<1x16x1024xf32, #tpu.memory_space<vmem>>
      %dma_wait3A_2183 = tpu.memref_squeeze %dma_wait3A_2182 : memref<1x16x1024xf32, #tpu.memory_space<vmem>> -> memref<16x1024xf32, #tpu.memory_space<vmem>>
      tpu.wait_dma2 semaphore(%arg20 : memref<!tpu.dma_semaphore, #tpu.memory_space<semaphore_mem>>) src(%dma_wait3A_2183 : memref<16x1024xf32, #tpu.memory_space<vmem>>) dst(%dma_wait3A_2179 : memref<16x1024xf32, #tpu.memory_space<hbm>>)
      %add3A_2184 = arith.constant 7 : i32
      %add3A_2185 = arith.addi %add3A_2054, %add3A_2184 : i32
      %sub3A_2186 = arith.constant 1 : i32
      %sub3A_2187 = arith.subi %add3A_2185, %sub3A_2186 : i32
      %mul3A_2188 = arith.constant 16 : i32
      %mul3A_2189 = arith.muli %sub3A_2187, %mul3A_2188 : i32
      %dma_start3A_2190 = arith.constant 6 : i32
      %dma_start3A_2191 = arith.constant 0 : i32
      %dma_start3A_2192 = arith.constant 0 : i32
      %dma_start3A_2193 = tpu.memref_slice %arg6[%dma_start3A_2190, %dma_start3A_2191, %dma_start3A_2192] : memref<7x16x1024xf32, #tpu.memory_space<vmem>> -> memref<1x16x1024xf32, #tpu.memory_space<vmem>>
      %dma_start3A_2194 = tpu.memref_squeeze %dma_start3A_2193 : memref<1x16x1024xf32, #tpu.memory_space<vmem>> -> memref<16x1024xf32, #tpu.memory_space<vmem>>
      %dma_start3A_2195 = tpu.memref_slice %arg5[%mul3A_2189] : memref<1024xi32, #tpu.memory_space<vmem>> -> memref<16xi32, #tpu.memory_space<vmem>>
      %dma_start3A_2196 = arith.constant 0 : i32
      %dma_start3A_2197 = arith.constant 0 : i32
      %dma_start3A_2198 = tpu.memref_slice %arg3[%dma_start3A_2196, %dma_start3A_2197] : memref<8192x1024xf32, #tpu.memory_space<hbm>> -> memref<8192x1024xf32, #tpu.memory_space<hbm>>
      tpu.enqueue_indirect_dma source(%dma_start3A_2198 : memref<8192x1024xf32, #tpu.memory_space<hbm>>) target(%dma_start3A_2194 : memref<16x1024xf32, #tpu.memory_space<vmem>>) offsets(%dma_start3A_2195 : memref<16xi32, #tpu.memory_space<vmem>>) semaphore(%arg13 : memref<!tpu.dma_semaphore, #tpu.memory_space<semaphore_mem>>)
      %mul3A_2199 = arith.constant 7 : i32
      %mul3A_2200 = arith.muli %scan3A_2049, %mul3A_2199 : i32
      %add3A_2201 = arith.constant 1 : i32
      %add3A_2202 = arith.addi %mul3A_2200, %add3A_2201 : i32
      %mul3A_2203 = arith.constant 16 : i32
      %mul3A_2204 = arith.muli %add3A_2202, %mul3A_2203 : i32
      %dma_wait3A_2205 = arith.constant 1 : i32
      %dma_wait3A_2206 = arith.constant 0 : i32
      %dma_wait3A_2207 = arith.constant 0 : i32
      %dma_wait3A_2208 = tpu.memref_slice %arg6[%dma_wait3A_2205, %dma_wait3A_2206, %dma_wait3A_2207] : memref<7x16x1024xf32, #tpu.memory_space<vmem>> -> memref<1x16x1024xf32, #tpu.memory_space<vmem>>
      %dma_wait3A_2209 = tpu.memref_squeeze %dma_wait3A_2208 : memref<1x16x1024xf32, #tpu.memory_space<vmem>> -> memref<16x1024xf32, #tpu.memory_space<vmem>>
      %dma_wait3A_2210 = tpu.memref_slice %arg5[%mul3A_2204] : memref<1024xi32, #tpu.memory_space<vmem>> -> memref<16xi32, #tpu.memory_space<vmem>>
      %dma_wait3A_2211 = arith.constant 0 : i32
      %dma_wait3A_2212 = arith.constant 0 : i32
      %dma_wait3A_2213 = tpu.memref_slice %arg3[%dma_wait3A_2211, %dma_wait3A_2212] : memref<8192x1024xf32, #tpu.memory_space<hbm>> -> memref<8192x1024xf32, #tpu.memory_space<hbm>>
      tpu.wait_indirect_dma semaphore(%arg8 : memref<!tpu.dma_semaphore, #tpu.memory_space<semaphore_mem>>) src(%dma_wait3A_2213 : memref<8192x1024xf32, #tpu.memory_space<hbm>>) dst(%dma_wait3A_2209 : memref<16x1024xf32, #tpu.memory_space<vmem>>)
      %mul3A_2214 = arith.constant 16 : i32
      %mul3A_2215 = arith.muli %add3A_2202, %mul3A_2214 : i32
      %add3A_2216 = arith.addi %mul3A_2, %mul3A_2215 : i32
      %jit3A_2217 = arith.constant 8192 : i32
      %div3A_2218 = arith.divsi %add3A_2216, %jit3A_2217 : i32
      %sign3A_2219 = arith.constant 0 : i32
      %sign3A_2220 = arith.cmpi sgt, %add3A_2216, %sign3A_2219 : i32
      %sign3A_2221 = arith.extui %sign3A_2220 : i1 to i32
      %sign3A_2222 = arith.constant 0 : i32
      %sign3A_2223 = arith.cmpi slt, %add3A_2216, %sign3A_2222 : i32
      %sign3A_2224 = arith.extui %sign3A_2223 : i1 to i32
      %sign3A_2225 = arith.subi %sign3A_2221, %sign3A_2224 : i32
      %sign3A_2226 = arith.constant 0 : i32
      %sign3A_2227 = arith.cmpi sgt, %jit3A_2217, %sign3A_2226 : i32
      %sign3A_2228 = arith.extui %sign3A_2227 : i1 to i32
      %sign3A_2229 = arith.constant 0 : i32
      %sign3A_2230 = arith.cmpi slt, %jit3A_2217, %sign3A_2229 : i32
      %sign3A_2231 = arith.extui %sign3A_2230 : i1 to i32
      %sign3A_2232 = arith.subi %sign3A_2228, %sign3A_2231 : i32
      %ne3A_2233 = arith.cmpi ne, %sign3A_2225, %sign3A_2232 : i32
      %rem3A_2234 = arith.remsi %add3A_2216, %jit3A_2217 : i32
      %ne3A_2235 = arith.constant 0 : i32
      %ne3A_2236 = arith.cmpi ne, %rem3A_2234, %ne3A_2235 : i32
      %and3A_2237 = arith.andi %ne3A_2233, %ne3A_2236 : i1
      %sub3A_2238 = arith.constant 1 : i32
      %sub3A_2239 = arith.subi %div3A_2218, %sub3A_2238 : i32
      %select_n3A_2240 = arith.select %and3A_2237, %sub3A_2239, %div3A_2218 : i32
      %jit3A_2241 = arith.constant 8192 : i32
      %eq3A_2242 = arith.constant 0 : i32
      %eq3A_2243 = arith.cmpi eq, %jit3A_2241, %eq3A_2242 : i32
      %jit3A_2244 = arith.constant 1 : i32
      %select_n3A_2245 = arith.select %eq3A_2243, %jit3A_2244, %jit3A_2241 : i32
      %rem3A_2246 = arith.remsi %add3A_2216, %select_n3A_2245 : i32
      %ne3A_2247 = arith.constant 0 : i32
      %ne3A_2248 = arith.cmpi ne, %rem3A_2246, %ne3A_2247 : i32
      %lt3A_2249 = arith.constant 0 : i32
      %lt3A_2250 = arith.cmpi slt, %rem3A_2246, %lt3A_2249 : i32
      %lt3A_2251 = arith.constant 0 : i32
      %lt3A_2252 = arith.cmpi slt, %select_n3A_2245, %lt3A_2251 : i32
      %ne3A_2253 = arith.xori %lt3A_2250, %lt3A_2252 : i1
      %and3A_2254 = arith.andi %ne3A_2253, %ne3A_2248 : i1
      %add3A_2255 = arith.addi %rem3A_2246, %select_n3A_2245 : i32
      %select_n3A_2256 = arith.select %and3A_2254, %add3A_2255, %rem3A_2246 : i32
      %dma_start3A_2257 = arith.constant 1 : i32
      %dma_start3A_2258 = arith.constant 0 : i32
      %dma_start3A_2259 = arith.constant 0 : i32
      %dma_start3A_2260 = tpu.memref_slice %arg6[%dma_start3A_2257, %dma_start3A_2258, %dma_start3A_2259] : memref<7x16x1024xf32, #tpu.memory_space<vmem>> -> memref<1x16x1024xf32, #tpu.memory_space<vmem>>
      %dma_start3A_2261 = tpu.memref_squeeze %dma_start3A_2260 : memref<1x16x1024xf32, #tpu.memory_space<vmem>> -> memref<16x1024xf32, #tpu.memory_space<vmem>>
      %dma_start3A_2262 = arith.constant 0 : i32
      %dma_start3A_2263 = tpu.memref_slice %arg4[%select_n3A_2240, %select_n3A_2256, %dma_start3A_2262] : memref<4x8192x1024xf32, #tpu.memory_space<hbm>> -> memref<1x16x1024xf32, #tpu.memory_space<hbm>>
      %dma_start3A_2264 = tpu.memref_squeeze %dma_start3A_2263 : memref<1x16x1024xf32, #tpu.memory_space<hbm>> -> memref<16x1024xf32, #tpu.memory_space<hbm>>
      %dma_start3A_2265 = arith.constant 0 : i32
      %dma_start3A_2266 = tpu.memref_slice %arg4[%select_n3A_2240, %select_n3A_2256, %dma_start3A_2265] : memref<4x8192x1024xf32, #tpu.memory_space<hbm>> -> memref<1x16x1024xf32, #tpu.memory_space<hbm>>
      %dma_start3A_2267 = tpu.memref_squeeze %dma_start3A_2266 : memref<1x16x1024xf32, #tpu.memory_space<hbm>> -> memref<16x1024xf32, #tpu.memory_space<hbm>>
      %dma_start3A_2268 = arith.constant 0 : i32
      %dma_start3A_2269 = arith.constant 0 : i32
      %dma_start3A_2270 = tpu.memref_slice %arg6[%dma_start3A_2257, %dma_start3A_2268, %dma_start3A_2269] : memref<7x16x1024xf32, #tpu.memory_space<vmem>> -> memref<1x16x1024xf32, #tpu.memory_space<vmem>>
      %dma_start3A_2271 = tpu.memref_squeeze %dma_start3A_2270 : memref<1x16x1024xf32, #tpu.memory_space<vmem>> -> memref<16x1024xf32, #tpu.memory_space<vmem>>
      tpu.enqueue_dma source(%dma_start3A_2271 : memref<16x1024xf32, #tpu.memory_space<vmem>>) target(%dma_start3A_2267 : memref<16x1024xf32, #tpu.memory_space<hbm>>) target_semaphore(%arg15 : memref<!tpu.dma_semaphore, #tpu.memory_space<semaphore_mem>>)
      %sub3A_2272 = arith.constant 1 : i32
      %sub3A_2273 = arith.subi %add3A_2202, %sub3A_2272 : i32
      %mul3A_2274 = arith.constant 16 : i32
      %mul3A_2275 = arith.muli %sub3A_2273, %mul3A_2274 : i32
      %add3A_2276 = arith.addi %mul3A_2, %mul3A_2275 : i32
      %jit3A_2277 = arith.constant 8192 : i32
      %div3A_2278 = arith.divsi %add3A_2276, %jit3A_2277 : i32
      %sign3A_2279 = arith.constant 0 : i32
      %sign3A_2280 = arith.cmpi sgt, %add3A_2276, %sign3A_2279 : i32
      %sign3A_2281 = arith.extui %sign3A_2280 : i1 to i32
      %sign3A_2282 = arith.constant 0 : i32
      %sign3A_2283 = arith.cmpi slt, %add3A_2276, %sign3A_2282 : i32
      %sign3A_2284 = arith.extui %sign3A_2283 : i1 to i32
      %sign3A_2285 = arith.subi %sign3A_2281, %sign3A_2284 : i32
      %sign3A_2286 = arith.constant 0 : i32
      %sign3A_2287 = arith.cmpi sgt, %jit3A_2277, %sign3A_2286 : i32
      %sign3A_2288 = arith.extui %sign3A_2287 : i1 to i32
      %sign3A_2289 = arith.constant 0 : i32
      %sign3A_2290 = arith.cmpi slt, %jit3A_2277, %sign3A_2289 : i32
      %sign3A_2291 = arith.extui %sign3A_2290 : i1 to i32
      %sign3A_2292 = arith.subi %sign3A_2288, %sign3A_2291 : i32
      %ne3A_2293 = arith.cmpi ne, %sign3A_2285, %sign3A_2292 : i32
      %rem3A_2294 = arith.remsi %add3A_2276, %jit3A_2277 : i32
      %ne3A_2295 = arith.constant 0 : i32
      %ne3A_2296 = arith.cmpi ne, %rem3A_2294, %ne3A_2295 : i32
      %and3A_2297 = arith.andi %ne3A_2293, %ne3A_2296 : i1
      %sub3A_2298 = arith.constant 1 : i32
      %sub3A_2299 = arith.subi %div3A_2278, %sub3A_2298 : i32
      %select_n3A_2300 = arith.select %and3A_2297, %sub3A_2299, %div3A_2278 : i32
      %jit3A_2301 = arith.constant 8192 : i32
      %eq3A_2302 = arith.constant 0 : i32
      %eq3A_2303 = arith.cmpi eq, %jit3A_2301, %eq3A_2302 : i32
      %jit3A_2304 = arith.constant 1 : i32
      %select_n3A_2305 = arith.select %eq3A_2303, %jit3A_2304, %jit3A_2301 : i32
      %rem3A_2306 = arith.remsi %add3A_2276, %select_n3A_2305 : i32
      %ne3A_2307 = arith.constant 0 : i32
      %ne3A_2308 = arith.cmpi ne, %rem3A_2306, %ne3A_2307 : i32
      %lt3A_2309 = arith.constant 0 : i32
      %lt3A_2310 = arith.cmpi slt, %rem3A_2306, %lt3A_2309 : i32
      %lt3A_2311 = arith.constant 0 : i32
      %lt3A_2312 = arith.cmpi slt, %select_n3A_2305, %lt3A_2311 : i32
      %ne3A_2313 = arith.xori %lt3A_2310, %lt3A_2312 : i1
      %and3A_2314 = arith.andi %ne3A_2313, %ne3A_2308 : i1
      %add3A_2315 = arith.addi %rem3A_2306, %select_n3A_2305 : i32
      %select_n3A_2316 = arith.select %and3A_2314, %add3A_2315, %rem3A_2306 : i32
      %dma_wait3A_2317 = arith.constant 0 : i32
      %dma_wait3A_2318 = arith.constant 0 : i32
      %dma_wait3A_2319 = arith.constant 0 : i32
      %dma_wait3A_2320 = tpu.memref_slice %arg6[%dma_wait3A_2317, %dma_wait3A_2318, %dma_wait3A_2319] : memref<7x16x1024xf32, #tpu.memory_space<vmem>> -> memref<1x16x1024xf32, #tpu.memory_space<vmem>>
      %dma_wait3A_2321 = tpu.memref_squeeze %dma_wait3A_2320 : memref<1x16x1024xf32, #tpu.memory_space<vmem>> -> memref<16x1024xf32, #tpu.memory_space<vmem>>
      %dma_wait3A_2322 = arith.constant 0 : i32
      %dma_wait3A_2323 = tpu.memref_slice %arg4[%select_n3A_2300, %select_n3A_2316, %dma_wait3A_2322] : memref<4x8192x1024xf32, #tpu.memory_space<hbm>> -> memref<1x16x1024xf32, #tpu.memory_space<hbm>>
      %dma_wait3A_2324 = tpu.memref_squeeze %dma_wait3A_2323 : memref<1x16x1024xf32, #tpu.memory_space<hbm>> -> memref<16x1024xf32, #tpu.memory_space<hbm>>
      %dma_wait3A_2325 = arith.constant 0 : i32
      %dma_wait3A_2326 = tpu.memref_slice %arg4[%select_n3A_2300, %select_n3A_2316, %dma_wait3A_2325] : memref<4x8192x1024xf32, #tpu.memory_space<hbm>> -> memref<1x16x1024xf32, #tpu.memory_space<hbm>>
      %dma_wait3A_2327 = tpu.memref_squeeze %dma_wait3A_2326 : memref<1x16x1024xf32, #tpu.memory_space<hbm>> -> memref<16x1024xf32, #tpu.memory_space<hbm>>
      %dma_wait3A_2328 = arith.constant 0 : i32
      %dma_wait3A_2329 = arith.constant 0 : i32
      %dma_wait3A_2330 = tpu.memref_slice %arg6[%dma_wait3A_2317, %dma_wait3A_2328, %dma_wait3A_2329] : memref<7x16x1024xf32, #tpu.memory_space<vmem>> -> memref<1x16x1024xf32, #tpu.memory_space<vmem>>
      %dma_wait3A_2331 = tpu.memref_squeeze %dma_wait3A_2330 : memref<1x16x1024xf32, #tpu.memory_space<vmem>> -> memref<16x1024xf32, #tpu.memory_space<vmem>>
      tpu.wait_dma2 semaphore(%arg14 : memref<!tpu.dma_semaphore, #tpu.memory_space<semaphore_mem>>) src(%dma_wait3A_2331 : memref<16x1024xf32, #tpu.memory_space<vmem>>) dst(%dma_wait3A_2327 : memref<16x1024xf32, #tpu.memory_space<hbm>>)
      %add3A_2332 = arith.constant 7 : i32
      %add3A_2333 = arith.addi %add3A_2202, %add3A_2332 : i32
      %sub3A_2334 = arith.constant 1 : i32
      %sub3A_2335 = arith.subi %add3A_2333, %sub3A_2334 : i32
      %mul3A_2336 = arith.constant 16 : i32
      %mul3A_2337 = arith.muli %sub3A_2335, %mul3A_2336 : i32
      %dma_start3A_2338 = arith.constant 0 : i32
      %dma_start3A_2339 = arith.constant 0 : i32
      %dma_start3A_2340 = arith.constant 0 : i32
      %dma_start3A_2341 = tpu.memref_slice %arg6[%dma_start3A_2338, %dma_start3A_2339, %dma_start3A_2340] : memref<7x16x1024xf32, #tpu.memory_space<vmem>> -> memref<1x16x1024xf32, #tpu.memory_space<vmem>>
      %dma_start3A_2342 = tpu.memref_squeeze %dma_start3A_2341 : memref<1x16x1024xf32, #tpu.memory_space<vmem>> -> memref<16x1024xf32, #tpu.memory_space<vmem>>
      %dma_start3A_2343 = tpu.memref_slice %arg5[%mul3A_2337] : memref<1024xi32, #tpu.memory_space<vmem>> -> memref<16xi32, #tpu.memory_space<vmem>>
      %dma_start3A_2344 = arith.constant 0 : i32
      %dma_start3A_2345 = arith.constant 0 : i32
      %dma_start3A_2346 = tpu.memref_slice %arg3[%dma_start3A_2344, %dma_start3A_2345] : memref<8192x1024xf32, #tpu.memory_space<hbm>> -> memref<8192x1024xf32, #tpu.memory_space<hbm>>
      tpu.enqueue_indirect_dma source(%dma_start3A_2346 : memref<8192x1024xf32, #tpu.memory_space<hbm>>) target(%dma_start3A_2342 : memref<16x1024xf32, #tpu.memory_space<vmem>>) offsets(%dma_start3A_2343 : memref<16xi32, #tpu.memory_space<vmem>>) semaphore(%arg7 : memref<!tpu.dma_semaphore, #tpu.memory_space<semaphore_mem>>)
      %mul3A_2347 = arith.constant 7 : i32
      %mul3A_2348 = arith.muli %scan3A_2049, %mul3A_2347 : i32
      %add3A_2349 = arith.constant 2 : i32
      %add3A_2350 = arith.addi %mul3A_2348, %add3A_2349 : i32
      %mul3A_2351 = arith.constant 16 : i32
      %mul3A_2352 = arith.muli %add3A_2350, %mul3A_2351 : i32
      %dma_wait3A_2353 = arith.constant 2 : i32
      %dma_wait3A_2354 = arith.constant 0 : i32
      %dma_wait3A_2355 = arith.constant 0 : i32
      %dma_wait3A_2356 = tpu.memref_slice %arg6[%dma_wait3A_2353, %dma_wait3A_2354, %dma_wait3A_2355] : memref<7x16x1024xf32, #tpu.memory_space<vmem>> -> memref<1x16x1024xf32, #tpu.memory_space<vmem>>
      %dma_wait3A_2357 = tpu.memref_squeeze %dma_wait3A_2356 : memref<1x16x1024xf32, #tpu.memory_space<vmem>> -> memref<16x1024xf32, #tpu.memory_space<vmem>>
      %dma_wait3A_2358 = tpu.memref_slice %arg5[%mul3A_2352] : memref<1024xi32, #tpu.memory_space<vmem>> -> memref<16xi32, #tpu.memory_space<vmem>>
      %dma_wait3A_2359 = arith.constant 0 : i32
      %dma_wait3A_2360 = arith.constant 0 : i32
      %dma_wait3A_2361 = tpu.memref_slice %arg3[%dma_wait3A_2359, %dma_wait3A_2360] : memref<8192x1024xf32, #tpu.memory_space<hbm>> -> memref<8192x1024xf32, #tpu.memory_space<hbm>>
      tpu.wait_indirect_dma semaphore(%arg9 : memref<!tpu.dma_semaphore, #tpu.memory_space<semaphore_mem>>) src(%dma_wait3A_2361 : memref<8192x1024xf32, #tpu.memory_space<hbm>>) dst(%dma_wait3A_2357 : memref<16x1024xf32, #tpu.memory_space<vmem>>)
      %mul3A_2362 = arith.constant 16 : i32
      %mul3A_2363 = arith.muli %add3A_2350, %mul3A_2362 : i32
      %add3A_2364 = arith.addi %mul3A_2, %mul3A_2363 : i32
      %jit3A_2365 = arith.constant 8192 : i32
      %div3A_2366 = arith.divsi %add3A_2364, %jit3A_2365 : i32
      %sign3A_2367 = arith.constant 0 : i32
      %sign3A_2368 = arith.cmpi sgt, %add3A_2364, %sign3A_2367 : i32
      %sign3A_2369 = arith.extui %sign3A_2368 : i1 to i32
      %sign3A_2370 = arith.constant 0 : i32
      %sign3A_2371 = arith.cmpi slt, %add3A_2364, %sign3A_2370 : i32
      %sign3A_2372 = arith.extui %sign3A_2371 : i1 to i32
      %sign3A_2373 = arith.subi %sign3A_2369, %sign3A_2372 : i32
      %sign3A_2374 = arith.constant 0 : i32
      %sign3A_2375 = arith.cmpi sgt, %jit3A_2365, %sign3A_2374 : i32
      %sign3A_2376 = arith.extui %sign3A_2375 : i1 to i32
      %sign3A_2377 = arith.constant 0 : i32
      %sign3A_2378 = arith.cmpi slt, %jit3A_2365, %sign3A_2377 : i32
      %sign3A_2379 = arith.extui %sign3A_2378 : i1 to i32
      %sign3A_2380 = arith.subi %sign3A_2376, %sign3A_2379 : i32
      %ne3A_2381 = arith.cmpi ne, %sign3A_2373, %sign3A_2380 : i32
      %rem3A_2382 = arith.remsi %add3A_2364, %jit3A_2365 : i32
      %ne3A_2383 = arith.constant 0 : i32
      %ne3A_2384 = arith.cmpi ne, %rem3A_2382, %ne3A_2383 : i32
      %and3A_2385 = arith.andi %ne3A_2381, %ne3A_2384 : i1
      %sub3A_2386 = arith.constant 1 : i32
      %sub3A_2387 = arith.subi %div3A_2366, %sub3A_2386 : i32
      %select_n3A_2388 = arith.select %and3A_2385, %sub3A_2387, %div3A_2366 : i32
      %jit3A_2389 = arith.constant 8192 : i32
      %eq3A_2390 = arith.constant 0 : i32
      %eq3A_2391 = arith.cmpi eq, %jit3A_2389, %eq3A_2390 : i32
      %jit3A_2392 = arith.constant 1 : i32
      %select_n3A_2393 = arith.select %eq3A_2391, %jit3A_2392, %jit3A_2389 : i32
      %rem3A_2394 = arith.remsi %add3A_2364, %select_n3A_2393 : i32
      %ne3A_2395 = arith.constant 0 : i32
      %ne3A_2396 = arith.cmpi ne, %rem3A_2394, %ne3A_2395 : i32
      %lt3A_2397 = arith.constant 0 : i32
      %lt3A_2398 = arith.cmpi slt, %rem3A_2394, %lt3A_2397 : i32
      %lt3A_2399 = arith.constant 0 : i32
      %lt3A_2400 = arith.cmpi slt, %select_n3A_2393, %lt3A_2399 : i32
      %ne3A_2401 = arith.xori %lt3A_2398, %lt3A_2400 : i1
      %and3A_2402 = arith.andi %ne3A_2401, %ne3A_2396 : i1
      %add3A_2403 = arith.addi %rem3A_2394, %select_n3A_2393 : i32
      %select_n3A_2404 = arith.select %and3A_2402, %add3A_2403, %rem3A_2394 : i32
      %dma_start3A_2405 = arith.constant 2 : i32
      %dma_start3A_2406 = arith.constant 0 : i32
      %dma_start3A_2407 = arith.constant 0 : i32
      %dma_start3A_2408 = tpu.memref_slice %arg6[%dma_start3A_2405, %dma_start3A_2406, %dma_start3A_2407] : memref<7x16x1024xf32, #tpu.memory_space<vmem>> -> memref<1x16x1024xf32, #tpu.memory_space<vmem>>
      %dma_start3A_2409 = tpu.memref_squeeze %dma_start3A_2408 : memref<1x16x1024xf32, #tpu.memory_space<vmem>> -> memref<16x1024xf32, #tpu.memory_space<vmem>>
      %dma_start3A_2410 = arith.constant 0 : i32
      %dma_start3A_2411 = tpu.memref_slice %arg4[%select_n3A_2388, %select_n3A_2404, %dma_start3A_2410] : memref<4x8192x1024xf32, #tpu.memory_space<hbm>> -> memref<1x16x1024xf32, #tpu.memory_space<hbm>>
      %dma_start3A_2412 = tpu.memref_squeeze %dma_start3A_2411 : memref<1x16x1024xf32, #tpu.memory_space<hbm>> -> memref<16x1024xf32, #tpu.memory_space<hbm>>
      %dma_start3A_2413 = arith.constant 0 : i32
      %dma_start3A_2414 = tpu.memref_slice %arg4[%select_n3A_2388, %select_n3A_2404, %dma_start3A_2413] : memref<4x8192x1024xf32, #tpu.memory_space<hbm>> -> memref<1x16x1024xf32, #tpu.memory_space<hbm>>
      %dma_start3A_2415 = tpu.memref_squeeze %dma_start3A_2414 : memref<1x16x1024xf32, #tpu.memory_space<hbm>> -> memref<16x1024xf32, #tpu.memory_space<hbm>>
      %dma_start3A_2416 = arith.constant 0 : i32
      %dma_start3A_2417 = arith.constant 0 : i32
      %dma_start3A_2418 = tpu.memref_slice %arg6[%dma_start3A_2405, %dma_start3A_2416, %dma_start3A_2417] : memref<7x16x1024xf32, #tpu.memory_space<vmem>> -> memref<1x16x1024xf32, #tpu.memory_space<vmem>>
      %dma_start3A_2419 = tpu.memref_squeeze %dma_start3A_2418 : memref<1x16x1024xf32, #tpu.memory_space<vmem>> -> memref<16x1024xf32, #tpu.memory_space<vmem>>
      tpu.enqueue_dma source(%dma_start3A_2419 : memref<16x1024xf32, #tpu.memory_space<vmem>>) target(%dma_start3A_2415 : memref<16x1024xf32, #tpu.memory_space<hbm>>) target_semaphore(%arg16 : memref<!tpu.dma_semaphore, #tpu.memory_space<semaphore_mem>>)
      %sub3A_2420 = arith.constant 1 : i32
      %sub3A_2421 = arith.subi %add3A_2350, %sub3A_2420 : i32
      %mul3A_2422 = arith.constant 16 : i32
      %mul3A_2423 = arith.muli %sub3A_2421, %mul3A_2422 : i32
      %add3A_2424 = arith.addi %mul3A_2, %mul3A_2423 : i32
      %jit3A_2425 = arith.constant 8192 : i32
      %div3A_2426 = arith.divsi %add3A_2424, %jit3A_2425 : i32
      %sign3A_2427 = arith.constant 0 : i32
      %sign3A_2428 = arith.cmpi sgt, %add3A_2424, %sign3A_2427 : i32
      %sign3A_2429 = arith.extui %sign3A_2428 : i1 to i32
      %sign3A_2430 = arith.constant 0 : i32
      %sign3A_2431 = arith.cmpi slt, %add3A_2424, %sign3A_2430 : i32
      %sign3A_2432 = arith.extui %sign3A_2431 : i1 to i32
      %sign3A_2433 = arith.subi %sign3A_2429, %sign3A_2432 : i32
      %sign3A_2434 = arith.constant 0 : i32
      %sign3A_2435 = arith.cmpi sgt, %jit3A_2425, %sign3A_2434 : i32
      %sign3A_2436 = arith.extui %sign3A_2435 : i1 to i32
      %sign3A_2437 = arith.constant 0 : i32
      %sign3A_2438 = arith.cmpi slt, %jit3A_2425, %sign3A_2437 : i32
      %sign3A_2439 = arith.extui %sign3A_2438 : i1 to i32
      %sign3A_2440 = arith.subi %sign3A_2436, %sign3A_2439 : i32
      %ne3A_2441 = arith.cmpi ne, %sign3A_2433, %sign3A_2440 : i32
      %rem3A_2442 = arith.remsi %add3A_2424, %jit3A_2425 : i32
      %ne3A_2443 = arith.constant 0 : i32
      %ne3A_2444 = arith.cmpi ne, %rem3A_2442, %ne3A_2443 : i32
      %and3A_2445 = arith.andi %ne3A_2441, %ne3A_2444 : i1
      %sub3A_2446 = arith.constant 1 : i32
      %sub3A_2447 = arith.subi %div3A_2426, %sub3A_2446 : i32
      %select_n3A_2448 = arith.select %and3A_2445, %sub3A_2447, %div3A_2426 : i32
      %jit3A_2449 = arith.constant 8192 : i32
      %eq3A_2450 = arith.constant 0 : i32
      %eq3A_2451 = arith.cmpi eq, %jit3A_2449, %eq3A_2450 : i32
      %jit3A_2452 = arith.constant 1 : i32
      %select_n3A_2453 = arith.select %eq3A_2451, %jit3A_2452, %jit3A_2449 : i32
      %rem3A_2454 = arith.remsi %add3A_2424, %select_n3A_2453 : i32
      %ne3A_2455 = arith.constant 0 : i32
      %ne3A_2456 = arith.cmpi ne, %rem3A_2454, %ne3A_2455 : i32
      %lt3A_2457 = arith.constant 0 : i32
      %lt3A_2458 = arith.cmpi slt, %rem3A_2454, %lt3A_2457 : i32
      %lt3A_2459 = arith.constant 0 : i32
      %lt3A_2460 = arith.cmpi slt, %select_n3A_2453, %lt3A_2459 : i32
      %ne3A_2461 = arith.xori %lt3A_2458, %lt3A_2460 : i1
      %and3A_2462 = arith.andi %ne3A_2461, %ne3A_2456 : i1
      %add3A_2463 = arith.addi %rem3A_2454, %select_n3A_2453 : i32
      %select_n3A_2464 = arith.select %and3A_2462, %add3A_2463, %rem3A_2454 : i32
      %dma_wait3A_2465 = arith.constant 1 : i32
      %dma_wait3A_2466 = arith.constant 0 : i32
      %dma_wait3A_2467 = arith.constant 0 : i32
      %dma_wait3A_2468 = tpu.memref_slice %arg6[%dma_wait3A_2465, %dma_wait3A_2466, %dma_wait3A_2467] : memref<7x16x1024xf32, #tpu.memory_space<vmem>> -> memref<1x16x1024xf32, #tpu.memory_space<vmem>>
      %dma_wait3A_2469 = tpu.memref_squeeze %dma_wait3A_2468 : memref<1x16x1024xf32, #tpu.memory_space<vmem>> -> memref<16x1024xf32, #tpu.memory_space<vmem>>
      %dma_wait3A_2470 = arith.constant 0 : i32
      %dma_wait3A_2471 = tpu.memref_slice %arg4[%select_n3A_2448, %select_n3A_2464, %dma_wait3A_2470] : memref<4x8192x1024xf32, #tpu.memory_space<hbm>> -> memref<1x16x1024xf32, #tpu.memory_space<hbm>>
      %dma_wait3A_2472 = tpu.memref_squeeze %dma_wait3A_2471 : memref<1x16x1024xf32, #tpu.memory_space<hbm>> -> memref<16x1024xf32, #tpu.memory_space<hbm>>
      %dma_wait3A_2473 = arith.constant 0 : i32
      %dma_wait3A_2474 = tpu.memref_slice %arg4[%select_n3A_2448, %select_n3A_2464, %dma_wait3A_2473] : memref<4x8192x1024xf32, #tpu.memory_space<hbm>> -> memref<1x16x1024xf32, #tpu.memory_space<hbm>>
      %dma_wait3A_2475 = tpu.memref_squeeze %dma_wait3A_2474 : memref<1x16x1024xf32, #tpu.memory_space<hbm>> -> memref<16x1024xf32, #tpu.memory_space<hbm>>
      %dma_wait3A_2476 = arith.constant 0 : i32
      %dma_wait3A_2477 = arith.constant 0 : i32
      %dma_wait3A_2478 = tpu.memref_slice %arg6[%dma_wait3A_2465, %dma_wait3A_2476, %dma_wait3A_2477] : memref<7x16x1024xf32, #tpu.memory_space<vmem>> -> memref<1x16x1024xf32, #tpu.memory_space<vmem>>
      %dma_wait3A_2479 = tpu.memref_squeeze %dma_wait3A_2478 : memref<1x16x1024xf32, #tpu.memory_space<vmem>> -> memref<16x1024xf32, #tpu.memory_space<vmem>>
      tpu.wait_dma2 semaphore(%arg15 : memref<!tpu.dma_semaphore, #tpu.memory_space<semaphore_mem>>) src(%dma_wait3A_2479 : memref<16x1024xf32, #tpu.memory_space<vmem>>) dst(%dma_wait3A_2475 : memref<16x1024xf32, #tpu.memory_space<hbm>>)
      %add3A_2480 = arith.constant 7 : i32
      %add3A_2481 = arith.addi %add3A_2350, %add3A_2480 : i32
      %sub3A_2482 = arith.constant 1 : i32
      %sub3A_2483 = arith.subi %add3A_2481, %sub3A_2482 : i32
      %mul3A_2484 = arith.constant 16 : i32
      %mul3A_2485 = arith.muli %sub3A_2483, %mul3A_2484 : i32
      %dma_start3A_2486 = arith.constant 1 : i32
      %dma_start3A_2487 = arith.constant 0 : i32
      %dma_start3A_2488 = arith.constant 0 : i32
      %dma_start3A_2489 = tpu.memref_slice %arg6[%dma_start3A_2486, %dma_start3A_2487, %dma_start3A_2488] : memref<7x16x1024xf32, #tpu.memory_space<vmem>> -> memref<1x16x1024xf32, #tpu.memory_space<vmem>>
      %dma_start3A_2490 = tpu.memref_squeeze %dma_start3A_2489 : memref<1x16x1024xf32, #tpu.memory_space<vmem>> -> memref<16x1024xf32, #tpu.memory_space<vmem>>
      %dma_start3A_2491 = tpu.memref_slice %arg5[%mul3A_2485] : memref<1024xi32, #tpu.memory_space<vmem>> -> memref<16xi32, #tpu.memory_space<vmem>>
      %dma_start3A_2492 = arith.constant 0 : i32
      %dma_start3A_2493 = arith.constant 0 : i32
      %dma_start3A_2494 = tpu.memref_slice %arg3[%dma_start3A_2492, %dma_start3A_2493] : memref<8192x1024xf32, #tpu.memory_space<hbm>> -> memref<8192x1024xf32, #tpu.memory_space<hbm>>
      tpu.enqueue_indirect_dma source(%dma_start3A_2494 : memref<8192x1024xf32, #tpu.memory_space<hbm>>) target(%dma_start3A_2490 : memref<16x1024xf32, #tpu.memory_space<vmem>>) offsets(%dma_start3A_2491 : memref<16xi32, #tpu.memory_space<vmem>>) semaphore(%arg8 : memref<!tpu.dma_semaphore, #tpu.memory_space<semaphore_mem>>)
      %mul3A_2495 = arith.constant 7 : i32
      %mul3A_2496 = arith.muli %scan3A_2049, %mul3A_2495 : i32
      %add3A_2497 = arith.constant 3 : i32
      %add3A_2498 = arith.addi %mul3A_2496, %add3A_2497 : i32
      %mul3A_2499 = arith.constant 16 : i32
      %mul3A_2500 = arith.muli %add3A_2498, %mul3A_2499 : i32
      %dma_wait3A_2501 = arith.constant 3 : i32
      %dma_wait3A_2502 = arith.constant 0 : i32
      %dma_wait3A_2503 = arith.constant 0 : i32
      %dma_wait3A_2504 = tpu.memref_slice %arg6[%dma_wait3A_2501, %dma_wait3A_2502, %dma_wait3A_2503] : memref<7x16x1024xf32, #tpu.memory_space<vmem>> -> memref<1x16x1024xf32, #tpu.memory_space<vmem>>
      %dma_wait3A_2505 = tpu.memref_squeeze %dma_wait3A_2504 : memref<1x16x1024xf32, #tpu.memory_space<vmem>> -> memref<16x1024xf32, #tpu.memory_space<vmem>>
      %dma_wait3A_2506 = tpu.memref_slice %arg5[%mul3A_2500] : memref<1024xi32, #tpu.memory_space<vmem>> -> memref<16xi32, #tpu.memory_space<vmem>>
      %dma_wait3A_2507 = arith.constant 0 : i32
      %dma_wait3A_2508 = arith.constant 0 : i32
      %dma_wait3A_2509 = tpu.memref_slice %arg3[%dma_wait3A_2507, %dma_wait3A_2508] : memref<8192x1024xf32, #tpu.memory_space<hbm>> -> memref<8192x1024xf32, #tpu.memory_space<hbm>>
      tpu.wait_indirect_dma semaphore(%arg10 : memref<!tpu.dma_semaphore, #tpu.memory_space<semaphore_mem>>) src(%dma_wait3A_2509 : memref<8192x1024xf32, #tpu.memory_space<hbm>>) dst(%dma_wait3A_2505 : memref<16x1024xf32, #tpu.memory_space<vmem>>)
      %mul3A_2510 = arith.constant 16 : i32
      %mul3A_2511 = arith.muli %add3A_2498, %mul3A_2510 : i32
      %add3A_2512 = arith.addi %mul3A_2, %mul3A_2511 : i32
      %jit3A_2513 = arith.constant 8192 : i32
      %div3A_2514 = arith.divsi %add3A_2512, %jit3A_2513 : i32
      %sign3A_2515 = arith.constant 0 : i32
      %sign3A_2516 = arith.cmpi sgt, %add3A_2512, %sign3A_2515 : i32
      %sign3A_2517 = arith.extui %sign3A_2516 : i1 to i32
      %sign3A_2518 = arith.constant 0 : i32
      %sign3A_2519 = arith.cmpi slt, %add3A_2512, %sign3A_2518 : i32
      %sign3A_2520 = arith.extui %sign3A_2519 : i1 to i32
      %sign3A_2521 = arith.subi %sign3A_2517, %sign3A_2520 : i32
      %sign3A_2522 = arith.constant 0 : i32
      %sign3A_2523 = arith.cmpi sgt, %jit3A_2513, %sign3A_2522 : i32
      %sign3A_2524 = arith.extui %sign3A_2523 : i1 to i32
      %sign3A_2525 = arith.constant 0 : i32
      %sign3A_2526 = arith.cmpi slt, %jit3A_2513, %sign3A_2525 : i32
      %sign3A_2527 = arith.extui %sign3A_2526 : i1 to i32
      %sign3A_2528 = arith.subi %sign3A_2524, %sign3A_2527 : i32
      %ne3A_2529 = arith.cmpi ne, %sign3A_2521, %sign3A_2528 : i32
      %rem3A_2530 = arith.remsi %add3A_2512, %jit3A_2513 : i32
      %ne3A_2531 = arith.constant 0 : i32
      %ne3A_2532 = arith.cmpi ne, %rem3A_2530, %ne3A_2531 : i32
      %and3A_2533 = arith.andi %ne3A_2529, %ne3A_2532 : i1
      %sub3A_2534 = arith.constant 1 : i32
      %sub3A_2535 = arith.subi %div3A_2514, %sub3A_2534 : i32
      %select_n3A_2536 = arith.select %and3A_2533, %sub3A_2535, %div3A_2514 : i32
      %jit3A_2537 = arith.constant 8192 : i32
      %eq3A_2538 = arith.constant 0 : i32
      %eq3A_2539 = arith.cmpi eq, %jit3A_2537, %eq3A_2538 : i32
      %jit3A_2540 = arith.constant 1 : i32
      %select_n3A_2541 = arith.select %eq3A_2539, %jit3A_2540, %jit3A_2537 : i32
      %rem3A_2542 = arith.remsi %add3A_2512, %select_n3A_2541 : i32
      %ne3A_2543 = arith.constant 0 : i32
      %ne3A_2544 = arith.cmpi ne, %rem3A_2542, %ne3A_2543 : i32
      %lt3A_2545 = arith.constant 0 : i32
      %lt3A_2546 = arith.cmpi slt, %rem3A_2542, %lt3A_2545 : i32
      %lt3A_2547 = arith.constant 0 : i32
      %lt3A_2548 = arith.cmpi slt, %select_n3A_2541, %lt3A_2547 : i32
      %ne3A_2549 = arith.xori %lt3A_2546, %lt3A_2548 : i1
      %and3A_2550 = arith.andi %ne3A_2549, %ne3A_2544 : i1
      %add3A_2551 = arith.addi %rem3A_2542, %select_n3A_2541 : i32
      %select_n3A_2552 = arith.select %and3A_2550, %add3A_2551, %rem3A_2542 : i32
      %dma_start3A_2553 = arith.constant 3 : i32
      %dma_start3A_2554 = arith.constant 0 : i32
      %dma_start3A_2555 = arith.constant 0 : i32
      %dma_start3A_2556 = tpu.memref_slice %arg6[%dma_start3A_2553, %dma_start3A_2554, %dma_start3A_2555] : memref<7x16x1024xf32, #tpu.memory_space<vmem>> -> memref<1x16x1024xf32, #tpu.memory_space<vmem>>
      %dma_start3A_2557 = tpu.memref_squeeze %dma_start3A_2556 : memref<1x16x1024xf32, #tpu.memory_space<vmem>> -> memref<16x1024xf32, #tpu.memory_space<vmem>>
      %dma_start3A_2558 = arith.constant 0 : i32
      %dma_start3A_2559 = tpu.memref_slice %arg4[%select_n3A_2536, %select_n3A_2552, %dma_start3A_2558] : memref<4x8192x1024xf32, #tpu.memory_space<hbm>> -> memref<1x16x1024xf32, #tpu.memory_space<hbm>>
      %dma_start3A_2560 = tpu.memref_squeeze %dma_start3A_2559 : memref<1x16x1024xf32, #tpu.memory_space<hbm>> -> memref<16x1024xf32, #tpu.memory_space<hbm>>
      %dma_start3A_2561 = arith.constant 0 : i32
      %dma_start3A_2562 = tpu.memref_slice %arg4[%select_n3A_2536, %select_n3A_2552, %dma_start3A_2561] : memref<4x8192x1024xf32, #tpu.memory_space<hbm>> -> memref<1x16x1024xf32, #tpu.memory_space<hbm>>
      %dma_start3A_2563 = tpu.memref_squeeze %dma_start3A_2562 : memref<1x16x1024xf32, #tpu.memory_space<hbm>> -> memref<16x1024xf32, #tpu.memory_space<hbm>>
      %dma_start3A_2564 = arith.constant 0 : i32
      %dma_start3A_2565 = arith.constant 0 : i32
      %dma_start3A_2566 = tpu.memref_slice %arg6[%dma_start3A_2553, %dma_start3A_2564, %dma_start3A_2565] : memref<7x16x1024xf32, #tpu.memory_space<vmem>> -> memref<1x16x1024xf32, #tpu.memory_space<vmem>>
      %dma_start3A_2567 = tpu.memref_squeeze %dma_start3A_2566 : memref<1x16x1024xf32, #tpu.memory_space<vmem>> -> memref<16x1024xf32, #tpu.memory_space<vmem>>
      tpu.enqueue_dma source(%dma_start3A_2567 : memref<16x1024xf32, #tpu.memory_space<vmem>>) target(%dma_start3A_2563 : memref<16x1024xf32, #tpu.memory_space<hbm>>) target_semaphore(%arg17 : memref<!tpu.dma_semaphore, #tpu.memory_space<semaphore_mem>>)
      %sub3A_2568 = arith.constant 1 : i32
      %sub3A_2569 = arith.subi %add3A_2498, %sub3A_2568 : i32
      %mul3A_2570 = arith.constant 16 : i32
      %mul3A_2571 = arith.muli %sub3A_2569, %mul3A_2570 : i32
      %add3A_2572 = arith.addi %mul3A_2, %mul3A_2571 : i32
      %jit3A_2573 = arith.constant 8192 : i32
      %div3A_2574 = arith.divsi %add3A_2572, %jit3A_2573 : i32
      %sign3A_2575 = arith.constant 0 : i32
      %sign3A_2576 = arith.cmpi sgt, %add3A_2572, %sign3A_2575 : i32
      %sign3A_2577 = arith.extui %sign3A_2576 : i1 to i32
      %sign3A_2578 = arith.constant 0 : i32
      %sign3A_2579 = arith.cmpi slt, %add3A_2572, %sign3A_2578 : i32
      %sign3A_2580 = arith.extui %sign3A_2579 : i1 to i32
      %sign3A_2581 = arith.subi %sign3A_2577, %sign3A_2580 : i32
      %sign3A_2582 = arith.constant 0 : i32
      %sign3A_2583 = arith.cmpi sgt, %jit3A_2573, %sign3A_2582 : i32
      %sign3A_2584 = arith.extui %sign3A_2583 : i1 to i32
      %sign3A_2585 = arith.constant 0 : i32
      %sign3A_2586 = arith.cmpi slt, %jit3A_2573, %sign3A_2585 : i32
      %sign3A_2587 = arith.extui %sign3A_2586 : i1 to i32
      %sign3A_2588 = arith.subi %sign3A_2584, %sign3A_2587 : i32
      %ne3A_2589 = arith.cmpi ne, %sign3A_2581, %sign3A_2588 : i32
      %rem3A_2590 = arith.remsi %add3A_2572, %jit3A_2573 : i32
      %ne3A_2591 = arith.constant 0 : i32
      %ne3A_2592 = arith.cmpi ne, %rem3A_2590, %ne3A_2591 : i32
      %and3A_2593 = arith.andi %ne3A_2589, %ne3A_2592 : i1
      %sub3A_2594 = arith.constant 1 : i32
      %sub3A_2595 = arith.subi %div3A_2574, %sub3A_2594 : i32
      %select_n3A_2596 = arith.select %and3A_2593, %sub3A_2595, %div3A_2574 : i32
      %jit3A_2597 = arith.constant 8192 : i32
      %eq3A_2598 = arith.constant 0 : i32
      %eq3A_2599 = arith.cmpi eq, %jit3A_2597, %eq3A_2598 : i32
      %jit3A_2600 = arith.constant 1 : i32
      %select_n3A_2601 = arith.select %eq3A_2599, %jit3A_2600, %jit3A_2597 : i32
      %rem3A_2602 = arith.remsi %add3A_2572, %select_n3A_2601 : i32
      %ne3A_2603 = arith.constant 0 : i32
      %ne3A_2604 = arith.cmpi ne, %rem3A_2602, %ne3A_2603 : i32
      %lt3A_2605 = arith.constant 0 : i32
      %lt3A_2606 = arith.cmpi slt, %rem3A_2602, %lt3A_2605 : i32
      %lt3A_2607 = arith.constant 0 : i32
      %lt3A_2608 = arith.cmpi slt, %select_n3A_2601, %lt3A_2607 : i32
      %ne3A_2609 = arith.xori %lt3A_2606, %lt3A_2608 : i1
      %and3A_2610 = arith.andi %ne3A_2609, %ne3A_2604 : i1
      %add3A_2611 = arith.addi %rem3A_2602, %select_n3A_2601 : i32
      %select_n3A_2612 = arith.select %and3A_2610, %add3A_2611, %rem3A_2602 : i32
      %dma_wait3A_2613 = arith.constant 2 : i32
      %dma_wait3A_2614 = arith.constant 0 : i32
      %dma_wait3A_2615 = arith.constant 0 : i32
      %dma_wait3A_2616 = tpu.memref_slice %arg6[%dma_wait3A_2613, %dma_wait3A_2614, %dma_wait3A_2615] : memref<7x16x1024xf32, #tpu.memory_space<vmem>> -> memref<1x16x1024xf32, #tpu.memory_space<vmem>>
      %dma_wait3A_2617 = tpu.memref_squeeze %dma_wait3A_2616 : memref<1x16x1024xf32, #tpu.memory_space<vmem>> -> memref<16x1024xf32, #tpu.memory_space<vmem>>
      %dma_wait3A_2618 = arith.constant 0 : i32
      %dma_wait3A_2619 = tpu.memref_slice %arg4[%select_n3A_2596, %select_n3A_2612, %dma_wait3A_2618] : memref<4x8192x1024xf32, #tpu.memory_space<hbm>> -> memref<1x16x1024xf32, #tpu.memory_space<hbm>>
      %dma_wait3A_2620 = tpu.memref_squeeze %dma_wait3A_2619 : memref<1x16x1024xf32, #tpu.memory_space<hbm>> -> memref<16x1024xf32, #tpu.memory_space<hbm>>
      %dma_wait3A_2621 = arith.constant 0 : i32
      %dma_wait3A_2622 = tpu.memref_slice %arg4[%select_n3A_2596, %select_n3A_2612, %dma_wait3A_2621] : memref<4x8192x1024xf32, #tpu.memory_space<hbm>> -> memref<1x16x1024xf32, #tpu.memory_space<hbm>>
      %dma_wait3A_2623 = tpu.memref_squeeze %dma_wait3A_2622 : memref<1x16x1024xf32, #tpu.memory_space<hbm>> -> memref<16x1024xf32, #tpu.memory_space<hbm>>
      %dma_wait3A_2624 = arith.constant 0 : i32
      %dma_wait3A_2625 = arith.constant 0 : i32
      %dma_wait3A_2626 = tpu.memref_slice %arg6[%dma_wait3A_2613, %dma_wait3A_2624, %dma_wait3A_2625] : memref<7x16x1024xf32, #tpu.memory_space<vmem>> -> memref<1x16x1024xf32, #tpu.memory_space<vmem>>
      %dma_wait3A_2627 = tpu.memref_squeeze %dma_wait3A_2626 : memref<1x16x1024xf32, #tpu.memory_space<vmem>> -> memref<16x1024xf32, #tpu.memory_space<vmem>>
      tpu.wait_dma2 semaphore(%arg16 : memref<!tpu.dma_semaphore, #tpu.memory_space<semaphore_mem>>) src(%dma_wait3A_2627 : memref<16x1024xf32, #tpu.memory_space<vmem>>) dst(%dma_wait3A_2623 : memref<16x1024xf32, #tpu.memory_space<hbm>>)
      %add3A_2628 = arith.constant 7 : i32
      %add3A_2629 = arith.addi %add3A_2498, %add3A_2628 : i32
      %sub3A_2630 = arith.constant 1 : i32
      %sub3A_2631 = arith.subi %add3A_2629, %sub3A_2630 : i32
      %mul3A_2632 = arith.constant 16 : i32
      %mul3A_2633 = arith.muli %sub3A_2631, %mul3A_2632 : i32
      %dma_start3A_2634 = arith.constant 2 : i32
      %dma_start3A_2635 = arith.constant 0 : i32
      %dma_start3A_2636 = arith.constant 0 : i32
      %dma_start3A_2637 = tpu.memref_slice %arg6[%dma_start3A_2634, %dma_start3A_2635, %dma_start3A_2636] : memref<7x16x1024xf32, #tpu.memory_space<vmem>> -> memref<1x16x1024xf32, #tpu.memory_space<vmem>>
      %dma_start3A_2638 = tpu.memref_squeeze %dma_start3A_2637 : memref<1x16x1024xf32, #tpu.memory_space<vmem>> -> memref<16x1024xf32, #tpu.memory_space<vmem>>
      %dma_start3A_2639 = tpu.memref_slice %arg5[%mul3A_2633] : memref<1024xi32, #tpu.memory_space<vmem>> -> memref<16xi32, #tpu.memory_space<vmem>>
      %dma_start3A_2640 = arith.constant 0 : i32
      %dma_start3A_2641 = arith.constant 0 : i32
      %dma_start3A_2642 = tpu.memref_slice %arg3[%dma_start3A_2640, %dma_start3A_2641] : memref<8192x1024xf32, #tpu.memory_space<hbm>> -> memref<8192x1024xf32, #tpu.memory_space<hbm>>
      tpu.enqueue_indirect_dma source(%dma_start3A_2642 : memref<8192x1024xf32, #tpu.memory_space<hbm>>) target(%dma_start3A_2638 : memref<16x1024xf32, #tpu.memory_space<vmem>>) offsets(%dma_start3A_2639 : memref<16xi32, #tpu.memory_space<vmem>>) semaphore(%arg9 : memref<!tpu.dma_semaphore, #tpu.memory_space<semaphore_mem>>)
      %mul3A_2643 = arith.constant 7 : i32
      %mul3A_2644 = arith.muli %scan3A_2049, %mul3A_2643 : i32
      %add3A_2645 = arith.constant 4 : i32
      %add3A_2646 = arith.addi %mul3A_2644, %add3A_2645 : i32
      %mul3A_2647 = arith.constant 16 : i32
      %mul3A_2648 = arith.muli %add3A_2646, %mul3A_2647 : i32
      %dma_wait3A_2649 = arith.constant 4 : i32
      %dma_wait3A_2650 = arith.constant 0 : i32
      %dma_wait3A_2651 = arith.constant 0 : i32
      %dma_wait3A_2652 = tpu.memref_slice %arg6[%dma_wait3A_2649, %dma_wait3A_2650, %dma_wait3A_2651] : memref<7x16x1024xf32, #tpu.memory_space<vmem>> -> memref<1x16x1024xf32, #tpu.memory_space<vmem>>
      %dma_wait3A_2653 = tpu.memref_squeeze %dma_wait3A_2652 : memref<1x16x1024xf32, #tpu.memory_space<vmem>> -> memref<16x1024xf32, #tpu.memory_space<vmem>>
      %dma_wait3A_2654 = tpu.memref_slice %arg5[%mul3A_2648] : memref<1024xi32, #tpu.memory_space<vmem>> -> memref<16xi32, #tpu.memory_space<vmem>>
      %dma_wait3A_2655 = arith.constant 0 : i32
      %dma_wait3A_2656 = arith.constant 0 : i32
      %dma_wait3A_2657 = tpu.memref_slice %arg3[%dma_wait3A_2655, %dma_wait3A_2656] : memref<8192x1024xf32, #tpu.memory_space<hbm>> -> memref<8192x1024xf32, #tpu.memory_space<hbm>>
      tpu.wait_indirect_dma semaphore(%arg11 : memref<!tpu.dma_semaphore, #tpu.memory_space<semaphore_mem>>) src(%dma_wait3A_2657 : memref<8192x1024xf32, #tpu.memory_space<hbm>>) dst(%dma_wait3A_2653 : memref<16x1024xf32, #tpu.memory_space<vmem>>)
      %mul3A_2658 = arith.constant 16 : i32
      %mul3A_2659 = arith.muli %add3A_2646, %mul3A_2658 : i32
      %add3A_2660 = arith.addi %mul3A_2, %mul3A_2659 : i32
      %jit3A_2661 = arith.constant 8192 : i32
      %div3A_2662 = arith.divsi %add3A_2660, %jit3A_2661 : i32
      %sign3A_2663 = arith.constant 0 : i32
      %sign3A_2664 = arith.cmpi sgt, %add3A_2660, %sign3A_2663 : i32
      %sign3A_2665 = arith.extui %sign3A_2664 : i1 to i32
      %sign3A_2666 = arith.constant 0 : i32
      %sign3A_2667 = arith.cmpi slt, %add3A_2660, %sign3A_2666 : i32
      %sign3A_2668 = arith.extui %sign3A_2667 : i1 to i32
      %sign3A_2669 = arith.subi %sign3A_2665, %sign3A_2668 : i32
      %sign3A_2670 = arith.constant 0 : i32
      %sign3A_2671 = arith.cmpi sgt, %jit3A_2661, %sign3A_2670 : i32
      %sign3A_2672 = arith.extui %sign3A_2671 : i1 to i32
      %sign3A_2673 = arith.constant 0 : i32
      %sign3A_2674 = arith.cmpi slt, %jit3A_2661, %sign3A_2673 : i32
      %sign3A_2675 = arith.extui %sign3A_2674 : i1 to i32
      %sign3A_2676 = arith.subi %sign3A_2672, %sign3A_2675 : i32
      %ne3A_2677 = arith.cmpi ne, %sign3A_2669, %sign3A_2676 : i32
      %rem3A_2678 = arith.remsi %add3A_2660, %jit3A_2661 : i32
      %ne3A_2679 = arith.constant 0 : i32
      %ne3A_2680 = arith.cmpi ne, %rem3A_2678, %ne3A_2679 : i32
      %and3A_2681 = arith.andi %ne3A_2677, %ne3A_2680 : i1
      %sub3A_2682 = arith.constant 1 : i32
      %sub3A_2683 = arith.subi %div3A_2662, %sub3A_2682 : i32
      %select_n3A_2684 = arith.select %and3A_2681, %sub3A_2683, %div3A_2662 : i32
      %jit3A_2685 = arith.constant 8192 : i32
      %eq3A_2686 = arith.constant 0 : i32
      %eq3A_2687 = arith.cmpi eq, %jit3A_2685, %eq3A_2686 : i32
      %jit3A_2688 = arith.constant 1 : i32
      %select_n3A_2689 = arith.select %eq3A_2687, %jit3A_2688, %jit3A_2685 : i32
      %rem3A_2690 = arith.remsi %add3A_2660, %select_n3A_2689 : i32
      %ne3A_2691 = arith.constant 0 : i32
      %ne3A_2692 = arith.cmpi ne, %rem3A_2690, %ne3A_2691 : i32
      %lt3A_2693 = arith.constant 0 : i32
      %lt3A_2694 = arith.cmpi slt, %rem3A_2690, %lt3A_2693 : i32
      %lt3A_2695 = arith.constant 0 : i32
      %lt3A_2696 = arith.cmpi slt, %select_n3A_2689, %lt3A_2695 : i32
      %ne3A_2697 = arith.xori %lt3A_2694, %lt3A_2696 : i1
      %and3A_2698 = arith.andi %ne3A_2697, %ne3A_2692 : i1
      %add3A_2699 = arith.addi %rem3A_2690, %select_n3A_2689 : i32
      %select_n3A_2700 = arith.select %and3A_2698, %add3A_2699, %rem3A_2690 : i32
      %dma_start3A_2701 = arith.constant 4 : i32
      %dma_start3A_2702 = arith.constant 0 : i32
      %dma_start3A_2703 = arith.constant 0 : i32
      %dma_start3A_2704 = tpu.memref_slice %arg6[%dma_start3A_2701, %dma_start3A_2702, %dma_start3A_2703] : memref<7x16x1024xf32, #tpu.memory_space<vmem>> -> memref<1x16x1024xf32, #tpu.memory_space<vmem>>
      %dma_start3A_2705 = tpu.memref_squeeze %dma_start3A_2704 : memref<1x16x1024xf32, #tpu.memory_space<vmem>> -> memref<16x1024xf32, #tpu.memory_space<vmem>>
      %dma_start3A_2706 = arith.constant 0 : i32
      %dma_start3A_2707 = tpu.memref_slice %arg4[%select_n3A_2684, %select_n3A_2700, %dma_start3A_2706] : memref<4x8192x1024xf32, #tpu.memory_space<hbm>> -> memref<1x16x1024xf32, #tpu.memory_space<hbm>>
      %dma_start3A_2708 = tpu.memref_squeeze %dma_start3A_2707 : memref<1x16x1024xf32, #tpu.memory_space<hbm>> -> memref<16x1024xf32, #tpu.memory_space<hbm>>
      %dma_start3A_2709 = arith.constant 0 : i32
      %dma_start3A_2710 = tpu.memref_slice %arg4[%select_n3A_2684, %select_n3A_2700, %dma_start3A_2709] : memref<4x8192x1024xf32, #tpu.memory_space<hbm>> -> memref<1x16x1024xf32, #tpu.memory_space<hbm>>
      %dma_start3A_2711 = tpu.memref_squeeze %dma_start3A_2710 : memref<1x16x1024xf32, #tpu.memory_space<hbm>> -> memref<16x1024xf32, #tpu.memory_space<hbm>>
      %dma_start3A_2712 = arith.constant 0 : i32
      %dma_start3A_2713 = arith.constant 0 : i32
      %dma_start3A_2714 = tpu.memref_slice %arg6[%dma_start3A_2701, %dma_start3A_2712, %dma_start3A_2713] : memref<7x16x1024xf32, #tpu.memory_space<vmem>> -> memref<1x16x1024xf32, #tpu.memory_space<vmem>>
      %dma_start3A_2715 = tpu.memref_squeeze %dma_start3A_2714 : memref<1x16x1024xf32, #tpu.memory_space<vmem>> -> memref<16x1024xf32, #tpu.memory_space<vmem>>
      tpu.enqueue_dma source(%dma_start3A_2715 : memref<16x1024xf32, #tpu.memory_space<vmem>>) target(%dma_start3A_2711 : memref<16x1024xf32, #tpu.memory_space<hbm>>) target_semaphore(%arg18 : memref<!tpu.dma_semaphore, #tpu.memory_space<semaphore_mem>>)
      %sub3A_2716 = arith.constant 1 : i32
      %sub3A_2717 = arith.subi %add3A_2646, %sub3A_2716 : i32
      %mul3A_2718 = arith.constant 16 : i32
      %mul3A_2719 = arith.muli %sub3A_2717, %mul3A_2718 : i32
      %add3A_2720 = arith.addi %mul3A_2, %mul3A_2719 : i32
      %jit3A_2721 = arith.constant 8192 : i32
      %div3A_2722 = arith.divsi %add3A_2720, %jit3A_2721 : i32
      %sign3A_2723 = arith.constant 0 : i32
      %sign3A_2724 = arith.cmpi sgt, %add3A_2720, %sign3A_2723 : i32
      %sign3A_2725 = arith.extui %sign3A_2724 : i1 to i32
      %sign3A_2726 = arith.constant 0 : i32
      %sign3A_2727 = arith.cmpi slt, %add3A_2720, %sign3A_2726 : i32
      %sign3A_2728 = arith.extui %sign3A_2727 : i1 to i32
      %sign3A_2729 = arith.subi %sign3A_2725, %sign3A_2728 : i32
      %sign3A_2730 = arith.constant 0 : i32
      %sign3A_2731 = arith.cmpi sgt, %jit3A_2721, %sign3A_2730 : i32
      %sign3A_2732 = arith.extui %sign3A_2731 : i1 to i32
      %sign3A_2733 = arith.constant 0 : i32
      %sign3A_2734 = arith.cmpi slt, %jit3A_2721, %sign3A_2733 : i32
      %sign3A_2735 = arith.extui %sign3A_2734 : i1 to i32
      %sign3A_2736 = arith.subi %sign3A_2732, %sign3A_2735 : i32
      %ne3A_2737 = arith.cmpi ne, %sign3A_2729, %sign3A_2736 : i32
      %rem3A_2738 = arith.remsi %add3A_2720, %jit3A_2721 : i32
      %ne3A_2739 = arith.constant 0 : i32
      %ne3A_2740 = arith.cmpi ne, %rem3A_2738, %ne3A_2739 : i32
      %and3A_2741 = arith.andi %ne3A_2737, %ne3A_2740 : i1
      %sub3A_2742 = arith.constant 1 : i32
      %sub3A_2743 = arith.subi %div3A_2722, %sub3A_2742 : i32
      %select_n3A_2744 = arith.select %and3A_2741, %sub3A_2743, %div3A_2722 : i32
      %jit3A_2745 = arith.constant 8192 : i32
      %eq3A_2746 = arith.constant 0 : i32
      %eq3A_2747 = arith.cmpi eq, %jit3A_2745, %eq3A_2746 : i32
      %jit3A_2748 = arith.constant 1 : i32
      %select_n3A_2749 = arith.select %eq3A_2747, %jit3A_2748, %jit3A_2745 : i32
      %rem3A_2750 = arith.remsi %add3A_2720, %select_n3A_2749 : i32
      %ne3A_2751 = arith.constant 0 : i32
      %ne3A_2752 = arith.cmpi ne, %rem3A_2750, %ne3A_2751 : i32
      %lt3A_2753 = arith.constant 0 : i32
      %lt3A_2754 = arith.cmpi slt, %rem3A_2750, %lt3A_2753 : i32
      %lt3A_2755 = arith.constant 0 : i32
      %lt3A_2756 = arith.cmpi slt, %select_n3A_2749, %lt3A_2755 : i32
      %ne3A_2757 = arith.xori %lt3A_2754, %lt3A_2756 : i1
      %and3A_2758 = arith.andi %ne3A_2757, %ne3A_2752 : i1
      %add3A_2759 = arith.addi %rem3A_2750, %select_n3A_2749 : i32
      %select_n3A_2760 = arith.select %and3A_2758, %add3A_2759, %rem3A_2750 : i32
      %dma_wait3A_2761 = arith.constant 3 : i32
      %dma_wait3A_2762 = arith.constant 0 : i32
      %dma_wait3A_2763 = arith.constant 0 : i32
      %dma_wait3A_2764 = tpu.memref_slice %arg6[%dma_wait3A_2761, %dma_wait3A_2762, %dma_wait3A_2763] : memref<7x16x1024xf32, #tpu.memory_space<vmem>> -> memref<1x16x1024xf32, #tpu.memory_space<vmem>>
      %dma_wait3A_2765 = tpu.memref_squeeze %dma_wait3A_2764 : memref<1x16x1024xf32, #tpu.memory_space<vmem>> -> memref<16x1024xf32, #tpu.memory_space<vmem>>
      %dma_wait3A_2766 = arith.constant 0 : i32
      %dma_wait3A_2767 = tpu.memref_slice %arg4[%select_n3A_2744, %select_n3A_2760, %dma_wait3A_2766] : memref<4x8192x1024xf32, #tpu.memory_space<hbm>> -> memref<1x16x1024xf32, #tpu.memory_space<hbm>>
      %dma_wait3A_2768 = tpu.memref_squeeze %dma_wait3A_2767 : memref<1x16x1024xf32, #tpu.memory_space<hbm>> -> memref<16x1024xf32, #tpu.memory_space<hbm>>
      %dma_wait3A_2769 = arith.constant 0 : i32
      %dma_wait3A_2770 = tpu.memref_slice %arg4[%select_n3A_2744, %select_n3A_2760, %dma_wait3A_2769] : memref<4x8192x1024xf32, #tpu.memory_space<hbm>> -> memref<1x16x1024xf32, #tpu.memory_space<hbm>>
      %dma_wait3A_2771 = tpu.memref_squeeze %dma_wait3A_2770 : memref<1x16x1024xf32, #tpu.memory_space<hbm>> -> memref<16x1024xf32, #tpu.memory_space<hbm>>
      %dma_wait3A_2772 = arith.constant 0 : i32
      %dma_wait3A_2773 = arith.constant 0 : i32
      %dma_wait3A_2774 = tpu.memref_slice %arg6[%dma_wait3A_2761, %dma_wait3A_2772, %dma_wait3A_2773] : memref<7x16x1024xf32, #tpu.memory_space<vmem>> -> memref<1x16x1024xf32, #tpu.memory_space<vmem>>
      %dma_wait3A_2775 = tpu.memref_squeeze %dma_wait3A_2774 : memref<1x16x1024xf32, #tpu.memory_space<vmem>> -> memref<16x1024xf32, #tpu.memory_space<vmem>>
      tpu.wait_dma2 semaphore(%arg17 : memref<!tpu.dma_semaphore, #tpu.memory_space<semaphore_mem>>) src(%dma_wait3A_2775 : memref<16x1024xf32, #tpu.memory_space<vmem>>) dst(%dma_wait3A_2771 : memref<16x1024xf32, #tpu.memory_space<hbm>>)
      %add3A_2776 = arith.constant 7 : i32
      %add3A_2777 = arith.addi %add3A_2646, %add3A_2776 : i32
      %sub3A_2778 = arith.constant 1 : i32
      %sub3A_2779 = arith.subi %add3A_2777, %sub3A_2778 : i32
      %mul3A_2780 = arith.constant 16 : i32
      %mul3A_2781 = arith.muli %sub3A_2779, %mul3A_2780 : i32
      %dma_start3A_2782 = arith.constant 3 : i32
      %dma_start3A_2783 = arith.constant 0 : i32
      %dma_start3A_2784 = arith.constant 0 : i32
      %dma_start3A_2785 = tpu.memref_slice %arg6[%dma_start3A_2782, %dma_start3A_2783, %dma_start3A_2784] : memref<7x16x1024xf32, #tpu.memory_space<vmem>> -> memref<1x16x1024xf32, #tpu.memory_space<vmem>>
      %dma_start3A_2786 = tpu.memref_squeeze %dma_start3A_2785 : memref<1x16x1024xf32, #tpu.memory_space<vmem>> -> memref<16x1024xf32, #tpu.memory_space<vmem>>
      %dma_start3A_2787 = tpu.memref_slice %arg5[%mul3A_2781] : memref<1024xi32, #tpu.memory_space<vmem>> -> memref<16xi32, #tpu.memory_space<vmem>>
      %dma_start3A_2788 = arith.constant 0 : i32
      %dma_start3A_2789 = arith.constant 0 : i32
      %dma_start3A_2790 = tpu.memref_slice %arg3[%dma_start3A_2788, %dma_start3A_2789] : memref<8192x1024xf32, #tpu.memory_space<hbm>> -> memref<8192x1024xf32, #tpu.memory_space<hbm>>
      tpu.enqueue_indirect_dma source(%dma_start3A_2790 : memref<8192x1024xf32, #tpu.memory_space<hbm>>) target(%dma_start3A_2786 : memref<16x1024xf32, #tpu.memory_space<vmem>>) offsets(%dma_start3A_2787 : memref<16xi32, #tpu.memory_space<vmem>>) semaphore(%arg10 : memref<!tpu.dma_semaphore, #tpu.memory_space<semaphore_mem>>)
      %mul3A_2791 = arith.constant 7 : i32
      %mul3A_2792 = arith.muli %scan3A_2049, %mul3A_2791 : i32
      %add3A_2793 = arith.constant 5 : i32
      %add3A_2794 = arith.addi %mul3A_2792, %add3A_2793 : i32
      %mul3A_2795 = arith.constant 16 : i32
      %mul3A_2796 = arith.muli %add3A_2794, %mul3A_2795 : i32
      %dma_wait3A_2797 = arith.constant 5 : i32
      %dma_wait3A_2798 = arith.constant 0 : i32
      %dma_wait3A_2799 = arith.constant 0 : i32
      %dma_wait3A_2800 = tpu.memref_slice %arg6[%dma_wait3A_2797, %dma_wait3A_2798, %dma_wait3A_2799] : memref<7x16x1024xf32, #tpu.memory_space<vmem>> -> memref<1x16x1024xf32, #tpu.memory_space<vmem>>
      %dma_wait3A_2801 = tpu.memref_squeeze %dma_wait3A_2800 : memref<1x16x1024xf32, #tpu.memory_space<vmem>> -> memref<16x1024xf32, #tpu.memory_space<vmem>>
      %dma_wait3A_2802 = tpu.memref_slice %arg5[%mul3A_2796] : memref<1024xi32, #tpu.memory_space<vmem>> -> memref<16xi32, #tpu.memory_space<vmem>>
      %dma_wait3A_2803 = arith.constant 0 : i32
      %dma_wait3A_2804 = arith.constant 0 : i32
      %dma_wait3A_2805 = tpu.memref_slice %arg3[%dma_wait3A_2803, %dma_wait3A_2804] : memref<8192x1024xf32, #tpu.memory_space<hbm>> -> memref<8192x1024xf32, #tpu.memory_space<hbm>>
      tpu.wait_indirect_dma semaphore(%arg12 : memref<!tpu.dma_semaphore, #tpu.memory_space<semaphore_mem>>) src(%dma_wait3A_2805 : memref<8192x1024xf32, #tpu.memory_space<hbm>>) dst(%dma_wait3A_2801 : memref<16x1024xf32, #tpu.memory_space<vmem>>)
      %mul3A_2806 = arith.constant 16 : i32
      %mul3A_2807 = arith.muli %add3A_2794, %mul3A_2806 : i32
      %add3A_2808 = arith.addi %mul3A_2, %mul3A_2807 : i32
      %jit3A_2809 = arith.constant 8192 : i32
      %div3A_2810 = arith.divsi %add3A_2808, %jit3A_2809 : i32
      %sign3A_2811 = arith.constant 0 : i32
      %sign3A_2812 = arith.cmpi sgt, %add3A_2808, %sign3A_2811 : i32
      %sign3A_2813 = arith.extui %sign3A_2812 : i1 to i32
      %sign3A_2814 = arith.constant 0 : i32
      %sign3A_2815 = arith.cmpi slt, %add3A_2808, %sign3A_2814 : i32
      %sign3A_2816 = arith.extui %sign3A_2815 : i1 to i32
      %sign3A_2817 = arith.subi %sign3A_2813, %sign3A_2816 : i32
      %sign3A_2818 = arith.constant 0 : i32
      %sign3A_2819 = arith.cmpi sgt, %jit3A_2809, %sign3A_2818 : i32
      %sign3A_2820 = arith.extui %sign3A_2819 : i1 to i32
      %sign3A_2821 = arith.constant 0 : i32
      %sign3A_2822 = arith.cmpi slt, %jit3A_2809, %sign3A_2821 : i32
      %sign3A_2823 = arith.extui %sign3A_2822 : i1 to i32
      %sign3A_2824 = arith.subi %sign3A_2820, %sign3A_2823 : i32
      %ne3A_2825 = arith.cmpi ne, %sign3A_2817, %sign3A_2824 : i32
      %rem3A_2826 = arith.remsi %add3A_2808, %jit3A_2809 : i32
      %ne3A_2827 = arith.constant 0 : i32
      %ne3A_2828 = arith.cmpi ne, %rem3A_2826, %ne3A_2827 : i32
      %and3A_2829 = arith.andi %ne3A_2825, %ne3A_2828 : i1
      %sub3A_2830 = arith.constant 1 : i32
      %sub3A_2831 = arith.subi %div3A_2810, %sub3A_2830 : i32
      %select_n3A_2832 = arith.select %and3A_2829, %sub3A_2831, %div3A_2810 : i32
      %jit3A_2833 = arith.constant 8192 : i32
      %eq3A_2834 = arith.constant 0 : i32
      %eq3A_2835 = arith.cmpi eq, %jit3A_2833, %eq3A_2834 : i32
      %jit3A_2836 = arith.constant 1 : i32
      %select_n3A_2837 = arith.select %eq3A_2835, %jit3A_2836, %jit3A_2833 : i32
      %rem3A_2838 = arith.remsi %add3A_2808, %select_n3A_2837 : i32
      %ne3A_2839 = arith.constant 0 : i32
      %ne3A_2840 = arith.cmpi ne, %rem3A_2838, %ne3A_2839 : i32
      %lt3A_2841 = arith.constant 0 : i32
      %lt3A_2842 = arith.cmpi slt, %rem3A_2838, %lt3A_2841 : i32
      %lt3A_2843 = arith.constant 0 : i32
      %lt3A_2844 = arith.cmpi slt, %select_n3A_2837, %lt3A_2843 : i32
      %ne3A_2845 = arith.xori %lt3A_2842, %lt3A_2844 : i1
      %and3A_2846 = arith.andi %ne3A_2845, %ne3A_2840 : i1
      %add3A_2847 = arith.addi %rem3A_2838, %select_n3A_2837 : i32
      %select_n3A_2848 = arith.select %and3A_2846, %add3A_2847, %rem3A_2838 : i32
      %dma_start3A_2849 = arith.constant 5 : i32
      %dma_start3A_2850 = arith.constant 0 : i32
      %dma_start3A_2851 = arith.constant 0 : i32
      %dma_start3A_2852 = tpu.memref_slice %arg6[%dma_start3A_2849, %dma_start3A_2850, %dma_start3A_2851] : memref<7x16x1024xf32, #tpu.memory_space<vmem>> -> memref<1x16x1024xf32, #tpu.memory_space<vmem>>
      %dma_start3A_2853 = tpu.memref_squeeze %dma_start3A_2852 : memref<1x16x1024xf32, #tpu.memory_space<vmem>> -> memref<16x1024xf32, #tpu.memory_space<vmem>>
      %dma_start3A_2854 = arith.constant 0 : i32
      %dma_start3A_2855 = tpu.memref_slice %arg4[%select_n3A_2832, %select_n3A_2848, %dma_start3A_2854] : memref<4x8192x1024xf32, #tpu.memory_space<hbm>> -> memref<1x16x1024xf32, #tpu.memory_space<hbm>>
      %dma_start3A_2856 = tpu.memref_squeeze %dma_start3A_2855 : memref<1x16x1024xf32, #tpu.memory_space<hbm>> -> memref<16x1024xf32, #tpu.memory_space<hbm>>
      %dma_start3A_2857 = arith.constant 0 : i32
      %dma_start3A_2858 = tpu.memref_slice %arg4[%select_n3A_2832, %select_n3A_2848, %dma_start3A_2857] : memref<4x8192x1024xf32, #tpu.memory_space<hbm>> -> memref<1x16x1024xf32, #tpu.memory_space<hbm>>
      %dma_start3A_2859 = tpu.memref_squeeze %dma_start3A_2858 : memref<1x16x1024xf32, #tpu.memory_space<hbm>> -> memref<16x1024xf32, #tpu.memory_space<hbm>>
      %dma_start3A_2860 = arith.constant 0 : i32
      %dma_start3A_2861 = arith.constant 0 : i32
      %dma_start3A_2862 = tpu.memref_slice %arg6[%dma_start3A_2849, %dma_start3A_2860, %dma_start3A_2861] : memref<7x16x1024xf32, #tpu.memory_space<vmem>> -> memref<1x16x1024xf32, #tpu.memory_space<vmem>>
      %dma_start3A_2863 = tpu.memref_squeeze %dma_start3A_2862 : memref<1x16x1024xf32, #tpu.memory_space<vmem>> -> memref<16x1024xf32, #tpu.memory_space<vmem>>
      tpu.enqueue_dma source(%dma_start3A_2863 : memref<16x1024xf32, #tpu.memory_space<vmem>>) target(%dma_start3A_2859 : memref<16x1024xf32, #tpu.memory_space<hbm>>) target_semaphore(%arg19 : memref<!tpu.dma_semaphore, #tpu.memory_space<semaphore_mem>>)
      %sub3A_2864 = arith.constant 1 : i32
      %sub3A_2865 = arith.subi %add3A_2794, %sub3A_2864 : i32
      %mul3A_2866 = arith.constant 16 : i32
      %mul3A_2867 = arith.muli %sub3A_2865, %mul3A_2866 : i32
      %add3A_2868 = arith.addi %mul3A_2, %mul3A_2867 : i32
      %jit3A_2869 = arith.constant 8192 : i32
      %div3A_2870 = arith.divsi %add3A_2868, %jit3A_2869 : i32
      %sign3A_2871 = arith.constant 0 : i32
      %sign3A_2872 = arith.cmpi sgt, %add3A_2868, %sign3A_2871 : i32
      %sign3A_2873 = arith.extui %sign3A_2872 : i1 to i32
      %sign3A_2874 = arith.constant 0 : i32
      %sign3A_2875 = arith.cmpi slt, %add3A_2868, %sign3A_2874 : i32
      %sign3A_2876 = arith.extui %sign3A_2875 : i1 to i32
      %sign3A_2877 = arith.subi %sign3A_2873, %sign3A_2876 : i32
      %sign3A_2878 = arith.constant 0 : i32
      %sign3A_2879 = arith.cmpi sgt, %jit3A_2869, %sign3A_2878 : i32
      %sign3A_2880 = arith.extui %sign3A_2879 : i1 to i32
      %sign3A_2881 = arith.constant 0 : i32
      %sign3A_2882 = arith.cmpi slt, %jit3A_2869, %sign3A_2881 : i32
      %sign3A_2883 = arith.extui %sign3A_2882 : i1 to i32
      %sign3A_2884 = arith.subi %sign3A_2880, %sign3A_2883 : i32
      %ne3A_2885 = arith.cmpi ne, %sign3A_2877, %sign3A_2884 : i32
      %rem3A_2886 = arith.remsi %add3A_2868, %jit3A_2869 : i32
      %ne3A_2887 = arith.constant 0 : i32
      %ne3A_2888 = arith.cmpi ne, %rem3A_2886, %ne3A_2887 : i32
      %and3A_2889 = arith.andi %ne3A_2885, %ne3A_2888 : i1
      %sub3A_2890 = arith.constant 1 : i32
      %sub3A_2891 = arith.subi %div3A_2870, %sub3A_2890 : i32
      %select_n3A_2892 = arith.select %and3A_2889, %sub3A_2891, %div3A_2870 : i32
      %jit3A_2893 = arith.constant 8192 : i32
      %eq3A_2894 = arith.constant 0 : i32
      %eq3A_2895 = arith.cmpi eq, %jit3A_2893, %eq3A_2894 : i32
      %jit3A_2896 = arith.constant 1 : i32
      %select_n3A_2897 = arith.select %eq3A_2895, %jit3A_2896, %jit3A_2893 : i32
      %rem3A_2898 = arith.remsi %add3A_2868, %select_n3A_2897 : i32
      %ne3A_2899 = arith.constant 0 : i32
      %ne3A_2900 = arith.cmpi ne, %rem3A_2898, %ne3A_2899 : i32
      %lt3A_2901 = arith.constant 0 : i32
      %lt3A_2902 = arith.cmpi slt, %rem3A_2898, %lt3A_2901 : i32
      %lt3A_2903 = arith.constant 0 : i32
      %lt3A_2904 = arith.cmpi slt, %select_n3A_2897, %lt3A_2903 : i32
      %ne3A_2905 = arith.xori %lt3A_2902, %lt3A_2904 : i1
      %and3A_2906 = arith.andi %ne3A_2905, %ne3A_2900 : i1
      %add3A_2907 = arith.addi %rem3A_2898, %select_n3A_2897 : i32
      %select_n3A_2908 = arith.select %and3A_2906, %add3A_2907, %rem3A_2898 : i32
      %dma_wait3A_2909 = arith.constant 4 : i32
      %dma_wait3A_2910 = arith.constant 0 : i32
      %dma_wait3A_2911 = arith.constant 0 : i32
      %dma_wait3A_2912 = tpu.memref_slice %arg6[%dma_wait3A_2909, %dma_wait3A_2910, %dma_wait3A_2911] : memref<7x16x1024xf32, #tpu.memory_space<vmem>> -> memref<1x16x1024xf32, #tpu.memory_space<vmem>>
      %dma_wait3A_2913 = tpu.memref_squeeze %dma_wait3A_2912 : memref<1x16x1024xf32, #tpu.memory_space<vmem>> -> memref<16x1024xf32, #tpu.memory_space<vmem>>
      %dma_wait3A_2914 = arith.constant 0 : i32
      %dma_wait3A_2915 = tpu.memref_slice %arg4[%select_n3A_2892, %select_n3A_2908, %dma_wait3A_2914] : memref<4x8192x1024xf32, #tpu.memory_space<hbm>> -> memref<1x16x1024xf32, #tpu.memory_space<hbm>>
      %dma_wait3A_2916 = tpu.memref_squeeze %dma_wait3A_2915 : memref<1x16x1024xf32, #tpu.memory_space<hbm>> -> memref<16x1024xf32, #tpu.memory_space<hbm>>
      %dma_wait3A_2917 = arith.constant 0 : i32
      %dma_wait3A_2918 = tpu.memref_slice %arg4[%select_n3A_2892, %select_n3A_2908, %dma_wait3A_2917] : memref<4x8192x1024xf32, #tpu.memory_space<hbm>> -> memref<1x16x1024xf32, #tpu.memory_space<hbm>>
      %dma_wait3A_2919 = tpu.memref_squeeze %dma_wait3A_2918 : memref<1x16x1024xf32, #tpu.memory_space<hbm>> -> memref<16x1024xf32, #tpu.memory_space<hbm>>
      %dma_wait3A_2920 = arith.constant 0 : i32
      %dma_wait3A_2921 = arith.constant 0 : i32
      %dma_wait3A_2922 = tpu.memref_slice %arg6[%dma_wait3A_2909, %dma_wait3A_2920, %dma_wait3A_2921] : memref<7x16x1024xf32, #tpu.memory_space<vmem>> -> memref<1x16x1024xf32, #tpu.memory_space<vmem>>
      %dma_wait3A_2923 = tpu.memref_squeeze %dma_wait3A_2922 : memref<1x16x1024xf32, #tpu.memory_space<vmem>> -> memref<16x1024xf32, #tpu.memory_space<vmem>>
      tpu.wait_dma2 semaphore(%arg18 : memref<!tpu.dma_semaphore, #tpu.memory_space<semaphore_mem>>) src(%dma_wait3A_2923 : memref<16x1024xf32, #tpu.memory_space<vmem>>) dst(%dma_wait3A_2919 : memref<16x1024xf32, #tpu.memory_space<hbm>>)
      %add3A_2924 = arith.constant 7 : i32
      %add3A_2925 = arith.addi %add3A_2794, %add3A_2924 : i32
      %sub3A_2926 = arith.constant 1 : i32
      %sub3A_2927 = arith.subi %add3A_2925, %sub3A_2926 : i32
      %mul3A_2928 = arith.constant 16 : i32
      %mul3A_2929 = arith.muli %sub3A_2927, %mul3A_2928 : i32
      %dma_start3A_2930 = arith.constant 4 : i32
      %dma_start3A_2931 = arith.constant 0 : i32
      %dma_start3A_2932 = arith.constant 0 : i32
      %dma_start3A_2933 = tpu.memref_slice %arg6[%dma_start3A_2930, %dma_start3A_2931, %dma_start3A_2932] : memref<7x16x1024xf32, #tpu.memory_space<vmem>> -> memref<1x16x1024xf32, #tpu.memory_space<vmem>>
      %dma_start3A_2934 = tpu.memref_squeeze %dma_start3A_2933 : memref<1x16x1024xf32, #tpu.memory_space<vmem>> -> memref<16x1024xf32, #tpu.memory_space<vmem>>
      %dma_start3A_2935 = tpu.memref_slice %arg5[%mul3A_2929] : memref<1024xi32, #tpu.memory_space<vmem>> -> memref<16xi32, #tpu.memory_space<vmem>>
      %dma_start3A_2936 = arith.constant 0 : i32
      %dma_start3A_2937 = arith.constant 0 : i32
      %dma_start3A_2938 = tpu.memref_slice %arg3[%dma_start3A_2936, %dma_start3A_2937] : memref<8192x1024xf32, #tpu.memory_space<hbm>> -> memref<8192x1024xf32, #tpu.memory_space<hbm>>
      tpu.enqueue_indirect_dma source(%dma_start3A_2938 : memref<8192x1024xf32, #tpu.memory_space<hbm>>) target(%dma_start3A_2934 : memref<16x1024xf32, #tpu.memory_space<vmem>>) offsets(%dma_start3A_2935 : memref<16xi32, #tpu.memory_space<vmem>>) semaphore(%arg11 : memref<!tpu.dma_semaphore, #tpu.memory_space<semaphore_mem>>)
      %mul3A_2939 = arith.constant 7 : i32
      %mul3A_2940 = arith.muli %scan3A_2049, %mul3A_2939 : i32
      %add3A_2941 = arith.constant 6 : i32
      %add3A_2942 = arith.addi %mul3A_2940, %add3A_2941 : i32
      %mul3A_2943 = arith.constant 16 : i32
      %mul3A_2944 = arith.muli %add3A_2942, %mul3A_2943 : i32
      %dma_wait3A_2945 = arith.constant 6 : i32
      %dma_wait3A_2946 = arith.constant 0 : i32
      %dma_wait3A_2947 = arith.constant 0 : i32
      %dma_wait3A_2948 = tpu.memref_slice %arg6[%dma_wait3A_2945, %dma_wait3A_2946, %dma_wait3A_2947] : memref<7x16x1024xf32, #tpu.memory_space<vmem>> -> memref<1x16x1024xf32, #tpu.memory_space<vmem>>
      %dma_wait3A_2949 = tpu.memref_squeeze %dma_wait3A_2948 : memref<1x16x1024xf32, #tpu.memory_space<vmem>> -> memref<16x1024xf32, #tpu.memory_space<vmem>>
      %dma_wait3A_2950 = tpu.memref_slice %arg5[%mul3A_2944] : memref<1024xi32, #tpu.memory_space<vmem>> -> memref<16xi32, #tpu.memory_space<vmem>>
      %dma_wait3A_2951 = arith.constant 0 : i32
      %dma_wait3A_2952 = arith.constant 0 : i32
      %dma_wait3A_2953 = tpu.memref_slice %arg3[%dma_wait3A_2951, %dma_wait3A_2952] : memref<8192x1024xf32, #tpu.memory_space<hbm>> -> memref<8192x1024xf32, #tpu.memory_space<hbm>>
      tpu.wait_indirect_dma semaphore(%arg13 : memref<!tpu.dma_semaphore, #tpu.memory_space<semaphore_mem>>) src(%dma_wait3A_2953 : memref<8192x1024xf32, #tpu.memory_space<hbm>>) dst(%dma_wait3A_2949 : memref<16x1024xf32, #tpu.memory_space<vmem>>)
      %mul3A_2954 = arith.constant 16 : i32
      %mul3A_2955 = arith.muli %add3A_2942, %mul3A_2954 : i32
      %add3A_2956 = arith.addi %mul3A_2, %mul3A_2955 : i32
      %jit3A_2957 = arith.constant 8192 : i32
      %div3A_2958 = arith.divsi %add3A_2956, %jit3A_2957 : i32
      %sign3A_2959 = arith.constant 0 : i32
      %sign3A_2960 = arith.cmpi sgt, %add3A_2956, %sign3A_2959 : i32
      %sign3A_2961 = arith.extui %sign3A_2960 : i1 to i32
      %sign3A_2962 = arith.constant 0 : i32
      %sign3A_2963 = arith.cmpi slt, %add3A_2956, %sign3A_2962 : i32
      %sign3A_2964 = arith.extui %sign3A_2963 : i1 to i32
      %sign3A_2965 = arith.subi %sign3A_2961, %sign3A_2964 : i32
      %sign3A_2966 = arith.constant 0 : i32
      %sign3A_2967 = arith.cmpi sgt, %jit3A_2957, %sign3A_2966 : i32
      %sign3A_2968 = arith.extui %sign3A_2967 : i1 to i32
      %sign3A_2969 = arith.constant 0 : i32
      %sign3A_2970 = arith.cmpi slt, %jit3A_2957, %sign3A_2969 : i32
      %sign3A_2971 = arith.extui %sign3A_2970 : i1 to i32
      %sign3A_2972 = arith.subi %sign3A_2968, %sign3A_2971 : i32
      %ne3A_2973 = arith.cmpi ne, %sign3A_2965, %sign3A_2972 : i32
      %rem3A_2974 = arith.remsi %add3A_2956, %jit3A_2957 : i32
      %ne3A_2975 = arith.constant 0 : i32
      %ne3A_2976 = arith.cmpi ne, %rem3A_2974, %ne3A_2975 : i32
      %and3A_2977 = arith.andi %ne3A_2973, %ne3A_2976 : i1
      %sub3A_2978 = arith.constant 1 : i32
      %sub3A_2979 = arith.subi %div3A_2958, %sub3A_2978 : i32
      %select_n3A_2980 = arith.select %and3A_2977, %sub3A_2979, %div3A_2958 : i32
      %jit3A_2981 = arith.constant 8192 : i32
      %eq3A_2982 = arith.constant 0 : i32
      %eq3A_2983 = arith.cmpi eq, %jit3A_2981, %eq3A_2982 : i32
      %jit3A_2984 = arith.constant 1 : i32
      %select_n3A_2985 = arith.select %eq3A_2983, %jit3A_2984, %jit3A_2981 : i32
      %rem3A_2986 = arith.remsi %add3A_2956, %select_n3A_2985 : i32
      %ne3A_2987 = arith.constant 0 : i32
      %ne3A_2988 = arith.cmpi ne, %rem3A_2986, %ne3A_2987 : i32
      %lt3A_2989 = arith.constant 0 : i32
      %lt3A_2990 = arith.cmpi slt, %rem3A_2986, %lt3A_2989 : i32
      %lt3A_2991 = arith.constant 0 : i32
      %lt3A_2992 = arith.cmpi slt, %select_n3A_2985, %lt3A_2991 : i32
      %ne3A_2993 = arith.xori %lt3A_2990, %lt3A_2992 : i1
      %and3A_2994 = arith.andi %ne3A_2993, %ne3A_2988 : i1
      %add3A_2995 = arith.addi %rem3A_2986, %select_n3A_2985 : i32
      %select_n3A_2996 = arith.select %and3A_2994, %add3A_2995, %rem3A_2986 : i32
      %dma_start3A_2997 = arith.constant 6 : i32
      %dma_start3A_2998 = arith.constant 0 : i32
      %dma_start3A_2999 = arith.constant 0 : i32
      %dma_start3A_3000 = tpu.memref_slice %arg6[%dma_start3A_2997, %dma_start3A_2998, %dma_start3A_2999] : memref<7x16x1024xf32, #tpu.memory_space<vmem>> -> memref<1x16x1024xf32, #tpu.memory_space<vmem>>
      %dma_start3A_3001 = tpu.memref_squeeze %dma_start3A_3000 : memref<1x16x1024xf32, #tpu.memory_space<vmem>> -> memref<16x1024xf32, #tpu.memory_space<vmem>>
      %dma_start3A_3002 = arith.constant 0 : i32
      %dma_start3A_3003 = tpu.memref_slice %arg4[%select_n3A_2980, %select_n3A_2996, %dma_start3A_3002] : memref<4x8192x1024xf32, #tpu.memory_space<hbm>> -> memref<1x16x1024xf32, #tpu.memory_space<hbm>>
      %dma_start3A_3004 = tpu.memref_squeeze %dma_start3A_3003 : memref<1x16x1024xf32, #tpu.memory_space<hbm>> -> memref<16x1024xf32, #tpu.memory_space<hbm>>
      %dma_start3A_3005 = arith.constant 0 : i32
      %dma_start3A_3006 = tpu.memref_slice %arg4[%select_n3A_2980, %select_n3A_2996, %dma_start3A_3005] : memref<4x8192x1024xf32, #tpu.memory_space<hbm>> -> memref<1x16x1024xf32, #tpu.memory_space<hbm>>
      %dma_start3A_3007 = tpu.memref_squeeze %dma_start3A_3006 : memref<1x16x1024xf32, #tpu.memory_space<hbm>> -> memref<16x1024xf32, #tpu.memory_space<hbm>>
      %dma_start3A_3008 = arith.constant 0 : i32
      %dma_start3A_3009 = arith.constant 0 : i32
      %dma_start3A_3010 = tpu.memref_slice %arg6[%dma_start3A_2997, %dma_start3A_3008, %dma_start3A_3009] : memref<7x16x1024xf32, #tpu.memory_space<vmem>> -> memref<1x16x1024xf32, #tpu.memory_space<vmem>>
      %dma_start3A_3011 = tpu.memref_squeeze %dma_start3A_3010 : memref<1x16x1024xf32, #tpu.memory_space<vmem>> -> memref<16x1024xf32, #tpu.memory_space<vmem>>
      tpu.enqueue_dma source(%dma_start3A_3011 : memref<16x1024xf32, #tpu.memory_space<vmem>>) target(%dma_start3A_3007 : memref<16x1024xf32, #tpu.memory_space<hbm>>) target_semaphore(%arg20 : memref<!tpu.dma_semaphore, #tpu.memory_space<semaphore_mem>>)
      %sub3A_3012 = arith.constant 1 : i32
      %sub3A_3013 = arith.subi %add3A_2942, %sub3A_3012 : i32
      %mul3A_3014 = arith.constant 16 : i32
      %mul3A_3015 = arith.muli %sub3A_3013, %mul3A_3014 : i32
      %add3A_3016 = arith.addi %mul3A_2, %mul3A_3015 : i32
      %jit3A_3017 = arith.constant 8192 : i32
      %div3A_3018 = arith.divsi %add3A_3016, %jit3A_3017 : i32
      %sign3A_3019 = arith.constant 0 : i32
      %sign3A_3020 = arith.cmpi sgt, %add3A_3016, %sign3A_3019 : i32
      %sign3A_3021 = arith.extui %sign3A_3020 : i1 to i32
      %sign3A_3022 = arith.constant 0 : i32
      %sign3A_3023 = arith.cmpi slt, %add3A_3016, %sign3A_3022 : i32
      %sign3A_3024 = arith.extui %sign3A_3023 : i1 to i32
      %sign3A_3025 = arith.subi %sign3A_3021, %sign3A_3024 : i32
      %sign3A_3026 = arith.constant 0 : i32
      %sign3A_3027 = arith.cmpi sgt, %jit3A_3017, %sign3A_3026 : i32
      %sign3A_3028 = arith.extui %sign3A_3027 : i1 to i32
      %sign3A_3029 = arith.constant 0 : i32
      %sign3A_3030 = arith.cmpi slt, %jit3A_3017, %sign3A_3029 : i32
      %sign3A_3031 = arith.extui %sign3A_3030 : i1 to i32
      %sign3A_3032 = arith.subi %sign3A_3028, %sign3A_3031 : i32
      %ne3A_3033 = arith.cmpi ne, %sign3A_3025, %sign3A_3032 : i32
      %rem3A_3034 = arith.remsi %add3A_3016, %jit3A_3017 : i32
      %ne3A_3035 = arith.constant 0 : i32
      %ne3A_3036 = arith.cmpi ne, %rem3A_3034, %ne3A_3035 : i32
      %and3A_3037 = arith.andi %ne3A_3033, %ne3A_3036 : i1
      %sub3A_3038 = arith.constant 1 : i32
      %sub3A_3039 = arith.subi %div3A_3018, %sub3A_3038 : i32
      %select_n3A_3040 = arith.select %and3A_3037, %sub3A_3039, %div3A_3018 : i32
      %jit3A_3041 = arith.constant 8192 : i32
      %eq3A_3042 = arith.constant 0 : i32
      %eq3A_3043 = arith.cmpi eq, %jit3A_3041, %eq3A_3042 : i32
      %jit3A_3044 = arith.constant 1 : i32
      %select_n3A_3045 = arith.select %eq3A_3043, %jit3A_3044, %jit3A_3041 : i32
      %rem3A_3046 = arith.remsi %add3A_3016, %select_n3A_3045 : i32
      %ne3A_3047 = arith.constant 0 : i32
      %ne3A_3048 = arith.cmpi ne, %rem3A_3046, %ne3A_3047 : i32
      %lt3A_3049 = arith.constant 0 : i32
      %lt3A_3050 = arith.cmpi slt, %rem3A_3046, %lt3A_3049 : i32
      %lt3A_3051 = arith.constant 0 : i32
      %lt3A_3052 = arith.cmpi slt, %select_n3A_3045, %lt3A_3051 : i32
      %ne3A_3053 = arith.xori %lt3A_3050, %lt3A_3052 : i1
      %and3A_3054 = arith.andi %ne3A_3053, %ne3A_3048 : i1
      %add3A_3055 = arith.addi %rem3A_3046, %select_n3A_3045 : i32
      %select_n3A_3056 = arith.select %and3A_3054, %add3A_3055, %rem3A_3046 : i32
      %dma_wait3A_3057 = arith.constant 5 : i32
      %dma_wait3A_3058 = arith.constant 0 : i32
      %dma_wait3A_3059 = arith.constant 0 : i32
      %dma_wait3A_3060 = tpu.memref_slice %arg6[%dma_wait3A_3057, %dma_wait3A_3058, %dma_wait3A_3059] : memref<7x16x1024xf32, #tpu.memory_space<vmem>> -> memref<1x16x1024xf32, #tpu.memory_space<vmem>>
      %dma_wait3A_3061 = tpu.memref_squeeze %dma_wait3A_3060 : memref<1x16x1024xf32, #tpu.memory_space<vmem>> -> memref<16x1024xf32, #tpu.memory_space<vmem>>
      %dma_wait3A_3062 = arith.constant 0 : i32
      %dma_wait3A_3063 = tpu.memref_slice %arg4[%select_n3A_3040, %select_n3A_3056, %dma_wait3A_3062] : memref<4x8192x1024xf32, #tpu.memory_space<hbm>> -> memref<1x16x1024xf32, #tpu.memory_space<hbm>>
      %dma_wait3A_3064 = tpu.memref_squeeze %dma_wait3A_3063 : memref<1x16x1024xf32, #tpu.memory_space<hbm>> -> memref<16x1024xf32, #tpu.memory_space<hbm>>
      %dma_wait3A_3065 = arith.constant 0 : i32
      %dma_wait3A_3066 = tpu.memref_slice %arg4[%select_n3A_3040, %select_n3A_3056, %dma_wait3A_3065] : memref<4x8192x1024xf32, #tpu.memory_space<hbm>> -> memref<1x16x1024xf32, #tpu.memory_space<hbm>>
      %dma_wait3A_3067 = tpu.memref_squeeze %dma_wait3A_3066 : memref<1x16x1024xf32, #tpu.memory_space<hbm>> -> memref<16x1024xf32, #tpu.memory_space<hbm>>
      %dma_wait3A_3068 = arith.constant 0 : i32
      %dma_wait3A_3069 = arith.constant 0 : i32
      %dma_wait3A_3070 = tpu.memref_slice %arg6[%dma_wait3A_3057, %dma_wait3A_3068, %dma_wait3A_3069] : memref<7x16x1024xf32, #tpu.memory_space<vmem>> -> memref<1x16x1024xf32, #tpu.memory_space<vmem>>
      %dma_wait3A_3071 = tpu.memref_squeeze %dma_wait3A_3070 : memref<1x16x1024xf32, #tpu.memory_space<vmem>> -> memref<16x1024xf32, #tpu.memory_space<vmem>>
      tpu.wait_dma2 semaphore(%arg19 : memref<!tpu.dma_semaphore, #tpu.memory_space<semaphore_mem>>) src(%dma_wait3A_3071 : memref<16x1024xf32, #tpu.memory_space<vmem>>) dst(%dma_wait3A_3067 : memref<16x1024xf32, #tpu.memory_space<hbm>>)
      %add3A_3072 = arith.constant 7 : i32
      %add3A_3073 = arith.addi %add3A_2942, %add3A_3072 : i32
      %sub3A_3074 = arith.constant 1 : i32
      %sub3A_3075 = arith.subi %add3A_3073, %sub3A_3074 : i32
      %mul3A_3076 = arith.constant 16 : i32
      %mul3A_3077 = arith.muli %sub3A_3075, %mul3A_3076 : i32
      %dma_start3A_3078 = arith.constant 5 : i32
      %dma_start3A_3079 = arith.constant 0 : i32
      %dma_start3A_3080 = arith.constant 0 : i32
      %dma_start3A_3081 = tpu.memref_slice %arg6[%dma_start3A_3078, %dma_start3A_3079, %dma_start3A_3080] : memref<7x16x1024xf32, #tpu.memory_space<vmem>> -> memref<1x16x1024xf32, #tpu.memory_space<vmem>>
      %dma_start3A_3082 = tpu.memref_squeeze %dma_start3A_3081 : memref<1x16x1024xf32, #tpu.memory_space<vmem>> -> memref<16x1024xf32, #tpu.memory_space<vmem>>
      %dma_start3A_3083 = tpu.memref_slice %arg5[%mul3A_3077] : memref<1024xi32, #tpu.memory_space<vmem>> -> memref<16xi32, #tpu.memory_space<vmem>>
      %dma_start3A_3084 = arith.constant 0 : i32
      %dma_start3A_3085 = arith.constant 0 : i32
      %dma_start3A_3086 = tpu.memref_slice %arg3[%dma_start3A_3084, %dma_start3A_3085] : memref<8192x1024xf32, #tpu.memory_space<hbm>> -> memref<8192x1024xf32, #tpu.memory_space<hbm>>
      tpu.enqueue_indirect_dma source(%dma_start3A_3086 : memref<8192x1024xf32, #tpu.memory_space<hbm>>) target(%dma_start3A_3082 : memref<16x1024xf32, #tpu.memory_space<vmem>>) offsets(%dma_start3A_3083 : memref<16xi32, #tpu.memory_space<vmem>>) semaphore(%arg12 : memref<!tpu.dma_semaphore, #tpu.memory_space<semaphore_mem>>)
      %scan3A_3087 = arith.constant 0 : i32
      scf.yield %scan3A_3087 : i32
    }
    %scan3A_979 = arith.constant 7 : i32
    %dma_wait3A_980 = arith.constant 0 : i32
    %dma_wait3A_981 = arith.constant 0 : i32
    %dma_wait3A_982 = arith.constant 0 : i32
    %dma_wait3A_983 = tpu.memref_slice %arg6[%dma_wait3A_980, %dma_wait3A_981, %dma_wait3A_982] : memref<7x16x1024xf32, #tpu.memory_space<vmem>> -> memref<1x16x1024xf32, #tpu.memory_space<vmem>>
    %dma_wait3A_984 = tpu.memref_squeeze %dma_wait3A_983 : memref<1x16x1024xf32, #tpu.memory_space<vmem>> -> memref<16x1024xf32, #tpu.memory_space<vmem>>
    %dma_wait3A_985 = arith.constant 896 : i32
    %dma_wait3A_986 = tpu.memref_slice %arg5[%dma_wait3A_985] : memref<1024xi32, #tpu.memory_space<vmem>> -> memref<16xi32, #tpu.memory_space<vmem>>
    %dma_wait3A_987 = arith.constant 0 : i32
    %dma_wait3A_988 = arith.constant 0 : i32
    %dma_wait3A_989 = tpu.memref_slice %arg3[%dma_wait3A_987, %dma_wait3A_988] : memref<8192x1024xf32, #tpu.memory_space<hbm>> -> memref<8192x1024xf32, #tpu.memory_space<hbm>>
    tpu.wait_indirect_dma semaphore(%arg7 : memref<!tpu.dma_semaphore, #tpu.memory_space<semaphore_mem>>) src(%dma_wait3A_989 : memref<8192x1024xf32, #tpu.memory_space<hbm>>) dst(%dma_wait3A_984 : memref<16x1024xf32, #tpu.memory_space<vmem>>)
    %add3A_990 = arith.constant 896 : i32
    %add3A_991 = arith.addi %mul3A_2, %add3A_990 : i32
    %jit3A_992 = arith.constant 8192 : i32
    %div3A_993 = arith.divsi %add3A_991, %jit3A_992 : i32
    %sign3A_994 = arith.constant 0 : i32
    %sign3A_995 = arith.cmpi sgt, %add3A_991, %sign3A_994 : i32
    %sign3A_996 = arith.extui %sign3A_995 : i1 to i32
    %sign3A_997 = arith.constant 0 : i32
    %sign3A_998 = arith.cmpi slt, %add3A_991, %sign3A_997 : i32
    %sign3A_999 = arith.extui %sign3A_998 : i1 to i32
    %sign3A_1000 = arith.subi %sign3A_996, %sign3A_999 : i32
    %sign3A_1001 = arith.constant 0 : i32
    %sign3A_1002 = arith.cmpi sgt, %jit3A_992, %sign3A_1001 : i32
    %sign3A_1003 = arith.extui %sign3A_1002 : i1 to i32
    %sign3A_1004 = arith.constant 0 : i32
    %sign3A_1005 = arith.cmpi slt, %jit3A_992, %sign3A_1004 : i32
    %sign3A_1006 = arith.extui %sign3A_1005 : i1 to i32
    %sign3A_1007 = arith.subi %sign3A_1003, %sign3A_1006 : i32
    %ne3A_1008 = arith.cmpi ne, %sign3A_1000, %sign3A_1007 : i32
    %rem3A_1009 = arith.remsi %add3A_991, %jit3A_992 : i32
    %ne3A_1010 = arith.constant 0 : i32
    %ne3A_1011 = arith.cmpi ne, %rem3A_1009, %ne3A_1010 : i32
    %and3A_1012 = arith.andi %ne3A_1008, %ne3A_1011 : i1
    %sub3A_1013 = arith.constant 1 : i32
    %sub3A_1014 = arith.subi %div3A_993, %sub3A_1013 : i32
    %select_n3A_1015 = arith.select %and3A_1012, %sub3A_1014, %div3A_993 : i32
    %jit3A_1016 = arith.constant 8192 : i32
    %eq3A_1017 = arith.constant 0 : i32
    %eq3A_1018 = arith.cmpi eq, %jit3A_1016, %eq3A_1017 : i32
    %jit3A_1019 = arith.constant 1 : i32
    %select_n3A_1020 = arith.select %eq3A_1018, %jit3A_1019, %jit3A_1016 : i32
    %rem3A_1021 = arith.remsi %add3A_991, %select_n3A_1020 : i32
    %ne3A_1022 = arith.constant 0 : i32
    %ne3A_1023 = arith.cmpi ne, %rem3A_1021, %ne3A_1022 : i32
    %lt3A_1024 = arith.constant 0 : i32
    %lt3A_1025 = arith.cmpi slt, %rem3A_1021, %lt3A_1024 : i32
    %lt3A_1026 = arith.constant 0 : i32
    %lt3A_1027 = arith.cmpi slt, %select_n3A_1020, %lt3A_1026 : i32
    %ne3A_1028 = arith.xori %lt3A_1025, %lt3A_1027 : i1
    %and3A_1029 = arith.andi %ne3A_1028, %ne3A_1023 : i1
    %add3A_1030 = arith.addi %rem3A_1021, %select_n3A_1020 : i32
    %select_n3A_1031 = arith.select %and3A_1029, %add3A_1030, %rem3A_1021 : i32
    %dma_start3A_1032 = arith.constant 0 : i32
    %dma_start3A_1033 = arith.constant 0 : i32
    %dma_start3A_1034 = arith.constant 0 : i32
    %dma_start3A_1035 = tpu.memref_slice %arg6[%dma_start3A_1032, %dma_start3A_1033, %dma_start3A_1034] : memref<7x16x1024xf32, #tpu.memory_space<vmem>> -> memref<1x16x1024xf32, #tpu.memory_space<vmem>>
    %dma_start3A_1036 = tpu.memref_squeeze %dma_start3A_1035 : memref<1x16x1024xf32, #tpu.memory_space<vmem>> -> memref<16x1024xf32, #tpu.memory_space<vmem>>
    %dma_start3A_1037 = arith.constant 0 : i32
    %dma_start3A_1038 = tpu.memref_slice %arg4[%select_n3A_1015, %select_n3A_1031, %dma_start3A_1037] : memref<4x8192x1024xf32, #tpu.memory_space<hbm>> -> memref<1x16x1024xf32, #tpu.memory_space<hbm>>
    %dma_start3A_1039 = tpu.memref_squeeze %dma_start3A_1038 : memref<1x16x1024xf32, #tpu.memory_space<hbm>> -> memref<16x1024xf32, #tpu.memory_space<hbm>>
    %dma_start3A_1040 = arith.constant 0 : i32
    %dma_start3A_1041 = tpu.memref_slice %arg4[%select_n3A_1015, %select_n3A_1031, %dma_start3A_1040] : memref<4x8192x1024xf32, #tpu.memory_space<hbm>> -> memref<1x16x1024xf32, #tpu.memory_space<hbm>>
    %dma_start3A_1042 = tpu.memref_squeeze %dma_start3A_1041 : memref<1x16x1024xf32, #tpu.memory_space<hbm>> -> memref<16x1024xf32, #tpu.memory_space<hbm>>
    %dma_start3A_1043 = arith.constant 0 : i32
    %dma_start3A_1044 = arith.constant 0 : i32
    %dma_start3A_1045 = tpu.memref_slice %arg6[%dma_start3A_1032, %dma_start3A_1043, %dma_start3A_1044] : memref<7x16x1024xf32, #tpu.memory_space<vmem>> -> memref<1x16x1024xf32, #tpu.memory_space<vmem>>
    %dma_start3A_1046 = tpu.memref_squeeze %dma_start3A_1045 : memref<1x16x1024xf32, #tpu.memory_space<vmem>> -> memref<16x1024xf32, #tpu.memory_space<vmem>>
    tpu.enqueue_dma source(%dma_start3A_1046 : memref<16x1024xf32, #tpu.memory_space<vmem>>) target(%dma_start3A_1042 : memref<16x1024xf32, #tpu.memory_space<hbm>>) target_semaphore(%arg14 : memref<!tpu.dma_semaphore, #tpu.memory_space<semaphore_mem>>)
    %add3A_1047 = arith.constant 880 : i32
    %add3A_1048 = arith.addi %mul3A_2, %add3A_1047 : i32
    %jit3A_1049 = arith.constant 8192 : i32
    %div3A_1050 = arith.divsi %add3A_1048, %jit3A_1049 : i32
    %sign3A_1051 = arith.constant 0 : i32
    %sign3A_1052 = arith.cmpi sgt, %add3A_1048, %sign3A_1051 : i32
    %sign3A_1053 = arith.extui %sign3A_1052 : i1 to i32
    %sign3A_1054 = arith.constant 0 : i32
    %sign3A_1055 = arith.cmpi slt, %add3A_1048, %sign3A_1054 : i32
    %sign3A_1056 = arith.extui %sign3A_1055 : i1 to i32
    %sign3A_1057 = arith.subi %sign3A_1053, %sign3A_1056 : i32
    %sign3A_1058 = arith.constant 0 : i32
    %sign3A_1059 = arith.cmpi sgt, %jit3A_1049, %sign3A_1058 : i32
    %sign3A_1060 = arith.extui %sign3A_1059 : i1 to i32
    %sign3A_1061 = arith.constant 0 : i32
    %sign3A_1062 = arith.cmpi slt, %jit3A_1049, %sign3A_1061 : i32
    %sign3A_1063 = arith.extui %sign3A_1062 : i1 to i32
    %sign3A_1064 = arith.subi %sign3A_1060, %sign3A_1063 : i32
    %ne3A_1065 = arith.cmpi ne, %sign3A_1057, %sign3A_1064 : i32
    %rem3A_1066 = arith.remsi %add3A_1048, %jit3A_1049 : i32
    %ne3A_1067 = arith.constant 0 : i32
    %ne3A_1068 = arith.cmpi ne, %rem3A_1066, %ne3A_1067 : i32
    %and3A_1069 = arith.andi %ne3A_1065, %ne3A_1068 : i1
    %sub3A_1070 = arith.constant 1 : i32
    %sub3A_1071 = arith.subi %div3A_1050, %sub3A_1070 : i32
    %select_n3A_1072 = arith.select %and3A_1069, %sub3A_1071, %div3A_1050 : i32
    %jit3A_1073 = arith.constant 8192 : i32
    %eq3A_1074 = arith.constant 0 : i32
    %eq3A_1075 = arith.cmpi eq, %jit3A_1073, %eq3A_1074 : i32
    %jit3A_1076 = arith.constant 1 : i32
    %select_n3A_1077 = arith.select %eq3A_1075, %jit3A_1076, %jit3A_1073 : i32
    %rem3A_1078 = arith.remsi %add3A_1048, %select_n3A_1077 : i32
    %ne3A_1079 = arith.constant 0 : i32
    %ne3A_1080 = arith.cmpi ne, %rem3A_1078, %ne3A_1079 : i32
    %lt3A_1081 = arith.constant 0 : i32
    %lt3A_1082 = arith.cmpi slt, %rem3A_1078, %lt3A_1081 : i32
    %lt3A_1083 = arith.constant 0 : i32
    %lt3A_1084 = arith.cmpi slt, %select_n3A_1077, %lt3A_1083 : i32
    %ne3A_1085 = arith.xori %lt3A_1082, %lt3A_1084 : i1
    %and3A_1086 = arith.andi %ne3A_1085, %ne3A_1080 : i1
    %add3A_1087 = arith.addi %rem3A_1078, %select_n3A_1077 : i32
    %select_n3A_1088 = arith.select %and3A_1086, %add3A_1087, %rem3A_1078 : i32
    %dma_wait3A_1089 = arith.constant 6 : i32
    %dma_wait3A_1090 = arith.constant 0 : i32
    %dma_wait3A_1091 = arith.constant 0 : i32
    %dma_wait3A_1092 = tpu.memref_slice %arg6[%dma_wait3A_1089, %dma_wait3A_1090, %dma_wait3A_1091] : memref<7x16x1024xf32, #tpu.memory_space<vmem>> -> memref<1x16x1024xf32, #tpu.memory_space<vmem>>
    %dma_wait3A_1093 = tpu.memref_squeeze %dma_wait3A_1092 : memref<1x16x1024xf32, #tpu.memory_space<vmem>> -> memref<16x1024xf32, #tpu.memory_space<vmem>>
    %dma_wait3A_1094 = arith.constant 0 : i32
    %dma_wait3A_1095 = tpu.memref_slice %arg4[%select_n3A_1072, %select_n3A_1088, %dma_wait3A_1094] : memref<4x8192x1024xf32, #tpu.memory_space<hbm>> -> memref<1x16x1024xf32, #tpu.memory_space<hbm>>
    %dma_wait3A_1096 = tpu.memref_squeeze %dma_wait3A_1095 : memref<1x16x1024xf32, #tpu.memory_space<hbm>> -> memref<16x1024xf32, #tpu.memory_space<hbm>>
    %dma_wait3A_1097 = arith.constant 0 : i32
    %dma_wait3A_1098 = tpu.memref_slice %arg4[%select_n3A_1072, %select_n3A_1088, %dma_wait3A_1097] : memref<4x8192x1024xf32, #tpu.memory_space<hbm>> -> memref<1x16x1024xf32, #tpu.memory_space<hbm>>
    %dma_wait3A_1099 = tpu.memref_squeeze %dma_wait3A_1098 : memref<1x16x1024xf32, #tpu.memory_space<hbm>> -> memref<16x1024xf32, #tpu.memory_space<hbm>>
    %dma_wait3A_1100 = arith.constant 0 : i32
    %dma_wait3A_1101 = arith.constant 0 : i32
    %dma_wait3A_1102 = tpu.memref_slice %arg6[%dma_wait3A_1089, %dma_wait3A_1100, %dma_wait3A_1101] : memref<7x16x1024xf32, #tpu.memory_space<vmem>> -> memref<1x16x1024xf32, #tpu.memory_space<vmem>>
    %dma_wait3A_1103 = tpu.memref_squeeze %dma_wait3A_1102 : memref<1x16x1024xf32, #tpu.memory_space<vmem>> -> memref<16x1024xf32, #tpu.memory_space<vmem>>
    tpu.wait_dma2 semaphore(%arg20 : memref<!tpu.dma_semaphore, #tpu.memory_space<semaphore_mem>>) src(%dma_wait3A_1103 : memref<16x1024xf32, #tpu.memory_space<vmem>>) dst(%dma_wait3A_1099 : memref<16x1024xf32, #tpu.memory_space<hbm>>)
    %dma_start3A_1104 = arith.constant 6 : i32
    %dma_start3A_1105 = arith.constant 0 : i32
    %dma_start3A_1106 = arith.constant 0 : i32
    %dma_start3A_1107 = tpu.memref_slice %arg6[%dma_start3A_1104, %dma_start3A_1105, %dma_start3A_1106] : memref<7x16x1024xf32, #tpu.memory_space<vmem>> -> memref<1x16x1024xf32, #tpu.memory_space<vmem>>
    %dma_start3A_1108 = tpu.memref_squeeze %dma_start3A_1107 : memref<1x16x1024xf32, #tpu.memory_space<vmem>> -> memref<16x1024xf32, #tpu.memory_space<vmem>>
    %dma_start3A_1109 = arith.constant 992 : i32
    %dma_start3A_1110 = tpu.memref_slice %arg5[%dma_start3A_1109] : memref<1024xi32, #tpu.memory_space<vmem>> -> memref<16xi32, #tpu.memory_space<vmem>>
    %dma_start3A_1111 = arith.constant 0 : i32
    %dma_start3A_1112 = arith.constant 0 : i32
    %dma_start3A_1113 = tpu.memref_slice %arg3[%dma_start3A_1111, %dma_start3A_1112] : memref<8192x1024xf32, #tpu.memory_space<hbm>> -> memref<8192x1024xf32, #tpu.memory_space<hbm>>
    tpu.enqueue_indirect_dma source(%dma_start3A_1113 : memref<8192x1024xf32, #tpu.memory_space<hbm>>) target(%dma_start3A_1108 : memref<16x1024xf32, #tpu.memory_space<vmem>>) offsets(%dma_start3A_1110 : memref<16xi32, #tpu.memory_space<vmem>>) semaphore(%arg13 : memref<!tpu.dma_semaphore, #tpu.memory_space<semaphore_mem>>)
    %dma_wait3A_1114 = arith.constant 1 : i32
    %dma_wait3A_1115 = arith.constant 0 : i32
    %dma_wait3A_1116 = arith.constant 0 : i32
    %dma_wait3A_1117 = tpu.memref_slice %arg6[%dma_wait3A_1114, %dma_wait3A_1115, %dma_wait3A_1116] : memref<7x16x1024xf32, #tpu.memory_space<vmem>> -> memref<1x16x1024xf32, #tpu.memory_space<vmem>>
    %dma_wait3A_1118 = tpu.memref_squeeze %dma_wait3A_1117 : memref<1x16x1024xf32, #tpu.memory_space<vmem>> -> memref<16x1024xf32, #tpu.memory_space<vmem>>
    %dma_wait3A_1119 = arith.constant 912 : i32
    %dma_wait3A_1120 = tpu.memref_slice %arg5[%dma_wait3A_1119] : memref<1024xi32, #tpu.memory_space<vmem>> -> memref<16xi32, #tpu.memory_space<vmem>>
    %dma_wait3A_1121 = arith.constant 0 : i32
    %dma_wait3A_1122 = arith.constant 0 : i32
    %dma_wait3A_1123 = tpu.memref_slice %arg3[%dma_wait3A_1121, %dma_wait3A_1122] : memref<8192x1024xf32, #tpu.memory_space<hbm>> -> memref<8192x1024xf32, #tpu.memory_space<hbm>>
    tpu.wait_indirect_dma semaphore(%arg8 : memref<!tpu.dma_semaphore, #tpu.memory_space<semaphore_mem>>) src(%dma_wait3A_1123 : memref<8192x1024xf32, #tpu.memory_space<hbm>>) dst(%dma_wait3A_1118 : memref<16x1024xf32, #tpu.memory_space<vmem>>)
    %add3A_1124 = arith.constant 912 : i32
    %add3A_1125 = arith.addi %mul3A_2, %add3A_1124 : i32
    %jit3A_1126 = arith.constant 8192 : i32
    %div3A_1127 = arith.divsi %add3A_1125, %jit3A_1126 : i32
    %sign3A_1128 = arith.constant 0 : i32
    %sign3A_1129 = arith.cmpi sgt, %add3A_1125, %sign3A_1128 : i32
    %sign3A_1130 = arith.extui %sign3A_1129 : i1 to i32
    %sign3A_1131 = arith.constant 0 : i32
    %sign3A_1132 = arith.cmpi slt, %add3A_1125, %sign3A_1131 : i32
    %sign3A_1133 = arith.extui %sign3A_1132 : i1 to i32
    %sign3A_1134 = arith.subi %sign3A_1130, %sign3A_1133 : i32
    %sign3A_1135 = arith.constant 0 : i32
    %sign3A_1136 = arith.cmpi sgt, %jit3A_1126, %sign3A_1135 : i32
    %sign3A_1137 = arith.extui %sign3A_1136 : i1 to i32
    %sign3A_1138 = arith.constant 0 : i32
    %sign3A_1139 = arith.cmpi slt, %jit3A_1126, %sign3A_1138 : i32
    %sign3A_1140 = arith.extui %sign3A_1139 : i1 to i32
    %sign3A_1141 = arith.subi %sign3A_1137, %sign3A_1140 : i32
    %ne3A_1142 = arith.cmpi ne, %sign3A_1134, %sign3A_1141 : i32
    %rem3A_1143 = arith.remsi %add3A_1125, %jit3A_1126 : i32
    %ne3A_1144 = arith.constant 0 : i32
    %ne3A_1145 = arith.cmpi ne, %rem3A_1143, %ne3A_1144 : i32
    %and3A_1146 = arith.andi %ne3A_1142, %ne3A_1145 : i1
    %sub3A_1147 = arith.constant 1 : i32
    %sub3A_1148 = arith.subi %div3A_1127, %sub3A_1147 : i32
    %select_n3A_1149 = arith.select %and3A_1146, %sub3A_1148, %div3A_1127 : i32
    %jit3A_1150 = arith.constant 8192 : i32
    %eq3A_1151 = arith.constant 0 : i32
    %eq3A_1152 = arith.cmpi eq, %jit3A_1150, %eq3A_1151 : i32
    %jit3A_1153 = arith.constant 1 : i32
    %select_n3A_1154 = arith.select %eq3A_1152, %jit3A_1153, %jit3A_1150 : i32
    %rem3A_1155 = arith.remsi %add3A_1125, %select_n3A_1154 : i32
    %ne3A_1156 = arith.constant 0 : i32
    %ne3A_1157 = arith.cmpi ne, %rem3A_1155, %ne3A_1156 : i32
    %lt3A_1158 = arith.constant 0 : i32
    %lt3A_1159 = arith.cmpi slt, %rem3A_1155, %lt3A_1158 : i32
    %lt3A_1160 = arith.constant 0 : i32
    %lt3A_1161 = arith.cmpi slt, %select_n3A_1154, %lt3A_1160 : i32
    %ne3A_1162 = arith.xori %lt3A_1159, %lt3A_1161 : i1
    %and3A_1163 = arith.andi %ne3A_1162, %ne3A_1157 : i1
    %add3A_1164 = arith.addi %rem3A_1155, %select_n3A_1154 : i32
    %select_n3A_1165 = arith.select %and3A_1163, %add3A_1164, %rem3A_1155 : i32
    %dma_start3A_1166 = arith.constant 1 : i32
    %dma_start3A_1167 = arith.constant 0 : i32
    %dma_start3A_1168 = arith.constant 0 : i32
    %dma_start3A_1169 = tpu.memref_slice %arg6[%dma_start3A_1166, %dma_start3A_1167, %dma_start3A_1168] : memref<7x16x1024xf32, #tpu.memory_space<vmem>> -> memref<1x16x1024xf32, #tpu.memory_space<vmem>>
    %dma_start3A_1170 = tpu.memref_squeeze %dma_start3A_1169 : memref<1x16x1024xf32, #tpu.memory_space<vmem>> -> memref<16x1024xf32, #tpu.memory_space<vmem>>
    %dma_start3A_1171 = arith.constant 0 : i32
    %dma_start3A_1172 = tpu.memref_slice %arg4[%select_n3A_1149, %select_n3A_1165, %dma_start3A_1171] : memref<4x8192x1024xf32, #tpu.memory_space<hbm>> -> memref<1x16x1024xf32, #tpu.memory_space<hbm>>
    %dma_start3A_1173 = tpu.memref_squeeze %dma_start3A_1172 : memref<1x16x1024xf32, #tpu.memory_space<hbm>> -> memref<16x1024xf32, #tpu.memory_space<hbm>>
    %dma_start3A_1174 = arith.constant 0 : i32
    %dma_start3A_1175 = tpu.memref_slice %arg4[%select_n3A_1149, %select_n3A_1165, %dma_start3A_1174] : memref<4x8192x1024xf32, #tpu.memory_space<hbm>> -> memref<1x16x1024xf32, #tpu.memory_space<hbm>>
    %dma_start3A_1176 = tpu.memref_squeeze %dma_start3A_1175 : memref<1x16x1024xf32, #tpu.memory_space<hbm>> -> memref<16x1024xf32, #tpu.memory_space<hbm>>
    %dma_start3A_1177 = arith.constant 0 : i32
    %dma_start3A_1178 = arith.constant 0 : i32
    %dma_start3A_1179 = tpu.memref_slice %arg6[%dma_start3A_1166, %dma_start3A_1177, %dma_start3A_1178] : memref<7x16x1024xf32, #tpu.memory_space<vmem>> -> memref<1x16x1024xf32, #tpu.memory_space<vmem>>
    %dma_start3A_1180 = tpu.memref_squeeze %dma_start3A_1179 : memref<1x16x1024xf32, #tpu.memory_space<vmem>> -> memref<16x1024xf32, #tpu.memory_space<vmem>>
    tpu.enqueue_dma source(%dma_start3A_1180 : memref<16x1024xf32, #tpu.memory_space<vmem>>) target(%dma_start3A_1176 : memref<16x1024xf32, #tpu.memory_space<hbm>>) target_semaphore(%arg15 : memref<!tpu.dma_semaphore, #tpu.memory_space<semaphore_mem>>)
    %add3A_1181 = arith.constant 896 : i32
    %add3A_1182 = arith.addi %mul3A_2, %add3A_1181 : i32
    %jit3A_1183 = arith.constant 8192 : i32
    %div3A_1184 = arith.divsi %add3A_1182, %jit3A_1183 : i32
    %sign3A_1185 = arith.constant 0 : i32
    %sign3A_1186 = arith.cmpi sgt, %add3A_1182, %sign3A_1185 : i32
    %sign3A_1187 = arith.extui %sign3A_1186 : i1 to i32
    %sign3A_1188 = arith.constant 0 : i32
    %sign3A_1189 = arith.cmpi slt, %add3A_1182, %sign3A_1188 : i32
    %sign3A_1190 = arith.extui %sign3A_1189 : i1 to i32
    %sign3A_1191 = arith.subi %sign3A_1187, %sign3A_1190 : i32
    %sign3A_1192 = arith.constant 0 : i32
    %sign3A_1193 = arith.cmpi sgt, %jit3A_1183, %sign3A_1192 : i32
    %sign3A_1194 = arith.extui %sign3A_1193 : i1 to i32
    %sign3A_1195 = arith.constant 0 : i32
    %sign3A_1196 = arith.cmpi slt, %jit3A_1183, %sign3A_1195 : i32
    %sign3A_1197 = arith.extui %sign3A_1196 : i1 to i32
    %sign3A_1198 = arith.subi %sign3A_1194, %sign3A_1197 : i32
    %ne3A_1199 = arith.cmpi ne, %sign3A_1191, %sign3A_1198 : i32
    %rem3A_1200 = arith.remsi %add3A_1182, %jit3A_1183 : i32
    %ne3A_1201 = arith.constant 0 : i32
    %ne3A_1202 = arith.cmpi ne, %rem3A_1200, %ne3A_1201 : i32
    %and3A_1203 = arith.andi %ne3A_1199, %ne3A_1202 : i1
    %sub3A_1204 = arith.constant 1 : i32
    %sub3A_1205 = arith.subi %div3A_1184, %sub3A_1204 : i32
    %select_n3A_1206 = arith.select %and3A_1203, %sub3A_1205, %div3A_1184 : i32
    %jit3A_1207 = arith.constant 8192 : i32
    %eq3A_1208 = arith.constant 0 : i32
    %eq3A_1209 = arith.cmpi eq, %jit3A_1207, %eq3A_1208 : i32
    %jit3A_1210 = arith.constant 1 : i32
    %select_n3A_1211 = arith.select %eq3A_1209, %jit3A_1210, %jit3A_1207 : i32
    %rem3A_1212 = arith.remsi %add3A_1182, %select_n3A_1211 : i32
    %ne3A_1213 = arith.constant 0 : i32
    %ne3A_1214 = arith.cmpi ne, %rem3A_1212, %ne3A_1213 : i32
    %lt3A_1215 = arith.constant 0 : i32
    %lt3A_1216 = arith.cmpi slt, %rem3A_1212, %lt3A_1215 : i32
    %lt3A_1217 = arith.constant 0 : i32
    %lt3A_1218 = arith.cmpi slt, %select_n3A_1211, %lt3A_1217 : i32
    %ne3A_1219 = arith.xori %lt3A_1216, %lt3A_1218 : i1
    %and3A_1220 = arith.andi %ne3A_1219, %ne3A_1214 : i1
    %add3A_1221 = arith.addi %rem3A_1212, %select_n3A_1211 : i32
    %select_n3A_1222 = arith.select %and3A_1220, %add3A_1221, %rem3A_1212 : i32
    %dma_wait3A_1223 = arith.constant 0 : i32
    %dma_wait3A_1224 = arith.constant 0 : i32
    %dma_wait3A_1225 = arith.constant 0 : i32
    %dma_wait3A_1226 = tpu.memref_slice %arg6[%dma_wait3A_1223, %dma_wait3A_1224, %dma_wait3A_1225] : memref<7x16x1024xf32, #tpu.memory_space<vmem>> -> memref<1x16x1024xf32, #tpu.memory_space<vmem>>
    %dma_wait3A_1227 = tpu.memref_squeeze %dma_wait3A_1226 : memref<1x16x1024xf32, #tpu.memory_space<vmem>> -> memref<16x1024xf32, #tpu.memory_space<vmem>>
    %dma_wait3A_1228 = arith.constant 0 : i32
    %dma_wait3A_1229 = tpu.memref_slice %arg4[%select_n3A_1206, %select_n3A_1222, %dma_wait3A_1228] : memref<4x8192x1024xf32, #tpu.memory_space<hbm>> -> memref<1x16x1024xf32, #tpu.memory_space<hbm>>
    %dma_wait3A_1230 = tpu.memref_squeeze %dma_wait3A_1229 : memref<1x16x1024xf32, #tpu.memory_space<hbm>> -> memref<16x1024xf32, #tpu.memory_space<hbm>>
    %dma_wait3A_1231 = arith.constant 0 : i32
    %dma_wait3A_1232 = tpu.memref_slice %arg4[%select_n3A_1206, %select_n3A_1222, %dma_wait3A_1231] : memref<4x8192x1024xf32, #tpu.memory_space<hbm>> -> memref<1x16x1024xf32, #tpu.memory_space<hbm>>
    %dma_wait3A_1233 = tpu.memref_squeeze %dma_wait3A_1232 : memref<1x16x1024xf32, #tpu.memory_space<hbm>> -> memref<16x1024xf32, #tpu.memory_space<hbm>>
    %dma_wait3A_1234 = arith.constant 0 : i32
    %dma_wait3A_1235 = arith.constant 0 : i32
    %dma_wait3A_1236 = tpu.memref_slice %arg6[%dma_wait3A_1223, %dma_wait3A_1234, %dma_wait3A_1235] : memref<7x16x1024xf32, #tpu.memory_space<vmem>> -> memref<1x16x1024xf32, #tpu.memory_space<vmem>>
    %dma_wait3A_1237 = tpu.memref_squeeze %dma_wait3A_1236 : memref<1x16x1024xf32, #tpu.memory_space<vmem>> -> memref<16x1024xf32, #tpu.memory_space<vmem>>
    tpu.wait_dma2 semaphore(%arg14 : memref<!tpu.dma_semaphore, #tpu.memory_space<semaphore_mem>>) src(%dma_wait3A_1237 : memref<16x1024xf32, #tpu.memory_space<vmem>>) dst(%dma_wait3A_1233 : memref<16x1024xf32, #tpu.memory_space<hbm>>)
    %dma_start3A_1238 = arith.constant 0 : i32
    %dma_start3A_1239 = arith.constant 0 : i32
    %dma_start3A_1240 = arith.constant 0 : i32
    %dma_start3A_1241 = tpu.memref_slice %arg6[%dma_start3A_1238, %dma_start3A_1239, %dma_start3A_1240] : memref<7x16x1024xf32, #tpu.memory_space<vmem>> -> memref<1x16x1024xf32, #tpu.memory_space<vmem>>
    %dma_start3A_1242 = tpu.memref_squeeze %dma_start3A_1241 : memref<1x16x1024xf32, #tpu.memory_space<vmem>> -> memref<16x1024xf32, #tpu.memory_space<vmem>>
    %dma_start3A_1243 = arith.constant 1008 : i32
    %dma_start3A_1244 = tpu.memref_slice %arg5[%dma_start3A_1243] : memref<1024xi32, #tpu.memory_space<vmem>> -> memref<16xi32, #tpu.memory_space<vmem>>
    %dma_start3A_1245 = arith.constant 0 : i32
    %dma_start3A_1246 = arith.constant 0 : i32
    %dma_start3A_1247 = tpu.memref_slice %arg3[%dma_start3A_1245, %dma_start3A_1246] : memref<8192x1024xf32, #tpu.memory_space<hbm>> -> memref<8192x1024xf32, #tpu.memory_space<hbm>>
    tpu.enqueue_indirect_dma source(%dma_start3A_1247 : memref<8192x1024xf32, #tpu.memory_space<hbm>>) target(%dma_start3A_1242 : memref<16x1024xf32, #tpu.memory_space<vmem>>) offsets(%dma_start3A_1244 : memref<16xi32, #tpu.memory_space<vmem>>) semaphore(%arg7 : memref<!tpu.dma_semaphore, #tpu.memory_space<semaphore_mem>>)
    %dma_wait3A_1248 = arith.constant 2 : i32
    %dma_wait3A_1249 = arith.constant 0 : i32
    %dma_wait3A_1250 = arith.constant 0 : i32
    %dma_wait3A_1251 = tpu.memref_slice %arg6[%dma_wait3A_1248, %dma_wait3A_1249, %dma_wait3A_1250] : memref<7x16x1024xf32, #tpu.memory_space<vmem>> -> memref<1x16x1024xf32, #tpu.memory_space<vmem>>
    %dma_wait3A_1252 = tpu.memref_squeeze %dma_wait3A_1251 : memref<1x16x1024xf32, #tpu.memory_space<vmem>> -> memref<16x1024xf32, #tpu.memory_space<vmem>>
    %dma_wait3A_1253 = arith.constant 928 : i32
    %dma_wait3A_1254 = tpu.memref_slice %arg5[%dma_wait3A_1253] : memref<1024xi32, #tpu.memory_space<vmem>> -> memref<16xi32, #tpu.memory_space<vmem>>
    %dma_wait3A_1255 = arith.constant 0 : i32
    %dma_wait3A_1256 = arith.constant 0 : i32
    %dma_wait3A_1257 = tpu.memref_slice %arg3[%dma_wait3A_1255, %dma_wait3A_1256] : memref<8192x1024xf32, #tpu.memory_space<hbm>> -> memref<8192x1024xf32, #tpu.memory_space<hbm>>
    tpu.wait_indirect_dma semaphore(%arg9 : memref<!tpu.dma_semaphore, #tpu.memory_space<semaphore_mem>>) src(%dma_wait3A_1257 : memref<8192x1024xf32, #tpu.memory_space<hbm>>) dst(%dma_wait3A_1252 : memref<16x1024xf32, #tpu.memory_space<vmem>>)
    %add3A_1258 = arith.constant 928 : i32
    %add3A_1259 = arith.addi %mul3A_2, %add3A_1258 : i32
    %jit3A_1260 = arith.constant 8192 : i32
    %div3A_1261 = arith.divsi %add3A_1259, %jit3A_1260 : i32
    %sign3A_1262 = arith.constant 0 : i32
    %sign3A_1263 = arith.cmpi sgt, %add3A_1259, %sign3A_1262 : i32
    %sign3A_1264 = arith.extui %sign3A_1263 : i1 to i32
    %sign3A_1265 = arith.constant 0 : i32
    %sign3A_1266 = arith.cmpi slt, %add3A_1259, %sign3A_1265 : i32
    %sign3A_1267 = arith.extui %sign3A_1266 : i1 to i32
    %sign3A_1268 = arith.subi %sign3A_1264, %sign3A_1267 : i32
    %sign3A_1269 = arith.constant 0 : i32
    %sign3A_1270 = arith.cmpi sgt, %jit3A_1260, %sign3A_1269 : i32
    %sign3A_1271 = arith.extui %sign3A_1270 : i1 to i32
    %sign3A_1272 = arith.constant 0 : i32
    %sign3A_1273 = arith.cmpi slt, %jit3A_1260, %sign3A_1272 : i32
    %sign3A_1274 = arith.extui %sign3A_1273 : i1 to i32
    %sign3A_1275 = arith.subi %sign3A_1271, %sign3A_1274 : i32
    %ne3A_1276 = arith.cmpi ne, %sign3A_1268, %sign3A_1275 : i32
    %rem3A_1277 = arith.remsi %add3A_1259, %jit3A_1260 : i32
    %ne3A_1278 = arith.constant 0 : i32
    %ne3A_1279 = arith.cmpi ne, %rem3A_1277, %ne3A_1278 : i32
    %and3A_1280 = arith.andi %ne3A_1276, %ne3A_1279 : i1
    %sub3A_1281 = arith.constant 1 : i32
    %sub3A_1282 = arith.subi %div3A_1261, %sub3A_1281 : i32
    %select_n3A_1283 = arith.select %and3A_1280, %sub3A_1282, %div3A_1261 : i32
    %jit3A_1284 = arith.constant 8192 : i32
    %eq3A_1285 = arith.constant 0 : i32
    %eq3A_1286 = arith.cmpi eq, %jit3A_1284, %eq3A_1285 : i32
    %jit3A_1287 = arith.constant 1 : i32
    %select_n3A_1288 = arith.select %eq3A_1286, %jit3A_1287, %jit3A_1284 : i32
    %rem3A_1289 = arith.remsi %add3A_1259, %select_n3A_1288 : i32
    %ne3A_1290 = arith.constant 0 : i32
    %ne3A_1291 = arith.cmpi ne, %rem3A_1289, %ne3A_1290 : i32
    %lt3A_1292 = arith.constant 0 : i32
    %lt3A_1293 = arith.cmpi slt, %rem3A_1289, %lt3A_1292 : i32
    %lt3A_1294 = arith.constant 0 : i32
    %lt3A_1295 = arith.cmpi slt, %select_n3A_1288, %lt3A_1294 : i32
    %ne3A_1296 = arith.xori %lt3A_1293, %lt3A_1295 : i1
    %and3A_1297 = arith.andi %ne3A_1296, %ne3A_1291 : i1
    %add3A_1298 = arith.addi %rem3A_1289, %select_n3A_1288 : i32
    %select_n3A_1299 = arith.select %and3A_1297, %add3A_1298, %rem3A_1289 : i32
    %dma_start3A_1300 = arith.constant 2 : i32
    %dma_start3A_1301 = arith.constant 0 : i32
    %dma_start3A_1302 = arith.constant 0 : i32
    %dma_start3A_1303 = tpu.memref_slice %arg6[%dma_start3A_1300, %dma_start3A_1301, %dma_start3A_1302] : memref<7x16x1024xf32, #tpu.memory_space<vmem>> -> memref<1x16x1024xf32, #tpu.memory_space<vmem>>
    %dma_start3A_1304 = tpu.memref_squeeze %dma_start3A_1303 : memref<1x16x1024xf32, #tpu.memory_space<vmem>> -> memref<16x1024xf32, #tpu.memory_space<vmem>>
    %dma_start3A_1305 = arith.constant 0 : i32
    %dma_start3A_1306 = tpu.memref_slice %arg4[%select_n3A_1283, %select_n3A_1299, %dma_start3A_1305] : memref<4x8192x1024xf32, #tpu.memory_space<hbm>> -> memref<1x16x1024xf32, #tpu.memory_space<hbm>>
    %dma_start3A_1307 = tpu.memref_squeeze %dma_start3A_1306 : memref<1x16x1024xf32, #tpu.memory_space<hbm>> -> memref<16x1024xf32, #tpu.memory_space<hbm>>
    %dma_start3A_1308 = arith.constant 0 : i32
    %dma_start3A_1309 = tpu.memref_slice %arg4[%select_n3A_1283, %select_n3A_1299, %dma_start3A_1308] : memref<4x8192x1024xf32, #tpu.memory_space<hbm>> -> memref<1x16x1024xf32, #tpu.memory_space<hbm>>
    %dma_start3A_1310 = tpu.memref_squeeze %dma_start3A_1309 : memref<1x16x1024xf32, #tpu.memory_space<hbm>> -> memref<16x1024xf32, #tpu.memory_space<hbm>>
    %dma_start3A_1311 = arith.constant 0 : i32
    %dma_start3A_1312 = arith.constant 0 : i32
    %dma_start3A_1313 = tpu.memref_slice %arg6[%dma_start3A_1300, %dma_start3A_1311, %dma_start3A_1312] : memref<7x16x1024xf32, #tpu.memory_space<vmem>> -> memref<1x16x1024xf32, #tpu.memory_space<vmem>>
    %dma_start3A_1314 = tpu.memref_squeeze %dma_start3A_1313 : memref<1x16x1024xf32, #tpu.memory_space<vmem>> -> memref<16x1024xf32, #tpu.memory_space<vmem>>
    tpu.enqueue_dma source(%dma_start3A_1314 : memref<16x1024xf32, #tpu.memory_space<vmem>>) target(%dma_start3A_1310 : memref<16x1024xf32, #tpu.memory_space<hbm>>) target_semaphore(%arg16 : memref<!tpu.dma_semaphore, #tpu.memory_space<semaphore_mem>>)
    %dma_wait3A_1315 = arith.constant 3 : i32
    %dma_wait3A_1316 = arith.constant 0 : i32
    %dma_wait3A_1317 = arith.constant 0 : i32
    %dma_wait3A_1318 = tpu.memref_slice %arg6[%dma_wait3A_1315, %dma_wait3A_1316, %dma_wait3A_1317] : memref<7x16x1024xf32, #tpu.memory_space<vmem>> -> memref<1x16x1024xf32, #tpu.memory_space<vmem>>
    %dma_wait3A_1319 = tpu.memref_squeeze %dma_wait3A_1318 : memref<1x16x1024xf32, #tpu.memory_space<vmem>> -> memref<16x1024xf32, #tpu.memory_space<vmem>>
    %dma_wait3A_1320 = arith.constant 944 : i32
    %dma_wait3A_1321 = tpu.memref_slice %arg5[%dma_wait3A_1320] : memref<1024xi32, #tpu.memory_space<vmem>> -> memref<16xi32, #tpu.memory_space<vmem>>
    %dma_wait3A_1322 = arith.constant 0 : i32
    %dma_wait3A_1323 = arith.constant 0 : i32
    %dma_wait3A_1324 = tpu.memref_slice %arg3[%dma_wait3A_1322, %dma_wait3A_1323] : memref<8192x1024xf32, #tpu.memory_space<hbm>> -> memref<8192x1024xf32, #tpu.memory_space<hbm>>
    tpu.wait_indirect_dma semaphore(%arg10 : memref<!tpu.dma_semaphore, #tpu.memory_space<semaphore_mem>>) src(%dma_wait3A_1324 : memref<8192x1024xf32, #tpu.memory_space<hbm>>) dst(%dma_wait3A_1319 : memref<16x1024xf32, #tpu.memory_space<vmem>>)
    %add3A_1325 = arith.constant 944 : i32
    %add3A_1326 = arith.addi %mul3A_2, %add3A_1325 : i32
    %jit3A_1327 = arith.constant 8192 : i32
    %div3A_1328 = arith.divsi %add3A_1326, %jit3A_1327 : i32
    %sign3A_1329 = arith.constant 0 : i32
    %sign3A_1330 = arith.cmpi sgt, %add3A_1326, %sign3A_1329 : i32
    %sign3A_1331 = arith.extui %sign3A_1330 : i1 to i32
    %sign3A_1332 = arith.constant 0 : i32
    %sign3A_1333 = arith.cmpi slt, %add3A_1326, %sign3A_1332 : i32
    %sign3A_1334 = arith.extui %sign3A_1333 : i1 to i32
    %sign3A_1335 = arith.subi %sign3A_1331, %sign3A_1334 : i32
    %sign3A_1336 = arith.constant 0 : i32
    %sign3A_1337 = arith.cmpi sgt, %jit3A_1327, %sign3A_1336 : i32
    %sign3A_1338 = arith.extui %sign3A_1337 : i1 to i32
    %sign3A_1339 = arith.constant 0 : i32
    %sign3A_1340 = arith.cmpi slt, %jit3A_1327, %sign3A_1339 : i32
    %sign3A_1341 = arith.extui %sign3A_1340 : i1 to i32
    %sign3A_1342 = arith.subi %sign3A_1338, %sign3A_1341 : i32
    %ne3A_1343 = arith.cmpi ne, %sign3A_1335, %sign3A_1342 : i32
    %rem3A_1344 = arith.remsi %add3A_1326, %jit3A_1327 : i32
    %ne3A_1345 = arith.constant 0 : i32
    %ne3A_1346 = arith.cmpi ne, %rem3A_1344, %ne3A_1345 : i32
    %and3A_1347 = arith.andi %ne3A_1343, %ne3A_1346 : i1
    %sub3A_1348 = arith.constant 1 : i32
    %sub3A_1349 = arith.subi %div3A_1328, %sub3A_1348 : i32
    %select_n3A_1350 = arith.select %and3A_1347, %sub3A_1349, %div3A_1328 : i32
    %jit3A_1351 = arith.constant 8192 : i32
    %eq3A_1352 = arith.constant 0 : i32
    %eq3A_1353 = arith.cmpi eq, %jit3A_1351, %eq3A_1352 : i32
    %jit3A_1354 = arith.constant 1 : i32
    %select_n3A_1355 = arith.select %eq3A_1353, %jit3A_1354, %jit3A_1351 : i32
    %rem3A_1356 = arith.remsi %add3A_1326, %select_n3A_1355 : i32
    %ne3A_1357 = arith.constant 0 : i32
    %ne3A_1358 = arith.cmpi ne, %rem3A_1356, %ne3A_1357 : i32
    %lt3A_1359 = arith.constant 0 : i32
    %lt3A_1360 = arith.cmpi slt, %rem3A_1356, %lt3A_1359 : i32
    %lt3A_1361 = arith.constant 0 : i32
    %lt3A_1362 = arith.cmpi slt, %select_n3A_1355, %lt3A_1361 : i32
    %ne3A_1363 = arith.xori %lt3A_1360, %lt3A_1362 : i1
    %and3A_1364 = arith.andi %ne3A_1363, %ne3A_1358 : i1
    %add3A_1365 = arith.addi %rem3A_1356, %select_n3A_1355 : i32
    %select_n3A_1366 = arith.select %and3A_1364, %add3A_1365, %rem3A_1356 : i32
    %dma_start3A_1367 = arith.constant 3 : i32
    %dma_start3A_1368 = arith.constant 0 : i32
    %dma_start3A_1369 = arith.constant 0 : i32
    %dma_start3A_1370 = tpu.memref_slice %arg6[%dma_start3A_1367, %dma_start3A_1368, %dma_start3A_1369] : memref<7x16x1024xf32, #tpu.memory_space<vmem>> -> memref<1x16x1024xf32, #tpu.memory_space<vmem>>
    %dma_start3A_1371 = tpu.memref_squeeze %dma_start3A_1370 : memref<1x16x1024xf32, #tpu.memory_space<vmem>> -> memref<16x1024xf32, #tpu.memory_space<vmem>>
    %dma_start3A_1372 = arith.constant 0 : i32
    %dma_start3A_1373 = tpu.memref_slice %arg4[%select_n3A_1350, %select_n3A_1366, %dma_start3A_1372] : memref<4x8192x1024xf32, #tpu.memory_space<hbm>> -> memref<1x16x1024xf32, #tpu.memory_space<hbm>>
    %dma_start3A_1374 = tpu.memref_squeeze %dma_start3A_1373 : memref<1x16x1024xf32, #tpu.memory_space<hbm>> -> memref<16x1024xf32, #tpu.memory_space<hbm>>
    %dma_start3A_1375 = arith.constant 0 : i32
    %dma_start3A_1376 = tpu.memref_slice %arg4[%select_n3A_1350, %select_n3A_1366, %dma_start3A_1375] : memref<4x8192x1024xf32, #tpu.memory_space<hbm>> -> memref<1x16x1024xf32, #tpu.memory_space<hbm>>
    %dma_start3A_1377 = tpu.memref_squeeze %dma_start3A_1376 : memref<1x16x1024xf32, #tpu.memory_space<hbm>> -> memref<16x1024xf32, #tpu.memory_space<hbm>>
    %dma_start3A_1378 = arith.constant 0 : i32
    %dma_start3A_1379 = arith.constant 0 : i32
    %dma_start3A_1380 = tpu.memref_slice %arg6[%dma_start3A_1367, %dma_start3A_1378, %dma_start3A_1379] : memref<7x16x1024xf32, #tpu.memory_space<vmem>> -> memref<1x16x1024xf32, #tpu.memory_space<vmem>>
    %dma_start3A_1381 = tpu.memref_squeeze %dma_start3A_1380 : memref<1x16x1024xf32, #tpu.memory_space<vmem>> -> memref<16x1024xf32, #tpu.memory_space<vmem>>
    tpu.enqueue_dma source(%dma_start3A_1381 : memref<16x1024xf32, #tpu.memory_space<vmem>>) target(%dma_start3A_1377 : memref<16x1024xf32, #tpu.memory_space<hbm>>) target_semaphore(%arg17 : memref<!tpu.dma_semaphore, #tpu.memory_space<semaphore_mem>>)
    %dma_wait3A_1382 = arith.constant 4 : i32
    %dma_wait3A_1383 = arith.constant 0 : i32
    %dma_wait3A_1384 = arith.constant 0 : i32
    %dma_wait3A_1385 = tpu.memref_slice %arg6[%dma_wait3A_1382, %dma_wait3A_1383, %dma_wait3A_1384] : memref<7x16x1024xf32, #tpu.memory_space<vmem>> -> memref<1x16x1024xf32, #tpu.memory_space<vmem>>
    %dma_wait3A_1386 = tpu.memref_squeeze %dma_wait3A_1385 : memref<1x16x1024xf32, #tpu.memory_space<vmem>> -> memref<16x1024xf32, #tpu.memory_space<vmem>>
    %dma_wait3A_1387 = arith.constant 960 : i32
    %dma_wait3A_1388 = tpu.memref_slice %arg5[%dma_wait3A_1387] : memref<1024xi32, #tpu.memory_space<vmem>> -> memref<16xi32, #tpu.memory_space<vmem>>
    %dma_wait3A_1389 = arith.constant 0 : i32
    %dma_wait3A_1390 = arith.constant 0 : i32
    %dma_wait3A_1391 = tpu.memref_slice %arg3[%dma_wait3A_1389, %dma_wait3A_1390] : memref<8192x1024xf32, #tpu.memory_space<hbm>> -> memref<8192x1024xf32, #tpu.memory_space<hbm>>
    tpu.wait_indirect_dma semaphore(%arg11 : memref<!tpu.dma_semaphore, #tpu.memory_space<semaphore_mem>>) src(%dma_wait3A_1391 : memref<8192x1024xf32, #tpu.memory_space<hbm>>) dst(%dma_wait3A_1386 : memref<16x1024xf32, #tpu.memory_space<vmem>>)
    %add3A_1392 = arith.constant 960 : i32
    %add3A_1393 = arith.addi %mul3A_2, %add3A_1392 : i32
    %jit3A_1394 = arith.constant 8192 : i32
    %div3A_1395 = arith.divsi %add3A_1393, %jit3A_1394 : i32
    %sign3A_1396 = arith.constant 0 : i32
    %sign3A_1397 = arith.cmpi sgt, %add3A_1393, %sign3A_1396 : i32
    %sign3A_1398 = arith.extui %sign3A_1397 : i1 to i32
    %sign3A_1399 = arith.constant 0 : i32
    %sign3A_1400 = arith.cmpi slt, %add3A_1393, %sign3A_1399 : i32
    %sign3A_1401 = arith.extui %sign3A_1400 : i1 to i32
    %sign3A_1402 = arith.subi %sign3A_1398, %sign3A_1401 : i32
    %sign3A_1403 = arith.constant 0 : i32
    %sign3A_1404 = arith.cmpi sgt, %jit3A_1394, %sign3A_1403 : i32
    %sign3A_1405 = arith.extui %sign3A_1404 : i1 to i32
    %sign3A_1406 = arith.constant 0 : i32
    %sign3A_1407 = arith.cmpi slt, %jit3A_1394, %sign3A_1406 : i32
    %sign3A_1408 = arith.extui %sign3A_1407 : i1 to i32
    %sign3A_1409 = arith.subi %sign3A_1405, %sign3A_1408 : i32
    %ne3A_1410 = arith.cmpi ne, %sign3A_1402, %sign3A_1409 : i32
    %rem3A_1411 = arith.remsi %add3A_1393, %jit3A_1394 : i32
    %ne3A_1412 = arith.constant 0 : i32
    %ne3A_1413 = arith.cmpi ne, %rem3A_1411, %ne3A_1412 : i32
    %and3A_1414 = arith.andi %ne3A_1410, %ne3A_1413 : i1
    %sub3A_1415 = arith.constant 1 : i32
    %sub3A_1416 = arith.subi %div3A_1395, %sub3A_1415 : i32
    %select_n3A_1417 = arith.select %and3A_1414, %sub3A_1416, %div3A_1395 : i32
    %jit3A_1418 = arith.constant 8192 : i32
    %eq3A_1419 = arith.constant 0 : i32
    %eq3A_1420 = arith.cmpi eq, %jit3A_1418, %eq3A_1419 : i32
    %jit3A_1421 = arith.constant 1 : i32
    %select_n3A_1422 = arith.select %eq3A_1420, %jit3A_1421, %jit3A_1418 : i32
    %rem3A_1423 = arith.remsi %add3A_1393, %select_n3A_1422 : i32
    %ne3A_1424 = arith.constant 0 : i32
    %ne3A_1425 = arith.cmpi ne, %rem3A_1423, %ne3A_1424 : i32
    %lt3A_1426 = arith.constant 0 : i32
    %lt3A_1427 = arith.cmpi slt, %rem3A_1423, %lt3A_1426 : i32
    %lt3A_1428 = arith.constant 0 : i32
    %lt3A_1429 = arith.cmpi slt, %select_n3A_1422, %lt3A_1428 : i32
    %ne3A_1430 = arith.xori %lt3A_1427, %lt3A_1429 : i1
    %and3A_1431 = arith.andi %ne3A_1430, %ne3A_1425 : i1
    %add3A_1432 = arith.addi %rem3A_1423, %select_n3A_1422 : i32
    %select_n3A_1433 = arith.select %and3A_1431, %add3A_1432, %rem3A_1423 : i32
    %dma_start3A_1434 = arith.constant 4 : i32
    %dma_start3A_1435 = arith.constant 0 : i32
    %dma_start3A_1436 = arith.constant 0 : i32
    %dma_start3A_1437 = tpu.memref_slice %arg6[%dma_start3A_1434, %dma_start3A_1435, %dma_start3A_1436] : memref<7x16x1024xf32, #tpu.memory_space<vmem>> -> memref<1x16x1024xf32, #tpu.memory_space<vmem>>
    %dma_start3A_1438 = tpu.memref_squeeze %dma_start3A_1437 : memref<1x16x1024xf32, #tpu.memory_space<vmem>> -> memref<16x1024xf32, #tpu.memory_space<vmem>>
    %dma_start3A_1439 = arith.constant 0 : i32
    %dma_start3A_1440 = tpu.memref_slice %arg4[%select_n3A_1417, %select_n3A_1433, %dma_start3A_1439] : memref<4x8192x1024xf32, #tpu.memory_space<hbm>> -> memref<1x16x1024xf32, #tpu.memory_space<hbm>>
    %dma_start3A_1441 = tpu.memref_squeeze %dma_start3A_1440 : memref<1x16x1024xf32, #tpu.memory_space<hbm>> -> memref<16x1024xf32, #tpu.memory_space<hbm>>
    %dma_start3A_1442 = arith.constant 0 : i32
    %dma_start3A_1443 = tpu.memref_slice %arg4[%select_n3A_1417, %select_n3A_1433, %dma_start3A_1442] : memref<4x8192x1024xf32, #tpu.memory_space<hbm>> -> memref<1x16x1024xf32, #tpu.memory_space<hbm>>
    %dma_start3A_1444 = tpu.memref_squeeze %dma_start3A_1443 : memref<1x16x1024xf32, #tpu.memory_space<hbm>> -> memref<16x1024xf32, #tpu.memory_space<hbm>>
    %dma_start3A_1445 = arith.constant 0 : i32
    %dma_start3A_1446 = arith.constant 0 : i32
    %dma_start3A_1447 = tpu.memref_slice %arg6[%dma_start3A_1434, %dma_start3A_1445, %dma_start3A_1446] : memref<7x16x1024xf32, #tpu.memory_space<vmem>> -> memref<1x16x1024xf32, #tpu.memory_space<vmem>>
    %dma_start3A_1448 = tpu.memref_squeeze %dma_start3A_1447 : memref<1x16x1024xf32, #tpu.memory_space<vmem>> -> memref<16x1024xf32, #tpu.memory_space<vmem>>
    tpu.enqueue_dma source(%dma_start3A_1448 : memref<16x1024xf32, #tpu.memory_space<vmem>>) target(%dma_start3A_1444 : memref<16x1024xf32, #tpu.memory_space<hbm>>) target_semaphore(%arg18 : memref<!tpu.dma_semaphore, #tpu.memory_space<semaphore_mem>>)
    %dma_wait3A_1449 = arith.constant 5 : i32
    %dma_wait3A_1450 = arith.constant 0 : i32
    %dma_wait3A_1451 = arith.constant 0 : i32
    %dma_wait3A_1452 = tpu.memref_slice %arg6[%dma_wait3A_1449, %dma_wait3A_1450, %dma_wait3A_1451] : memref<7x16x1024xf32, #tpu.memory_space<vmem>> -> memref<1x16x1024xf32, #tpu.memory_space<vmem>>
    %dma_wait3A_1453 = tpu.memref_squeeze %dma_wait3A_1452 : memref<1x16x1024xf32, #tpu.memory_space<vmem>> -> memref<16x1024xf32, #tpu.memory_space<vmem>>
    %dma_wait3A_1454 = arith.constant 976 : i32
    %dma_wait3A_1455 = tpu.memref_slice %arg5[%dma_wait3A_1454] : memref<1024xi32, #tpu.memory_space<vmem>> -> memref<16xi32, #tpu.memory_space<vmem>>
    %dma_wait3A_1456 = arith.constant 0 : i32
    %dma_wait3A_1457 = arith.constant 0 : i32
    %dma_wait3A_1458 = tpu.memref_slice %arg3[%dma_wait3A_1456, %dma_wait3A_1457] : memref<8192x1024xf32, #tpu.memory_space<hbm>> -> memref<8192x1024xf32, #tpu.memory_space<hbm>>
    tpu.wait_indirect_dma semaphore(%arg12 : memref<!tpu.dma_semaphore, #tpu.memory_space<semaphore_mem>>) src(%dma_wait3A_1458 : memref<8192x1024xf32, #tpu.memory_space<hbm>>) dst(%dma_wait3A_1453 : memref<16x1024xf32, #tpu.memory_space<vmem>>)
    %add3A_1459 = arith.constant 976 : i32
    %add3A_1460 = arith.addi %mul3A_2, %add3A_1459 : i32
    %jit3A_1461 = arith.constant 8192 : i32
    %div3A_1462 = arith.divsi %add3A_1460, %jit3A_1461 : i32
    %sign3A_1463 = arith.constant 0 : i32
    %sign3A_1464 = arith.cmpi sgt, %add3A_1460, %sign3A_1463 : i32
    %sign3A_1465 = arith.extui %sign3A_1464 : i1 to i32
    %sign3A_1466 = arith.constant 0 : i32
    %sign3A_1467 = arith.cmpi slt, %add3A_1460, %sign3A_1466 : i32
    %sign3A_1468 = arith.extui %sign3A_1467 : i1 to i32
    %sign3A_1469 = arith.subi %sign3A_1465, %sign3A_1468 : i32
    %sign3A_1470 = arith.constant 0 : i32
    %sign3A_1471 = arith.cmpi sgt, %jit3A_1461, %sign3A_1470 : i32
    %sign3A_1472 = arith.extui %sign3A_1471 : i1 to i32
    %sign3A_1473 = arith.constant 0 : i32
    %sign3A_1474 = arith.cmpi slt, %jit3A_1461, %sign3A_1473 : i32
    %sign3A_1475 = arith.extui %sign3A_1474 : i1 to i32
    %sign3A_1476 = arith.subi %sign3A_1472, %sign3A_1475 : i32
    %ne3A_1477 = arith.cmpi ne, %sign3A_1469, %sign3A_1476 : i32
    %rem3A_1478 = arith.remsi %add3A_1460, %jit3A_1461 : i32
    %ne3A_1479 = arith.constant 0 : i32
    %ne3A_1480 = arith.cmpi ne, %rem3A_1478, %ne3A_1479 : i32
    %and3A_1481 = arith.andi %ne3A_1477, %ne3A_1480 : i1
    %sub3A_1482 = arith.constant 1 : i32
    %sub3A_1483 = arith.subi %div3A_1462, %sub3A_1482 : i32
    %select_n3A_1484 = arith.select %and3A_1481, %sub3A_1483, %div3A_1462 : i32
    %jit3A_1485 = arith.constant 8192 : i32
    %eq3A_1486 = arith.constant 0 : i32
    %eq3A_1487 = arith.cmpi eq, %jit3A_1485, %eq3A_1486 : i32
    %jit3A_1488 = arith.constant 1 : i32
    %select_n3A_1489 = arith.select %eq3A_1487, %jit3A_1488, %jit3A_1485 : i32
    %rem3A_1490 = arith.remsi %add3A_1460, %select_n3A_1489 : i32
    %ne3A_1491 = arith.constant 0 : i32
    %ne3A_1492 = arith.cmpi ne, %rem3A_1490, %ne3A_1491 : i32
    %lt3A_1493 = arith.constant 0 : i32
    %lt3A_1494 = arith.cmpi slt, %rem3A_1490, %lt3A_1493 : i32
    %lt3A_1495 = arith.constant 0 : i32
    %lt3A_1496 = arith.cmpi slt, %select_n3A_1489, %lt3A_1495 : i32
    %ne3A_1497 = arith.xori %lt3A_1494, %lt3A_1496 : i1
    %and3A_1498 = arith.andi %ne3A_1497, %ne3A_1492 : i1
    %add3A_1499 = arith.addi %rem3A_1490, %select_n3A_1489 : i32
    %select_n3A_1500 = arith.select %and3A_1498, %add3A_1499, %rem3A_1490 : i32
    %dma_start3A_1501 = arith.constant 5 : i32
    %dma_start3A_1502 = arith.constant 0 : i32
    %dma_start3A_1503 = arith.constant 0 : i32
    %dma_start3A_1504 = tpu.memref_slice %arg6[%dma_start3A_1501, %dma_start3A_1502, %dma_start3A_1503] : memref<7x16x1024xf32, #tpu.memory_space<vmem>> -> memref<1x16x1024xf32, #tpu.memory_space<vmem>>
    %dma_start3A_1505 = tpu.memref_squeeze %dma_start3A_1504 : memref<1x16x1024xf32, #tpu.memory_space<vmem>> -> memref<16x1024xf32, #tpu.memory_space<vmem>>
    %dma_start3A_1506 = arith.constant 0 : i32
    %dma_start3A_1507 = tpu.memref_slice %arg4[%select_n3A_1484, %select_n3A_1500, %dma_start3A_1506] : memref<4x8192x1024xf32, #tpu.memory_space<hbm>> -> memref<1x16x1024xf32, #tpu.memory_space<hbm>>
    %dma_start3A_1508 = tpu.memref_squeeze %dma_start3A_1507 : memref<1x16x1024xf32, #tpu.memory_space<hbm>> -> memref<16x1024xf32, #tpu.memory_space<hbm>>
    %dma_start3A_1509 = arith.constant 0 : i32
    %dma_start3A_1510 = tpu.memref_slice %arg4[%select_n3A_1484, %select_n3A_1500, %dma_start3A_1509] : memref<4x8192x1024xf32, #tpu.memory_space<hbm>> -> memref<1x16x1024xf32, #tpu.memory_space<hbm>>
    %dma_start3A_1511 = tpu.memref_squeeze %dma_start3A_1510 : memref<1x16x1024xf32, #tpu.memory_space<hbm>> -> memref<16x1024xf32, #tpu.memory_space<hbm>>
    %dma_start3A_1512 = arith.constant 0 : i32
    %dma_start3A_1513 = arith.constant 0 : i32
    %dma_start3A_1514 = tpu.memref_slice %arg6[%dma_start3A_1501, %dma_start3A_1512, %dma_start3A_1513] : memref<7x16x1024xf32, #tpu.memory_space<vmem>> -> memref<1x16x1024xf32, #tpu.memory_space<vmem>>
    %dma_start3A_1515 = tpu.memref_squeeze %dma_start3A_1514 : memref<1x16x1024xf32, #tpu.memory_space<vmem>> -> memref<16x1024xf32, #tpu.memory_space<vmem>>
    tpu.enqueue_dma source(%dma_start3A_1515 : memref<16x1024xf32, #tpu.memory_space<vmem>>) target(%dma_start3A_1511 : memref<16x1024xf32, #tpu.memory_space<hbm>>) target_semaphore(%arg19 : memref<!tpu.dma_semaphore, #tpu.memory_space<semaphore_mem>>)
    %dma_wait3A_1516 = arith.constant 6 : i32
    %dma_wait3A_1517 = arith.constant 0 : i32
    %dma_wait3A_1518 = arith.constant 0 : i32
    %dma_wait3A_1519 = tpu.memref_slice %arg6[%dma_wait3A_1516, %dma_wait3A_1517, %dma_wait3A_1518] : memref<7x16x1024xf32, #tpu.memory_space<vmem>> -> memref<1x16x1024xf32, #tpu.memory_space<vmem>>
    %dma_wait3A_1520 = tpu.memref_squeeze %dma_wait3A_1519 : memref<1x16x1024xf32, #tpu.memory_space<vmem>> -> memref<16x1024xf32, #tpu.memory_space<vmem>>
    %dma_wait3A_1521 = arith.constant 992 : i32
    %dma_wait3A_1522 = tpu.memref_slice %arg5[%dma_wait3A_1521] : memref<1024xi32, #tpu.memory_space<vmem>> -> memref<16xi32, #tpu.memory_space<vmem>>
    %dma_wait3A_1523 = arith.constant 0 : i32
    %dma_wait3A_1524 = arith.constant 0 : i32
    %dma_wait3A_1525 = tpu.memref_slice %arg3[%dma_wait3A_1523, %dma_wait3A_1524] : memref<8192x1024xf32, #tpu.memory_space<hbm>> -> memref<8192x1024xf32, #tpu.memory_space<hbm>>
    tpu.wait_indirect_dma semaphore(%arg13 : memref<!tpu.dma_semaphore, #tpu.memory_space<semaphore_mem>>) src(%dma_wait3A_1525 : memref<8192x1024xf32, #tpu.memory_space<hbm>>) dst(%dma_wait3A_1520 : memref<16x1024xf32, #tpu.memory_space<vmem>>)
    %add3A_1526 = arith.constant 992 : i32
    %add3A_1527 = arith.addi %mul3A_2, %add3A_1526 : i32
    %jit3A_1528 = arith.constant 8192 : i32
    %div3A_1529 = arith.divsi %add3A_1527, %jit3A_1528 : i32
    %sign3A_1530 = arith.constant 0 : i32
    %sign3A_1531 = arith.cmpi sgt, %add3A_1527, %sign3A_1530 : i32
    %sign3A_1532 = arith.extui %sign3A_1531 : i1 to i32
    %sign3A_1533 = arith.constant 0 : i32
    %sign3A_1534 = arith.cmpi slt, %add3A_1527, %sign3A_1533 : i32
    %sign3A_1535 = arith.extui %sign3A_1534 : i1 to i32
    %sign3A_1536 = arith.subi %sign3A_1532, %sign3A_1535 : i32
    %sign3A_1537 = arith.constant 0 : i32
    %sign3A_1538 = arith.cmpi sgt, %jit3A_1528, %sign3A_1537 : i32
    %sign3A_1539 = arith.extui %sign3A_1538 : i1 to i32
    %sign3A_1540 = arith.constant 0 : i32
    %sign3A_1541 = arith.cmpi slt, %jit3A_1528, %sign3A_1540 : i32
    %sign3A_1542 = arith.extui %sign3A_1541 : i1 to i32
    %sign3A_1543 = arith.subi %sign3A_1539, %sign3A_1542 : i32
    %ne3A_1544 = arith.cmpi ne, %sign3A_1536, %sign3A_1543 : i32
    %rem3A_1545 = arith.remsi %add3A_1527, %jit3A_1528 : i32
    %ne3A_1546 = arith.constant 0 : i32
    %ne3A_1547 = arith.cmpi ne, %rem3A_1545, %ne3A_1546 : i32
    %and3A_1548 = arith.andi %ne3A_1544, %ne3A_1547 : i1
    %sub3A_1549 = arith.constant 1 : i32
    %sub3A_1550 = arith.subi %div3A_1529, %sub3A_1549 : i32
    %select_n3A_1551 = arith.select %and3A_1548, %sub3A_1550, %div3A_1529 : i32
    %jit3A_1552 = arith.constant 8192 : i32
    %eq3A_1553 = arith.constant 0 : i32
    %eq3A_1554 = arith.cmpi eq, %jit3A_1552, %eq3A_1553 : i32
    %jit3A_1555 = arith.constant 1 : i32
    %select_n3A_1556 = arith.select %eq3A_1554, %jit3A_1555, %jit3A_1552 : i32
    %rem3A_1557 = arith.remsi %add3A_1527, %select_n3A_1556 : i32
    %ne3A_1558 = arith.constant 0 : i32
    %ne3A_1559 = arith.cmpi ne, %rem3A_1557, %ne3A_1558 : i32
    %lt3A_1560 = arith.constant 0 : i32
    %lt3A_1561 = arith.cmpi slt, %rem3A_1557, %lt3A_1560 : i32
    %lt3A_1562 = arith.constant 0 : i32
    %lt3A_1563 = arith.cmpi slt, %select_n3A_1556, %lt3A_1562 : i32
    %ne3A_1564 = arith.xori %lt3A_1561, %lt3A_1563 : i1
    %and3A_1565 = arith.andi %ne3A_1564, %ne3A_1559 : i1
    %add3A_1566 = arith.addi %rem3A_1557, %select_n3A_1556 : i32
    %select_n3A_1567 = arith.select %and3A_1565, %add3A_1566, %rem3A_1557 : i32
    %dma_start3A_1568 = arith.constant 6 : i32
    %dma_start3A_1569 = arith.constant 0 : i32
    %dma_start3A_1570 = arith.constant 0 : i32
    %dma_start3A_1571 = tpu.memref_slice %arg6[%dma_start3A_1568, %dma_start3A_1569, %dma_start3A_1570] : memref<7x16x1024xf32, #tpu.memory_space<vmem>> -> memref<1x16x1024xf32, #tpu.memory_space<vmem>>
    %dma_start3A_1572 = tpu.memref_squeeze %dma_start3A_1571 : memref<1x16x1024xf32, #tpu.memory_space<vmem>> -> memref<16x1024xf32, #tpu.memory_space<vmem>>
    %dma_start3A_1573 = arith.constant 0 : i32
    %dma_start3A_1574 = tpu.memref_slice %arg4[%select_n3A_1551, %select_n3A_1567, %dma_start3A_1573] : memref<4x8192x1024xf32, #tpu.memory_space<hbm>> -> memref<1x16x1024xf32, #tpu.memory_space<hbm>>
    %dma_start3A_1575 = tpu.memref_squeeze %dma_start3A_1574 : memref<1x16x1024xf32, #tpu.memory_space<hbm>> -> memref<16x1024xf32, #tpu.memory_space<hbm>>
    %dma_start3A_1576 = arith.constant 0 : i32
    %dma_start3A_1577 = tpu.memref_slice %arg4[%select_n3A_1551, %select_n3A_1567, %dma_start3A_1576] : memref<4x8192x1024xf32, #tpu.memory_space<hbm>> -> memref<1x16x1024xf32, #tpu.memory_space<hbm>>
    %dma_start3A_1578 = tpu.memref_squeeze %dma_start3A_1577 : memref<1x16x1024xf32, #tpu.memory_space<hbm>> -> memref<16x1024xf32, #tpu.memory_space<hbm>>
    %dma_start3A_1579 = arith.constant 0 : i32
    %dma_start3A_1580 = arith.constant 0 : i32
    %dma_start3A_1581 = tpu.memref_slice %arg6[%dma_start3A_1568, %dma_start3A_1579, %dma_start3A_1580] : memref<7x16x1024xf32, #tpu.memory_space<vmem>> -> memref<1x16x1024xf32, #tpu.memory_space<vmem>>
    %dma_start3A_1582 = tpu.memref_squeeze %dma_start3A_1581 : memref<1x16x1024xf32, #tpu.memory_space<vmem>> -> memref<16x1024xf32, #tpu.memory_space<vmem>>
    tpu.enqueue_dma source(%dma_start3A_1582 : memref<16x1024xf32, #tpu.memory_space<vmem>>) target(%dma_start3A_1578 : memref<16x1024xf32, #tpu.memory_space<hbm>>) target_semaphore(%arg20 : memref<!tpu.dma_semaphore, #tpu.memory_space<semaphore_mem>>)
    %dma_wait3A_1583 = arith.constant 0 : i32
    %dma_wait3A_1584 = arith.constant 0 : i32
    %dma_wait3A_1585 = arith.constant 0 : i32
    %dma_wait3A_1586 = tpu.memref_slice %arg6[%dma_wait3A_1583, %dma_wait3A_1584, %dma_wait3A_1585] : memref<7x16x1024xf32, #tpu.memory_space<vmem>> -> memref<1x16x1024xf32, #tpu.memory_space<vmem>>
    %dma_wait3A_1587 = tpu.memref_squeeze %dma_wait3A_1586 : memref<1x16x1024xf32, #tpu.memory_space<vmem>> -> memref<16x1024xf32, #tpu.memory_space<vmem>>
    %dma_wait3A_1588 = arith.constant 1008 : i32
    %dma_wait3A_1589 = tpu.memref_slice %arg5[%dma_wait3A_1588] : memref<1024xi32, #tpu.memory_space<vmem>> -> memref<16xi32, #tpu.memory_space<vmem>>
    %dma_wait3A_1590 = arith.constant 0 : i32
    %dma_wait3A_1591 = arith.constant 0 : i32
    %dma_wait3A_1592 = tpu.memref_slice %arg3[%dma_wait3A_1590, %dma_wait3A_1591] : memref<8192x1024xf32, #tpu.memory_space<hbm>> -> memref<8192x1024xf32, #tpu.memory_space<hbm>>
    tpu.wait_indirect_dma semaphore(%arg7 : memref<!tpu.dma_semaphore, #tpu.memory_space<semaphore_mem>>) src(%dma_wait3A_1592 : memref<8192x1024xf32, #tpu.memory_space<hbm>>) dst(%dma_wait3A_1587 : memref<16x1024xf32, #tpu.memory_space<vmem>>)
    %add3A_1593 = arith.constant 1008 : i32
    %add3A_1594 = arith.addi %mul3A_2, %add3A_1593 : i32
    %jit3A_1595 = arith.constant 8192 : i32
    %div3A_1596 = arith.divsi %add3A_1594, %jit3A_1595 : i32
    %sign3A_1597 = arith.constant 0 : i32
    %sign3A_1598 = arith.cmpi sgt, %add3A_1594, %sign3A_1597 : i32
    %sign3A_1599 = arith.extui %sign3A_1598 : i1 to i32
    %sign3A_1600 = arith.constant 0 : i32
    %sign3A_1601 = arith.cmpi slt, %add3A_1594, %sign3A_1600 : i32
    %sign3A_1602 = arith.extui %sign3A_1601 : i1 to i32
    %sign3A_1603 = arith.subi %sign3A_1599, %sign3A_1602 : i32
    %sign3A_1604 = arith.constant 0 : i32
    %sign3A_1605 = arith.cmpi sgt, %jit3A_1595, %sign3A_1604 : i32
    %sign3A_1606 = arith.extui %sign3A_1605 : i1 to i32
    %sign3A_1607 = arith.constant 0 : i32
    %sign3A_1608 = arith.cmpi slt, %jit3A_1595, %sign3A_1607 : i32
    %sign3A_1609 = arith.extui %sign3A_1608 : i1 to i32
    %sign3A_1610 = arith.subi %sign3A_1606, %sign3A_1609 : i32
    %ne3A_1611 = arith.cmpi ne, %sign3A_1603, %sign3A_1610 : i32
    %rem3A_1612 = arith.remsi %add3A_1594, %jit3A_1595 : i32
    %ne3A_1613 = arith.constant 0 : i32
    %ne3A_1614 = arith.cmpi ne, %rem3A_1612, %ne3A_1613 : i32
    %and3A_1615 = arith.andi %ne3A_1611, %ne3A_1614 : i1
    %sub3A_1616 = arith.constant 1 : i32
    %sub3A_1617 = arith.subi %div3A_1596, %sub3A_1616 : i32
    %select_n3A_1618 = arith.select %and3A_1615, %sub3A_1617, %div3A_1596 : i32
    %jit3A_1619 = arith.constant 8192 : i32
    %eq3A_1620 = arith.constant 0 : i32
    %eq3A_1621 = arith.cmpi eq, %jit3A_1619, %eq3A_1620 : i32
    %jit3A_1622 = arith.constant 1 : i32
    %select_n3A_1623 = arith.select %eq3A_1621, %jit3A_1622, %jit3A_1619 : i32
    %rem3A_1624 = arith.remsi %add3A_1594, %select_n3A_1623 : i32
    %ne3A_1625 = arith.constant 0 : i32
    %ne3A_1626 = arith.cmpi ne, %rem3A_1624, %ne3A_1625 : i32
    %lt3A_1627 = arith.constant 0 : i32
    %lt3A_1628 = arith.cmpi slt, %rem3A_1624, %lt3A_1627 : i32
    %lt3A_1629 = arith.constant 0 : i32
    %lt3A_1630 = arith.cmpi slt, %select_n3A_1623, %lt3A_1629 : i32
    %ne3A_1631 = arith.xori %lt3A_1628, %lt3A_1630 : i1
    %and3A_1632 = arith.andi %ne3A_1631, %ne3A_1626 : i1
    %add3A_1633 = arith.addi %rem3A_1624, %select_n3A_1623 : i32
    %select_n3A_1634 = arith.select %and3A_1632, %add3A_1633, %rem3A_1624 : i32
    %dma_start3A_1635 = arith.constant 0 : i32
    %dma_start3A_1636 = arith.constant 0 : i32
    %dma_start3A_1637 = arith.constant 0 : i32
    %dma_start3A_1638 = tpu.memref_slice %arg6[%dma_start3A_1635, %dma_start3A_1636, %dma_start3A_1637] : memref<7x16x1024xf32, #tpu.memory_space<vmem>> -> memref<1x16x1024xf32, #tpu.memory_space<vmem>>
    %dma_start3A_1639 = tpu.memref_squeeze %dma_start3A_1638 : memref<1x16x1024xf32, #tpu.memory_space<vmem>> -> memref<16x1024xf32, #tpu.memory_space<vmem>>
    %dma_start3A_1640 = arith.constant 0 : i32
    %dma_start3A_1641 = tpu.memref_slice %arg4[%select_n3A_1618, %select_n3A_1634, %dma_start3A_1640] : memref<4x8192x1024xf32, #tpu.memory_space<hbm>> -> memref<1x16x1024xf32, #tpu.memory_space<hbm>>
    %dma_start3A_1642 = tpu.memref_squeeze %dma_start3A_1641 : memref<1x16x1024xf32, #tpu.memory_space<hbm>> -> memref<16x1024xf32, #tpu.memory_space<hbm>>
    %dma_start3A_1643 = arith.constant 0 : i32
    %dma_start3A_1644 = tpu.memref_slice %arg4[%select_n3A_1618, %select_n3A_1634, %dma_start3A_1643] : memref<4x8192x1024xf32, #tpu.memory_space<hbm>> -> memref<1x16x1024xf32, #tpu.memory_space<hbm>>
    %dma_start3A_1645 = tpu.memref_squeeze %dma_start3A_1644 : memref<1x16x1024xf32, #tpu.memory_space<hbm>> -> memref<16x1024xf32, #tpu.memory_space<hbm>>
    %dma_start3A_1646 = arith.constant 0 : i32
    %dma_start3A_1647 = arith.constant 0 : i32
    %dma_start3A_1648 = tpu.memref_slice %arg6[%dma_start3A_1635, %dma_start3A_1646, %dma_start3A_1647] : memref<7x16x1024xf32, #tpu.memory_space<vmem>> -> memref<1x16x1024xf32, #tpu.memory_space<vmem>>
    %dma_start3A_1649 = tpu.memref_squeeze %dma_start3A_1648 : memref<1x16x1024xf32, #tpu.memory_space<vmem>> -> memref<16x1024xf32, #tpu.memory_space<vmem>>
    tpu.enqueue_dma source(%dma_start3A_1649 : memref<16x1024xf32, #tpu.memory_space<vmem>>) target(%dma_start3A_1645 : memref<16x1024xf32, #tpu.memory_space<hbm>>) target_semaphore(%arg14 : memref<!tpu.dma_semaphore, #tpu.memory_space<semaphore_mem>>)
    %add3A_1650 = arith.constant 912 : i32
    %add3A_1651 = arith.addi %mul3A_2, %add3A_1650 : i32
    %jit3A_1652 = arith.constant 8192 : i32
    %div3A_1653 = arith.divsi %add3A_1651, %jit3A_1652 : i32
    %sign3A_1654 = arith.constant 0 : i32
    %sign3A_1655 = arith.cmpi sgt, %add3A_1651, %sign3A_1654 : i32
    %sign3A_1656 = arith.extui %sign3A_1655 : i1 to i32
    %sign3A_1657 = arith.constant 0 : i32
    %sign3A_1658 = arith.cmpi slt, %add3A_1651, %sign3A_1657 : i32
    %sign3A_1659 = arith.extui %sign3A_1658 : i1 to i32
    %sign3A_1660 = arith.subi %sign3A_1656, %sign3A_1659 : i32
    %sign3A_1661 = arith.constant 0 : i32
    %sign3A_1662 = arith.cmpi sgt, %jit3A_1652, %sign3A_1661 : i32
    %sign3A_1663 = arith.extui %sign3A_1662 : i1 to i32
    %sign3A_1664 = arith.constant 0 : i32
    %sign3A_1665 = arith.cmpi slt, %jit3A_1652, %sign3A_1664 : i32
    %sign3A_1666 = arith.extui %sign3A_1665 : i1 to i32
    %sign3A_1667 = arith.subi %sign3A_1663, %sign3A_1666 : i32
    %ne3A_1668 = arith.cmpi ne, %sign3A_1660, %sign3A_1667 : i32
    %rem3A_1669 = arith.remsi %add3A_1651, %jit3A_1652 : i32
    %ne3A_1670 = arith.constant 0 : i32
    %ne3A_1671 = arith.cmpi ne, %rem3A_1669, %ne3A_1670 : i32
    %and3A_1672 = arith.andi %ne3A_1668, %ne3A_1671 : i1
    %sub3A_1673 = arith.constant 1 : i32
    %sub3A_1674 = arith.subi %div3A_1653, %sub3A_1673 : i32
    %select_n3A_1675 = arith.select %and3A_1672, %sub3A_1674, %div3A_1653 : i32
    %jit3A_1676 = arith.constant 8192 : i32
    %eq3A_1677 = arith.constant 0 : i32
    %eq3A_1678 = arith.cmpi eq, %jit3A_1676, %eq3A_1677 : i32
    %jit3A_1679 = arith.constant 1 : i32
    %select_n3A_1680 = arith.select %eq3A_1678, %jit3A_1679, %jit3A_1676 : i32
    %rem3A_1681 = arith.remsi %add3A_1651, %select_n3A_1680 : i32
    %ne3A_1682 = arith.constant 0 : i32
    %ne3A_1683 = arith.cmpi ne, %rem3A_1681, %ne3A_1682 : i32
    %lt3A_1684 = arith.constant 0 : i32
    %lt3A_1685 = arith.cmpi slt, %rem3A_1681, %lt3A_1684 : i32
    %lt3A_1686 = arith.constant 0 : i32
    %lt3A_1687 = arith.cmpi slt, %select_n3A_1680, %lt3A_1686 : i32
    %ne3A_1688 = arith.xori %lt3A_1685, %lt3A_1687 : i1
    %and3A_1689 = arith.andi %ne3A_1688, %ne3A_1683 : i1
    %add3A_1690 = arith.addi %rem3A_1681, %select_n3A_1680 : i32
    %select_n3A_1691 = arith.select %and3A_1689, %add3A_1690, %rem3A_1681 : i32
    %dma_wait3A_1692 = arith.constant 1 : i32
    %dma_wait3A_1693 = arith.constant 0 : i32
    %dma_wait3A_1694 = arith.constant 0 : i32
    %dma_wait3A_1695 = tpu.memref_slice %arg6[%dma_wait3A_1692, %dma_wait3A_1693, %dma_wait3A_1694] : memref<7x16x1024xf32, #tpu.memory_space<vmem>> -> memref<1x16x1024xf32, #tpu.memory_space<vmem>>
    %dma_wait3A_1696 = tpu.memref_squeeze %dma_wait3A_1695 : memref<1x16x1024xf32, #tpu.memory_space<vmem>> -> memref<16x1024xf32, #tpu.memory_space<vmem>>
    %dma_wait3A_1697 = arith.constant 0 : i32
    %dma_wait3A_1698 = tpu.memref_slice %arg4[%select_n3A_1675, %select_n3A_1691, %dma_wait3A_1697] : memref<4x8192x1024xf32, #tpu.memory_space<hbm>> -> memref<1x16x1024xf32, #tpu.memory_space<hbm>>
    %dma_wait3A_1699 = tpu.memref_squeeze %dma_wait3A_1698 : memref<1x16x1024xf32, #tpu.memory_space<hbm>> -> memref<16x1024xf32, #tpu.memory_space<hbm>>
    %dma_wait3A_1700 = arith.constant 0 : i32
    %dma_wait3A_1701 = tpu.memref_slice %arg4[%select_n3A_1675, %select_n3A_1691, %dma_wait3A_1700] : memref<4x8192x1024xf32, #tpu.memory_space<hbm>> -> memref<1x16x1024xf32, #tpu.memory_space<hbm>>
    %dma_wait3A_1702 = tpu.memref_squeeze %dma_wait3A_1701 : memref<1x16x1024xf32, #tpu.memory_space<hbm>> -> memref<16x1024xf32, #tpu.memory_space<hbm>>
    %dma_wait3A_1703 = arith.constant 0 : i32
    %dma_wait3A_1704 = arith.constant 0 : i32
    %dma_wait3A_1705 = tpu.memref_slice %arg6[%dma_wait3A_1692, %dma_wait3A_1703, %dma_wait3A_1704] : memref<7x16x1024xf32, #tpu.memory_space<vmem>> -> memref<1x16x1024xf32, #tpu.memory_space<vmem>>
    %dma_wait3A_1706 = tpu.memref_squeeze %dma_wait3A_1705 : memref<1x16x1024xf32, #tpu.memory_space<vmem>> -> memref<16x1024xf32, #tpu.memory_space<vmem>>
    tpu.wait_dma2 semaphore(%arg15 : memref<!tpu.dma_semaphore, #tpu.memory_space<semaphore_mem>>) src(%dma_wait3A_1706 : memref<16x1024xf32, #tpu.memory_space<vmem>>) dst(%dma_wait3A_1702 : memref<16x1024xf32, #tpu.memory_space<hbm>>)
    %add3A_1707 = arith.constant 928 : i32
    %add3A_1708 = arith.addi %mul3A_2, %add3A_1707 : i32
    %jit3A_1709 = arith.constant 8192 : i32
    %div3A_1710 = arith.divsi %add3A_1708, %jit3A_1709 : i32
    %sign3A_1711 = arith.constant 0 : i32
    %sign3A_1712 = arith.cmpi sgt, %add3A_1708, %sign3A_1711 : i32
    %sign3A_1713 = arith.extui %sign3A_1712 : i1 to i32
    %sign3A_1714 = arith.constant 0 : i32
    %sign3A_1715 = arith.cmpi slt, %add3A_1708, %sign3A_1714 : i32
    %sign3A_1716 = arith.extui %sign3A_1715 : i1 to i32
    %sign3A_1717 = arith.subi %sign3A_1713, %sign3A_1716 : i32
    %sign3A_1718 = arith.constant 0 : i32
    %sign3A_1719 = arith.cmpi sgt, %jit3A_1709, %sign3A_1718 : i32
    %sign3A_1720 = arith.extui %sign3A_1719 : i1 to i32
    %sign3A_1721 = arith.constant 0 : i32
    %sign3A_1722 = arith.cmpi slt, %jit3A_1709, %sign3A_1721 : i32
    %sign3A_1723 = arith.extui %sign3A_1722 : i1 to i32
    %sign3A_1724 = arith.subi %sign3A_1720, %sign3A_1723 : i32
    %ne3A_1725 = arith.cmpi ne, %sign3A_1717, %sign3A_1724 : i32
    %rem3A_1726 = arith.remsi %add3A_1708, %jit3A_1709 : i32
    %ne3A_1727 = arith.constant 0 : i32
    %ne3A_1728 = arith.cmpi ne, %rem3A_1726, %ne3A_1727 : i32
    %and3A_1729 = arith.andi %ne3A_1725, %ne3A_1728 : i1
    %sub3A_1730 = arith.constant 1 : i32
    %sub3A_1731 = arith.subi %div3A_1710, %sub3A_1730 : i32
    %select_n3A_1732 = arith.select %and3A_1729, %sub3A_1731, %div3A_1710 : i32
    %jit3A_1733 = arith.constant 8192 : i32
    %eq3A_1734 = arith.constant 0 : i32
    %eq3A_1735 = arith.cmpi eq, %jit3A_1733, %eq3A_1734 : i32
    %jit3A_1736 = arith.constant 1 : i32
    %select_n3A_1737 = arith.select %eq3A_1735, %jit3A_1736, %jit3A_1733 : i32
    %rem3A_1738 = arith.remsi %add3A_1708, %select_n3A_1737 : i32
    %ne3A_1739 = arith.constant 0 : i32
    %ne3A_1740 = arith.cmpi ne, %rem3A_1738, %ne3A_1739 : i32
    %lt3A_1741 = arith.constant 0 : i32
    %lt3A_1742 = arith.cmpi slt, %rem3A_1738, %lt3A_1741 : i32
    %lt3A_1743 = arith.constant 0 : i32
    %lt3A_1744 = arith.cmpi slt, %select_n3A_1737, %lt3A_1743 : i32
    %ne3A_1745 = arith.xori %lt3A_1742, %lt3A_1744 : i1
    %and3A_1746 = arith.andi %ne3A_1745, %ne3A_1740 : i1
    %add3A_1747 = arith.addi %rem3A_1738, %select_n3A_1737 : i32
    %select_n3A_1748 = arith.select %and3A_1746, %add3A_1747, %rem3A_1738 : i32
    %dma_wait3A_1749 = arith.constant 2 : i32
    %dma_wait3A_1750 = arith.constant 0 : i32
    %dma_wait3A_1751 = arith.constant 0 : i32
    %dma_wait3A_1752 = tpu.memref_slice %arg6[%dma_wait3A_1749, %dma_wait3A_1750, %dma_wait3A_1751] : memref<7x16x1024xf32, #tpu.memory_space<vmem>> -> memref<1x16x1024xf32, #tpu.memory_space<vmem>>
    %dma_wait3A_1753 = tpu.memref_squeeze %dma_wait3A_1752 : memref<1x16x1024xf32, #tpu.memory_space<vmem>> -> memref<16x1024xf32, #tpu.memory_space<vmem>>
    %dma_wait3A_1754 = arith.constant 0 : i32
    %dma_wait3A_1755 = tpu.memref_slice %arg4[%select_n3A_1732, %select_n3A_1748, %dma_wait3A_1754] : memref<4x8192x1024xf32, #tpu.memory_space<hbm>> -> memref<1x16x1024xf32, #tpu.memory_space<hbm>>
    %dma_wait3A_1756 = tpu.memref_squeeze %dma_wait3A_1755 : memref<1x16x1024xf32, #tpu.memory_space<hbm>> -> memref<16x1024xf32, #tpu.memory_space<hbm>>
    %dma_wait3A_1757 = arith.constant 0 : i32
    %dma_wait3A_1758 = tpu.memref_slice %arg4[%select_n3A_1732, %select_n3A_1748, %dma_wait3A_1757] : memref<4x8192x1024xf32, #tpu.memory_space<hbm>> -> memref<1x16x1024xf32, #tpu.memory_space<hbm>>
    %dma_wait3A_1759 = tpu.memref_squeeze %dma_wait3A_1758 : memref<1x16x1024xf32, #tpu.memory_space<hbm>> -> memref<16x1024xf32, #tpu.memory_space<hbm>>
    %dma_wait3A_1760 = arith.constant 0 : i32
    %dma_wait3A_1761 = arith.constant 0 : i32
    %dma_wait3A_1762 = tpu.memref_slice %arg6[%dma_wait3A_1749, %dma_wait3A_1760, %dma_wait3A_1761] : memref<7x16x1024xf32, #tpu.memory_space<vmem>> -> memref<1x16x1024xf32, #tpu.memory_space<vmem>>
    %dma_wait3A_1763 = tpu.memref_squeeze %dma_wait3A_1762 : memref<1x16x1024xf32, #tpu.memory_space<vmem>> -> memref<16x1024xf32, #tpu.memory_space<vmem>>
    tpu.wait_dma2 semaphore(%arg16 : memref<!tpu.dma_semaphore, #tpu.memory_space<semaphore_mem>>) src(%dma_wait3A_1763 : memref<16x1024xf32, #tpu.memory_space<vmem>>) dst(%dma_wait3A_1759 : memref<16x1024xf32, #tpu.memory_space<hbm>>)
    %add3A_1764 = arith.constant 944 : i32
    %add3A_1765 = arith.addi %mul3A_2, %add3A_1764 : i32
    %jit3A_1766 = arith.constant 8192 : i32
    %div3A_1767 = arith.divsi %add3A_1765, %jit3A_1766 : i32
    %sign3A_1768 = arith.constant 0 : i32
    %sign3A_1769 = arith.cmpi sgt, %add3A_1765, %sign3A_1768 : i32
    %sign3A_1770 = arith.extui %sign3A_1769 : i1 to i32
    %sign3A_1771 = arith.constant 0 : i32
    %sign3A_1772 = arith.cmpi slt, %add3A_1765, %sign3A_1771 : i32
    %sign3A_1773 = arith.extui %sign3A_1772 : i1 to i32
    %sign3A_1774 = arith.subi %sign3A_1770, %sign3A_1773 : i32
    %sign3A_1775 = arith.constant 0 : i32
    %sign3A_1776 = arith.cmpi sgt, %jit3A_1766, %sign3A_1775 : i32
    %sign3A_1777 = arith.extui %sign3A_1776 : i1 to i32
    %sign3A_1778 = arith.constant 0 : i32
    %sign3A_1779 = arith.cmpi slt, %jit3A_1766, %sign3A_1778 : i32
    %sign3A_1780 = arith.extui %sign3A_1779 : i1 to i32
    %sign3A_1781 = arith.subi %sign3A_1777, %sign3A_1780 : i32
    %ne3A_1782 = arith.cmpi ne, %sign3A_1774, %sign3A_1781 : i32
    %rem3A_1783 = arith.remsi %add3A_1765, %jit3A_1766 : i32
    %ne3A_1784 = arith.constant 0 : i32
    %ne3A_1785 = arith.cmpi ne, %rem3A_1783, %ne3A_1784 : i32
    %and3A_1786 = arith.andi %ne3A_1782, %ne3A_1785 : i1
    %sub3A_1787 = arith.constant 1 : i32
    %sub3A_1788 = arith.subi %div3A_1767, %sub3A_1787 : i32
    %select_n3A_1789 = arith.select %and3A_1786, %sub3A_1788, %div3A_1767 : i32
    %jit3A_1790 = arith.constant 8192 : i32
    %eq3A_1791 = arith.constant 0 : i32
    %eq3A_1792 = arith.cmpi eq, %jit3A_1790, %eq3A_1791 : i32
    %jit3A_1793 = arith.constant 1 : i32
    %select_n3A_1794 = arith.select %eq3A_1792, %jit3A_1793, %jit3A_1790 : i32
    %rem3A_1795 = arith.remsi %add3A_1765, %select_n3A_1794 : i32
    %ne3A_1796 = arith.constant 0 : i32
    %ne3A_1797 = arith.cmpi ne, %rem3A_1795, %ne3A_1796 : i32
    %lt3A_1798 = arith.constant 0 : i32
    %lt3A_1799 = arith.cmpi slt, %rem3A_1795, %lt3A_1798 : i32
    %lt3A_1800 = arith.constant 0 : i32
    %lt3A_1801 = arith.cmpi slt, %select_n3A_1794, %lt3A_1800 : i32
    %ne3A_1802 = arith.xori %lt3A_1799, %lt3A_1801 : i1
    %and3A_1803 = arith.andi %ne3A_1802, %ne3A_1797 : i1
    %add3A_1804 = arith.addi %rem3A_1795, %select_n3A_1794 : i32
    %select_n3A_1805 = arith.select %and3A_1803, %add3A_1804, %rem3A_1795 : i32
    %dma_wait3A_1806 = arith.constant 3 : i32
    %dma_wait3A_1807 = arith.constant 0 : i32
    %dma_wait3A_1808 = arith.constant 0 : i32
    %dma_wait3A_1809 = tpu.memref_slice %arg6[%dma_wait3A_1806, %dma_wait3A_1807, %dma_wait3A_1808] : memref<7x16x1024xf32, #tpu.memory_space<vmem>> -> memref<1x16x1024xf32, #tpu.memory_space<vmem>>
    %dma_wait3A_1810 = tpu.memref_squeeze %dma_wait3A_1809 : memref<1x16x1024xf32, #tpu.memory_space<vmem>> -> memref<16x1024xf32, #tpu.memory_space<vmem>>
    %dma_wait3A_1811 = arith.constant 0 : i32
    %dma_wait3A_1812 = tpu.memref_slice %arg4[%select_n3A_1789, %select_n3A_1805, %dma_wait3A_1811] : memref<4x8192x1024xf32, #tpu.memory_space<hbm>> -> memref<1x16x1024xf32, #tpu.memory_space<hbm>>
    %dma_wait3A_1813 = tpu.memref_squeeze %dma_wait3A_1812 : memref<1x16x1024xf32, #tpu.memory_space<hbm>> -> memref<16x1024xf32, #tpu.memory_space<hbm>>
    %dma_wait3A_1814 = arith.constant 0 : i32
    %dma_wait3A_1815 = tpu.memref_slice %arg4[%select_n3A_1789, %select_n3A_1805, %dma_wait3A_1814] : memref<4x8192x1024xf32, #tpu.memory_space<hbm>> -> memref<1x16x1024xf32, #tpu.memory_space<hbm>>
    %dma_wait3A_1816 = tpu.memref_squeeze %dma_wait3A_1815 : memref<1x16x1024xf32, #tpu.memory_space<hbm>> -> memref<16x1024xf32, #tpu.memory_space<hbm>>
    %dma_wait3A_1817 = arith.constant 0 : i32
    %dma_wait3A_1818 = arith.constant 0 : i32
    %dma_wait3A_1819 = tpu.memref_slice %arg6[%dma_wait3A_1806, %dma_wait3A_1817, %dma_wait3A_1818] : memref<7x16x1024xf32, #tpu.memory_space<vmem>> -> memref<1x16x1024xf32, #tpu.memory_space<vmem>>
    %dma_wait3A_1820 = tpu.memref_squeeze %dma_wait3A_1819 : memref<1x16x1024xf32, #tpu.memory_space<vmem>> -> memref<16x1024xf32, #tpu.memory_space<vmem>>
    tpu.wait_dma2 semaphore(%arg17 : memref<!tpu.dma_semaphore, #tpu.memory_space<semaphore_mem>>) src(%dma_wait3A_1820 : memref<16x1024xf32, #tpu.memory_space<vmem>>) dst(%dma_wait3A_1816 : memref<16x1024xf32, #tpu.memory_space<hbm>>)
    %add3A_1821 = arith.constant 960 : i32
    %add3A_1822 = arith.addi %mul3A_2, %add3A_1821 : i32
    %jit3A_1823 = arith.constant 8192 : i32
    %div3A_1824 = arith.divsi %add3A_1822, %jit3A_1823 : i32
    %sign3A_1825 = arith.constant 0 : i32
    %sign3A_1826 = arith.cmpi sgt, %add3A_1822, %sign3A_1825 : i32
    %sign3A_1827 = arith.extui %sign3A_1826 : i1 to i32
    %sign3A_1828 = arith.constant 0 : i32
    %sign3A_1829 = arith.cmpi slt, %add3A_1822, %sign3A_1828 : i32
    %sign3A_1830 = arith.extui %sign3A_1829 : i1 to i32
    %sign3A_1831 = arith.subi %sign3A_1827, %sign3A_1830 : i32
    %sign3A_1832 = arith.constant 0 : i32
    %sign3A_1833 = arith.cmpi sgt, %jit3A_1823, %sign3A_1832 : i32
    %sign3A_1834 = arith.extui %sign3A_1833 : i1 to i32
    %sign3A_1835 = arith.constant 0 : i32
    %sign3A_1836 = arith.cmpi slt, %jit3A_1823, %sign3A_1835 : i32
    %sign3A_1837 = arith.extui %sign3A_1836 : i1 to i32
    %sign3A_1838 = arith.subi %sign3A_1834, %sign3A_1837 : i32
    %ne3A_1839 = arith.cmpi ne, %sign3A_1831, %sign3A_1838 : i32
    %rem3A_1840 = arith.remsi %add3A_1822, %jit3A_1823 : i32
    %ne3A_1841 = arith.constant 0 : i32
    %ne3A_1842 = arith.cmpi ne, %rem3A_1840, %ne3A_1841 : i32
    %and3A_1843 = arith.andi %ne3A_1839, %ne3A_1842 : i1
    %sub3A_1844 = arith.constant 1 : i32
    %sub3A_1845 = arith.subi %div3A_1824, %sub3A_1844 : i32
    %select_n3A_1846 = arith.select %and3A_1843, %sub3A_1845, %div3A_1824 : i32
    %jit3A_1847 = arith.constant 8192 : i32
    %eq3A_1848 = arith.constant 0 : i32
    %eq3A_1849 = arith.cmpi eq, %jit3A_1847, %eq3A_1848 : i32
    %jit3A_1850 = arith.constant 1 : i32
    %select_n3A_1851 = arith.select %eq3A_1849, %jit3A_1850, %jit3A_1847 : i32
    %rem3A_1852 = arith.remsi %add3A_1822, %select_n3A_1851 : i32
    %ne3A_1853 = arith.constant 0 : i32
    %ne3A_1854 = arith.cmpi ne, %rem3A_1852, %ne3A_1853 : i32
    %lt3A_1855 = arith.constant 0 : i32
    %lt3A_1856 = arith.cmpi slt, %rem3A_1852, %lt3A_1855 : i32
    %lt3A_1857 = arith.constant 0 : i32
    %lt3A_1858 = arith.cmpi slt, %select_n3A_1851, %lt3A_1857 : i32
    %ne3A_1859 = arith.xori %lt3A_1856, %lt3A_1858 : i1
    %and3A_1860 = arith.andi %ne3A_1859, %ne3A_1854 : i1
    %add3A_1861 = arith.addi %rem3A_1852, %select_n3A_1851 : i32
    %select_n3A_1862 = arith.select %and3A_1860, %add3A_1861, %rem3A_1852 : i32
    %dma_wait3A_1863 = arith.constant 4 : i32
    %dma_wait3A_1864 = arith.constant 0 : i32
    %dma_wait3A_1865 = arith.constant 0 : i32
    %dma_wait3A_1866 = tpu.memref_slice %arg6[%dma_wait3A_1863, %dma_wait3A_1864, %dma_wait3A_1865] : memref<7x16x1024xf32, #tpu.memory_space<vmem>> -> memref<1x16x1024xf32, #tpu.memory_space<vmem>>
    %dma_wait3A_1867 = tpu.memref_squeeze %dma_wait3A_1866 : memref<1x16x1024xf32, #tpu.memory_space<vmem>> -> memref<16x1024xf32, #tpu.memory_space<vmem>>
    %dma_wait3A_1868 = arith.constant 0 : i32
    %dma_wait3A_1869 = tpu.memref_slice %arg4[%select_n3A_1846, %select_n3A_1862, %dma_wait3A_1868] : memref<4x8192x1024xf32, #tpu.memory_space<hbm>> -> memref<1x16x1024xf32, #tpu.memory_space<hbm>>
    %dma_wait3A_1870 = tpu.memref_squeeze %dma_wait3A_1869 : memref<1x16x1024xf32, #tpu.memory_space<hbm>> -> memref<16x1024xf32, #tpu.memory_space<hbm>>
    %dma_wait3A_1871 = arith.constant 0 : i32
    %dma_wait3A_1872 = tpu.memref_slice %arg4[%select_n3A_1846, %select_n3A_1862, %dma_wait3A_1871] : memref<4x8192x1024xf32, #tpu.memory_space<hbm>> -> memref<1x16x1024xf32, #tpu.memory_space<hbm>>
    %dma_wait3A_1873 = tpu.memref_squeeze %dma_wait3A_1872 : memref<1x16x1024xf32, #tpu.memory_space<hbm>> -> memref<16x1024xf32, #tpu.memory_space<hbm>>
    %dma_wait3A_1874 = arith.constant 0 : i32
    %dma_wait3A_1875 = arith.constant 0 : i32
    %dma_wait3A_1876 = tpu.memref_slice %arg6[%dma_wait3A_1863, %dma_wait3A_1874, %dma_wait3A_1875] : memref<7x16x1024xf32, #tpu.memory_space<vmem>> -> memref<1x16x1024xf32, #tpu.memory_space<vmem>>
    %dma_wait3A_1877 = tpu.memref_squeeze %dma_wait3A_1876 : memref<1x16x1024xf32, #tpu.memory_space<vmem>> -> memref<16x1024xf32, #tpu.memory_space<vmem>>
    tpu.wait_dma2 semaphore(%arg18 : memref<!tpu.dma_semaphore, #tpu.memory_space<semaphore_mem>>) src(%dma_wait3A_1877 : memref<16x1024xf32, #tpu.memory_space<vmem>>) dst(%dma_wait3A_1873 : memref<16x1024xf32, #tpu.memory_space<hbm>>)
    %add3A_1878 = arith.constant 976 : i32
    %add3A_1879 = arith.addi %mul3A_2, %add3A_1878 : i32
    %jit3A_1880 = arith.constant 8192 : i32
    %div3A_1881 = arith.divsi %add3A_1879, %jit3A_1880 : i32
    %sign3A_1882 = arith.constant 0 : i32
    %sign3A_1883 = arith.cmpi sgt, %add3A_1879, %sign3A_1882 : i32
    %sign3A_1884 = arith.extui %sign3A_1883 : i1 to i32
    %sign3A_1885 = arith.constant 0 : i32
    %sign3A_1886 = arith.cmpi slt, %add3A_1879, %sign3A_1885 : i32
    %sign3A_1887 = arith.extui %sign3A_1886 : i1 to i32
    %sign3A_1888 = arith.subi %sign3A_1884, %sign3A_1887 : i32
    %sign3A_1889 = arith.constant 0 : i32
    %sign3A_1890 = arith.cmpi sgt, %jit3A_1880, %sign3A_1889 : i32
    %sign3A_1891 = arith.extui %sign3A_1890 : i1 to i32
    %sign3A_1892 = arith.constant 0 : i32
    %sign3A_1893 = arith.cmpi slt, %jit3A_1880, %sign3A_1892 : i32
    %sign3A_1894 = arith.extui %sign3A_1893 : i1 to i32
    %sign3A_1895 = arith.subi %sign3A_1891, %sign3A_1894 : i32
    %ne3A_1896 = arith.cmpi ne, %sign3A_1888, %sign3A_1895 : i32
    %rem3A_1897 = arith.remsi %add3A_1879, %jit3A_1880 : i32
    %ne3A_1898 = arith.constant 0 : i32
    %ne3A_1899 = arith.cmpi ne, %rem3A_1897, %ne3A_1898 : i32
    %and3A_1900 = arith.andi %ne3A_1896, %ne3A_1899 : i1
    %sub3A_1901 = arith.constant 1 : i32
    %sub3A_1902 = arith.subi %div3A_1881, %sub3A_1901 : i32
    %select_n3A_1903 = arith.select %and3A_1900, %sub3A_1902, %div3A_1881 : i32
    %jit3A_1904 = arith.constant 8192 : i32
    %eq3A_1905 = arith.constant 0 : i32
    %eq3A_1906 = arith.cmpi eq, %jit3A_1904, %eq3A_1905 : i32
    %jit3A_1907 = arith.constant 1 : i32
    %select_n3A_1908 = arith.select %eq3A_1906, %jit3A_1907, %jit3A_1904 : i32
    %rem3A_1909 = arith.remsi %add3A_1879, %select_n3A_1908 : i32
    %ne3A_1910 = arith.constant 0 : i32
    %ne3A_1911 = arith.cmpi ne, %rem3A_1909, %ne3A_1910 : i32
    %lt3A_1912 = arith.constant 0 : i32
    %lt3A_1913 = arith.cmpi slt, %rem3A_1909, %lt3A_1912 : i32
    %lt3A_1914 = arith.constant 0 : i32
    %lt3A_1915 = arith.cmpi slt, %select_n3A_1908, %lt3A_1914 : i32
    %ne3A_1916 = arith.xori %lt3A_1913, %lt3A_1915 : i1
    %and3A_1917 = arith.andi %ne3A_1916, %ne3A_1911 : i1
    %add3A_1918 = arith.addi %rem3A_1909, %select_n3A_1908 : i32
    %select_n3A_1919 = arith.select %and3A_1917, %add3A_1918, %rem3A_1909 : i32
    %dma_wait3A_1920 = arith.constant 5 : i32
    %dma_wait3A_1921 = arith.constant 0 : i32
    %dma_wait3A_1922 = arith.constant 0 : i32
    %dma_wait3A_1923 = tpu.memref_slice %arg6[%dma_wait3A_1920, %dma_wait3A_1921, %dma_wait3A_1922] : memref<7x16x1024xf32, #tpu.memory_space<vmem>> -> memref<1x16x1024xf32, #tpu.memory_space<vmem>>
    %dma_wait3A_1924 = tpu.memref_squeeze %dma_wait3A_1923 : memref<1x16x1024xf32, #tpu.memory_space<vmem>> -> memref<16x1024xf32, #tpu.memory_space<vmem>>
    %dma_wait3A_1925 = arith.constant 0 : i32
    %dma_wait3A_1926 = tpu.memref_slice %arg4[%select_n3A_1903, %select_n3A_1919, %dma_wait3A_1925] : memref<4x8192x1024xf32, #tpu.memory_space<hbm>> -> memref<1x16x1024xf32, #tpu.memory_space<hbm>>
    %dma_wait3A_1927 = tpu.memref_squeeze %dma_wait3A_1926 : memref<1x16x1024xf32, #tpu.memory_space<hbm>> -> memref<16x1024xf32, #tpu.memory_space<hbm>>
    %dma_wait3A_1928 = arith.constant 0 : i32
    %dma_wait3A_1929 = tpu.memref_slice %arg4[%select_n3A_1903, %select_n3A_1919, %dma_wait3A_1928] : memref<4x8192x1024xf32, #tpu.memory_space<hbm>> -> memref<1x16x1024xf32, #tpu.memory_space<hbm>>
    %dma_wait3A_1930 = tpu.memref_squeeze %dma_wait3A_1929 : memref<1x16x1024xf32, #tpu.memory_space<hbm>> -> memref<16x1024xf32, #tpu.memory_space<hbm>>
    %dma_wait3A_1931 = arith.constant 0 : i32
    %dma_wait3A_1932 = arith.constant 0 : i32
    %dma_wait3A_1933 = tpu.memref_slice %arg6[%dma_wait3A_1920, %dma_wait3A_1931, %dma_wait3A_1932] : memref<7x16x1024xf32, #tpu.memory_space<vmem>> -> memref<1x16x1024xf32, #tpu.memory_space<vmem>>
    %dma_wait3A_1934 = tpu.memref_squeeze %dma_wait3A_1933 : memref<1x16x1024xf32, #tpu.memory_space<vmem>> -> memref<16x1024xf32, #tpu.memory_space<vmem>>
    tpu.wait_dma2 semaphore(%arg19 : memref<!tpu.dma_semaphore, #tpu.memory_space<semaphore_mem>>) src(%dma_wait3A_1934 : memref<16x1024xf32, #tpu.memory_space<vmem>>) dst(%dma_wait3A_1930 : memref<16x1024xf32, #tpu.memory_space<hbm>>)
    %add3A_1935 = arith.constant 992 : i32
    %add3A_1936 = arith.addi %mul3A_2, %add3A_1935 : i32
    %jit3A_1937 = arith.constant 8192 : i32
    %div3A_1938 = arith.divsi %add3A_1936, %jit3A_1937 : i32
    %sign3A_1939 = arith.constant 0 : i32
    %sign3A_1940 = arith.cmpi sgt, %add3A_1936, %sign3A_1939 : i32
    %sign3A_1941 = arith.extui %sign3A_1940 : i1 to i32
    %sign3A_1942 = arith.constant 0 : i32
    %sign3A_1943 = arith.cmpi slt, %add3A_1936, %sign3A_1942 : i32
    %sign3A_1944 = arith.extui %sign3A_1943 : i1 to i32
    %sign3A_1945 = arith.subi %sign3A_1941, %sign3A_1944 : i32
    %sign3A_1946 = arith.constant 0 : i32
    %sign3A_1947 = arith.cmpi sgt, %jit3A_1937, %sign3A_1946 : i32
    %sign3A_1948 = arith.extui %sign3A_1947 : i1 to i32
    %sign3A_1949 = arith.constant 0 : i32
    %sign3A_1950 = arith.cmpi slt, %jit3A_1937, %sign3A_1949 : i32
    %sign3A_1951 = arith.extui %sign3A_1950 : i1 to i32
    %sign3A_1952 = arith.subi %sign3A_1948, %sign3A_1951 : i32
    %ne3A_1953 = arith.cmpi ne, %sign3A_1945, %sign3A_1952 : i32
    %rem3A_1954 = arith.remsi %add3A_1936, %jit3A_1937 : i32
    %ne3A_1955 = arith.constant 0 : i32
    %ne3A_1956 = arith.cmpi ne, %rem3A_1954, %ne3A_1955 : i32
    %and3A_1957 = arith.andi %ne3A_1953, %ne3A_1956 : i1
    %sub3A_1958 = arith.constant 1 : i32
    %sub3A_1959 = arith.subi %div3A_1938, %sub3A_1958 : i32
    %select_n3A_1960 = arith.select %and3A_1957, %sub3A_1959, %div3A_1938 : i32
    %jit3A_1961 = arith.constant 8192 : i32
    %eq3A_1962 = arith.constant 0 : i32
    %eq3A_1963 = arith.cmpi eq, %jit3A_1961, %eq3A_1962 : i32
    %jit3A_1964 = arith.constant 1 : i32
    %select_n3A_1965 = arith.select %eq3A_1963, %jit3A_1964, %jit3A_1961 : i32
    %rem3A_1966 = arith.remsi %add3A_1936, %select_n3A_1965 : i32
    %ne3A_1967 = arith.constant 0 : i32
    %ne3A_1968 = arith.cmpi ne, %rem3A_1966, %ne3A_1967 : i32
    %lt3A_1969 = arith.constant 0 : i32
    %lt3A_1970 = arith.cmpi slt, %rem3A_1966, %lt3A_1969 : i32
    %lt3A_1971 = arith.constant 0 : i32
    %lt3A_1972 = arith.cmpi slt, %select_n3A_1965, %lt3A_1971 : i32
    %ne3A_1973 = arith.xori %lt3A_1970, %lt3A_1972 : i1
    %and3A_1974 = arith.andi %ne3A_1973, %ne3A_1968 : i1
    %add3A_1975 = arith.addi %rem3A_1966, %select_n3A_1965 : i32
    %select_n3A_1976 = arith.select %and3A_1974, %add3A_1975, %rem3A_1966 : i32
    %dma_wait3A_1977 = arith.constant 6 : i32
    %dma_wait3A_1978 = arith.constant 0 : i32
    %dma_wait3A_1979 = arith.constant 0 : i32
    %dma_wait3A_1980 = tpu.memref_slice %arg6[%dma_wait3A_1977, %dma_wait3A_1978, %dma_wait3A_1979] : memref<7x16x1024xf32, #tpu.memory_space<vmem>> -> memref<1x16x1024xf32, #tpu.memory_space<vmem>>
    %dma_wait3A_1981 = tpu.memref_squeeze %dma_wait3A_1980 : memref<1x16x1024xf32, #tpu.memory_space<vmem>> -> memref<16x1024xf32, #tpu.memory_space<vmem>>
    %dma_wait3A_1982 = arith.constant 0 : i32
    %dma_wait3A_1983 = tpu.memref_slice %arg4[%select_n3A_1960, %select_n3A_1976, %dma_wait3A_1982] : memref<4x8192x1024xf32, #tpu.memory_space<hbm>> -> memref<1x16x1024xf32, #tpu.memory_space<hbm>>
    %dma_wait3A_1984 = tpu.memref_squeeze %dma_wait3A_1983 : memref<1x16x1024xf32, #tpu.memory_space<hbm>> -> memref<16x1024xf32, #tpu.memory_space<hbm>>
    %dma_wait3A_1985 = arith.constant 0 : i32
    %dma_wait3A_1986 = tpu.memref_slice %arg4[%select_n3A_1960, %select_n3A_1976, %dma_wait3A_1985] : memref<4x8192x1024xf32, #tpu.memory_space<hbm>> -> memref<1x16x1024xf32, #tpu.memory_space<hbm>>
    %dma_wait3A_1987 = tpu.memref_squeeze %dma_wait3A_1986 : memref<1x16x1024xf32, #tpu.memory_space<hbm>> -> memref<16x1024xf32, #tpu.memory_space<hbm>>
    %dma_wait3A_1988 = arith.constant 0 : i32
    %dma_wait3A_1989 = arith.constant 0 : i32
    %dma_wait3A_1990 = tpu.memref_slice %arg6[%dma_wait3A_1977, %dma_wait3A_1988, %dma_wait3A_1989] : memref<7x16x1024xf32, #tpu.memory_space<vmem>> -> memref<1x16x1024xf32, #tpu.memory_space<vmem>>
    %dma_wait3A_1991 = tpu.memref_squeeze %dma_wait3A_1990 : memref<1x16x1024xf32, #tpu.memory_space<vmem>> -> memref<16x1024xf32, #tpu.memory_space<vmem>>
    tpu.wait_dma2 semaphore(%arg20 : memref<!tpu.dma_semaphore, #tpu.memory_space<semaphore_mem>>) src(%dma_wait3A_1991 : memref<16x1024xf32, #tpu.memory_space<vmem>>) dst(%dma_wait3A_1987 : memref<16x1024xf32, #tpu.memory_space<hbm>>)
    %add3A_1992 = arith.constant 1008 : i32
    %add3A_1993 = arith.addi %mul3A_2, %add3A_1992 : i32
    %jit3A_1994 = arith.constant 8192 : i32
    %div3A_1995 = arith.divsi %add3A_1993, %jit3A_1994 : i32
    %sign3A_1996 = arith.constant 0 : i32
    %sign3A_1997 = arith.cmpi sgt, %add3A_1993, %sign3A_1996 : i32
    %sign3A_1998 = arith.extui %sign3A_1997 : i1 to i32
    %sign3A_1999 = arith.constant 0 : i32
    %sign3A_2000 = arith.cmpi slt, %add3A_1993, %sign3A_1999 : i32
    %sign3A_2001 = arith.extui %sign3A_2000 : i1 to i32
    %sign3A_2002 = arith.subi %sign3A_1998, %sign3A_2001 : i32
    %sign3A_2003 = arith.constant 0 : i32
    %sign3A_2004 = arith.cmpi sgt, %jit3A_1994, %sign3A_2003 : i32
    %sign3A_2005 = arith.extui %sign3A_2004 : i1 to i32
    %sign3A_2006 = arith.constant 0 : i32
    %sign3A_2007 = arith.cmpi slt, %jit3A_1994, %sign3A_2006 : i32
    %sign3A_2008 = arith.extui %sign3A_2007 : i1 to i32
    %sign3A_2009 = arith.subi %sign3A_2005, %sign3A_2008 : i32
    %ne3A_2010 = arith.cmpi ne, %sign3A_2002, %sign3A_2009 : i32
    %rem3A_2011 = arith.remsi %add3A_1993, %jit3A_1994 : i32
    %ne3A_2012 = arith.constant 0 : i32
    %ne3A_2013 = arith.cmpi ne, %rem3A_2011, %ne3A_2012 : i32
    %and3A_2014 = arith.andi %ne3A_2010, %ne3A_2013 : i1
    %sub3A_2015 = arith.constant 1 : i32
    %sub3A_2016 = arith.subi %div3A_1995, %sub3A_2015 : i32
    %select_n3A_2017 = arith.select %and3A_2014, %sub3A_2016, %div3A_1995 : i32
    %jit3A_2018 = arith.constant 8192 : i32
    %eq3A_2019 = arith.constant 0 : i32
    %eq3A_2020 = arith.cmpi eq, %jit3A_2018, %eq3A_2019 : i32
    %jit3A_2021 = arith.constant 1 : i32
    %select_n3A_2022 = arith.select %eq3A_2020, %jit3A_2021, %jit3A_2018 : i32
    %rem3A_2023 = arith.remsi %add3A_1993, %select_n3A_2022 : i32
    %ne3A_2024 = arith.constant 0 : i32
    %ne3A_2025 = arith.cmpi ne, %rem3A_2023, %ne3A_2024 : i32
    %lt3A_2026 = arith.constant 0 : i32
    %lt3A_2027 = arith.cmpi slt, %rem3A_2023, %lt3A_2026 : i32
    %lt3A_2028 = arith.constant 0 : i32
    %lt3A_2029 = arith.cmpi slt, %select_n3A_2022, %lt3A_2028 : i32
    %ne3A_2030 = arith.xori %lt3A_2027, %lt3A_2029 : i1
    %and3A_2031 = arith.andi %ne3A_2030, %ne3A_2025 : i1
    %add3A_2032 = arith.addi %rem3A_2023, %select_n3A_2022 : i32
    %select_n3A_2033 = arith.select %and3A_2031, %add3A_2032, %rem3A_2023 : i32
    %dma_wait3A_2034 = arith.constant 0 : i32
    %dma_wait3A_2035 = arith.constant 0 : i32
    %dma_wait3A_2036 = arith.constant 0 : i32
    %dma_wait3A_2037 = tpu.memref_slice %arg6[%dma_wait3A_2034, %dma_wait3A_2035, %dma_wait3A_2036] : memref<7x16x1024xf32, #tpu.memory_space<vmem>> -> memref<1x16x1024xf32, #tpu.memory_space<vmem>>
    %dma_wait3A_2038 = tpu.memref_squeeze %dma_wait3A_2037 : memref<1x16x1024xf32, #tpu.memory_space<vmem>> -> memref<16x1024xf32, #tpu.memory_space<vmem>>
    %dma_wait3A_2039 = arith.constant 0 : i32
    %dma_wait3A_2040 = tpu.memref_slice %arg4[%select_n3A_2017, %select_n3A_2033, %dma_wait3A_2039] : memref<4x8192x1024xf32, #tpu.memory_space<hbm>> -> memref<1x16x1024xf32, #tpu.memory_space<hbm>>
    %dma_wait3A_2041 = tpu.memref_squeeze %dma_wait3A_2040 : memref<1x16x1024xf32, #tpu.memory_space<hbm>> -> memref<16x1024xf32, #tpu.memory_space<hbm>>
    %dma_wait3A_2042 = arith.constant 0 : i32
    %dma_wait3A_2043 = tpu.memref_slice %arg4[%select_n3A_2017, %select_n3A_2033, %dma_wait3A_2042] : memref<4x8192x1024xf32, #tpu.memory_space<hbm>> -> memref<1x16x1024xf32, #tpu.memory_space<hbm>>
    %dma_wait3A_2044 = tpu.memref_squeeze %dma_wait3A_2043 : memref<1x16x1024xf32, #tpu.memory_space<hbm>> -> memref<16x1024xf32, #tpu.memory_space<hbm>>
    %dma_wait3A_2045 = arith.constant 0 : i32
    %dma_wait3A_2046 = arith.constant 0 : i32
    %dma_wait3A_2047 = tpu.memref_slice %arg6[%dma_wait3A_2034, %dma_wait3A_2045, %dma_wait3A_2046] : memref<7x16x1024xf32, #tpu.memory_space<vmem>> -> memref<1x16x1024xf32, #tpu.memory_space<vmem>>
    %dma_wait3A_2048 = tpu.memref_squeeze %dma_wait3A_2047 : memref<1x16x1024xf32, #tpu.memory_space<vmem>> -> memref<16x1024xf32, #tpu.memory_space<vmem>>
    tpu.wait_dma2 semaphore(%arg14 : memref<!tpu.dma_semaphore, #tpu.memory_space<semaphore_mem>>) src(%dma_wait3A_2048 : memref<16x1024xf32, #tpu.memory_space<vmem>>) dst(%dma_wait3A_2044 : memref<16x1024xf32, #tpu.memory_space<hbm>>)
    return
  }
}

</mosaic_0001>

<sc_bundles>
// kernel: kernel.3.cloned.1.call-start
scs
__scs_entry_jumppad:
0x0: {  	(pc) =	sbr.rel $0x88, $3  }
0x1: {  	(tag) =	ssettag $0x0;
	lr =	simm.s32 $0x1  }
0x2: {  	[smem:$0x3F9F] =	sst lr;
	_ =	strace $0xD0000000  }
0x3: {  	_ = 	snop  }
0x4: {  	_ = 	snop  }
0x5: {  	_ = 	snop  }
0x6: {  	_ = 	snop  }
0x7: {  	_ = 	snop  }
__scs_overlays_trampoline_lowered:
0x8: {  	[smem:$0x3FAE] =	sst s0  }
0x9: {  	[smem:$0x3FAF] =	sst s1  }
0xa: {  	[smem:$0x3FB0] =	sst s2  }
0xb: {  	[smem:$0x3FB1] =	sst s3  }
0xc: {  	[smem:$0x3FB2] =	sst s4  }
0xd: {  	[smem:$0x3FB3] =	sst s5  }
0xe: {  	[smem:$0x3FB4] =	sst s6  }
0xf: {  	[smem:$0x3FB5] =	sst s7  }
0x10: {  	[smem:$0x3FB6] =	sst s8  }
0x11: {  	[smem:$0x3FB7] =	sst s9;
	s0 =	simm.s32 @!p0 $0x0  }
0x12: {  	s1 =	sld [smem:$0x3F9D];
	s0 =	simm.s32 @p0 $0x1  }
0x13: {  	[smem:$0x3FB8] =	sst s0;
	s0 =	simm.s32 @!p1 $0x0  }
0x14: {  	s2 =	sld [smem:$0x3F9C];
	s0 =	simm.s32 @p1 $0x1  }
0x15: {  	[smem:$0x3FB9] =	sst s0;
	s0 =	simm.s32 @!p2 $0x0  }
0x16: {  	s3 =	sld [smem:$0x3FDB];
	s0 =	simm.s32 @p2 $0x1  }
0x17: {  	s4 =	simm.s32 $0x1BF5;
	[smem:$0x3FBB] =	sst s0  }
0x18: {  	s0 =	sld [smem:$0x3F9E];
	_ =	swait.ge [sflag:s4], $0x0  }
0x19: {  	s7 =	sld [smem:$0x3F9F]  }
0x1a: {  	s8 =	sadd.s32 $0xFFFFE003, lr  }
0x1b: {  	s9 =	sadd.s32 $0xFFFFFEF7, lr;
	s5 =	simm.s32 $0xFFFFFFFF;
	p2 =	slt.u32 s8, $0xFFFFF086  }
0x1c: {  	p1 =	slt.u32 s9, $0xF7A;
	s5 =	simm.s32 @!p2 $0x0  }
0x1d: {  	s5 =	simm.s32 @p1 $0x1;
	p0 =	seq.s32 s7, s2  }
0x1e: {  	s7 =	smul.u32 @!p0 $0xF7A, s2;
	p2 =	seq.s32 @!p0 s5, $0x0  }
0x1f: {  	s9 =	smul.u32 $0xF7A, s1;
	s8 =	simm.s32 @!p0 $0x1BF5;
	p2 =	por !p2, p0  }
0x20: {  	[sflag:s8] =	ssyncset.s32 @!p0 $0xFFFFF086;
	s6 =	sadd.s32 @!p0 s3, s7;
	s7 =	simm.s32 @!p0 $0x108  }
0x21: {  	s3 =	sadd.s32 s3, s9;
	s6 =	sadd.s32 @!p0 $0x88, s6;
	s7 =	simm.s32 @p2 $0x1082  }
0x22: {  	[simem:s7], [sflag:s8] =	dma.local @!p0 [hbm:s6], $0xF7A  }
0x23: {  	s9 =	sor.u32 $0xD0000000, s2;
	s6 =	simm.s32 $0x108;
	_ =	swait.ge @!p0 [sflag:s8], $0x0  }
0x24: {  	s3 =	sadd.s32 $0x88, s3;
	s6 =	simm.s32 @!p1 $0x1082;
	[sflag:s4] =	ssyncset.s32 $0xFFFFF086  }
0x25: {  	[simem:s6], [sflag:s4] =	dma.local [hbm:s3], $0xF7A  }
0x26: {  	[smem:$0x3F9F] =	sst s1;
	(tag) =	ssettag s2;
	_ =	strace s9  }
0x27: {  	s1 =	sld [smem:$0x3FAF]  }
0x28: {  	s2 =	sld [smem:$0x3FB0]  }
0x29: {  	s4 =	sld [smem:$0x3FB2]  }
0x2a: {  	p0 =	seq.s32 s5, $0x0;
	s5 =	sld [smem:$0x3FB3]  }
0x2b: {  	s6 =	sld [smem:$0x3FB4]  }
0x2c: {  	s7 =	sld [smem:$0x3FB5]  }
0x2d: {  	s3 =	simm.s32 $0x108;
	s8 =	sld [smem:$0x3FB6]  }
0x2e: {  	s3 =	simm.s32 @!p0 $0x1082;
	s9 =	sld [smem:$0x3FB7]  }
0x2f: {  	lr =	sadd.s32 s0, s3;
	s0 =	sld [smem:$0x3FAE]  }
0x30: {  	s3 =	sld [smem:$0x3FB1]  }
0x31: {  	[smem:$0x3FBA] =	sst s10  }
0x32: {  	s10 =	sld [smem:$0x3FB8];
	_ =	sdelay $0x3  }
0x33: {  	p0 =	seq.s32 s10, $0x1;
	s10 =	sld [smem:$0x3FBA];
	_ =	sdelay $0x3  }
0x34: {  	[smem:$0x3FBA] =	sst s10  }
0x35: {  	s10 =	sld [smem:$0x3FB9];
	_ =	sdelay $0x3  }
0x36: {  	p1 =	seq.s32 s10, $0x1;
	s10 =	sld [smem:$0x3FBA];
	_ =	sdelay $0x3  }
0x37: {  	[smem:$0x3FBA] =	sst s10  }
0x38: {  	s10 =	sld [smem:$0x3FBB]  }
0x39: {  	_ = 	snop;
	(pc) =	sbr.ind lr, $3  }
0x3a: {  	_ = 	snop  }
0x3b: {  	_ = 	snop  }
0x3c: {  	p2 =	seq.s32 s10, $0x1;
	s10 =	sld [smem:$0x3FBA]  }
0x3d: {  	_ =	shalt  }
0x3e: {  	_ =	shalt  }
0x3f: {  	_ =	shalt  }
0x40: {  	_ =	shalt  }
0x41: {  	_ =	shalt  }
0x42: {  	_ =	shalt  }
0x43: {  	_ =	shalt  }
0x44: {  	_ =	shalt  }
0x45: {  	_ =	shalt  }
0x46: {  	_ =	shalt  }
0x47: {  	_ =	shalt  }
0x48: {  	_ =	shalt  }
0x49: {  	_ =	shalt  }
0x4a: {  	_ =	shalt  }
0x4b: {  	_ =	shalt  }
0x4c: {  	_ =	shalt  }
0x4d: {  	_ =	shalt  }
0x4e: {  	_ =	shalt  }
0x4f: {  	_ =	shalt  }
0x50: {  	_ =	shalt  }
0x51: {  	_ =	shalt  }
0x52: {  	_ =	shalt  }
0x53: {  	_ =	shalt  }
0x54: {  	_ =	shalt  }
0x55: {  	_ =	shalt  }
0x56: {  	_ =	shalt  }
0x57: {  	_ =	shalt  }
0x58: {  	_ =	shalt  }
0x59: {  	_ =	shalt  }
0x5a: {  	_ =	shalt  }
0x5b: {  	_ =	shalt  }
0x5c: {  	_ =	shalt  }
0x5d: {  	_ =	shalt  }
0x5e: {  	_ =	shalt  }
0x5f: {  	_ =	shalt  }
0x60: {  	_ =	shalt  }
0x61: {  	_ =	shalt  }
0x62: {  	_ =	shalt  }
0x63: {  	_ =	shalt  }
0x64: {  	_ =	shalt  }
0x65: {  	_ =	shalt  }
0x66: {  	_ =	shalt  }
0x67: {  	_ =	shalt  }
0x68: {  	_ =	shalt  }
0x69: {  	_ =	shalt  }
0x6a: {  	_ =	shalt  }
0x6b: {  	_ =	shalt  }
0x6c: {  	_ =	shalt  }
0x6d: {  	_ =	shalt  }
0x6e: {  	_ =	shalt  }
0x6f: {  	_ =	shalt  }
0x70: {  	_ =	shalt  }
0x71: {  	_ =	shalt  }
0x72: {  	_ =	shalt  }
0x73: {  	_ =	shalt  }
0x74: {  	_ =	shalt  }
0x75: {  	_ =	shalt  }
0x76: {  	_ =	shalt  }
0x77: {  	_ =	shalt  }
0x78: {  	_ =	shalt  }
0x79: {  	_ =	shalt  }
0x7a: {  	_ =	shalt  }
0x7b: {  	_ =	shalt  }
0x7c: {  	_ =	shalt  }
0x7d: {  	_ =	shalt  }
0x7e: {  	_ =	shalt  }
0x7f: {  	_ =	shalt  }
0x80: {  	_ =	shalt  }
0x81: {  	_ =	shalt  }
0x82: {  	_ =	shalt  }
0x83: {  	_ =	shalt  }
0x84: {  	_ =	shalt  }
0x85: {  	_ =	shalt  }
0x86: {  	_ =	shalt  }
0x87: {  	_ =	shalt  }
.Lfunc_end0:
.L_simem_size_0:
called_computation_lowered:
.L_overlay_start_0:
0x88: {  	s2 =	sld [smem:$0x3FD9]  }
0x89: {  	s3 =	sld [smem:$0x3FFE];
	_ =	sdelay $0x1  }
0x8a: {  	s1 =	srdreg.scid  }
0x8b: {  	s0 =	sand.u32 $0x1, s1  }
0x8c: {  	s18 =	sshll.u32 s0, $0xA;
	s2 =	sadd.s32 s3, s2  }
0x8d: {  	s2 =	sadd.s32 s2, s18  }
0x8e: {  	[smem:$0x3FC6] =	sst s2  }
0x8f: {  	_ = 	snop  }
0x90: {  	s2 =	sld [smem:$0x3FC9]  }
0x91: {  	s19 =	sld [smem:$0x3FC8]  }
0x92: {  	s4 =	sld [smem:$0x3FD0];
	(tm) =	ssettm $0x1  }
0x93: {  	s5 =	sld [smem:$0x3FFB];
	_ =	sdelay $0x3  }
0x94: {  	_ =	strace s5  }
0x95: {  	s5 =	sld [smem:$0x3FFC];
	_ =	sdelay $0x3  }
0x96: {  	_ =	strace s5  }
0x97: {  	s5 =	sld [smem:$0x3FFD];
	_ =	sdelay $0x3  }
0x98: {  	_ =	strace s5  }
0x99: {  	_ =	strace $0x8FFFFFFF  }
0x9a: {  	s20 =	sld [smem:$0x3FDB];
	_ =	sdelay $0x1  }
0x9b: {  	s6 =	simm.s32 $_scs_section_size  }
0x9c: {  	s7 =	simm.s32 $_size__tile_overlayer_lowered;
	s8 =	simm.s32 $_tile_overlayer_lowered  }
0x9d: {  	s23 =	simm.s32 $0x1BFF;
	s22 =	sshll.u32 s8, $0x1;
	s5 =	sadd.s32 s6, s20  }
0x9e: {  	s9 =	simm.s32 $0x0;
	s21 =	sshll.u32 s7, $0x1;
	s7 =	sadd.s32 s22, s5  }
0x9f: {  	[timem:s9], [sflag:s23] =	dma.local [hbm:s7], s21  }
0xa0: {  	_ =	swait.ge [sflag:s23], s21  }
0xa1: {  	s6 =	ssub.s32 $0x0, s21;
	[sflag:s23] =	ssyncset.done $0x0  }
0xa2: {  	[sflag:s23] =	ssyncadd.s32 s6;
	_ =	sdelay $0x1  }
0xa3: {  	s24 =	simm.s32 $0x1B8B  }
0xa4: {  	_ =	swait.ge [sflag:s24], $0x1  }
0xa5: {  	[sflag:s24] =	ssyncset.done $0x0  }
0xa6: {  	s25 =	simm.s32 $0x1B8E;
	[sflag:s24] =	ssyncadd.s32 $0xFFFFFFFF  }
0xa7: {  	s26 =	simm.s32 $execute0_lowered;
	[smem:$0x3FD2] =	sst s25  }
0xa8: {  	s6 =	sshll.u32 s26, $0x1;
	_ =	strace $0x80000046;
	[dreg:$0x1] =	wrdreg $0xFFFFFFFF  }
0xa9: {  	s28 =	simm.s32 $_size_execute0_lowered;
	s5 =	sadd.s32 s5, s6;
	[dreg:$0x0] =	wrdreg $0x0  }
0xaa: {  	s6 =	sshll.u32 s28, $0x1;
	[dreg:$0x2] =	wrdreg s5  }
0xab: {  	[dreg:$0x3] =	wrdreg s6  }
0xac: {  	[dreg:$0x4] =	wrdreg $0xC0  }
0xad: {  	_ =	task [dreg:s9], $0x5FFFF  }
0xae: {  	[dreg:$0x1] =	wrdreg $0xFFFFFFFF  }
0xaf: {  	[dreg:$0x0] =	wrdreg $0x60  }
0xb0: {  	[dreg:$0x2] =	wrdreg s2  }
0xb1: {  	[dreg:$0x3] =	wrdreg s19  }
0xb2: {  	[dreg:$0x4] =	wrdreg s4  }
0xb3: {  	[dreg:$0x5] =	wrdreg $0x9  }
0xb4: {  	_ =	task.clear_ibuf [dreg:s9], $0x6FFFF;
	_ =	strace $0x90000046  }
0xb5: {  	s29 =	simm.s32 $0x9;
	_ =	strace $0x80000048  }
0xb6: {  	_ =	swait.ge [sflag:s29], $0x1  }
0xb7: {  	[sflag:s29] =	ssyncadd.s32 $0xFFFFFFFF  }
0xb8: {  	_ =	strace $0x90000048  }
0xb9: {  	_ =	sfence  }
0xba: {  	s30 =	sld [smem:$0x0];
	_ =	sdelay $0x2  }
0xbb: {  	s31 =	sshll.u32 s1, $0xD;
	s1 =	sshrl.u32 s1, $0x2  }
0xbc: {  	s3 =	sand.u32 $0x4000, s31;
	s1 =	sadd.s32 s1, s30  }
0xbd: {  	s0 =	sor.u32 s3, s0;
	s1 =	sshll.u32 s1, $0x11  }
0xbe: {  	s0 =	sor.u32 s1, s0  }
0xbf: {  	s0 =	sadd.s32 $0x8F2B, s0  }
0xc0: {  	[sflag:s0] =	ssyncadd.remote.s32 $0x1  }
0xc1: {  	_ =	sfence.sel $0xFFFF  }
0xc2: {  	[dreg:$0x0] =	wrdreg $0xFFFFFFFF;
	(pc) =	sbr.abs _section_cstart, $3  }
0xc3: {  	[dreg:$0x1] =	wrdreg $0xFFFFFFFF  }
0xc4: {  	_ =	task.clear_ibuf [dreg:s9], $0x2FFFF;
	_ =	strace $0x9FFFFFFF  }
0xc5: {  	(tm) =	ssettm $0x7FFFFFFF  }
tec
execute0_lowered:
.L_overlay_start_1:
0x0: {  	(tag) =	ssettag $0x1  }
0x1: {  	s0 =	rddreg [dreg:$0x0]  }
0x2: {  	s1 =	rddreg [dreg:$0x1]  }
0x3: {  	s2 =	rddreg [dreg:$0x2]  }
0x4: {  	s3 =	simm.s32 $0x0;
	s4 =	srdreg.scid;
	s10 =	stileid.u32  }
0x5: {  	s29 =	simm.s32 $0x2;
	s4 =	sand.u32 $0x1, s4;
	s5 =	sshll.u32 s10, $0x1  }
0x6: {  	[smem:$0x7FF] =	sst s3;
	s21 =	sshll.u32 s10, $0x2;
	s7 =	sor.u32 s4, s5  }
0x7: {  	s5 =	sand.u32 $0x30, s21;
	s9 =	sshll.u32 s7, $0x9;
	s23 =	sshll.u32 s7, $0x11  }
0x8: {  	s0 =	sadd.s32 s0, s5;
	s22 =	sand.u32 $0xE00, s9;
	s11 =	sadd.s32 s2, s23  }
0x9: {  	_ =	strace $0x80000047;
	s0 =	sadd.s32 s22, s0;
	[dreg:$0xc] =	wrdreg s11  }
0xa: {  	s30 =	simm.s32 $0x3;
	s24 =	sadd.s32 $0x1000, s11;
	[dreg:$0xb] =	wrdreg s0  }
0xb: {  	s31 =	sshll.u32 s10, $0x12;
	s25 =	sadd.s32 $0x1800, s11;
	[dreg:$0xe] =	wrdreg s24  }
0xc: {  	s6 =	ssub.s32 $0x2, s4;
	s26 =	sadd.s32 $0x2000, s11;
	[dreg:$0xf] =	wrdreg s25  }
0xd: {  	s13 =	sand.u32 $0x300000, s31;
	s28 =	sadd.s32 $0x2800, s11;
	[dreg:$0x10] =	wrdreg s26  }
0xe: {  	s4 =	sshll.u32 s4, $0x11;
	s12 =	sadd.s32 $0x3000, s11;
	[dreg:$0x11] =	wrdreg s28  }
0xf: {  	s8 =	sshrl.u32 s6, $0x1;
	s14 =	sadd.s32 $0x1C000, s11;
	[dreg:$0x12] =	wrdreg s12  }
0x10: {  	s5 =	sadd.s32 $0x100, s1;
	s15 =	sadd.s32 $0x1C800, s11;
	[dreg:$0x13] =	wrdreg s14  }
0x11: {  	s7 =	sadd.s32 $0x300, s1;
	s16 =	sadd.s32 $0x1D000, s11;
	[dreg:$0x14] =	wrdreg s15  }
0x12: {  	s8 =	ssub.s32 s6, s8;
	s18 =	sadd.s32 $0x1D800, s11;
	[dreg:$0x15] =	wrdreg s16  }
0x13: {  	s6 =	sadd.s32 $0x200, s1;
	s19 =	sadd.s32 $0x1E000, s11;
	[dreg:$0x16] =	wrdreg s18  }
0x14: {  	s9 =	simm.s32 $0x1;
	s21 =	sadd.s32 $0x1E800, s11;
	[dreg:$0x17] =	wrdreg s19  }
0x15: {  	s23 =	sadd.s32 $0x1F000, s11;
	s0 =	sadd.s32 $0x800, s11;
	[dreg:$0x18] =	wrdreg s21  }
0x16: {  	[dreg:$0x19] =	wrdreg s23;
	s25 =	sadd.s32 $0x1F800, s11;
	s28 =	smax.u32 s8, $0x1  }
0x17: {  	s18 =	simm.s32 $0x4C00;
	s19 =	simm.s32 $0x5400;
	s21 =	simm.s32 $0x9  }
0x18: {  	s23 =	simm.s32 $0x5;
	[dreg:$0xd] =	wrdreg s0;
	s0 =	sor.u32 s4, s31  }
0x19: {  	s11 =	simm.s32 $0xD;
	[dreg:$0x1a] =	wrdreg s25;
	s4 =	sadd.s32 s0, s2  }
0x1a: {  	s12 =	simm.s32 $0xE;
	[dreg:$0x1b] =	wrdreg s28;
	s17 =	sadd.s32 $0x6800, s4  }
0x1b: {  	s14 =	simm.s32 $0x0;
	s20 =	sadd.s32 $0x4000, s4;
	[dreg:$0x4] =	wrdreg s17  }
0x1c: {  	s25 =	simm.s32 $0x7;
	s22 =	sadd.s32 $0x4800, s4;
	[dreg:$0x6] =	wrdreg s20  }
0x1d: {  	s2 =	sadd.s32 s13, s2;
	s24 =	sadd.s32 $0x5000, s4;
	[dreg:$0x7] =	wrdreg s22  }
0x1e: {  	s0 =	sand.u32 $0xE0000, s0;
	s26 =	sadd.s32 $0x6000, s4;
	[dreg:$0x8] =	wrdreg s24  }
0x1f: {  	s0 =	sadd.s32 s0, s2;
	s31 =	sadd.s32 $0x5800, s4;
	[dreg:$0x9] =	wrdreg s26  }
0x20: {  	v2 =	vlaneseq.u32;
	s2 =	simm.s32 $0xB;
	s0 =	sadd.s32 $0x3800, s0;
	[dreg:$0xa] =	wrdreg s31  }
0x21: {  	vm0 =	vmmov $0xffff;
	v1 =	vshrl.u32 v2, $0x3;
	s20 =	simm.s32 $0x8;
	s22 =	simm.s32 $0x4;
	s24 =	simm.s32 $0x6  }
0x22: {  	v0 =	vand.u32 $0x7, v2;
	v2 =	vor.u32 $0x8, v2;
	v1 =	vmul.u32 $0x8, v1;
	s26 =	simm.s32 $0xC;
	[dreg:$0x5] =	wrdreg s0;
	s0 =	simm.s32 $0xA  }
.LBB2_1:
0x23: {  	[dreg:$0x1c] =	wrdreg s14  }
0x24: {  	s13 =	rddreg [dreg:$0xb]  }
0x25: {  	s4 =	simm.s32 $0x80;
	s17 =	simm.s32 $0x200;
	s8 =	simm.s32 $0xF  }
0x26: {  	[tilespmem:s3], [sflag:$0xF] =	stream.strided.gather [hbm4b:s13+s4], $0x400, s17, s4, $0x38;
	[tilespmem:$0x1C400] =	vst v63  }
0x27: {  	_ =	swait.ge [sflag:s8], $0x400  }
0x28: {  	[sflag:s8] =	ssyncset.done $0x0  }
0x29: {  	[sflag:s8] =	ssyncadd.s32 $0xFFFFFC00  }
0x2a: {  	v3 =	vld [tilespmem:$0x0];
	_ =	sdelay $0x4  }
0x2b: {  	v4 =	vshll.u32 v3, $0x3  }
0x2c: {  	v3 =	vand.u32 $0x7, v3;
	v4 =	vand.u32 $0xFFFFFFC0, v4  }
0x2d: {  	v3 =	vor.u32 v3, v4  }
0x2e: {  	v4 =	vperm.xlane v3, v0;
	_ =	sdelay $0x1  }
0x2f: {  	v4 =	vadd.s32 v1, v4;
	_ =	sdelay $0x3  }
0x30: {  	s28 =	simm.s32 $0x400  }
0x31: {  	[tilespmem:s28], [sflag:$0x1] =	stream.indirect_vreg.gather [hbm4b:s1+s3], $0x80, v4, vm0, $0xb8;
	[tilespmem:$0x1C400] =	vst v63  }
0x32: {  	s14 =	simm.s32 $0xC00;
	v3 =	vperm.xlane v3, v2  }
0x33: {  	[tilespmem:s14], [sflag:$0x1] =	stream.indirect_vreg.gather [hbm4b:s5+s3], $0x80, v4, vm0, $0xb8;
	[tilespmem:$0x1C400] =	vst v63  }
0x34: {  	s17 =	simm.s32 $0x1400;
	v3 =	vadd.s32 v1, v3  }
0x35: {  	[tilespmem:s17], [sflag:$0x1] =	stream.indirect_vreg.gather [hbm4b:s6+s3], $0x80, v4, vm0, $0xb8;
	[tilespmem:$0x1C400] =	vst v63  }
0x36: {  	s4 =	simm.s32 $0x1C00  }
0x37: {  	[tilespmem:s4], [sflag:$0x1] =	stream.indirect_vreg.gather [hbm4b:s7+s3], $0x80, v4, vm0, $0xb8;
	[tilespmem:$0x1C400] =	vst v63  }
0x38: {  	s10 =	simm.s32 $0x2400  }
0x39: {  	[tilespmem:s10], [sflag:$0x1] =	stream.indirect_vreg.gather [hbm4b:s1+s3], $0x80, v3, vm0, $0xb8;
	[tilespmem:$0x1C400] =	vst v63  }
0x3a: {  	s13 =	simm.s32 $0x2C00  }
0x3b: {  	[tilespmem:s13], [sflag:$0x1] =	stream.indirect_vreg.gather [hbm4b:s5+s3], $0x80, v3, vm0, $0xb8;
	[tilespmem:$0x1C400] =	vst v63  }
0x3c: {  	s15 =	simm.s32 $0x3400  }
0x3d: {  	[tilespmem:s15], [sflag:$0x1] =	stream.indirect_vreg.gather [hbm4b:s6+s3], $0x80, v3, vm0, $0xb8;
	[tilespmem:$0x1C400] =	vst v63  }
0x3e: {  	s16 =	simm.s32 $0x3C00  }
0x3f: {  	[tilespmem:s16], [sflag:$0x1] =	stream.indirect_vreg.gather [hbm4b:s7+s3], $0x80, v3, vm0, $0xb8;
	[tilespmem:$0x1C400] =	vst v63  }
0x40: {  	v3 =	vld [tilespmem:$0x10];
	_ =	sdelay $0x4  }
0x41: {  	v52 =	vshll.u32 v3, $0x3  }
0x42: {  	v3 =	vand.u32 $0x7, v3;
	v4 =	vand.u32 $0xFFFFFFC0, v52  }
0x43: {  	v3 =	vor.u32 v3, v4  }
0x44: {  	v4 =	vperm.xlane v3, v0;
	_ =	sdelay $0x1  }
0x45: {  	v4 =	vadd.s32 v1, v4;
	_ =	sdelay $0x3  }
0x46: {  	s4 =	simm.s32 $0x4400  }
0x47: {  	[tilespmem:s4], [sflag:$0x2] =	stream.indirect_vreg.gather [hbm4b:s1+s3], $0x80, v4, vm0, $0xb8;
	[tilespmem:$0x1C400] =	vst v63  }
0x48: {  	v3 =	vperm.xlane v3, v2  }
0x49: {  	[tilespmem:s18], [sflag:$0x2] =	stream.indirect_vreg.gather [hbm4b:s5+s3], $0x80, v4, vm0, $0xb8;
	[tilespmem:$0x1C400] =	vst v63  }
0x4a: {  	v3 =	vadd.s32 v1, v3  }
0x4b: {  	[tilespmem:s19], [sflag:$0x2] =	stream.indirect_vreg.gather [hbm4b:s6+s3], $0x80, v4, vm0, $0xb8;
	[tilespmem:$0x1C400] =	vst v63  }
0x4c: {  	s8 =	simm.s32 $0x5C00  }
0x4d: {  	[tilespmem:s8], [sflag:$0x2] =	stream.indirect_vreg.gather [hbm4b:s7+s3], $0x80, v4, vm0, $0xb8;
	[tilespmem:$0x1C400] =	vst v63  }
0x4e: {  	s18 =	simm.s32 $0x6400  }
0x4f: {  	[tilespmem:s18], [sflag:$0x2] =	stream.indirect_vreg.gather [hbm4b:s1+s3], $0x80, v3, vm0, $0xb8;
	[tilespmem:$0x1C400] =	vst v63  }
0x50: {  	s19 =	simm.s32 $0x6C00  }
0x51: {  	[tilespmem:s19], [sflag:$0x2] =	stream.indirect_vreg.gather [hbm4b:s5+s3], $0x80, v3, vm0, $0xb8;
	[tilespmem:$0x1C400] =	vst v63  }
0x52: {  	s8 =	simm.s32 $0x7400  }
0x53: {  	[tilespmem:s8], [sflag:$0x2] =	stream.indirect_vreg.gather [hbm4b:s6+s3], $0x80, v3, vm0, $0xb8;
	[tilespmem:$0x1C400] =	vst v63  }
0x54: {  	s19 =	simm.s32 $0x7C00  }
0x55: {  	[tilespmem:s19], [sflag:$0x2] =	stream.indirect_vreg.gather [hbm4b:s7+s3], $0x80, v3, vm0, $0xb8;
	[tilespmem:$0x1C400] =	vst v63  }
0x56: {  	v3 =	vld [tilespmem:$0x20];
	_ =	sdelay $0x4  }
0x57: {  	v53 =	vshll.u32 v3, $0x3  }
0x58: {  	v3 =	vand.u32 $0x7, v3;
	v4 =	vand.u32 $0xFFFFFFC0, v53  }
0x59: {  	v3 =	vor.u32 v3, v4  }
0x5a: {  	v4 =	vperm.xlane v3, v0;
	_ =	sdelay $0x1  }
0x5b: {  	v4 =	vadd.s32 v1, v4;
	_ =	sdelay $0x3  }
0x5c: {  	s16 =	simm.s32 $0x8400  }
0x5d: {  	[tilespmem:s16], [sflag:$0x3] =	stream.indirect_vreg.gather [hbm4b:s1+s3], $0x80, v4, vm0, $0xb8;
	[tilespmem:$0x1C400] =	vst v63  }
0x5e: {  	s10 =	simm.s32 $0x8C00;
	v3 =	vperm.xlane v3, v2  }
0x5f: {  	[tilespmem:s10], [sflag:$0x3] =	stream.indirect_vreg.gather [hbm4b:s5+s3], $0x80, v4, vm0, $0xb8;
	[tilespmem:$0x1C400] =	vst v63  }
0x60: {  	s31 =	simm.s32 $0x9400;
	v3 =	vadd.s32 v1, v3  }
0x61: {  	[tilespmem:s31], [sflag:$0x3] =	stream.indirect_vreg.gather [hbm4b:s6+s3], $0x80, v4, vm0, $0xb8;
	[tilespmem:$0x1C400] =	vst v63  }
0x62: {  	s13 =	simm.s32 $0x9C00  }
0x63: {  	[tilespmem:s13], [sflag:$0x3] =	stream.indirect_vreg.gather [hbm4b:s7+s3], $0x80, v4, vm0, $0xb8;
	[tilespmem:$0x1C400] =	vst v63  }
0x64: {  	s15 =	simm.s32 $0xA400  }
0x65: {  	[tilespmem:s15], [sflag:$0x3] =	stream.indirect_vreg.gather [hbm4b:s1+s3], $0x80, v3, vm0, $0xb8;
	[tilespmem:$0x1C400] =	vst v63  }
0x66: {  	s18 =	simm.s32 $0xAC00  }
0x67: {  	[tilespmem:s18], [sflag:$0x3] =	stream.indirect_vreg.gather [hbm4b:s5+s3], $0x80, v3, vm0, $0xb8;
	[tilespmem:$0x1C400] =	vst v63  }
0x68: {  	s31 =	simm.s32 $0xB400  }
0x69: {  	[tilespmem:s31], [sflag:$0x3] =	stream.indirect_vreg.gather [hbm4b:s6+s3], $0x80, v3, vm0, $0xb8;
	[tilespmem:$0x1C400] =	vst v63  }
0x6a: {  	s13 =	simm.s32 $0xBC00  }
0x6b: {  	[tilespmem:s13], [sflag:$0x3] =	stream.indirect_vreg.gather [hbm4b:s7+s3], $0x80, v3, vm0, $0xb8;
	[tilespmem:$0x1C400] =	vst v63  }
0x6c: {  	v3 =	vld [tilespmem:$0x30];
	_ =	sdelay $0x4  }
0x6d: {  	v54 =	vshll.u32 v3, $0x3  }
0x6e: {  	v3 =	vand.u32 $0x7, v3;
	v4 =	vand.u32 $0xFFFFFFC0, v54  }
0x6f: {  	v3 =	vor.u32 v3, v4  }
0x70: {  	v4 =	vperm.xlane v3, v0;
	_ =	sdelay $0x1  }
0x71: {  	v4 =	vadd.s32 v1, v4;
	_ =	sdelay $0x3  }
0x72: {  	s18 =	simm.s32 $0xC400  }
0x73: {  	[tilespmem:s18], [sflag:$0x4] =	stream.indirect_vreg.gather [hbm4b:s1+s3], $0x80, v4, vm0, $0xb8;
	[tilespmem:$0x1C400] =	vst v63  }
0x74: {  	s15 =	simm.s32 $0xCC00;
	v3 =	vperm.xlane v3, v2  }
0x75: {  	[tilespmem:s15], [sflag:$0x4] =	stream.indirect_vreg.gather [hbm4b:s5+s3], $0x80, v4, vm0, $0xb8;
	[tilespmem:$0x1C400] =	vst v63  }
0x76: {  	s31 =	simm.s32 $0xD400;
	v3 =	vadd.s32 v1, v3  }
0x77: {  	[tilespmem:s31], [sflag:$0x4] =	stream.indirect_vreg.gather [hbm4b:s6+s3], $0x80, v4, vm0, $0xb8;
	[tilespmem:$0x1C400] =	vst v63  }
0x78: {  	s13 =	simm.s32 $0xDC00  }
0x79: {  	[tilespmem:s13], [sflag:$0x4] =	stream.indirect_vreg.gather [hbm4b:s7+s3], $0x80, v4, vm0, $0xb8;
	[tilespmem:$0x1C400] =	vst v63  }
0x7a: {  	s15 =	simm.s32 $0xE400  }
0x7b: {  	[tilespmem:s15], [sflag:$0x4] =	stream.indirect_vreg.gather [hbm4b:s1+s3], $0x80, v3, vm0, $0xb8;
	[tilespmem:$0x1C400] =	vst v63  }
0x7c: {  	s31 =	simm.s32 $0xEC00  }
0x7d: {  	[tilespmem:s31], [sflag:$0x4] =	stream.indirect_vreg.gather [hbm4b:s5+s3], $0x80, v3, vm0, $0xb8;
	[tilespmem:$0x1C400] =	vst v63  }
0x7e: {  	s13 =	simm.s32 $0xF400  }
0x7f: {  	[tilespmem:s13], [sflag:$0x4] =	stream.indirect_vreg.gather [hbm4b:s6+s3], $0x80, v3, vm0, $0xb8;
	[tilespmem:$0x1C400] =	vst v63  }
0x80: {  	s15 =	simm.s32 $0xFC00  }
0x81: {  	[tilespmem:s15], [sflag:$0x4] =	stream.indirect_vreg.gather [hbm4b:s7+s3], $0x80, v3, vm0, $0xb8;
	[tilespmem:$0x1C400] =	vst v63  }
0x82: {  	v3 =	vld [tilespmem:$0x40];
	_ =	sdelay $0x4  }
0x83: {  	v55 =	vshll.u32 v3, $0x3  }
0x84: {  	v3 =	vand.u32 $0x7, v3;
	v4 =	vand.u32 $0xFFFFFFC0, v55  }
0x85: {  	v3 =	vor.u32 v3, v4  }
0x86: {  	v4 =	vperm.xlane v3, v0;
	_ =	sdelay $0x1  }
0x87: {  	v4 =	vadd.s32 v1, v4;
	_ =	sdelay $0x3  }
0x88: {  	s15 =	simm.s32 $0x10400  }
0x89: {  	[tilespmem:s15], [sflag:$0x5] =	stream.indirect_vreg.gather [hbm4b:s1+s3], $0x80, v4, vm0, $0xb8;
	[tilespmem:$0x1C400] =	vst v63  }
0x8a: {  	s31 =	simm.s32 $0x10C00;
	v3 =	vperm.xlane v3, v2  }
0x8b: {  	[tilespmem:s31], [sflag:$0x5] =	stream.indirect_vreg.gather [hbm4b:s5+s3], $0x80, v4, vm0, $0xb8;
	[tilespmem:$0x1C400] =	vst v63  }
0x8c: {  	s13 =	simm.s32 $0x11400;
	v3 =	vadd.s32 v1, v3  }
0x8d: {  	[tilespmem:s13], [sflag:$0x5] =	stream.indirect_vreg.gather [hbm4b:s6+s3], $0x80, v4, vm0, $0xb8;
	[tilespmem:$0x1C400] =	vst v63  }
0x8e: {  	s31 =	simm.s32 $0x11C00  }
0x8f: {  	[tilespmem:s31], [sflag:$0x5] =	stream.indirect_vreg.gather [hbm4b:s7+s3], $0x80, v4, vm0, $0xb8;
	[tilespmem:$0x1C400] =	vst v63  }
0x90: {  	s13 =	simm.s32 $0x12400  }
0x91: {  	[tilespmem:s13], [sflag:$0x5] =	stream.indirect_vreg.gather [hbm4b:s1+s3], $0x80, v3, vm0, $0xb8;
	[tilespmem:$0x1C400] =	vst v63  }
0x92: {  	s31 =	simm.s32 $0x12C00  }
0x93: {  	[tilespmem:s31], [sflag:$0x5] =	stream.indirect_vreg.gather [hbm4b:s5+s3], $0x80, v3, vm0, $0xb8;
	[tilespmem:$0x1C400] =	vst v63  }
0x94: {  	s13 =	simm.s32 $0x13400  }
0x95: {  	[tilespmem:s13], [sflag:$0x5] =	stream.indirect_vreg.gather [hbm4b:s6+s3], $0x80, v3, vm0, $0xb8;
	[tilespmem:$0x1C400] =	vst v63  }
0x96: {  	s31 =	simm.s32 $0x13C00  }
0x97: {  	[tilespmem:s31], [sflag:$0x5] =	stream.indirect_vreg.gather [hbm4b:s7+s3], $0x80, v3, vm0, $0xb8;
	[tilespmem:$0x1C400] =	vst v63  }
0x98: {  	v3 =	vld [tilespmem:$0x50];
	_ =	sdelay $0x4  }
0x99: {  	v56 =	vshll.u32 v3, $0x3  }
0x9a: {  	v3 =	vand.u32 $0x7, v3;
	v4 =	vand.u32 $0xFFFFFFC0, v56  }
0x9b: {  	v3 =	vor.u32 v3, v4  }
0x9c: {  	v4 =	vperm.xlane v3, v0;
	_ =	sdelay $0x1  }
0x9d: {  	v4 =	vadd.s32 v1, v4;
	_ =	sdelay $0x3  }
0x9e: {  	s31 =	simm.s32 $0x14400  }
0x9f: {  	[tilespmem:s31], [sflag:$0x6] =	stream.indirect_vreg.gather [hbm4b:s1+s3], $0x80, v4, vm0, $0xb8;
	[tilespmem:$0x1C400] =	vst v63  }
0xa0: {  	s13 =	simm.s32 $0x14C00;
	v3 =	vperm.xlane v3, v2  }
0xa1: {  	[tilespmem:s13], [sflag:$0x6] =	stream.indirect_vreg.gather [hbm4b:s5+s3], $0x80, v4, vm0, $0xb8;
	[tilespmem:$0x1C400] =	vst v63  }
0xa2: {  	v3 =	vadd.s32 v1, v3;
	s13 =	simm.s32 $0x15400  }
0xa3: {  	[tilespmem:s13], [sflag:$0x6] =	stream.indirect_vreg.gather [hbm4b:s6+s3], $0x80, v4, vm0, $0xb8;
	[tilespmem:$0x1C400] =	vst v63  }
0xa4: {  	s13 =	simm.s32 $0x15C00  }
0xa5: {  	[tilespmem:s13], [sflag:$0x6] =	stream.indirect_vreg.gather [hbm4b:s7+s3], $0x80, v4, vm0, $0xb8;
	[tilespmem:$0x1C400] =	vst v63  }
0xa6: {  	s13 =	simm.s32 $0x16400  }
0xa7: {  	[tilespmem:s13], [sflag:$0x6] =	stream.indirect_vreg.gather [hbm4b:s1+s3], $0x80, v3, vm0, $0xb8;
	[tilespmem:$0x1C400] =	vst v63  }
0xa8: {  	s13 =	simm.s32 $0x16C00  }
0xa9: {  	[tilespmem:s13], [sflag:$0x6] =	stream.indirect_vreg.gather [hbm4b:s5+s3], $0x80, v3, vm0, $0xb8;
	[tilespmem:$0x1C400] =	vst v63  }
0xaa: {  	s13 =	simm.s32 $0x17400  }
0xab: {  	[tilespmem:s13], [sflag:$0x6] =	stream.indirect_vreg.gather [hbm4b:s6+s3], $0x80, v3, vm0, $0xb8;
	[tilespmem:$0x1C400] =	vst v63  }
0xac: {  	s13 =	simm.s32 $0x17C00  }
0xad: {  	[tilespmem:s13], [sflag:$0x6] =	stream.indirect_vreg.gather [hbm4b:s7+s3], $0x80, v3, vm0, $0xb8;
	[tilespmem:$0x1C400] =	vst v63  }
0xae: {  	_ =	swait.ge [sflag:s9], $0x4000  }
0xaf: {  	[sflag:s9] =	ssyncset.done $0x0  }
0xb0: {  	s10 =	rddreg [dreg:$0xc];
	[sflag:s9] =	ssyncadd.s32 $0xFFFFC000  }
0xb1: {  	[hbm4b:s10+s3] =	stream.linear.scatter [tilespmem:s28], [sflag:$0x8], $0x4000, $0x38;
	[tilespmem:$0x1C400] =	vst v63  }
0xb2: {  	v3 =	vld [tilespmem:$0x60];
	_ =	sdelay $0x4  }
0xb3: {  	v57 =	vshll.u32 v3, $0x3  }
0xb4: {  	v3 =	vand.u32 $0x7, v3;
	v4 =	vand.u32 $0xFFFFFFC0, v57  }
0xb5: {  	v3 =	vor.u32 v3, v4  }
0xb6: {  	v4 =	vperm.xlane v3, v0;
	_ =	sdelay $0x1  }
0xb7: {  	v4 =	vadd.s32 v1, v4;
	_ =	sdelay $0x3  }
0xb8: {  	s10 =	simm.s32 $0x18400  }
0xb9: {  	[tilespmem:s10], [sflag:$0x7] =	stream.indirect_vreg.gather [hbm4b:s1+s3], $0x80, v4, vm0, $0xb8;
	[tilespmem:$0x1C400] =	vst v63  }
0xba: {  	s13 =	simm.s32 $0x18C00;
	v3 =	vperm.xlane v3, v2  }
0xbb: {  	[tilespmem:s13], [sflag:$0x7] =	stream.indirect_vreg.gather [hbm4b:s5+s3], $0x80, v4, vm0, $0xb8;
	[tilespmem:$0x1C400] =	vst v63  }
0xbc: {  	v3 =	vadd.s32 v1, v3;
	s13 =	simm.s32 $0x19400  }
0xbd: {  	[tilespmem:s13], [sflag:$0x7] =	stream.indirect_vreg.gather [hbm4b:s6+s3], $0x80, v4, vm0, $0xb8;
	[tilespmem:$0x1C400] =	vst v63  }
0xbe: {  	s13 =	simm.s32 $0x19C00  }
0xbf: {  	[tilespmem:s13], [sflag:$0x7] =	stream.indirect_vreg.gather [hbm4b:s7+s3], $0x80, v4, vm0, $0xb8;
	[tilespmem:$0x1C400] =	vst v63  }
0xc0: {  	s13 =	simm.s32 $0x1A400  }
0xc1: {  	[tilespmem:s13], [sflag:$0x7] =	stream.indirect_vreg.gather [hbm4b:s1+s3], $0x80, v3, vm0, $0xb8;
	[tilespmem:$0x1C400] =	vst v63  }
0xc2: {  	s13 =	simm.s32 $0x1AC00  }
0xc3: {  	[tilespmem:s13], [sflag:$0x7] =	stream.indirect_vreg.gather [hbm4b:s5+s3], $0x80, v3, vm0, $0xb8;
	[tilespmem:$0x1C400] =	vst v63  }
0xc4: {  	s13 =	simm.s32 $0x1B400  }
0xc5: {  	[tilespmem:s13], [sflag:$0x7] =	stream.indirect_vreg.gather [hbm4b:s6+s3], $0x80, v3, vm0, $0xb8;
	[tilespmem:$0x1C400] =	vst v63  }
0xc6: {  	s13 =	simm.s32 $0x1BC00  }
0xc7: {  	[tilespmem:s13], [sflag:$0x7] =	stream.indirect_vreg.gather [hbm4b:s7+s3], $0x80, v3, vm0, $0xb8;
	[tilespmem:$0x1C400] =	vst v63  }
0xc8: {  	_ =	swait.ge [sflag:s29], $0x4000  }
0xc9: {  	[sflag:s29] =	ssyncset.done $0x0  }
0xca: {  	s13 =	rddreg [dreg:$0xd];
	[sflag:s29] =	ssyncadd.s32 $0xFFFFC000  }
0xcb: {  	[hbm4b:s13+s3] =	stream.linear.scatter [tilespmem:s4], [sflag:$0x9], $0x4000, $0x38;
	[tilespmem:$0x1C400] =	vst v63  }
0xcc: {  	_ =	swait.ge [sflag:s20], $0x4000  }
0xcd: {  	[sflag:s20] =	ssyncset.done $0x0  }
0xce: {  	[sflag:s20] =	ssyncadd.s32 $0xFFFFC000  }
0xcf: {  	v3 =	vld [tilespmem:$0x70];
	_ =	sdelay $0x4  }
0xd0: {  	v58 =	vshll.u32 v3, $0x3  }
0xd1: {  	v3 =	vand.u32 $0x7, v3;
	v4 =	vand.u32 $0xFFFFFFC0, v58  }
0xd2: {  	v3 =	vor.u32 v3, v4  }
0xd3: {  	v4 =	vperm.xlane v3, v0;
	_ =	sdelay $0x1  }
0xd4: {  	v4 =	vadd.s32 v1, v4;
	_ =	sdelay $0x4  }
0xd5: {  	[tilespmem:s28], [sflag:$0x1] =	stream.indirect_vreg.gather [hbm4b:s1+s3], $0x80, v4, vm0, $0xb8;
	[tilespmem:$0x1C400] =	vst v63  }
0xd6: {  	v3 =	vperm.xlane v3, v2  }
0xd7: {  	[tilespmem:s14], [sflag:$0x1] =	stream.indirect_vreg.gather [hbm4b:s5+s3], $0x80, v4, vm0, $0xb8;
	[tilespmem:$0x1C400] =	vst v63  }
0xd8: {  	v3 =	vadd.s32 v1, v3  }
0xd9: {  	[tilespmem:s17], [sflag:$0x1] =	stream.indirect_vreg.gather [hbm4b:s6+s3], $0x80, v4, vm0, $0xb8;
	[tilespmem:$0x1C400] =	vst v63  }
0xda: {  	s17 =	simm.s32 $0x1C00  }
0xdb: {  	[tilespmem:s17], [sflag:$0x1] =	stream.indirect_vreg.gather [hbm4b:s7+s3], $0x80, v4, vm0, $0xb8;
	[tilespmem:$0x1C400] =	vst v63  }
0xdc: {  	s17 =	simm.s32 $0x2400  }
0xdd: {  	[tilespmem:s17], [sflag:$0x1] =	stream.indirect_vreg.gather [hbm4b:s1+s3], $0x80, v3, vm0, $0xb8;
	[tilespmem:$0x1C400] =	vst v63  }
0xde: {  	s17 =	simm.s32 $0x2C00  }
0xdf: {  	[tilespmem:s17], [sflag:$0x1] =	stream.indirect_vreg.gather [hbm4b:s5+s3], $0x80, v3, vm0, $0xb8;
	[tilespmem:$0x1C400] =	vst v63  }
0xe0: {  	s17 =	simm.s32 $0x3400  }
0xe1: {  	[tilespmem:s17], [sflag:$0x1] =	stream.indirect_vreg.gather [hbm4b:s6+s3], $0x80, v3, vm0, $0xb8;
	[tilespmem:$0x1C400] =	vst v63  }
0xe2: {  	s17 =	simm.s32 $0x3C00  }
0xe3: {  	[tilespmem:s17], [sflag:$0x1] =	stream.indirect_vreg.gather [hbm4b:s7+s3], $0x80, v3, vm0, $0xb8;
	[tilespmem:$0x1C400] =	vst v63  }
0xe4: {  	_ =	swait.ge [sflag:s30], $0x4000  }
0xe5: {  	[sflag:s30] =	ssyncset.done $0x0  }
0xe6: {  	s17 =	rddreg [dreg:$0xe];
	[sflag:s30] =	ssyncadd.s32 $0xFFFFC000  }
0xe7: {  	[hbm4b:s17+s3] =	stream.linear.scatter [tilespmem:s16], [sflag:$0xA], $0x4000, $0x38;
	[tilespmem:$0x1C400] =	vst v63  }
0xe8: {  	_ =	swait.ge [sflag:s21], $0x4000  }
0xe9: {  	[sflag:s21] =	ssyncset.done $0x0  }
0xea: {  	[sflag:s21] =	ssyncadd.s32 $0xFFFFC000  }
0xeb: {  	v3 =	vld [tilespmem:$0x80];
	_ =	sdelay $0x4  }
0xec: {  	v59 =	vshll.u32 v3, $0x3  }
0xed: {  	v3 =	vand.u32 $0x7, v3;
	v4 =	vand.u32 $0xFFFFFFC0, v59  }
0xee: {  	v3 =	vor.u32 v3, v4  }
0xef: {  	v4 =	vperm.xlane v3, v0;
	_ =	sdelay $0x1  }
0xf0: {  	v4 =	vadd.s32 v1, v4;
	_ =	sdelay $0x4  }
0xf1: {  	[tilespmem:s4], [sflag:$0x2] =	stream.indirect_vreg.gather [hbm4b:s1+s3], $0x80, v4, vm0, $0xb8;
	[tilespmem:$0x1C400] =	vst v63  }
0xf2: {  	s28 =	simm.s32 $0x4C00;
	v3 =	vperm.xlane v3, v2  }
0xf3: {  	[tilespmem:s28], [sflag:$0x2] =	stream.indirect_vreg.gather [hbm4b:s5+s3], $0x80, v4, vm0, $0xb8;
	[tilespmem:$0x1C400] =	vst v63  }
0xf4: {  	s14 =	simm.s32 $0x5400;
	v3 =	vadd.s32 v1, v3  }
0xf5: {  	[tilespmem:s14], [sflag:$0x2] =	stream.indirect_vreg.gather [hbm4b:s6+s3], $0x80, v4, vm0, $0xb8;
	[tilespmem:$0x1C400] =	vst v63  }
0xf6: {  	s17 =	simm.s32 $0x5C00  }
0xf7: {  	[tilespmem:s17], [sflag:$0x2] =	stream.indirect_vreg.gather [hbm4b:s7+s3], $0x80, v4, vm0, $0xb8;
	[tilespmem:$0x1C400] =	vst v63  }
0xf8: {  	s13 =	simm.s32 $0x6400  }
0xf9: {  	[tilespmem:s13], [sflag:$0x2] =	stream.indirect_vreg.gather [hbm4b:s1+s3], $0x80, v3, vm0, $0xb8;
	[tilespmem:$0x1C400] =	vst v63  }
0xfa: {  	s14 =	simm.s32 $0x6C00  }
0xfb: {  	[tilespmem:s14], [sflag:$0x2] =	stream.indirect_vreg.gather [hbm4b:s5+s3], $0x80, v3, vm0, $0xb8;
	[tilespmem:$0x1C400] =	vst v63  }
0xfc: {  	_ = 	snop  }
0xfd: {  	[tilespmem:s8], [sflag:$0x2] =	stream.indirect_vreg.gather [hbm4b:s6+s3], $0x80, v3, vm0, $0xb8;
	[tilespmem:$0x1C400] =	vst v63  }
0xfe: {  	_ = 	snop  }
0xff: {  	[tilespmem:s19], [sflag:$0x2] =	stream.indirect_vreg.gather [hbm4b:s7+s3], $0x80, v3, vm0, $0xb8;
	[tilespmem:$0x1C400] =	vst v63  }
0x100: {  	_ =	swait.ge [sflag:s22], $0x4000  }
0x101: {  	[sflag:s22] =	ssyncset.done $0x0  }
0x102: {  	s17 =	rddreg [dreg:$0xf];
	[sflag:s22] =	ssyncadd.s32 $0xFFFFC000  }
0x103: {  	[hbm4b:s17+s3] =	stream.linear.scatter [tilespmem:s18], [sflag:$0xB], $0x4000, $0x38;
	[tilespmem:$0x1C400] =	vst v63  }
0x104: {  	_ =	swait.ge [sflag:s0], $0x4000  }
0x105: {  	[sflag:s0] =	ssyncset.done $0x0  }
0x106: {  	[sflag:s0] =	ssyncadd.s32 $0xFFFFC000  }
0x107: {  	v3 =	vld [tilespmem:$0x90];
	_ =	sdelay $0x4  }
0x108: {  	v60 =	vshll.u32 v3, $0x3  }
0x109: {  	v3 =	vand.u32 $0x7, v3;
	v4 =	vand.u32 $0xFFFFFFC0, v60  }
0x10a: {  	v3 =	vor.u32 v3, v4  }
0x10b: {  	v4 =	vperm.xlane v3, v0;
	_ =	sdelay $0x1  }
0x10c: {  	v4 =	vadd.s32 v1, v4;
	_ =	sdelay $0x4  }
0x10d: {  	[tilespmem:s16], [sflag:$0x3] =	stream.indirect_vreg.gather [hbm4b:s1+s3], $0x80, v4, vm0, $0xb8;
	[tilespmem:$0x1C400] =	vst v63  }
0x10e: {  	s19 =	simm.s32 $0x8C00;
	v3 =	vperm.xlane v3, v2  }
0x10f: {  	[tilespmem:s19], [sflag:$0x3] =	stream.indirect_vreg.gather [hbm4b:s5+s3], $0x80, v4, vm0, $0xb8;
	[tilespmem:$0x1C400] =	vst v63  }
0x110: {  	s8 =	simm.s32 $0x9400;
	v3 =	vadd.s32 v1, v3  }
0x111: {  	[tilespmem:s8], [sflag:$0x3] =	stream.indirect_vreg.gather [hbm4b:s6+s3], $0x80, v4, vm0, $0xb8;
	[tilespmem:$0x1C400] =	vst v63  }
0x112: {  	s13 =	simm.s32 $0x9C00  }
0x113: {  	[tilespmem:s13], [sflag:$0x3] =	stream.indirect_vreg.gather [hbm4b:s7+s3], $0x80, v4, vm0, $0xb8;
	[tilespmem:$0x1C400] =	vst v63  }
0x114: {  	s14 =	simm.s32 $0xA400  }
0x115: {  	[tilespmem:s14], [sflag:$0x3] =	stream.indirect_vreg.gather [hbm4b:s1+s3], $0x80, v3, vm0, $0xb8;
	[tilespmem:$0x1C400] =	vst v63  }
0x116: {  	s16 =	simm.s32 $0xAC00  }
0x117: {  	[tilespmem:s16], [sflag:$0x3] =	stream.indirect_vreg.gather [hbm4b:s5+s3], $0x80, v3, vm0, $0xb8;
	[tilespmem:$0x1C400] =	vst v63  }
0x118: {  	s17 =	simm.s32 $0xB400  }
0x119: {  	[tilespmem:s17], [sflag:$0x3] =	stream.indirect_vreg.gather [hbm4b:s6+s3], $0x80, v3, vm0, $0xb8;
	[tilespmem:$0x1C400] =	vst v63  }
0x11a: {  	s19 =	simm.s32 $0xBC00  }
0x11b: {  	[tilespmem:s19], [sflag:$0x3] =	stream.indirect_vreg.gather [hbm4b:s7+s3], $0x80, v3, vm0, $0xb8;
	[tilespmem:$0x1C400] =	vst v63  }
0x11c: {  	_ =	swait.ge [sflag:s23], $0x4000  }
0x11d: {  	[sflag:s23] =	ssyncset.done $0x0  }
0x11e: {  	s4 =	rddreg [dreg:$0x10];
	[sflag:s23] =	ssyncadd.s32 $0xFFFFC000  }
0x11f: {  	[hbm4b:s4+s3] =	stream.linear.scatter [tilespmem:s15], [sflag:$0xC], $0x4000, $0x38;
	[tilespmem:$0x1C400] =	vst v63  }
0x120: {  	_ =	swait.ge [sflag:s2], $0x4000  }
0x121: {  	[sflag:s2] =	ssyncset.done $0x0  }
0x122: {  	[sflag:s2] =	ssyncadd.s32 $0xFFFFC000  }
0x123: {  	v3 =	vld [tilespmem:$0xA0];
	_ =	sdelay $0x4  }
0x124: {  	v61 =	vshll.u32 v3, $0x3  }
0x125: {  	v3 =	vand.u32 $0x7, v3;
	v4 =	vand.u32 $0xFFFFFFC0, v61  }
0x126: {  	v3 =	vor.u32 v3, v4  }
0x127: {  	v4 =	vperm.xlane v3, v0;
	_ =	sdelay $0x1  }
0x128: {  	v4 =	vadd.s32 v1, v4;
	_ =	sdelay $0x4  }
0x129: {  	[tilespmem:s18], [sflag:$0x4] =	stream.indirect_vreg.gather [hbm4b:s1+s3], $0x80, v4, vm0, $0xb8;
	[tilespmem:$0x1C400] =	vst v63  }
0x12a: {  	s8 =	simm.s32 $0xCC00;
	v3 =	vperm.xlane v3, v2  }
0x12b: {  	[tilespmem:s8], [sflag:$0x4] =	stream.indirect_vreg.gather [hbm4b:s5+s3], $0x80, v4, vm0, $0xb8;
	[tilespmem:$0x1C400] =	vst v63  }
0x12c: {  	s13 =	simm.s32 $0xD400;
	v3 =	vadd.s32 v1, v3  }
0x12d: {  	[tilespmem:s13], [sflag:$0x4] =	stream.indirect_vreg.gather [hbm4b:s6+s3], $0x80, v4, vm0, $0xb8;
	[tilespmem:$0x1C400] =	vst v63  }
0x12e: {  	s14 =	simm.s32 $0xDC00  }
0x12f: {  	[tilespmem:s14], [sflag:$0x4] =	stream.indirect_vreg.gather [hbm4b:s7+s3], $0x80, v4, vm0, $0xb8;
	[tilespmem:$0x1C400] =	vst v63  }
0x130: {  	s16 =	simm.s32 $0xE400  }
0x131: {  	[tilespmem:s16], [sflag:$0x4] =	stream.indirect_vreg.gather [hbm4b:s1+s3], $0x80, v3, vm0, $0xb8;
	[tilespmem:$0x1C400] =	vst v63  }
0x132: {  	s17 =	simm.s32 $0xEC00  }
0x133: {  	[tilespmem:s17], [sflag:$0x4] =	stream.indirect_vreg.gather [hbm4b:s5+s3], $0x80, v3, vm0, $0xb8;
	[tilespmem:$0x1C400] =	vst v63  }
0x134: {  	s18 =	simm.s32 $0xF400  }
0x135: {  	[tilespmem:s18], [sflag:$0x4] =	stream.indirect_vreg.gather [hbm4b:s6+s3], $0x80, v3, vm0, $0xb8;
	[tilespmem:$0x1C400] =	vst v63  }
0x136: {  	s19 =	simm.s32 $0xFC00  }
0x137: {  	[tilespmem:s19], [sflag:$0x4] =	stream.indirect_vreg.gather [hbm4b:s7+s3], $0x80, v3, vm0, $0xb8;
	[tilespmem:$0x1C400] =	vst v63  }
0x138: {  	_ =	swait.ge [sflag:s24], $0x4000  }
0x139: {  	[sflag:s24] =	ssyncset.done $0x0  }
0x13a: {  	s8 =	rddreg [dreg:$0x11];
	[sflag:s24] =	ssyncadd.s32 $0xFFFFC000  }
0x13b: {  	[hbm4b:s8+s3] =	stream.linear.scatter [tilespmem:s31], [sflag:$0xD], $0x4000, $0x38;
	[tilespmem:$0x1C400] =	vst v63  }
0x13c: {  	_ =	swait.ge [sflag:s26], $0x4000  }
0x13d: {  	[sflag:s26] =	ssyncset.done $0x0  }
0x13e: {  	[sflag:s26] =	ssyncadd.s32 $0xFFFFC000  }
0x13f: {  	v3 =	vld [tilespmem:$0xB0];
	_ =	sdelay $0x4  }
0x140: {  	v62 =	vshll.u32 v3, $0x3  }
0x141: {  	v3 =	vand.u32 $0x7, v3;
	v4 =	vand.u32 $0xFFFFFFC0, v62  }
0x142: {  	v3 =	vor.u32 v3, v4  }
0x143: {  	v4 =	vperm.xlane v3, v0;
	_ =	sdelay $0x1  }
0x144: {  	v4 =	vadd.s32 v1, v4;
	_ =	sdelay $0x4  }
0x145: {  	[tilespmem:s15], [sflag:$0x5] =	stream.indirect_vreg.gather [hbm4b:s1+s3], $0x80, v4, vm0, $0xb8;
	[tilespmem:$0x1C400] =	vst v63  }
0x146: {  	s13 =	simm.s32 $0x10C00;
	v3 =	vperm.xlane v3, v2  }
0x147: {  	[tilespmem:s13], [sflag:$0x5] =	stream.indirect_vreg.gather [hbm4b:s5+s3], $0x80, v4, vm0, $0xb8;
	[tilespmem:$0x1C400] =	vst v63  }
0x148: {  	s14 =	simm.s32 $0x11400;
	v3 =	vadd.s32 v1, v3  }
0x149: {  	[tilespmem:s14], [sflag:$0x5] =	stream.indirect_vreg.gather [hbm4b:s6+s3], $0x80, v4, vm0, $0xb8;
	[tilespmem:$0x1C400] =	vst v63  }
0x14a: {  	s15 =	simm.s32 $0x11C00  }
0x14b: {  	[tilespmem:s15], [sflag:$0x5] =	stream.indirect_vreg.gather [hbm4b:s7+s3], $0x80, v4, vm0, $0xb8;
	[tilespmem:$0x1C400] =	vst v63  }
0x14c: {  	s16 =	simm.s32 $0x12400  }
0x14d: {  	[tilespmem:s16], [sflag:$0x5] =	stream.indirect_vreg.gather [hbm4b:s1+s3], $0x80, v3, vm0, $0xb8;
	[tilespmem:$0x1C400] =	vst v63  }
0x14e: {  	s17 =	simm.s32 $0x12C00  }
0x14f: {  	[tilespmem:s17], [sflag:$0x5] =	stream.indirect_vreg.gather [hbm4b:s5+s3], $0x80, v3, vm0, $0xb8;
	[tilespmem:$0x1C400] =	vst v63  }
0x150: {  	s18 =	simm.s32 $0x13400  }
0x151: {  	[tilespmem:s18], [sflag:$0x5] =	stream.indirect_vreg.gather [hbm4b:s6+s3], $0x80, v3, vm0, $0xb8;
	[tilespmem:$0x1C400] =	vst v63  }
0x152: {  	s19 =	simm.s32 $0x13C00  }
0x153: {  	[tilespmem:s19], [sflag:$0x5] =	stream.indirect_vreg.gather [hbm4b:s7+s3], $0x80, v3, vm0, $0xb8;
	[tilespmem:$0x1C400] =	vst v63  }
0x154: {  	_ =	swait.ge [sflag:s25], $0x4000  }
0x155: {  	[sflag:s25] =	ssyncset.done $0x0  }
0x156: {  	s8 =	rddreg [dreg:$0x12];
	[sflag:s25] =	ssyncadd.s32 $0xFFFFC000  }
0x157: {  	[hbm4b:s8+s3] =	stream.linear.scatter [tilespmem:s10], [sflag:$0xE], $0x4000, $0x38;
	[tilespmem:$0x1C400] =	vst v63  }
0x158: {  	_ =	swait.ge [sflag:s11], $0x4000  }
0x159: {  	[sflag:s11] =	ssyncset.done $0x0  }
0x15a: {  	[sflag:s11] =	ssyncadd.s32 $0xFFFFC000  }
0x15b: {  	v3 =	vld [tilespmem:$0xC0];
	_ =	sdelay $0x4  }
0x15c: {  	v63 =	vshll.u32 v3, $0x3  }
0x15d: {  	v3 =	vand.u32 $0x7, v3;
	v4 =	vand.u32 $0xFFFFFFC0, v63  }
0x15e: {  	v3 =	vor.u32 v3, v4  }
0x15f: {  	v4 =	vperm.xlane v3, v0;
	_ =	sdelay $0x1  }
0x160: {  	v4 =	vadd.s32 v1, v4;
	_ =	sdelay $0x4  }
0x161: {  	[tilespmem:s31], [sflag:$0x6] =	stream.indirect_vreg.gather [hbm4b:s1+s3], $0x80, v4, vm0, $0xb8;
	[tilespmem:$0x1C400] =	vst v63  }
0x162: {  	s14 =	simm.s32 $0x14C00;
	v3 =	vperm.xlane v3, v2  }
0x163: {  	[tilespmem:s14], [sflag:$0x6] =	stream.indirect_vreg.gather [hbm4b:s5+s3], $0x80, v4, vm0, $0xb8;
	[tilespmem:$0x1C400] =	vst v63  }
0x164: {  	s15 =	simm.s32 $0x15400;
	v3 =	vadd.s32 v1, v3  }
0x165: {  	[tilespmem:s15], [sflag:$0x6] =	stream.indirect_vreg.gather [hbm4b:s6+s3], $0x80, v4, vm0, $0xb8;
	[tilespmem:$0x1C400] =	vst v63  }
0x166: {  	s16 =	simm.s32 $0x15C00  }
0x167: {  	[tilespmem:s16], [sflag:$0x6] =	stream.indirect_vreg.gather [hbm4b:s7+s3], $0x80, v4, vm0, $0xb8;
	[tilespmem:$0x1C400] =	vst v63  }
0x168: {  	s17 =	simm.s32 $0x16400  }
0x169: {  	[tilespmem:s17], [sflag:$0x6] =	stream.indirect_vreg.gather [hbm4b:s1+s3], $0x80, v3, vm0, $0xb8;
	[tilespmem:$0x1C400] =	vst v63  }
0x16a: {  	s18 =	simm.s32 $0x16C00  }
0x16b: {  	[tilespmem:s18], [sflag:$0x6] =	stream.indirect_vreg.gather [hbm4b:s5+s3], $0x80, v3, vm0, $0xb8;
	[tilespmem:$0x1C400] =	vst v63  }
0x16c: {  	s28 =	simm.s32 $0x17C00;
	s13 =	simm.s32 $0x130;
	s19 =	simm.s32 $0x17400  }
0x16d: {  	[tilespmem:s19], [sflag:$0x6] =	stream.indirect_vreg.gather [hbm4b:s6+s3], $0x80, v3, vm0, $0xb8;
	[tilespmem:$0x1C400] =	vst v63  }
0x16e: {  	s8 =	simm.s32 $0x17400;
	s31 =	simm.s32 $0x17C00;
	s14 =	simm.s32 $0x0  }
0x16f: {  	[tilespmem:s31], [sflag:$0x6] =	stream.indirect_vreg.gather [hbm4b:s7+s3], $0x80, v3, vm0, $0xb8;
	[tilespmem:$0x1C400] =	vst v63  }
.LBB2_2:
0x170: {  	_ =	swait.ge [sflag:s9], $0x4000  }
0x171: {  	s17 =	rddreg [dreg:$0x5];
	[sflag:s9] =	ssyncset.done $0x0  }
0x172: {  	s4 =	simm.s32 $0x400;
	[sflag:s9] =	ssyncadd.s32 $0xFFFFC000;
	s17 =	sadd.s32 s14, s17  }
0x173: {  	[hbm4b:s17+s3] =	stream.linear.scatter [tilespmem:s4], [sflag:$0x8], $0x4000, $0x38;
	[tilespmem:$0x1C400] =	vst v63  }
0x174: {  	_ =	swait.ge [sflag:s12], $0x4000  }
0x175: {  	[sflag:s12] =	ssyncset.done $0x0  }
0x176: {  	[sflag:s12] =	ssyncadd.s32 $0xFFFFC000  }
0x177: {  	v3 =	vld [tilespmem:s13+$0xFFFFFFA0];
	_ =	sdelay $0x4  }
0x178: {  	v4 =	vshll.u32 v3, $0x3  }
0x179: {  	v3 =	vand.u32 $0x7, v3;
	v4 =	vand.u32 $0xFFFFFFC0, v4  }
0x17a: {  	v3 =	vor.u32 v3, v4  }
0x17b: {  	v4 =	vperm.xlane v3, v0;
	_ =	sdelay $0x1  }
0x17c: {  	v4 =	vadd.s32 v1, v4;
	_ =	sdelay $0x3  }
0x17d: {  	s16 =	simm.s32 $0x18400  }
0x17e: {  	[tilespmem:s16], [sflag:$0x7] =	stream.indirect_vreg.gather [hbm4b:s1+s3], $0x80, v4, vm0, $0xb8;
	[tilespmem:$0x1C400] =	vst v63  }
0x17f: {  	s18 =	simm.s32 $0x18C00;
	v3 =	vperm.xlane v3, v2  }
0x180: {  	[tilespmem:s18], [sflag:$0x7] =	stream.indirect_vreg.gather [hbm4b:s5+s3], $0x80, v4, vm0, $0xb8;
	[tilespmem:$0x1C400] =	vst v63  }
0x181: {  	s19 =	simm.s32 $0x19400;
	v3 =	vadd.s32 v1, v3  }
0x182: {  	[tilespmem:s19], [sflag:$0x7] =	stream.indirect_vreg.gather [hbm4b:s6+s3], $0x80, v4, vm0, $0xb8;
	[tilespmem:$0x1C400] =	vst v63  }
0x183: {  	s31 =	simm.s32 $0x19C00  }
0x184: {  	[tilespmem:s31], [sflag:$0x7] =	stream.indirect_vreg.gather [hbm4b:s7+s3], $0x80, v4, vm0, $0xb8;
	[tilespmem:$0x1C400] =	vst v63  }
0x185: {  	s10 =	simm.s32 $0x1A400  }
0x186: {  	[tilespmem:s10], [sflag:$0x7] =	stream.indirect_vreg.gather [hbm4b:s1+s3], $0x80, v3, vm0, $0xb8;
	[tilespmem:$0x1C400] =	vst v63  }
0x187: {  	s15 =	simm.s32 $0x1AC00  }
0x188: {  	[tilespmem:s15], [sflag:$0x7] =	stream.indirect_vreg.gather [hbm4b:s5+s3], $0x80, v3, vm0, $0xb8;
	[tilespmem:$0x1C400] =	vst v63  }
0x189: {  	s18 =	simm.s32 $0x1B400  }
0x18a: {  	[tilespmem:s18], [sflag:$0x7] =	stream.indirect_vreg.gather [hbm4b:s6+s3], $0x80, v3, vm0, $0xb8;
	[tilespmem:$0x1C400] =	vst v63  }
0x18b: {  	s19 =	simm.s32 $0x1BC00  }
0x18c: {  	[tilespmem:s19], [sflag:$0x7] =	stream.indirect_vreg.gather [hbm4b:s7+s3], $0x80, v3, vm0, $0xb8;
	[tilespmem:$0x1C400] =	vst v63  }
0x18d: {  	_ =	swait.ge [sflag:s29], $0x4000  }
0x18e: {  	s31 =	rddreg [dreg:$0x6];
	[sflag:s29] =	ssyncset.done $0x0  }
0x18f: {  	s19 =	simm.s32 $0x4400;
	[sflag:s29] =	ssyncadd.s32 $0xFFFFC000;
	s17 =	sadd.s32 s14, s31  }
0x190: {  	[hbm4b:s17+s3] =	stream.linear.scatter [tilespmem:s19], [sflag:$0x9], $0x4000, $0x38;
	[tilespmem:$0x1C400] =	vst v63  }
0x191: {  	_ =	swait.ge [sflag:s20], $0x4000  }
0x192: {  	[sflag:s20] =	ssyncset.done $0x0  }
0x193: {  	[sflag:s20] =	ssyncadd.s32 $0xFFFFC000  }
0x194: {  	v3 =	vld [tilespmem:s13+$0xFFFFFFB0];
	_ =	sdelay $0x4  }
0x195: {  	v58 =	vshll.u32 v3, $0x3  }
0x196: {  	v3 =	vand.u32 $0x7, v3;
	v4 =	vand.u32 $0xFFFFFFC0, v58  }
0x197: {  	v3 =	vor.u32 v3, v4  }
0x198: {  	v4 =	vperm.xlane v3, v0;
	_ =	sdelay $0x1  }
0x199: {  	v4 =	vadd.s32 v1, v4;
	_ =	sdelay $0x4  }
0x19a: {  	[tilespmem:s4], [sflag:$0x1] =	stream.indirect_vreg.gather [hbm4b:s1+s3], $0x80, v4, vm0, $0xb8;
	[tilespmem:$0x1C400] =	vst v63  }
0x19b: {  	s10 =	simm.s32 $0xC00;
	v3 =	vperm.xlane v3, v2  }
0x19c: {  	[tilespmem:s10], [sflag:$0x1] =	stream.indirect_vreg.gather [hbm4b:s5+s3], $0x80, v4, vm0, $0xb8;
	[tilespmem:$0x1C400] =	vst v63  }
0x19d: {  	s15 =	simm.s32 $0x1400;
	v3 =	vadd.s32 v1, v3  }
0x19e: {  	[tilespmem:s15], [sflag:$0x1] =	stream.indirect_vreg.gather [hbm4b:s6+s3], $0x80, v4, vm0, $0xb8;
	[tilespmem:$0x1C400] =	vst v63  }
0x19f: {  	s18 =	simm.s32 $0x1C00  }
0x1a0: {  	[tilespmem:s18], [sflag:$0x1] =	stream.indirect_vreg.gather [hbm4b:s7+s3], $0x80, v4, vm0, $0xb8;
	[tilespmem:$0x1C400] =	vst v63  }
0x1a1: {  	s31 =	simm.s32 $0x2400  }
0x1a2: {  	[tilespmem:s31], [sflag:$0x1] =	stream.indirect_vreg.gather [hbm4b:s1+s3], $0x80, v3, vm0, $0xb8;
	[tilespmem:$0x1C400] =	vst v63  }
0x1a3: {  	s4 =	simm.s32 $0x2C00  }
0x1a4: {  	[tilespmem:s4], [sflag:$0x1] =	stream.indirect_vreg.gather [hbm4b:s5+s3], $0x80, v3, vm0, $0xb8;
	[tilespmem:$0x1C400] =	vst v63  }
0x1a5: {  	s10 =	simm.s32 $0x3400  }
0x1a6: {  	[tilespmem:s10], [sflag:$0x1] =	stream.indirect_vreg.gather [hbm4b:s6+s3], $0x80, v3, vm0, $0xb8;
	[tilespmem:$0x1C400] =	vst v63  }
0x1a7: {  	s15 =	simm.s32 $0x3C00  }
0x1a8: {  	[tilespmem:s15], [sflag:$0x1] =	stream.indirect_vreg.gather [hbm4b:s7+s3], $0x80, v3, vm0, $0xb8;
	[tilespmem:$0x1C400] =	vst v63  }
0x1a9: {  	_ =	swait.ge [sflag:s30], $0x4000  }
0x1aa: {  	s18 =	rddreg [dreg:$0x7];
	[sflag:s30] =	ssyncset.done $0x0  }
0x1ab: {  	s4 =	simm.s32 $0x8400;
	[sflag:s30] =	ssyncadd.s32 $0xFFFFC000;
	s17 =	sadd.s32 s14, s18  }
0x1ac: {  	[hbm4b:s17+s3] =	stream.linear.scatter [tilespmem:s4], [sflag:$0xA], $0x4000, $0x38;
	[tilespmem:$0x1C400] =	vst v63  }
0x1ad: {  	_ =	swait.ge [sflag:s21], $0x4000  }
0x1ae: {  	[sflag:s21] =	ssyncset.done $0x0  }
0x1af: {  	[sflag:s21] =	ssyncadd.s32 $0xFFFFC000  }
0x1b0: {  	v3 =	vld [tilespmem:s13+$0xFFFFFFC0];
	_ =	sdelay $0x4  }
0x1b1: {  	v59 =	vshll.u32 v3, $0x3  }
0x1b2: {  	v3 =	vand.u32 $0x7, v3;
	v4 =	vand.u32 $0xFFFFFFC0, v59  }
0x1b3: {  	v3 =	vor.u32 v3, v4  }
0x1b4: {  	v4 =	vperm.xlane v3, v0;
	_ =	sdelay $0x1  }
0x1b5: {  	v4 =	vadd.s32 v1, v4;
	_ =	sdelay $0x4  }
0x1b6: {  	[tilespmem:s19], [sflag:$0x2] =	stream.indirect_vreg.gather [hbm4b:s1+s3], $0x80, v4, vm0, $0xb8;
	[tilespmem:$0x1C400] =	vst v63  }
0x1b7: {  	s10 =	simm.s32 $0x4C00;
	v3 =	vperm.xlane v3, v2  }
0x1b8: {  	[tilespmem:s10], [sflag:$0x2] =	stream.indirect_vreg.gather [hbm4b:s5+s3], $0x80, v4, vm0, $0xb8;
	[tilespmem:$0x1C400] =	vst v63  }
0x1b9: {  	s31 =	simm.s32 $0x5400;
	v3 =	vadd.s32 v1, v3  }
0x1ba: {  	[tilespmem:s31], [sflag:$0x2] =	stream.indirect_vreg.gather [hbm4b:s6+s3], $0x80, v4, vm0, $0xb8;
	[tilespmem:$0x1C400] =	vst v63  }
0x1bb: {  	s15 =	simm.s32 $0x5C00  }
0x1bc: {  	[tilespmem:s15], [sflag:$0x2] =	stream.indirect_vreg.gather [hbm4b:s7+s3], $0x80, v4, vm0, $0xb8;
	[tilespmem:$0x1C400] =	vst v63  }
0x1bd: {  	s19 =	simm.s32 $0x6400  }
0x1be: {  	[tilespmem:s19], [sflag:$0x2] =	stream.indirect_vreg.gather [hbm4b:s1+s3], $0x80, v3, vm0, $0xb8;
	[tilespmem:$0x1C400] =	vst v63  }
0x1bf: {  	s31 =	simm.s32 $0x6C00  }
0x1c0: {  	[tilespmem:s31], [sflag:$0x2] =	stream.indirect_vreg.gather [hbm4b:s5+s3], $0x80, v3, vm0, $0xb8;
	[tilespmem:$0x1C400] =	vst v63  }
0x1c1: {  	s10 =	simm.s32 $0x7400  }
0x1c2: {  	[tilespmem:s10], [sflag:$0x2] =	stream.indirect_vreg.gather [hbm4b:s6+s3], $0x80, v3, vm0, $0xb8;
	[tilespmem:$0x1C400] =	vst v63  }
0x1c3: {  	s15 =	simm.s32 $0x7C00  }
0x1c4: {  	[tilespmem:s15], [sflag:$0x2] =	stream.indirect_vreg.gather [hbm4b:s7+s3], $0x80, v3, vm0, $0xb8;
	[tilespmem:$0x1C400] =	vst v63  }
0x1c5: {  	_ =	swait.ge [sflag:s22], $0x4000  }
0x1c6: {  	s19 =	rddreg [dreg:$0x8];
	[sflag:s22] =	ssyncset.done $0x0  }
0x1c7: {  	s15 =	simm.s32 $0xC400;
	[sflag:s22] =	ssyncadd.s32 $0xFFFFC000;
	s17 =	sadd.s32 s14, s19  }
0x1c8: {  	[hbm4b:s17+s3] =	stream.linear.scatter [tilespmem:s15], [sflag:$0xB], $0x4000, $0x38;
	[tilespmem:$0x1C400] =	vst v63  }
0x1c9: {  	_ =	swait.ge [sflag:s0], $0x4000  }
0x1ca: {  	[sflag:s0] =	ssyncset.done $0x0  }
0x1cb: {  	[sflag:s0] =	ssyncadd.s32 $0xFFFFC000  }
0x1cc: {  	v3 =	vld [tilespmem:s13+$0xFFFFFFD0];
	_ =	sdelay $0x4  }
0x1cd: {  	v60 =	vshll.u32 v3, $0x3  }
0x1ce: {  	v3 =	vand.u32 $0x7, v3;
	v4 =	vand.u32 $0xFFFFFFC0, v60  }
0x1cf: {  	v3 =	vor.u32 v3, v4  }
0x1d0: {  	v4 =	vperm.xlane v3, v0;
	_ =	sdelay $0x1  }
0x1d1: {  	v4 =	vadd.s32 v1, v4;
	_ =	sdelay $0x4  }
0x1d2: {  	[tilespmem:s4], [sflag:$0x3] =	stream.indirect_vreg.gather [hbm4b:s1+s3], $0x80, v4, vm0, $0xb8;
	[tilespmem:$0x1C400] =	vst v63  }
0x1d3: {  	s31 =	simm.s32 $0x8C00;
	v3 =	vperm.xlane v3, v2  }
0x1d4: {  	[tilespmem:s31], [sflag:$0x3] =	stream.indirect_vreg.gather [hbm4b:s5+s3], $0x80, v4, vm0, $0xb8;
	[tilespmem:$0x1C400] =	vst v63  }
0x1d5: {  	s10 =	simm.s32 $0x9400;
	v3 =	vadd.s32 v1, v3  }
0x1d6: {  	[tilespmem:s10], [sflag:$0x3] =	stream.indirect_vreg.gather [hbm4b:s6+s3], $0x80, v4, vm0, $0xb8;
	[tilespmem:$0x1C400] =	vst v63  }
0x1d7: {  	s17 =	simm.s32 $0x9C00  }
0x1d8: {  	[tilespmem:s17], [sflag:$0x3] =	stream.indirect_vreg.gather [hbm4b:s7+s3], $0x80, v4, vm0, $0xb8;
	[tilespmem:$0x1C400] =	vst v63  }
0x1d9: {  	s31 =	simm.s32 $0xA400  }
0x1da: {  	[tilespmem:s31], [sflag:$0x3] =	stream.indirect_vreg.gather [hbm4b:s1+s3], $0x80, v3, vm0, $0xb8;
	[tilespmem:$0x1C400] =	vst v63  }
0x1db: {  	s10 =	simm.s32 $0xAC00  }
0x1dc: {  	[tilespmem:s10], [sflag:$0x3] =	stream.indirect_vreg.gather [hbm4b:s5+s3], $0x80, v3, vm0, $0xb8;
	[tilespmem:$0x1C400] =	vst v63  }
0x1dd: {  	s17 =	simm.s32 $0xB400  }
0x1de: {  	[tilespmem:s17], [sflag:$0x3] =	stream.indirect_vreg.gather [hbm4b:s6+s3], $0x80, v3, vm0, $0xb8;
	[tilespmem:$0x1C400] =	vst v63  }
0x1df: {  	s31 =	simm.s32 $0xBC00  }
0x1e0: {  	[tilespmem:s31], [sflag:$0x3] =	stream.indirect_vreg.gather [hbm4b:s7+s3], $0x80, v3, vm0, $0xb8;
	[tilespmem:$0x1C400] =	vst v63  }
0x1e1: {  	_ =	swait.ge [sflag:s23], $0x4000  }
0x1e2: {  	s10 =	rddreg [dreg:$0xa];
	[sflag:s23] =	ssyncset.done $0x0  }
0x1e3: {  	s31 =	simm.s32 $0x10400;
	[sflag:s23] =	ssyncadd.s32 $0xFFFFC000;
	s17 =	sadd.s32 s14, s10  }
0x1e4: {  	[hbm4b:s17+s3] =	stream.linear.scatter [tilespmem:s31], [sflag:$0xC], $0x4000, $0x38;
	[tilespmem:$0x1C400] =	vst v63  }
0x1e5: {  	_ =	swait.ge [sflag:s2], $0x4000  }
0x1e6: {  	[sflag:s2] =	ssyncset.done $0x0  }
0x1e7: {  	[sflag:s2] =	ssyncadd.s32 $0xFFFFC000  }
0x1e8: {  	v3 =	vld [tilespmem:s13+$0xFFFFFFE0];
	_ =	sdelay $0x4  }
0x1e9: {  	v61 =	vshll.u32 v3, $0x3  }
0x1ea: {  	v3 =	vand.u32 $0x7, v3;
	v4 =	vand.u32 $0xFFFFFFC0, v61  }
0x1eb: {  	v3 =	vor.u32 v3, v4  }
0x1ec: {  	v4 =	vperm.xlane v3, v0;
	_ =	sdelay $0x1  }
0x1ed: {  	v4 =	vadd.s32 v1, v4;
	_ =	sdelay $0x4  }
0x1ee: {  	[tilespmem:s15], [sflag:$0x4] =	stream.indirect_vreg.gather [hbm4b:s1+s3], $0x80, v4, vm0, $0xb8;
	[tilespmem:$0x1C400] =	vst v63  }
0x1ef: {  	s17 =	simm.s32 $0xCC00;
	v3 =	vperm.xlane v3, v2  }
0x1f0: {  	[tilespmem:s17], [sflag:$0x4] =	stream.indirect_vreg.gather [hbm4b:s5+s3], $0x80, v4, vm0, $0xb8;
	[tilespmem:$0x1C400] =	vst v63  }
0x1f1: {  	v3 =	vadd.s32 v1, v3;
	s15 =	simm.s32 $0xD400  }
0x1f2: {  	[tilespmem:s15], [sflag:$0x4] =	stream.indirect_vreg.gather [hbm4b:s6+s3], $0x80, v4, vm0, $0xb8;
	[tilespmem:$0x1C400] =	vst v63  }
0x1f3: {  	s17 =	simm.s32 $0xDC00  }
0x1f4: {  	[tilespmem:s17], [sflag:$0x4] =	stream.indirect_vreg.gather [hbm4b:s7+s3], $0x80, v4, vm0, $0xb8;
	[tilespmem:$0x1C400] =	vst v63  }
0x1f5: {  	s15 =	simm.s32 $0xE400  }
0x1f6: {  	[tilespmem:s15], [sflag:$0x4] =	stream.indirect_vreg.gather [hbm4b:s1+s3], $0x80, v3, vm0, $0xb8;
	[tilespmem:$0x1C400] =	vst v63  }
0x1f7: {  	s17 =	simm.s32 $0xEC00  }
0x1f8: {  	[tilespmem:s17], [sflag:$0x4] =	stream.indirect_vreg.gather [hbm4b:s5+s3], $0x80, v3, vm0, $0xb8;
	[tilespmem:$0x1C400] =	vst v63  }
0x1f9: {  	s15 =	simm.s32 $0xF400  }
0x1fa: {  	[tilespmem:s15], [sflag:$0x4] =	stream.indirect_vreg.gather [hbm4b:s6+s3], $0x80, v3, vm0, $0xb8;
	[tilespmem:$0x1C400] =	vst v63  }
0x1fb: {  	s17 =	simm.s32 $0xFC00  }
0x1fc: {  	[tilespmem:s17], [sflag:$0x4] =	stream.indirect_vreg.gather [hbm4b:s7+s3], $0x80, v3, vm0, $0xb8;
	[tilespmem:$0x1C400] =	vst v63  }
0x1fd: {  	_ =	swait.ge [sflag:s24], $0x4000  }
0x1fe: {  	s15 =	rddreg [dreg:$0x9];
	[sflag:s24] =	ssyncset.done $0x0  }
0x1ff: {  	s10 =	simm.s32 $0x14400;
	[sflag:s24] =	ssyncadd.s32 $0xFFFFC000;
	s17 =	sadd.s32 s14, s15  }
0x200: {  	[hbm4b:s17+s3] =	stream.linear.scatter [tilespmem:s10], [sflag:$0xD], $0x4000, $0x38;
	[tilespmem:$0x1C400] =	vst v63  }
0x201: {  	_ =	swait.ge [sflag:s26], $0x4000  }
0x202: {  	[sflag:s26] =	ssyncset.done $0x0  }
0x203: {  	[sflag:s26] =	ssyncadd.s32 $0xFFFFC000  }
0x204: {  	v3 =	vld [tilespmem:s13+$0xFFFFFFF0];
	_ =	sdelay $0x4  }
0x205: {  	v62 =	vshll.u32 v3, $0x3  }
0x206: {  	v3 =	vand.u32 $0x7, v3;
	v4 =	vand.u32 $0xFFFFFFC0, v62  }
0x207: {  	v3 =	vor.u32 v3, v4  }
0x208: {  	v4 =	vperm.xlane v3, v0;
	_ =	sdelay $0x1  }
0x209: {  	v4 =	vadd.s32 v1, v4;
	_ =	sdelay $0x4  }
0x20a: {  	[tilespmem:s31], [sflag:$0x5] =	stream.indirect_vreg.gather [hbm4b:s1+s3], $0x80, v4, vm0, $0xb8;
	[tilespmem:$0x1C400] =	vst v63  }
0x20b: {  	v3 =	vperm.xlane v3, v2;
	s31 =	simm.s32 $0x10C00  }
0x20c: {  	[tilespmem:s31], [sflag:$0x5] =	stream.indirect_vreg.gather [hbm4b:s5+s3], $0x80, v4, vm0, $0xb8;
	[tilespmem:$0x1C400] =	vst v63  }
0x20d: {  	v3 =	vadd.s32 v1, v3;
	s31 =	simm.s32 $0x11400  }
0x20e: {  	[tilespmem:s31], [sflag:$0x5] =	stream.indirect_vreg.gather [hbm4b:s6+s3], $0x80, v4, vm0, $0xb8;
	[tilespmem:$0x1C400] =	vst v63  }
0x20f: {  	s31 =	simm.s32 $0x11C00  }
0x210: {  	[tilespmem:s31], [sflag:$0x5] =	stream.indirect_vreg.gather [hbm4b:s7+s3], $0x80, v4, vm0, $0xb8;
	[tilespmem:$0x1C400] =	vst v63  }
0x211: {  	s31 =	simm.s32 $0x12400  }
0x212: {  	[tilespmem:s31], [sflag:$0x5] =	stream.indirect_vreg.gather [hbm4b:s1+s3], $0x80, v3, vm0, $0xb8;
	[tilespmem:$0x1C400] =	vst v63  }
0x213: {  	s31 =	simm.s32 $0x12C00  }
0x214: {  	[tilespmem:s31], [sflag:$0x5] =	stream.indirect_vreg.gather [hbm4b:s5+s3], $0x80, v3, vm0, $0xb8;
	[tilespmem:$0x1C400] =	vst v63  }
0x215: {  	s31 =	simm.s32 $0x13400  }
0x216: {  	[tilespmem:s31], [sflag:$0x5] =	stream.indirect_vreg.gather [hbm4b:s6+s3], $0x80, v3, vm0, $0xb8;
	[tilespmem:$0x1C400] =	vst v63  }
0x217: {  	s31 =	simm.s32 $0x13C00  }
0x218: {  	[tilespmem:s31], [sflag:$0x5] =	stream.indirect_vreg.gather [hbm4b:s7+s3], $0x80, v3, vm0, $0xb8;
	[tilespmem:$0x1C400] =	vst v63  }
0x219: {  	_ =	swait.ge [sflag:s25], $0x4000  }
0x21a: {  	s31 =	rddreg [dreg:$0x4];
	[sflag:s25] =	ssyncset.done $0x0  }
0x21b: {  	[sflag:s25] =	ssyncadd.s32 $0xFFFFC000;
	s17 =	sadd.s32 s14, s31  }
0x21c: {  	[hbm4b:s17+s3] =	stream.linear.scatter [tilespmem:s16], [sflag:$0xE], $0x4000, $0x38;
	[tilespmem:$0x1C400] =	vst v63  }
0x21d: {  	_ =	swait.ge [sflag:s11], $0x4000  }
0x21e: {  	[sflag:s11] =	ssyncset.done $0x0  }
0x21f: {  	[sflag:s11] =	ssyncadd.s32 $0xFFFFC000  }
0x220: {  	v3 =	vld [tilespmem:s13+$0x0];
	_ =	sdelay $0x4  }
0x221: {  	v63 =	vshll.u32 v3, $0x3  }
0x222: {  	v3 =	vand.u32 $0x7, v3;
	v4 =	vand.u32 $0xFFFFFFC0, v63  }
0x223: {  	v3 =	vor.u32 v3, v4  }
0x224: {  	v4 =	vperm.xlane v3, v0;
	_ =	sdelay $0x1  }
0x225: {  	v4 =	vadd.s32 v1, v4;
	_ =	sdelay $0x4  }
0x226: {  	[tilespmem:s10], [sflag:$0x6] =	stream.indirect_vreg.gather [hbm4b:s1+s3], $0x80, v4, vm0, $0xb8;
	[tilespmem:$0x1C400] =	vst v63  }
0x227: {  	s31 =	simm.s32 $0x14C00;
	v3 =	vperm.xlane v3, v2  }
0x228: {  	[tilespmem:s31], [sflag:$0x6] =	stream.indirect_vreg.gather [hbm4b:s5+s3], $0x80, v4, vm0, $0xb8;
	[tilespmem:$0x1C400] =	vst v63  }
0x229: {  	s16 =	simm.s32 $0x15400;
	v3 =	vadd.s32 v1, v3  }
0x22a: {  	[tilespmem:s16], [sflag:$0x6] =	stream.indirect_vreg.gather [hbm4b:s6+s3], $0x80, v4, vm0, $0xb8;
	[tilespmem:$0x1C400] =	vst v63  }
0x22b: {  	s31 =	simm.s32 $0x15C00  }
0x22c: {  	[tilespmem:s31], [sflag:$0x6] =	stream.indirect_vreg.gather [hbm4b:s7+s3], $0x80, v4, vm0, $0xb8;
	[tilespmem:$0x1C400] =	vst v63  }
0x22d: {  	s16 =	simm.s32 $0x16400  }
0x22e: {  	[tilespmem:s16], [sflag:$0x6] =	stream.indirect_vreg.gather [hbm4b:s1+s3], $0x80, v3, vm0, $0xb8;
	[tilespmem:$0x1C400] =	vst v63  }
0x22f: {  	p0 =	sne.s32 s14, $0x15000;
	s31 =	simm.s32 $0x16C00  }
0x230: {  	[tilespmem:s31], [sflag:$0x6] =	stream.indirect_vreg.gather [hbm4b:s5+s3], $0x80, v3, vm0, $0xb8;
	[tilespmem:$0x1C400] =	vst v63  }
.Ltmp0:
0x231: {  	s18 =	simm.s32 $0x4400;
	(pc) =	sbr.rel @p0 .LBB2_2-.Ltmp0, $4  }
0x232: {  	s19 =	simm.s32 $0x8400;
	s4 =	simm.s32 $0xC400;
	s15 =	simm.s32 $0x10400  }
0x233: {  	[tilespmem:s8], [sflag:$0x6] =	stream.indirect_vreg.gather [hbm4b:s6+s3], $0x80, v3, vm0, $0xb8;
	[tilespmem:$0x1C400] =	vst v63  }
0x234: {  	s14 =	sadd.s32 $0x3800, s14;
	s17 =	simm.s32 $0x14400;
	s13 =	sadd.s32 $0x70, s13  }
0x235: {  	[tilespmem:s28], [sflag:$0x6] =	stream.indirect_vreg.gather [hbm4b:s7+s3], $0x80, v3, vm0, $0xb8;
	[tilespmem:$0x1C400] =	vst v63  }
0x236: {  	_ =	swait.ge [sflag:s9], $0x4000  }
0x237: {  	[sflag:s9] =	ssyncset.done $0x0  }
0x238: {  	s8 =	simm.s32 $0x400;
	s13 =	rddreg [dreg:$0x13];
	[sflag:s9] =	ssyncadd.s32 $0xFFFFC000  }
0x239: {  	[hbm4b:s13+s3] =	stream.linear.scatter [tilespmem:s8], [sflag:$0x8], $0x4000, $0x38;
	[tilespmem:$0x1C400] =	vst v63  }
0x23a: {  	_ =	swait.ge [sflag:s12], $0x4000  }
0x23b: {  	[sflag:s12] =	ssyncset.done $0x0  }
0x23c: {  	[sflag:s12] =	ssyncadd.s32 $0xFFFFC000  }
0x23d: {  	v3 =	vld [tilespmem:$0x3E0];
	_ =	sdelay $0x4  }
0x23e: {  	v4 =	vshll.u32 v3, $0x3  }
0x23f: {  	v3 =	vand.u32 $0x7, v3;
	v4 =	vand.u32 $0xFFFFFFC0, v4  }
0x240: {  	v3 =	vor.u32 v3, v4  }
0x241: {  	v4 =	vperm.xlane v3, v0;
	_ =	sdelay $0x1  }
0x242: {  	v4 =	vadd.s32 v1, v4;
	_ =	sdelay $0x3  }
0x243: {  	s10 =	simm.s32 $0x18400  }
0x244: {  	[tilespmem:s10], [sflag:$0x7] =	stream.indirect_vreg.gather [hbm4b:s1+s3], $0x80, v4, vm0, $0xb8;
	[tilespmem:$0x1C400] =	vst v63  }
0x245: {  	s28 =	simm.s32 $0x18C00;
	v3 =	vperm.xlane v3, v2  }
0x246: {  	[tilespmem:s28], [sflag:$0x7] =	stream.indirect_vreg.gather [hbm4b:s5+s3], $0x80, v4, vm0, $0xb8;
	[tilespmem:$0x1C400] =	vst v63  }
0x247: {  	s31 =	simm.s32 $0x19400;
	v3 =	vadd.s32 v1, v3  }
0x248: {  	[tilespmem:s31], [sflag:$0x7] =	stream.indirect_vreg.gather [hbm4b:s6+s3], $0x80, v4, vm0, $0xb8;
	[tilespmem:$0x1C400] =	vst v63  }
0x249: {  	s14 =	simm.s32 $0x19C00  }
0x24a: {  	[tilespmem:s14], [sflag:$0x7] =	stream.indirect_vreg.gather [hbm4b:s7+s3], $0x80, v4, vm0, $0xb8;
	[tilespmem:$0x1C400] =	vst v63  }
0x24b: {  	s16 =	simm.s32 $0x1A400  }
0x24c: {  	[tilespmem:s16], [sflag:$0x7] =	stream.indirect_vreg.gather [hbm4b:s1+s3], $0x80, v3, vm0, $0xb8;
	[tilespmem:$0x1C400] =	vst v63  }
0x24d: {  	s28 =	simm.s32 $0x1AC00  }
0x24e: {  	[tilespmem:s28], [sflag:$0x7] =	stream.indirect_vreg.gather [hbm4b:s5+s3], $0x80, v3, vm0, $0xb8;
	[tilespmem:$0x1C400] =	vst v63  }
0x24f: {  	s31 =	simm.s32 $0x1B400  }
0x250: {  	[tilespmem:s31], [sflag:$0x7] =	stream.indirect_vreg.gather [hbm4b:s6+s3], $0x80, v3, vm0, $0xb8;
	[tilespmem:$0x1C400] =	vst v63  }
0x251: {  	s14 =	simm.s32 $0x1BC00  }
0x252: {  	[tilespmem:s14], [sflag:$0x7] =	stream.indirect_vreg.gather [hbm4b:s7+s3], $0x80, v3, vm0, $0xb8;
	[tilespmem:$0x1C400] =	vst v63  }
0x253: {  	_ =	swait.ge [sflag:s29], $0x4000  }
0x254: {  	[sflag:s29] =	ssyncset.done $0x0  }
0x255: {  	s16 =	rddreg [dreg:$0x14];
	[sflag:s29] =	ssyncadd.s32 $0xFFFFC000  }
0x256: {  	[hbm4b:s16+s3] =	stream.linear.scatter [tilespmem:s18], [sflag:$0x9], $0x4000, $0x38;
	[tilespmem:$0x1C400] =	vst v63  }
0x257: {  	_ =	swait.ge [sflag:s20], $0x4000  }
0x258: {  	[sflag:s20] =	ssyncset.done $0x0  }
0x259: {  	[sflag:s20] =	ssyncadd.s32 $0xFFFFC000  }
0x25a: {  	v3 =	vld [tilespmem:$0x3F0];
	_ =	sdelay $0x4  }
0x25b: {  	v63 =	vshll.u32 v3, $0x3  }
0x25c: {  	v3 =	vand.u32 $0x7, v3;
	v4 =	vand.u32 $0xFFFFFFC0, v63  }
0x25d: {  	v3 =	vor.u32 v3, v4  }
0x25e: {  	v4 =	vperm.xlane v3, v0;
	_ =	sdelay $0x1  }
0x25f: {  	v4 =	vadd.s32 v1, v4;
	_ =	sdelay $0x4  }
0x260: {  	[tilespmem:s8], [sflag:$0x1] =	stream.indirect_vreg.gather [hbm4b:s1+s3], $0x80, v4, vm0, $0xb8;
	[tilespmem:$0x1C400] =	vst v63  }
0x261: {  	s18 =	simm.s32 $0xC00;
	v3 =	vperm.xlane v3, v2  }
0x262: {  	[tilespmem:s18], [sflag:$0x1] =	stream.indirect_vreg.gather [hbm4b:s5+s3], $0x80, v4, vm0, $0xb8;
	[tilespmem:$0x1C400] =	vst v63  }
0x263: {  	s28 =	simm.s32 $0x1400;
	v3 =	vadd.s32 v1, v3  }
0x264: {  	[tilespmem:s28], [sflag:$0x1] =	stream.indirect_vreg.gather [hbm4b:s6+s3], $0x80, v4, vm0, $0xb8;
	[tilespmem:$0x1C400] =	vst v63  }
0x265: {  	s31 =	simm.s32 $0x1C00  }
0x266: {  	[tilespmem:s31], [sflag:$0x1] =	stream.indirect_vreg.gather [hbm4b:s7+s3], $0x80, v4, vm0, $0xb8;
	[tilespmem:$0x1C400] =	vst v63  }
0x267: {  	s14 =	simm.s32 $0x2400  }
0x268: {  	[tilespmem:s14], [sflag:$0x1] =	stream.indirect_vreg.gather [hbm4b:s1+s3], $0x80, v3, vm0, $0xb8;
	[tilespmem:$0x1C400] =	vst v63  }
0x269: {  	s16 =	simm.s32 $0x2C00  }
0x26a: {  	[tilespmem:s16], [sflag:$0x1] =	stream.indirect_vreg.gather [hbm4b:s5+s3], $0x80, v3, vm0, $0xb8;
	[tilespmem:$0x1C400] =	vst v63  }
0x26b: {  	s18 =	simm.s32 $0x3400  }
0x26c: {  	[tilespmem:s18], [sflag:$0x1] =	stream.indirect_vreg.gather [hbm4b:s6+s3], $0x80, v3, vm0, $0xb8;
	[tilespmem:$0x1C400] =	vst v63  }
0x26d: {  	s28 =	simm.s32 $0x3C00  }
0x26e: {  	[tilespmem:s28], [sflag:$0x1] =	stream.indirect_vreg.gather [hbm4b:s7+s3], $0x80, v3, vm0, $0xb8;
	[tilespmem:$0x1C400] =	vst v63  }
0x26f: {  	_ =	swait.ge [sflag:s30], $0x4000  }
0x270: {  	[sflag:s30] =	ssyncset.done $0x0  }
0x271: {  	s31 =	rddreg [dreg:$0x15];
	[sflag:s30] =	ssyncadd.s32 $0xFFFFC000  }
0x272: {  	[hbm4b:s31+s3] =	stream.linear.scatter [tilespmem:s19], [sflag:$0xA], $0x4000, $0x38;
	[tilespmem:$0x1C400] =	vst v63  }
0x273: {  	_ =	swait.ge [sflag:s22], $0x4000  }
0x274: {  	[sflag:s22] =	ssyncset.done $0x0  }
0x275: {  	s14 =	rddreg [dreg:$0x16];
	[sflag:s22] =	ssyncadd.s32 $0xFFFFC000  }
0x276: {  	[hbm4b:s14+s3] =	stream.linear.scatter [tilespmem:s4], [sflag:$0xB], $0x4000, $0x38;
	[tilespmem:$0x1C400] =	vst v63  }
0x277: {  	_ =	swait.ge [sflag:s23], $0x4000  }
0x278: {  	[sflag:s23] =	ssyncset.done $0x0  }
0x279: {  	s16 =	rddreg [dreg:$0x17];
	[sflag:s23] =	ssyncadd.s32 $0xFFFFC000  }
0x27a: {  	[hbm4b:s16+s3] =	stream.linear.scatter [tilespmem:s15], [sflag:$0xC], $0x4000, $0x38;
	[tilespmem:$0x1C400] =	vst v63  }
0x27b: {  	_ =	swait.ge [sflag:s24], $0x4000  }
0x27c: {  	[sflag:s24] =	ssyncset.done $0x0  }
0x27d: {  	s18 =	rddreg [dreg:$0x18];
	[sflag:s24] =	ssyncadd.s32 $0xFFFFC000  }
0x27e: {  	[hbm4b:s18+s3] =	stream.linear.scatter [tilespmem:s17], [sflag:$0xD], $0x4000, $0x38;
	[tilespmem:$0x1C400] =	vst v63  }
0x27f: {  	_ =	swait.ge [sflag:s25], $0x4000  }
0x280: {  	[sflag:s25] =	ssyncset.done $0x0  }
0x281: {  	s19 =	rddreg [dreg:$0x19];
	[sflag:s25] =	ssyncadd.s32 $0xFFFFC000  }
0x282: {  	[hbm4b:s19+s3] =	stream.linear.scatter [tilespmem:s10], [sflag:$0xE], $0x4000, $0x38;
	[tilespmem:$0x1C400] =	vst v63  }
0x283: {  	_ =	swait.ge [sflag:s9], $0x4000  }
0x284: {  	[sflag:s9] =	ssyncset.done $0x0  }
0x285: {  	s28 =	rddreg [dreg:$0x1a];
	[sflag:s9] =	ssyncadd.s32 $0xFFFFC000  }
0x286: {  	[hbm4b:s28+s3] =	stream.linear.scatter [tilespmem:s8], [sflag:$0x8], $0x4000, $0x38;
	[tilespmem:$0x1C400] =	vst v63  }
0x287: {  	_ =	swait.ge [sflag:s21], $0x4000  }
0x288: {  	[sflag:s21] =	ssyncset.done $0x0  }
0x289: {  	[sflag:s21] =	ssyncadd.s32 $0xFFFFC000  }
0x28a: {  	_ =	swait.ge [sflag:s0], $0x4000  }
0x28b: {  	[sflag:s0] =	ssyncset.done $0x0  }
0x28c: {  	[sflag:s0] =	ssyncadd.s32 $0xFFFFC000  }
0x28d: {  	_ =	swait.ge [sflag:s2], $0x4000  }
0x28e: {  	[sflag:s2] =	ssyncset.done $0x0  }
0x28f: {  	[sflag:s2] =	ssyncadd.s32 $0xFFFFC000  }
0x290: {  	_ =	swait.ge [sflag:s26], $0x4000  }
0x291: {  	[sflag:s26] =	ssyncset.done $0x0  }
0x292: {  	[sflag:s26] =	ssyncadd.s32 $0xFFFFC000  }
0x293: {  	_ =	swait.ge [sflag:s11], $0x4000  }
0x294: {  	[sflag:s11] =	ssyncset.done $0x0  }
0x295: {  	[sflag:s11] =	ssyncadd.s32 $0xFFFFC000  }
0x296: {  	_ =	swait.ge [sflag:s12], $0x4000  }
0x297: {  	[sflag:s12] =	ssyncset.done $0x0  }
0x298: {  	[sflag:s12] =	ssyncadd.s32 $0xFFFFC000  }
0x299: {  	_ =	swait.ge [sflag:s20], $0x4000  }
0x29a: {  	s14 =	rddreg [dreg:$0x1c]  }
0x29b: {  	s31 =	rddreg [dreg:$0x1b];
	s14 =	sadd.s32 $0x1, s14  }
0x29c: {  	p0 =	sne.s32 s14, s31  }
.Ltmp1:
0x29d: {  	_ = 	snop;
	(pc) =	sbr.rel @p0 .LBB2_1-.Ltmp1, $3  }
0x29e: {  	_ =	sdelay $0x1  }
0x29f: {  	[sflag:s20] =	ssyncset.done $0x0  }
0x2a0: {  	s18 =	simm.s32 $0x4C00;
	s19 =	simm.s32 $0x5400;
	[sflag:s20] =	ssyncadd.s32 $0xFFFFC000  }
0x2a1: {  	_ =	sfence.sel $0x180000  }
0x2a2: {  	[bflag:$0x0] =	sbarrier.arrive $0xFFFF  }
0x2a3: {  	_ =	strace $0x90000047  }
0x2a4: {  	s0 =	stileid.u32;
	[bflag:$0x2] =	sbarrier.arrive $0xFFFF  }
0x2a5: {  	p0 =	sne.s32 s0, $0x0;
	s0 =	rddreg [dreg:$0x3]  }
0x2a6: {  	s0 =	sadd.s32 @!p0 $0x100000, s0  }
0x2a7: {  	[sflag:s0] =	ssyncadd.tile.s32 @!p0 $0x1;
	_ =	shalt  }
.Lfunc_end2:
_tile_overlayer_lowered:
.L_overlay_start_2:
0x2a8: {  	(tag) =	ssettag $0x2  }
0x2a9: {  	s0 =	rddreg [dreg:$0x0];
	s2 =	stileid.u32  }
0x2aa: {  	s1 =	rddreg [dreg:$0x1];
	p0 =	sne.s32 s2, $0x0  }
0x2ab: {  	s3 =	rddreg [dreg:$0x2];
	[bflag:$0x3] =	sbarrier.arrive $0xFFFF;
	s2 =	simm.s32 @!p0 $0x1C0F  }
0x2ac: {  	[timem:s3], [sflag:s2] =	dma.local @!p0 [hbm:s0], s1  }
0x2ad: {  	s0 =	simm.s32 @!p0 $0xF  }
0x2ae: {  	_ =	swait.ge @!p0 [sflag:s0], s1  }
0x2af: {  	s1 =	ssub.s32 @!p0 $0x0, s1;
	[sflag:s0] =	ssyncset.done @!p0 $0x0  }
0x2b0: {  	[sflag:s0] =	ssyncadd.s32 @!p0 s1  }
0x2b1: {  	[bflag:$0x3] =	sbarrier.arrive $0xFFFF  }
0x2b2: {  	_ =	shalt  }

</sc_bundles>
